<compile_context>
chip_gen: v7x
topology: tpu7x:2x2x1
jax: 0.10.2.dev20260603
libtpu: 0.0.44.dev20260713+nightly
codegen_flags: <defaults>
</compile_context>

<pallas_src>
import functools

import jax
import jax.numpy as jnp
from jax import lax
from jax.experimental import pallas as pl
from jax.experimental.pallas import tpu as pltpu
from jax.experimental.pallas import tpu_sc as plsc

NC = 2
NS = 16
NW = NC * NS
L = 16
C = 16
SLOTS = 2


def _emb_body(x_hbm, tok_hbm, pos_hbm, out_hbm, idx_v, pos_v, rows_v, sum_v,
              gsem, ssem):
    Bn, n_chunks_t, _ = x_hbm.shape
    D = tok_hbm.shape[1]
    per_w = n_chunks_t // NW
    n_it = per_w * Bn
    wid = lax.axis_index("s") * NC + lax.axis_index("c")
    c0 = wid * per_w

    for b in range(Bn):
        pltpu.sync_copy(x_hbm.at[b, pl.ds(c0, per_w)], idx_v.at[b])

    def gather_start(j, slot):
        pc = j // Bn
        b = lax.rem(j, Bn)
        pltpu.make_async_copy(
            tok_hbm.at[idx_v.at[b, pc]], rows_v.at[slot], gsem.at[slot]
        ).start()

    def gather_wait(slot):
        pltpu.make_async_copy(
            tok_hbm.at[idx_v.at[0, 0]], rows_v.at[slot], gsem.at[slot]
        ).wait()

    def store_start(j, slot):
        pc = j // Bn
        b = lax.rem(j, Bn)
        t0 = (c0 + pc) * C
        pltpu.make_async_copy(
            sum_v.at[slot], out_hbm.at[b, pl.ds(t0, C)], ssem.at[slot]
        ).start()

    def store_wait(slot):
        pltpu.make_async_copy(
            sum_v.at[slot], out_hbm.at[0, pl.ds(0, C)], ssem.at[slot]
        ).wait()

    def add_chunk(slot):
        def body(r, _):
            for kk in range(D // L):
                sl = pl.ds(kk * L, L)
                sum_v[slot, r, sl] = rows_v[slot, r, sl] + pos_v[r, sl]
            return 0
        lax.fori_loop(0, C, body, 0)

    gather_start(0, 0)
    gather_start(1, 1)

    @pl.loop(0, n_it, step=SLOTS)
    def _(i):
        for slot in range(SLOTS):
            j = i + slot
            pc = j // Bn
            b = lax.rem(j, Bn)

            @pl.when(b == 0)
            def _():
                pltpu.sync_copy(pos_hbm.at[pl.ds((c0 + pc) * C, C)], pos_v)

            gather_wait(slot)

            @pl.when(j >= SLOTS)
            def _():
                store_wait(slot)

            add_chunk(slot)

            @pl.when(j + SLOTS < n_it)
            def _():
                gather_start(j + SLOTS, slot)

            store_start(j, slot)

    store_wait(0)
    store_wait(1)


def kernel(x, tok_emb, pos_emb):
    Bn, T = x.shape
    D = tok_emb.shape[1]
    x3 = x.reshape(Bn, T // C, C)
    per_w = (T // C) // NW

    call = functools.partial(
        pl.kernel,
        out_type=jax.ShapeDtypeStruct((Bn, T, D), jnp.float32),
        mesh=plsc.VectorSubcoreMesh(
            core_axis_name="c", subcore_axis_name="s",
            num_cores=NC, num_subcores=NS),
        scratch_types=[
            pltpu.VMEM((Bn, per_w, C), jnp.int32),
            pltpu.VMEM((C, D), jnp.float32),
            pltpu.VMEM((SLOTS, C, D), jnp.float32),
            pltpu.VMEM((SLOTS, C, D), jnp.float32),
            pltpu.SemaphoreType.DMA((SLOTS,)),
            pltpu.SemaphoreType.DMA((SLOTS,)),
        ],
    )(_emb_body)
    return call(x3, tok_emb, pos_emb[:T])

# --- scband reference (transcript-rebuilt; emitter-appended) ---
"""Pipeline reference for scband-embeddings-8478265442698 (READ-ONLY COPY).

The authoritative reference and input builder live on the scoring server;
editing this copy changes nothing except your own understanding.
"""

import jax, jax.numpy as jnp
import numpy as np

VOCAB = 100000
MODEL_DIM = 1024
MAX_SEQ_LEN = 8192
B, T = 4, 8192


def get_sin_emb(max_seq_len, model_dim, n=10000.0):
    positions = np.arange(0, max_seq_len, dtype=np.float64)[:, None]
    emb = np.zeros((max_seq_len, model_dim), dtype=np.float32)
    denominators = np.power(n, 2.0 * np.arange(0, model_dim // 2, dtype=np.float64) / model_dim)
    emb[:, 0::2] = np.sin(positions / denominators).astype(np.float32)
    emb[:, 1::2] = np.cos(positions / denominators).astype(np.float32)
    return jnp.asarray(emb)


def setup_inputs(seed: int = 0) -> dict:
    key = jax.random.key(seed)
    k_x, k_w = jax.random.split(key)
    x = jax.random.randint(k_x, (B, T), 0, VOCAB, dtype=jnp.int32)
    tok_emb = jax.random.normal(k_w, (VOCAB, MODEL_DIM), dtype=jnp.float32) * (MODEL_DIM ** -0.5)
    pos_emb = get_sin_emb(MAX_SEQ_LEN, MODEL_DIM)
    return {"x": x, "tok_emb": tok_emb, "pos_emb": pos_emb}


def reference(x, tok_emb, pos_emb):
    # Faithful translation: tok_emb(x) + pos_emb[:T, :]
    T_cur = x.shape[1]
    return jnp.take(tok_emb, x, axis=0) + pos_emb[:T_cur, :]

if __name__ == "__main__":
    import jax
    _d = setup_inputs()
    print(jax.jit(kernel)(*tuple(_d.values())))

</pallas_src>

<mosaic_0001>
#map = affine_map<(d0, d1) -> (0, 0, 0)>
#map1 = affine_map<(d0, d1) -> (0, 0)>
module attributes {stable_mosaic.version = 14 : i64} {
  func.func @_emb_body(%arg0: i32, %arg1: i32, %arg2: memref<4x512x16xi32, #tpu.memory_space<hbm>>, %arg3: memref<100000x1024xf32, #tpu.memory_space<hbm>>, %arg4: memref<8192x1024xf32, #tpu.memory_space<hbm>>, %arg5: memref<4x8192x1024xf32, #tpu.memory_space<hbm>>, %arg6: memref<4x16x16xi32, #tpu.memory_space<vmem>>, %arg7: memref<16x1024xf32, #tpu.memory_space<vmem>>, %arg8: memref<2x16x1024xf32, #tpu.memory_space<vmem>>, %arg9: memref<2x16x1024xf32, #tpu.memory_space<vmem>>, %arg10: memref<2x!tpu.dma_semaphore, #tpu.memory_space<semaphore_mem>>, %arg11: memref<2x!tpu.dma_semaphore, #tpu.memory_space<semaphore_mem>>) attributes {dimension_semantics = [#tpu.dimension_semantics<core_parallel>, #tpu.dimension_semantics<subcore_parallel>], iteration_bounds = array<i64: 2, 16>, scalar_prefetch = 0 : i64, scratch_operands = 6 : i64, tpu.core_type = #tpu.core_type<sc_vector_subcore>, window_params = [{transform_indices = #map}, {transform_indices = #map1}, {transform_indices = #map1}, {transform_indices = #map}]} {
    %mul3A = arith.constant 2 : i32
    %mul3A_0 = arith.muli %arg1, %mul3A : i32
    %add3A = arith.addi %mul3A_0, %arg0 : i32
    %mul3A_1 = arith.constant 16 : i32
    %mul3A_2 = arith.muli %add3A, %mul3A_1 : i32
    %run_scoped3A = arith.constant 0 : i32
    %run_scoped3A_3 = arith.constant 0 : i32
    "tpu.region"() ({
      %run_scoped3A_89 = tpu.sem_alloc : memref<!tpu.dma_semaphore, #tpu.memory_space<semaphore_mem>>
      %dma_start3A_90 = arith.constant 0 : i32
      %dma_start3A_91 = arith.constant 0 : i32
      %dma_start3A_92 = tpu.memref_slice %arg6[%run_scoped3A_3, %dma_start3A_90, %dma_start3A_91] : memref<4x16x16xi32, #tpu.memory_space<vmem>> -> memref<1x16x16xi32, #tpu.memory_space<vmem>>
      %dma_start3A_93 = tpu.memref_squeeze %dma_start3A_92 : memref<1x16x16xi32, #tpu.memory_space<vmem>> -> memref<16x16xi32, #tpu.memory_space<vmem>>
      %dma_start3A_94 = arith.constant 0 : i32
      %dma_start3A_95 = tpu.memref_slice %arg2[%run_scoped3A, %mul3A_2, %dma_start3A_94] : memref<4x512x16xi32, #tpu.memory_space<hbm>> -> memref<1x16x16xi32, #tpu.memory_space<hbm>>
      %dma_start3A_96 = tpu.memref_squeeze %dma_start3A_95 : memref<1x16x16xi32, #tpu.memory_space<hbm>> -> memref<16x16xi32, #tpu.memory_space<hbm>>
      %dma_start3A_97 = arith.constant 0 : i32
      %dma_start3A_98 = arith.constant 0 : i32
      %dma_start3A_99 = tpu.memref_slice %arg6[%run_scoped3A_3, %dma_start3A_97, %dma_start3A_98] : memref<4x16x16xi32, #tpu.memory_space<vmem>> -> memref<1x16x16xi32, #tpu.memory_space<vmem>>
      %dma_start3A_100 = tpu.memref_squeeze %dma_start3A_99 : memref<1x16x16xi32, #tpu.memory_space<vmem>> -> memref<16x16xi32, #tpu.memory_space<vmem>>
      %dma_start3A_101 = arith.constant 0 : i32
      %dma_start3A_102 = tpu.memref_slice %arg2[%run_scoped3A, %mul3A_2, %dma_start3A_101] : memref<4x512x16xi32, #tpu.memory_space<hbm>> -> memref<1x16x16xi32, #tpu.memory_space<hbm>>
      %dma_start3A_103 = tpu.memref_squeeze %dma_start3A_102 : memref<1x16x16xi32, #tpu.memory_space<hbm>> -> memref<16x16xi32, #tpu.memory_space<hbm>>
      tpu.enqueue_dma source(%dma_start3A_103 : memref<16x16xi32, #tpu.memory_space<hbm>>) target(%dma_start3A_100 : memref<16x16xi32, #tpu.memory_space<vmem>>) target_semaphore(%run_scoped3A_89 : memref<!tpu.dma_semaphore, #tpu.memory_space<semaphore_mem>>)
      %dma_wait3A_104 = arith.constant 0 : i32
      %dma_wait3A_105 = arith.constant 0 : i32
      %dma_wait3A_106 = tpu.memref_slice %arg6[%run_scoped3A_3, %dma_wait3A_104, %dma_wait3A_105] : memref<4x16x16xi32, #tpu.memory_space<vmem>> -> memref<1x16x16xi32, #tpu.memory_space<vmem>>
      %dma_wait3A_107 = tpu.memref_squeeze %dma_wait3A_106 : memref<1x16x16xi32, #tpu.memory_space<vmem>> -> memref<16x16xi32, #tpu.memory_space<vmem>>
      %dma_wait3A_108 = arith.constant 0 : i32
      %dma_wait3A_109 = tpu.memref_slice %arg2[%run_scoped3A, %mul3A_2, %dma_wait3A_108] : memref<4x512x16xi32, #tpu.memory_space<hbm>> -> memref<1x16x16xi32, #tpu.memory_space<hbm>>
      %dma_wait3A_110 = tpu.memref_squeeze %dma_wait3A_109 : memref<1x16x16xi32, #tpu.memory_space<hbm>> -> memref<16x16xi32, #tpu.memory_space<hbm>>
      %dma_wait3A_111 = arith.constant 0 : i32
      %dma_wait3A_112 = arith.constant 0 : i32
      %dma_wait3A_113 = tpu.memref_slice %arg6[%run_scoped3A_3, %dma_wait3A_111, %dma_wait3A_112] : memref<4x16x16xi32, #tpu.memory_space<vmem>> -> memref<1x16x16xi32, #tpu.memory_space<vmem>>
      %dma_wait3A_114 = tpu.memref_squeeze %dma_wait3A_113 : memref<1x16x16xi32, #tpu.memory_space<vmem>> -> memref<16x16xi32, #tpu.memory_space<vmem>>
      %dma_wait3A_115 = arith.constant 0 : i32
      %dma_wait3A_116 = tpu.memref_slice %arg2[%run_scoped3A, %mul3A_2, %dma_wait3A_115] : memref<4x512x16xi32, #tpu.memory_space<hbm>> -> memref<1x16x16xi32, #tpu.memory_space<hbm>>
      %dma_wait3A_117 = tpu.memref_squeeze %dma_wait3A_116 : memref<1x16x16xi32, #tpu.memory_space<hbm>> -> memref<16x16xi32, #tpu.memory_space<hbm>>
      tpu.wait_dma2 semaphore(%run_scoped3A_89 : memref<!tpu.dma_semaphore, #tpu.memory_space<semaphore_mem>>) src(%dma_wait3A_117 : memref<16x16xi32, #tpu.memory_space<hbm>>) dst(%dma_wait3A_114 : memref<16x16xi32, #tpu.memory_space<vmem>>)
      tpu.yield
    }) : () -> ()
    %run_scoped3A_4 = arith.constant 1 : i32
    %run_scoped3A_5 = arith.constant 1 : i32
    "tpu.region"() ({
      %run_scoped3A_89 = tpu.sem_alloc : memref<!tpu.dma_semaphore, #tpu.memory_space<semaphore_mem>>
      %dma_start3A_90 = arith.constant 0 : i32
      %dma_start3A_91 = arith.constant 0 : i32
      %dma_start3A_92 = tpu.memref_slice %arg6[%run_scoped3A_5, %dma_start3A_90, %dma_start3A_91] : memref<4x16x16xi32, #tpu.memory_space<vmem>> -> memref<1x16x16xi32, #tpu.memory_space<vmem>>
      %dma_start3A_93 = tpu.memref_squeeze %dma_start3A_92 : memref<1x16x16xi32, #tpu.memory_space<vmem>> -> memref<16x16xi32, #tpu.memory_space<vmem>>
      %dma_start3A_94 = arith.constant 0 : i32
      %dma_start3A_95 = tpu.memref_slice %arg2[%run_scoped3A_4, %mul3A_2, %dma_start3A_94] : memref<4x512x16xi32, #tpu.memory_space<hbm>> -> memref<1x16x16xi32, #tpu.memory_space<hbm>>
      %dma_start3A_96 = tpu.memref_squeeze %dma_start3A_95 : memref<1x16x16xi32, #tpu.memory_space<hbm>> -> memref<16x16xi32, #tpu.memory_space<hbm>>
      %dma_start3A_97 = arith.constant 0 : i32
      %dma_start3A_98 = arith.constant 0 : i32
      %dma_start3A_99 = tpu.memref_slice %arg6[%run_scoped3A_5, %dma_start3A_97, %dma_start3A_98] : memref<4x16x16xi32, #tpu.memory_space<vmem>> -> memref<1x16x16xi32, #tpu.memory_space<vmem>>
      %dma_start3A_100 = tpu.memref_squeeze %dma_start3A_99 : memref<1x16x16xi32, #tpu.memory_space<vmem>> -> memref<16x16xi32, #tpu.memory_space<vmem>>
      %dma_start3A_101 = arith.constant 0 : i32
      %dma_start3A_102 = tpu.memref_slice %arg2[%run_scoped3A_4, %mul3A_2, %dma_start3A_101] : memref<4x512x16xi32, #tpu.memory_space<hbm>> -> memref<1x16x16xi32, #tpu.memory_space<hbm>>
      %dma_start3A_103 = tpu.memref_squeeze %dma_start3A_102 : memref<1x16x16xi32, #tpu.memory_space<hbm>> -> memref<16x16xi32, #tpu.memory_space<hbm>>
      tpu.enqueue_dma source(%dma_start3A_103 : memref<16x16xi32, #tpu.memory_space<hbm>>) target(%dma_start3A_100 : memref<16x16xi32, #tpu.memory_space<vmem>>) target_semaphore(%run_scoped3A_89 : memref<!tpu.dma_semaphore, #tpu.memory_space<semaphore_mem>>)
      %dma_wait3A_104 = arith.constant 0 : i32
      %dma_wait3A_105 = arith.constant 0 : i32
      %dma_wait3A_106 = tpu.memref_slice %arg6[%run_scoped3A_5, %dma_wait3A_104, %dma_wait3A_105] : memref<4x16x16xi32, #tpu.memory_space<vmem>> -> memref<1x16x16xi32, #tpu.memory_space<vmem>>
      %dma_wait3A_107 = tpu.memref_squeeze %dma_wait3A_106 : memref<1x16x16xi32, #tpu.memory_space<vmem>> -> memref<16x16xi32, #tpu.memory_space<vmem>>
      %dma_wait3A_108 = arith.constant 0 : i32
      %dma_wait3A_109 = tpu.memref_slice %arg2[%run_scoped3A_4, %mul3A_2, %dma_wait3A_108] : memref<4x512x16xi32, #tpu.memory_space<hbm>> -> memref<1x16x16xi32, #tpu.memory_space<hbm>>
      %dma_wait3A_110 = tpu.memref_squeeze %dma_wait3A_109 : memref<1x16x16xi32, #tpu.memory_space<hbm>> -> memref<16x16xi32, #tpu.memory_space<hbm>>
      %dma_wait3A_111 = arith.constant 0 : i32
      %dma_wait3A_112 = arith.constant 0 : i32
      %dma_wait3A_113 = tpu.memref_slice %arg6[%run_scoped3A_5, %dma_wait3A_111, %dma_wait3A_112] : memref<4x16x16xi32, #tpu.memory_space<vmem>> -> memref<1x16x16xi32, #tpu.memory_space<vmem>>
      %dma_wait3A_114 = tpu.memref_squeeze %dma_wait3A_113 : memref<1x16x16xi32, #tpu.memory_space<vmem>> -> memref<16x16xi32, #tpu.memory_space<vmem>>
      %dma_wait3A_115 = arith.constant 0 : i32
      %dma_wait3A_116 = tpu.memref_slice %arg2[%run_scoped3A_4, %mul3A_2, %dma_wait3A_115] : memref<4x512x16xi32, #tpu.memory_space<hbm>> -> memref<1x16x16xi32, #tpu.memory_space<hbm>>
      %dma_wait3A_117 = tpu.memref_squeeze %dma_wait3A_116 : memref<1x16x16xi32, #tpu.memory_space<hbm>> -> memref<16x16xi32, #tpu.memory_space<hbm>>
      tpu.wait_dma2 semaphore(%run_scoped3A_89 : memref<!tpu.dma_semaphore, #tpu.memory_space<semaphore_mem>>) src(%dma_wait3A_117 : memref<16x16xi32, #tpu.memory_space<hbm>>) dst(%dma_wait3A_114 : memref<16x16xi32, #tpu.memory_space<vmem>>)
      tpu.yield
    }) : () -> ()
    %run_scoped3A_6 = arith.constant 2 : i32
    %run_scoped3A_7 = arith.constant 2 : i32
    "tpu.region"() ({
      %run_scoped3A_89 = tpu.sem_alloc : memref<!tpu.dma_semaphore, #tpu.memory_space<semaphore_mem>>
      %dma_start3A_90 = arith.constant 0 : i32
      %dma_start3A_91 = arith.constant 0 : i32
      %dma_start3A_92 = tpu.memref_slice %arg6[%run_scoped3A_7, %dma_start3A_90, %dma_start3A_91] : memref<4x16x16xi32, #tpu.memory_space<vmem>> -> memref<1x16x16xi32, #tpu.memory_space<vmem>>
      %dma_start3A_93 = tpu.memref_squeeze %dma_start3A_92 : memref<1x16x16xi32, #tpu.memory_space<vmem>> -> memref<16x16xi32, #tpu.memory_space<vmem>>
      %dma_start3A_94 = arith.constant 0 : i32
      %dma_start3A_95 = tpu.memref_slice %arg2[%run_scoped3A_6, %mul3A_2, %dma_start3A_94] : memref<4x512x16xi32, #tpu.memory_space<hbm>> -> memref<1x16x16xi32, #tpu.memory_space<hbm>>
      %dma_start3A_96 = tpu.memref_squeeze %dma_start3A_95 : memref<1x16x16xi32, #tpu.memory_space<hbm>> -> memref<16x16xi32, #tpu.memory_space<hbm>>
      %dma_start3A_97 = arith.constant 0 : i32
      %dma_start3A_98 = arith.constant 0 : i32
      %dma_start3A_99 = tpu.memref_slice %arg6[%run_scoped3A_7, %dma_start3A_97, %dma_start3A_98] : memref<4x16x16xi32, #tpu.memory_space<vmem>> -> memref<1x16x16xi32, #tpu.memory_space<vmem>>
      %dma_start3A_100 = tpu.memref_squeeze %dma_start3A_99 : memref<1x16x16xi32, #tpu.memory_space<vmem>> -> memref<16x16xi32, #tpu.memory_space<vmem>>
      %dma_start3A_101 = arith.constant 0 : i32
      %dma_start3A_102 = tpu.memref_slice %arg2[%run_scoped3A_6, %mul3A_2, %dma_start3A_101] : memref<4x512x16xi32, #tpu.memory_space<hbm>> -> memref<1x16x16xi32, #tpu.memory_space<hbm>>
      %dma_start3A_103 = tpu.memref_squeeze %dma_start3A_102 : memref<1x16x16xi32, #tpu.memory_space<hbm>> -> memref<16x16xi32, #tpu.memory_space<hbm>>
      tpu.enqueue_dma source(%dma_start3A_103 : memref<16x16xi32, #tpu.memory_space<hbm>>) target(%dma_start3A_100 : memref<16x16xi32, #tpu.memory_space<vmem>>) target_semaphore(%run_scoped3A_89 : memref<!tpu.dma_semaphore, #tpu.memory_space<semaphore_mem>>)
      %dma_wait3A_104 = arith.constant 0 : i32
      %dma_wait3A_105 = arith.constant 0 : i32
      %dma_wait3A_106 = tpu.memref_slice %arg6[%run_scoped3A_7, %dma_wait3A_104, %dma_wait3A_105] : memref<4x16x16xi32, #tpu.memory_space<vmem>> -> memref<1x16x16xi32, #tpu.memory_space<vmem>>
      %dma_wait3A_107 = tpu.memref_squeeze %dma_wait3A_106 : memref<1x16x16xi32, #tpu.memory_space<vmem>> -> memref<16x16xi32, #tpu.memory_space<vmem>>
      %dma_wait3A_108 = arith.constant 0 : i32
      %dma_wait3A_109 = tpu.memref_slice %arg2[%run_scoped3A_6, %mul3A_2, %dma_wait3A_108] : memref<4x512x16xi32, #tpu.memory_space<hbm>> -> memref<1x16x16xi32, #tpu.memory_space<hbm>>
      %dma_wait3A_110 = tpu.memref_squeeze %dma_wait3A_109 : memref<1x16x16xi32, #tpu.memory_space<hbm>> -> memref<16x16xi32, #tpu.memory_space<hbm>>
      %dma_wait3A_111 = arith.constant 0 : i32
      %dma_wait3A_112 = arith.constant 0 : i32
      %dma_wait3A_113 = tpu.memref_slice %arg6[%run_scoped3A_7, %dma_wait3A_111, %dma_wait3A_112] : memref<4x16x16xi32, #tpu.memory_space<vmem>> -> memref<1x16x16xi32, #tpu.memory_space<vmem>>
      %dma_wait3A_114 = tpu.memref_squeeze %dma_wait3A_113 : memref<1x16x16xi32, #tpu.memory_space<vmem>> -> memref<16x16xi32, #tpu.memory_space<vmem>>
      %dma_wait3A_115 = arith.constant 0 : i32
      %dma_wait3A_116 = tpu.memref_slice %arg2[%run_scoped3A_6, %mul3A_2, %dma_wait3A_115] : memref<4x512x16xi32, #tpu.memory_space<hbm>> -> memref<1x16x16xi32, #tpu.memory_space<hbm>>
      %dma_wait3A_117 = tpu.memref_squeeze %dma_wait3A_116 : memref<1x16x16xi32, #tpu.memory_space<hbm>> -> memref<16x16xi32, #tpu.memory_space<hbm>>
      tpu.wait_dma2 semaphore(%run_scoped3A_89 : memref<!tpu.dma_semaphore, #tpu.memory_space<semaphore_mem>>) src(%dma_wait3A_117 : memref<16x16xi32, #tpu.memory_space<hbm>>) dst(%dma_wait3A_114 : memref<16x16xi32, #tpu.memory_space<vmem>>)
      tpu.yield
    }) : () -> ()
    %run_scoped3A_8 = arith.constant 3 : i32
    %run_scoped3A_9 = arith.constant 3 : i32
    "tpu.region"() ({
      %run_scoped3A_89 = tpu.sem_alloc : memref<!tpu.dma_semaphore, #tpu.memory_space<semaphore_mem>>
      %dma_start3A_90 = arith.constant 0 : i32
      %dma_start3A_91 = arith.constant 0 : i32
      %dma_start3A_92 = tpu.memref_slice %arg6[%run_scoped3A_9, %dma_start3A_90, %dma_start3A_91] : memref<4x16x16xi32, #tpu.memory_space<vmem>> -> memref<1x16x16xi32, #tpu.memory_space<vmem>>
      %dma_start3A_93 = tpu.memref_squeeze %dma_start3A_92 : memref<1x16x16xi32, #tpu.memory_space<vmem>> -> memref<16x16xi32, #tpu.memory_space<vmem>>
      %dma_start3A_94 = arith.constant 0 : i32
      %dma_start3A_95 = tpu.memref_slice %arg2[%run_scoped3A_8, %mul3A_2, %dma_start3A_94] : memref<4x512x16xi32, #tpu.memory_space<hbm>> -> memref<1x16x16xi32, #tpu.memory_space<hbm>>
      %dma_start3A_96 = tpu.memref_squeeze %dma_start3A_95 : memref<1x16x16xi32, #tpu.memory_space<hbm>> -> memref<16x16xi32, #tpu.memory_space<hbm>>
      %dma_start3A_97 = arith.constant 0 : i32
      %dma_start3A_98 = arith.constant 0 : i32
      %dma_start3A_99 = tpu.memref_slice %arg6[%run_scoped3A_9, %dma_start3A_97, %dma_start3A_98] : memref<4x16x16xi32, #tpu.memory_space<vmem>> -> memref<1x16x16xi32, #tpu.memory_space<vmem>>
      %dma_start3A_100 = tpu.memref_squeeze %dma_start3A_99 : memref<1x16x16xi32, #tpu.memory_space<vmem>> -> memref<16x16xi32, #tpu.memory_space<vmem>>
      %dma_start3A_101 = arith.constant 0 : i32
      %dma_start3A_102 = tpu.memref_slice %arg2[%run_scoped3A_8, %mul3A_2, %dma_start3A_101] : memref<4x512x16xi32, #tpu.memory_space<hbm>> -> memref<1x16x16xi32, #tpu.memory_space<hbm>>
      %dma_start3A_103 = tpu.memref_squeeze %dma_start3A_102 : memref<1x16x16xi32, #tpu.memory_space<hbm>> -> memref<16x16xi32, #tpu.memory_space<hbm>>
      tpu.enqueue_dma source(%dma_start3A_103 : memref<16x16xi32, #tpu.memory_space<hbm>>) target(%dma_start3A_100 : memref<16x16xi32, #tpu.memory_space<vmem>>) target_semaphore(%run_scoped3A_89 : memref<!tpu.dma_semaphore, #tpu.memory_space<semaphore_mem>>)
      %dma_wait3A_104 = arith.constant 0 : i32
      %dma_wait3A_105 = arith.constant 0 : i32
      %dma_wait3A_106 = tpu.memref_slice %arg6[%run_scoped3A_9, %dma_wait3A_104, %dma_wait3A_105] : memref<4x16x16xi32, #tpu.memory_space<vmem>> -> memref<1x16x16xi32, #tpu.memory_space<vmem>>
      %dma_wait3A_107 = tpu.memref_squeeze %dma_wait3A_106 : memref<1x16x16xi32, #tpu.memory_space<vmem>> -> memref<16x16xi32, #tpu.memory_space<vmem>>
      %dma_wait3A_108 = arith.constant 0 : i32
      %dma_wait3A_109 = tpu.memref_slice %arg2[%run_scoped3A_8, %mul3A_2, %dma_wait3A_108] : memref<4x512x16xi32, #tpu.memory_space<hbm>> -> memref<1x16x16xi32, #tpu.memory_space<hbm>>
      %dma_wait3A_110 = tpu.memref_squeeze %dma_wait3A_109 : memref<1x16x16xi32, #tpu.memory_space<hbm>> -> memref<16x16xi32, #tpu.memory_space<hbm>>
      %dma_wait3A_111 = arith.constant 0 : i32
      %dma_wait3A_112 = arith.constant 0 : i32
      %dma_wait3A_113 = tpu.memref_slice %arg6[%run_scoped3A_9, %dma_wait3A_111, %dma_wait3A_112] : memref<4x16x16xi32, #tpu.memory_space<vmem>> -> memref<1x16x16xi32, #tpu.memory_space<vmem>>
      %dma_wait3A_114 = tpu.memref_squeeze %dma_wait3A_113 : memref<1x16x16xi32, #tpu.memory_space<vmem>> -> memref<16x16xi32, #tpu.memory_space<vmem>>
      %dma_wait3A_115 = arith.constant 0 : i32
      %dma_wait3A_116 = tpu.memref_slice %arg2[%run_scoped3A_8, %mul3A_2, %dma_wait3A_115] : memref<4x512x16xi32, #tpu.memory_space<hbm>> -> memref<1x16x16xi32, #tpu.memory_space<hbm>>
      %dma_wait3A_117 = tpu.memref_squeeze %dma_wait3A_116 : memref<1x16x16xi32, #tpu.memory_space<hbm>> -> memref<16x16xi32, #tpu.memory_space<hbm>>
      tpu.wait_dma2 semaphore(%run_scoped3A_89 : memref<!tpu.dma_semaphore, #tpu.memory_space<semaphore_mem>>) src(%dma_wait3A_117 : memref<16x16xi32, #tpu.memory_space<hbm>>) dst(%dma_wait3A_114 : memref<16x16xi32, #tpu.memory_space<vmem>>)
      tpu.yield
    }) : () -> ()
    %rem3A = arith.constant 0 : i32
    %rem3A_10 = arith.constant 4 : i32
    %rem3A_11 = arith.remsi %rem3A, %rem3A_10 : i32
    %dma_start3A = arith.constant 0 : i32
    %dma_start3A_12 = arith.constant 0 : i32
    %dma_start3A_13 = arith.constant 0 : i32
    %dma_start3A_14 = arith.constant 0 : i32
    %dma_start3A_15 = arith.constant 0 : i32
    %dma_start3A_16 = tpu.memref_slice %arg8[%dma_start3A_12, %dma_start3A_14, %dma_start3A_15] : memref<2x16x1024xf32, #tpu.memory_space<vmem>> -> memref<1x16x1024xf32, #tpu.memory_space<vmem>>
    %dma_start3A_17 = tpu.memref_squeeze %dma_start3A_16 : memref<1x16x1024xf32, #tpu.memory_space<vmem>> -> memref<16x1024xf32, #tpu.memory_space<vmem>>
    %dma_start3A_18 = arith.constant 0 : i32
    %dma_start3A_19 = tpu.memref_slice %arg6[%rem3A_11, %dma_start3A, %dma_start3A_18] : memref<4x16x16xi32, #tpu.memory_space<vmem>> -> memref<1x1x16xi32, #tpu.memory_space<vmem>>
    %dma_start3A_20 = tpu.memref_squeeze %dma_start3A_19 : memref<1x1x16xi32, #tpu.memory_space<vmem>> -> memref<16xi32, #tpu.memory_space<vmem>>
    %dma_start3A_21 = arith.constant 0 : i32
    %dma_start3A_22 = arith.constant 0 : i32
    %dma_start3A_23 = tpu.memref_slice %arg3[%dma_start3A_21, %dma_start3A_22] : memref<100000x1024xf32, #tpu.memory_space<hbm>> -> memref<100000x1024xf32, #tpu.memory_space<hbm>>
    %dma_start3A_24 = tpu.memref_slice %arg10[%dma_start3A_13] : memref<2x!tpu.dma_semaphore, #tpu.memory_space<semaphore_mem>> -> memref<1x!tpu.dma_semaphore, #tpu.memory_space<semaphore_mem>>
    %dma_start3A_25 = tpu.memref_squeeze %dma_start3A_24 : memref<1x!tpu.dma_semaphore, #tpu.memory_space<semaphore_mem>> -> memref<!tpu.dma_semaphore, #tpu.memory_space<semaphore_mem>>
    tpu.enqueue_indirect_dma source(%dma_start3A_23 : memref<100000x1024xf32, #tpu.memory_space<hbm>>) target(%dma_start3A_17 : memref<16x1024xf32, #tpu.memory_space<vmem>>) offsets(%dma_start3A_20 : memref<16xi32, #tpu.memory_space<vmem>>) semaphore(%dma_start3A_25 : memref<!tpu.dma_semaphore, #tpu.memory_space<semaphore_mem>>)
    %rem3A_26 = arith.constant 1 : i32
    %rem3A_27 = arith.constant 4 : i32
    %rem3A_28 = arith.remsi %rem3A_26, %rem3A_27 : i32
    %dma_start3A_29 = arith.constant 0 : i32
    %dma_start3A_30 = arith.constant 1 : i32
    %dma_start3A_31 = arith.constant 1 : i32
    %dma_start3A_32 = arith.constant 0 : i32
    %dma_start3A_33 = arith.constant 0 : i32
    %dma_start3A_34 = tpu.memref_slice %arg8[%dma_start3A_30, %dma_start3A_32, %dma_start3A_33] : memref<2x16x1024xf32, #tpu.memory_space<vmem>> -> memref<1x16x1024xf32, #tpu.memory_space<vmem>>
    %dma_start3A_35 = tpu.memref_squeeze %dma_start3A_34 : memref<1x16x1024xf32, #tpu.memory_space<vmem>> -> memref<16x1024xf32, #tpu.memory_space<vmem>>
    %dma_start3A_36 = arith.constant 0 : i32
    %dma_start3A_37 = tpu.memref_slice %arg6[%rem3A_28, %dma_start3A_29, %dma_start3A_36] : memref<4x16x16xi32, #tpu.memory_space<vmem>> -> memref<1x1x16xi32, #tpu.memory_space<vmem>>
    %dma_start3A_38 = tpu.memref_squeeze %dma_start3A_37 : memref<1x1x16xi32, #tpu.memory_space<vmem>> -> memref<16xi32, #tpu.memory_space<vmem>>
    %dma_start3A_39 = arith.constant 0 : i32
    %dma_start3A_40 = arith.constant 0 : i32
    %dma_start3A_41 = tpu.memref_slice %arg3[%dma_start3A_39, %dma_start3A_40] : memref<100000x1024xf32, #tpu.memory_space<hbm>> -> memref<100000x1024xf32, #tpu.memory_space<hbm>>
    %dma_start3A_42 = tpu.memref_slice %arg10[%dma_start3A_31] : memref<2x!tpu.dma_semaphore, #tpu.memory_space<semaphore_mem>> -> memref<1x!tpu.dma_semaphore, #tpu.memory_space<semaphore_mem>>
    %dma_start3A_43 = tpu.memref_squeeze %dma_start3A_42 : memref<1x!tpu.dma_semaphore, #tpu.memory_space<semaphore_mem>> -> memref<!tpu.dma_semaphore, #tpu.memory_space<semaphore_mem>>
    tpu.enqueue_indirect_dma source(%dma_start3A_41 : memref<100000x1024xf32, #tpu.memory_space<hbm>>) target(%dma_start3A_35 : memref<16x1024xf32, #tpu.memory_space<vmem>>) offsets(%dma_start3A_38 : memref<16xi32, #tpu.memory_space<vmem>>) semaphore(%dma_start3A_43 : memref<!tpu.dma_semaphore, #tpu.memory_space<semaphore_mem>>)
    %scan3A = arith.constant 0 : i32
    %scan3A_44 = arith.constant 32 : i32
    %scan3A_45 = arith.addi %scan3A, %scan3A_44 : i32
    %scan3A_46 = arith.constant 1 : i32
    scf.for %scan3A_89 = %scan3A to %scan3A_45 step %scan3A_46  : i32 {
      %mul3A_90 = arith.constant 2 : i32
      %mul3A_91 = arith.muli %scan3A_89, %mul3A_90 : i32
      %add3A_92 = arith.constant 0 : i32
      %add3A_93 = arith.addi %add3A_92, %mul3A_91 : i32
      %add3A_94 = arith.constant 0 : i32
      %add3A_95 = arith.addi %add3A_93, %add3A_94 : i32
      %jit3A = arith.constant 4 : i32
      %div3A = arith.divsi %add3A_95, %jit3A : i32
      %sign3A = arith.constant 0 : i32
      %sign3A_96 = arith.cmpi sgt, %add3A_95, %sign3A : i32
      %sign3A_97 = arith.extui %sign3A_96 : i1 to i32
      %sign3A_98 = arith.constant 0 : i32
      %sign3A_99 = arith.cmpi slt, %add3A_95, %sign3A_98 : i32
      %sign3A_100 = arith.extui %sign3A_99 : i1 to i32
      %sign3A_101 = arith.subi %sign3A_97, %sign3A_100 : i32
      %sign3A_102 = arith.constant 0 : i32
      %sign3A_103 = arith.cmpi sgt, %jit3A, %sign3A_102 : i32
      %sign3A_104 = arith.extui %sign3A_103 : i1 to i32
      %sign3A_105 = arith.constant 0 : i32
      %sign3A_106 = arith.cmpi slt, %jit3A, %sign3A_105 : i32
      %sign3A_107 = arith.extui %sign3A_106 : i1 to i32
      %sign3A_108 = arith.subi %sign3A_104, %sign3A_107 : i32
      %ne3A = arith.cmpi ne, %sign3A_101, %sign3A_108 : i32
      %rem3A_109 = arith.remsi %add3A_95, %jit3A : i32
      %ne3A_110 = arith.constant 0 : i32
      %ne3A_111 = arith.cmpi ne, %rem3A_109, %ne3A_110 : i32
      %and3A = arith.andi %ne3A, %ne3A_111 : i1
      %sub3A = arith.constant 1 : i32
      %sub3A_112 = arith.subi %div3A, %sub3A : i32
      %select_n3A = arith.select %and3A, %sub3A_112, %div3A : i32
      %rem3A_113 = arith.constant 4 : i32
      %rem3A_114 = arith.remsi %add3A_95, %rem3A_113 : i32
      %eq3A = arith.constant 0 : i32
      %eq3A_115 = arith.cmpi eq, %rem3A_114, %eq3A : i32
      %convert_element_type3A = arith.extui %eq3A_115 : i1 to i32
      %cond3A = arith.constant 0 : i32
      %cond3A_116 = arith.cmpi ne, %convert_element_type3A, %cond3A : i32
      scf.if %cond3A_116 {
        %add3A_312 = arith.addi %mul3A_2, %select_n3A : i32
        %mul3A_313 = arith.constant 16 : i32
        %mul3A_314 = arith.muli %add3A_312, %mul3A_313 : i32
        "tpu.region"() ({
          %run_scoped3A_315 = tpu.sem_alloc : memref<!tpu.dma_semaphore, #tpu.memory_space<semaphore_mem>>
          %dma_start3A_316 = arith.constant 0 : i32
          %dma_start3A_317 = tpu.memref_slice %arg4[%mul3A_314, %dma_start3A_316] : memref<8192x1024xf32, #tpu.memory_space<hbm>> -> memref<16x1024xf32, #tpu.memory_space<hbm>>
          %dma_start3A_318 = arith.constant 0 : i32
          %dma_start3A_319 = tpu.memref_slice %arg4[%mul3A_314, %dma_start3A_318] : memref<8192x1024xf32, #tpu.memory_space<hbm>> -> memref<16x1024xf32, #tpu.memory_space<hbm>>
          tpu.enqueue_dma source(%dma_start3A_319 : memref<16x1024xf32, #tpu.memory_space<hbm>>) target(%arg7 : memref<16x1024xf32, #tpu.memory_space<vmem>>) target_semaphore(%run_scoped3A_315 : memref<!tpu.dma_semaphore, #tpu.memory_space<semaphore_mem>>)
          %dma_wait3A_320 = arith.constant 0 : i32
          %dma_wait3A_321 = tpu.memref_slice %arg4[%mul3A_314, %dma_wait3A_320] : memref<8192x1024xf32, #tpu.memory_space<hbm>> -> memref<16x1024xf32, #tpu.memory_space<hbm>>
          %dma_wait3A_322 = arith.constant 0 : i32
          %dma_wait3A_323 = tpu.memref_slice %arg4[%mul3A_314, %dma_wait3A_322] : memref<8192x1024xf32, #tpu.memory_space<hbm>> -> memref<16x1024xf32, #tpu.memory_space<hbm>>
          tpu.wait_dma2 semaphore(%run_scoped3A_315 : memref<!tpu.dma_semaphore, #tpu.memory_space<semaphore_mem>>) src(%dma_wait3A_323 : memref<16x1024xf32, #tpu.memory_space<hbm>>) dst(%arg7 : memref<16x1024xf32, #tpu.memory_space<vmem>>)
          tpu.yield
        }) : () -> ()
      } else {
      }
      %dma_wait3A_117 = arith.constant 0 : i32
      %dma_wait3A_118 = arith.constant 0 : i32
      %dma_wait3A_119 = arith.constant 0 : i32
      %dma_wait3A_120 = arith.constant 0 : i32
      %dma_wait3A_121 = arith.constant 0 : i32
      %dma_wait3A_122 = arith.constant 0 : i32
      %dma_wait3A_123 = tpu.memref_slice %arg8[%dma_wait3A_119, %dma_wait3A_121, %dma_wait3A_122] : memref<2x16x1024xf32, #tpu.memory_space<vmem>> -> memref<1x16x1024xf32, #tpu.memory_space<vmem>>
      %dma_wait3A_124 = tpu.memref_squeeze %dma_wait3A_123 : memref<1x16x1024xf32, #tpu.memory_space<vmem>> -> memref<16x1024xf32, #tpu.memory_space<vmem>>
      %dma_wait3A_125 = arith.constant 0 : i32
      %dma_wait3A_126 = tpu.memref_slice %arg6[%dma_wait3A_117, %dma_wait3A_118, %dma_wait3A_125] : memref<4x16x16xi32, #tpu.memory_space<vmem>> -> memref<1x1x16xi32, #tpu.memory_space<vmem>>
      %dma_wait3A_127 = tpu.memref_squeeze %dma_wait3A_126 : memref<1x1x16xi32, #tpu.memory_space<vmem>> -> memref<16xi32, #tpu.memory_space<vmem>>
      %dma_wait3A_128 = arith.constant 0 : i32
      %dma_wait3A_129 = arith.constant 0 : i32
      %dma_wait3A_130 = tpu.memref_slice %arg3[%dma_wait3A_128, %dma_wait3A_129] : memref<100000x1024xf32, #tpu.memory_space<hbm>> -> memref<100000x1024xf32, #tpu.memory_space<hbm>>
      %dma_wait3A_131 = tpu.memref_slice %arg10[%dma_wait3A_120] : memref<2x!tpu.dma_semaphore, #tpu.memory_space<semaphore_mem>> -> memref<1x!tpu.dma_semaphore, #tpu.memory_space<semaphore_mem>>
      %dma_wait3A_132 = tpu.memref_squeeze %dma_wait3A_131 : memref<1x!tpu.dma_semaphore, #tpu.memory_space<semaphore_mem>> -> memref<!tpu.dma_semaphore, #tpu.memory_space<semaphore_mem>>
      tpu.wait_indirect_dma semaphore(%dma_wait3A_132 : memref<!tpu.dma_semaphore, #tpu.memory_space<semaphore_mem>>) src(%dma_wait3A_130 : memref<100000x1024xf32, #tpu.memory_space<hbm>>) dst(%dma_wait3A_124 : memref<16x1024xf32, #tpu.memory_space<vmem>>)
      %ge3A = arith.constant 2 : i32
      %ge3A_133 = arith.cmpi sge, %add3A_95, %ge3A : i32
      %convert_element_type3A_134 = arith.extui %ge3A_133 : i1 to i32
      %cond3A_135 = arith.constant 0 : i32
      %cond3A_136 = arith.cmpi ne, %convert_element_type3A_134, %cond3A_135 : i32
      scf.if %cond3A_136 {
        %dma_wait3A_312 = arith.constant 0 : i32
        %dma_wait3A_313 = arith.constant 0 : i32
        %dma_wait3A_314 = arith.constant 0 : i32
        %dma_wait3A_315 = arith.constant 0 : i32
        %dma_wait3A_316 = arith.constant 0 : i32
        %dma_wait3A_317 = tpu.memref_slice %arg9[%dma_wait3A_312, %dma_wait3A_315, %dma_wait3A_316] : memref<2x16x1024xf32, #tpu.memory_space<vmem>> -> memref<1x16x1024xf32, #tpu.memory_space<vmem>>
        %dma_wait3A_318 = tpu.memref_squeeze %dma_wait3A_317 : memref<1x16x1024xf32, #tpu.memory_space<vmem>> -> memref<16x1024xf32, #tpu.memory_space<vmem>>
        %dma_wait3A_319 = arith.constant 0 : i32
        %dma_wait3A_320 = arith.constant 0 : i32
        %dma_wait3A_321 = tpu.memref_slice %arg5[%dma_wait3A_313, %dma_wait3A_319, %dma_wait3A_320] : memref<4x8192x1024xf32, #tpu.memory_space<hbm>> -> memref<1x16x1024xf32, #tpu.memory_space<hbm>>
        %dma_wait3A_322 = tpu.memref_squeeze %dma_wait3A_321 : memref<1x16x1024xf32, #tpu.memory_space<hbm>> -> memref<16x1024xf32, #tpu.memory_space<hbm>>
        %dma_wait3A_323 = tpu.memref_slice %arg11[%dma_wait3A_314] : memref<2x!tpu.dma_semaphore, #tpu.memory_space<semaphore_mem>> -> memref<1x!tpu.dma_semaphore, #tpu.memory_space<semaphore_mem>>
        %dma_wait3A_324 = tpu.memref_squeeze %dma_wait3A_323 : memref<1x!tpu.dma_semaphore, #tpu.memory_space<semaphore_mem>> -> memref<!tpu.dma_semaphore, #tpu.memory_space<semaphore_mem>>
        %dma_wait3A_325 = arith.constant 0 : i32
        %dma_wait3A_326 = arith.constant 0 : i32
        %dma_wait3A_327 = tpu.memref_slice %arg5[%dma_wait3A_313, %dma_wait3A_325, %dma_wait3A_326] : memref<4x8192x1024xf32, #tpu.memory_space<hbm>> -> memref<1x16x1024xf32, #tpu.memory_space<hbm>>
        %dma_wait3A_328 = tpu.memref_squeeze %dma_wait3A_327 : memref<1x16x1024xf32, #tpu.memory_space<hbm>> -> memref<16x1024xf32, #tpu.memory_space<hbm>>
        %dma_wait3A_329 = arith.constant 0 : i32
        %dma_wait3A_330 = arith.constant 0 : i32
        %dma_wait3A_331 = tpu.memref_slice %arg9[%dma_wait3A_312, %dma_wait3A_329, %dma_wait3A_330] : memref<2x16x1024xf32, #tpu.memory_space<vmem>> -> memref<1x16x1024xf32, #tpu.memory_space<vmem>>
        %dma_wait3A_332 = tpu.memref_squeeze %dma_wait3A_331 : memref<1x16x1024xf32, #tpu.memory_space<vmem>> -> memref<16x1024xf32, #tpu.memory_space<vmem>>
        tpu.wait_dma2 semaphore(%dma_wait3A_324 : memref<!tpu.dma_semaphore, #tpu.memory_space<semaphore_mem>>) src(%dma_wait3A_332 : memref<16x1024xf32, #tpu.memory_space<vmem>>) dst(%dma_wait3A_328 : memref<16x1024xf32, #tpu.memory_space<hbm>>)
      } else {
      }
      %scan3A_137 = arith.constant 0 : i32
      %scan3A_138 = arith.constant 0 : i32
      %scan3A_139 = arith.constant 16 : i32
      %scan3A_140 = arith.addi %scan3A_138, %scan3A_139 : i32
      %scan3A_141 = arith.constant 1 : i32
      %scan3A_142 = scf.for %scan3A_312 = %scan3A_138 to %scan3A_140 step %scan3A_141 iter_args(%scan3A_313 = %scan3A_137) -> (i32)  : i32 {
        %get3A = arith.constant 0 : i32
        %get3A_314 = arith.index_cast %get3A : i32 to index
        %get3A_315 = arith.index_cast %scan3A_312 : i32 to index
        %get3A_316 = arith.constant 0 : index
        %get3A_317 = tpu.vector_load %arg8[%get3A_314, %get3A_315, %get3A_316] {strides = array<i32>} : memref<2x16x1024xf32, #tpu.memory_space<vmem>>, vector<1x1x16xf32>,
        %get3A_318 = vector.shape_cast %get3A_317 : vector<1x1x16xf32> to vector<16xf32>
        %get3A_319 = arith.index_cast %scan3A_312 : i32 to index
        %get3A_320 = arith.constant 0 : index
        %get3A_321 = tpu.vector_load %arg7[%get3A_319, %get3A_320] {strides = array<i32>} : memref<16x1024xf32, #tpu.memory_space<vmem>>, vector<1x16xf32>,
        %get3A_322 = vector.shape_cast %get3A_321 : vector<1x16xf32> to vector<16xf32>
        %add3A_323 = arith.addf %get3A_318, %get3A_322 : vector<16xf32>
        %swap3A = arith.constant 0 : i32
        %swap3A_324 = arith.index_cast %swap3A : i32 to index
        %swap3A_325 = arith.index_cast %scan3A_312 : i32 to index
        %swap3A_326 = arith.constant 0 : index
        %swap3A_327 = tpu.vector_load %arg9[%swap3A_324, %swap3A_325, %swap3A_326] {strides = array<i32>} : memref<2x16x1024xf32, #tpu.memory_space<vmem>>, vector<1x1x16xf32>,
        %swap3A_328 = vector.shape_cast %swap3A_327 : vector<1x1x16xf32> to vector<16xf32>
        %swap3A_329 = vector.shape_cast %add3A_323 : vector<16xf32> to vector<1x1x16xf32>
        tpu.vector_store %arg9[%swap3A_324, %swap3A_325, %swap3A_326], %swap3A_329 {strides = array<i32>} : memref<2x16x1024xf32, #tpu.memory_space<vmem>>, vector<1x1x16xf32>,
        %get3A_330 = arith.constant 0 : i32
        %get3A_331 = arith.index_cast %get3A_330 : i32 to index
        %get3A_332 = arith.index_cast %scan3A_312 : i32 to index
        %get3A_333 = arith.constant 16 : index
        %get3A_334 = tpu.vector_load %arg8[%get3A_331, %get3A_332, %get3A_333] {strides = array<i32>} : memref<2x16x1024xf32, #tpu.memory_space<vmem>>, vector<1x1x16xf32>,
        %get3A_335 = vector.shape_cast %get3A_334 : vector<1x1x16xf32> to vector<16xf32>
        %get3A_336 = arith.index_cast %scan3A_312 : i32 to index
        %get3A_337 = arith.constant 16 : index
        %get3A_338 = tpu.vector_load %arg7[%get3A_336, %get3A_337] {strides = array<i32>} : memref<16x1024xf32, #tpu.memory_space<vmem>>, vector<1x16xf32>,
        %get3A_339 = vector.shape_cast %get3A_338 : vector<1x16xf32> to vector<16xf32>
        %add3A_340 = arith.addf %get3A_335, %get3A_339 : vector<16xf32>
        %swap3A_341 = arith.constant 0 : i32
        %swap3A_342 = arith.index_cast %swap3A_341 : i32 to index
        %swap3A_343 = arith.index_cast %scan3A_312 : i32 to index
        %swap3A_344 = arith.constant 16 : index
        %swap3A_345 = tpu.vector_load %arg9[%swap3A_342, %swap3A_343, %swap3A_344] {strides = array<i32>} : memref<2x16x1024xf32, #tpu.memory_space<vmem>>, vector<1x1x16xf32>,
        %swap3A_346 = vector.shape_cast %swap3A_345 : vector<1x1x16xf32> to vector<16xf32>
        %swap3A_347 = vector.shape_cast %add3A_340 : vector<16xf32> to vector<1x1x16xf32>
        tpu.vector_store %arg9[%swap3A_342, %swap3A_343, %swap3A_344], %swap3A_347 {strides = array<i32>} : memref<2x16x1024xf32, #tpu.memory_space<vmem>>, vector<1x1x16xf32>,
        %get3A_348 = arith.constant 0 : i32
        %get3A_349 = arith.index_cast %get3A_348 : i32 to index
        %get3A_350 = arith.index_cast %scan3A_312 : i32 to index
        %get3A_351 = arith.constant 32 : index
        %get3A_352 = tpu.vector_load %arg8[%get3A_349, %get3A_350, %get3A_351] {strides = array<i32>} : memref<2x16x1024xf32, #tpu.memory_space<vmem>>, vector<1x1x16xf32>,
        %get3A_353 = vector.shape_cast %get3A_352 : vector<1x1x16xf32> to vector<16xf32>
        %get3A_354 = arith.index_cast %scan3A_312 : i32 to index
        %get3A_355 = arith.constant 32 : index
        %get3A_356 = tpu.vector_load %arg7[%get3A_354, %get3A_355] {strides = array<i32>} : memref<16x1024xf32, #tpu.memory_space<vmem>>, vector<1x16xf32>,
        %get3A_357 = vector.shape_cast %get3A_356 : vector<1x16xf32> to vector<16xf32>
        %add3A_358 = arith.addf %get3A_353, %get3A_357 : vector<16xf32>
        %swap3A_359 = arith.constant 0 : i32
        %swap3A_360 = arith.index_cast %swap3A_359 : i32 to index
        %swap3A_361 = arith.index_cast %scan3A_312 : i32 to index
        %swap3A_362 = arith.constant 32 : index
        %swap3A_363 = tpu.vector_load %arg9[%swap3A_360, %swap3A_361, %swap3A_362] {strides = array<i32>} : memref<2x16x1024xf32, #tpu.memory_space<vmem>>, vector<1x1x16xf32>,
        %swap3A_364 = vector.shape_cast %swap3A_363 : vector<1x1x16xf32> to vector<16xf32>
        %swap3A_365 = vector.shape_cast %add3A_358 : vector<16xf32> to vector<1x1x16xf32>
        tpu.vector_store %arg9[%swap3A_360, %swap3A_361, %swap3A_362], %swap3A_365 {strides = array<i32>} : memref<2x16x1024xf32, #tpu.memory_space<vmem>>, vector<1x1x16xf32>,
        %get3A_366 = arith.constant 0 : i32
        %get3A_367 = arith.index_cast %get3A_366 : i32 to index
        %get3A_368 = arith.index_cast %scan3A_312 : i32 to index
        %get3A_369 = arith.constant 48 : index
        %get3A_370 = tpu.vector_load %arg8[%get3A_367, %get3A_368, %get3A_369] {strides = array<i32>} : memref<2x16x1024xf32, #tpu.memory_space<vmem>>, vector<1x1x16xf32>,
        %get3A_371 = vector.shape_cast %get3A_370 : vector<1x1x16xf32> to vector<16xf32>
        %get3A_372 = arith.index_cast %scan3A_312 : i32 to index
        %get3A_373 = arith.constant 48 : index
        %get3A_374 = tpu.vector_load %arg7[%get3A_372, %get3A_373] {strides = array<i32>} : memref<16x1024xf32, #tpu.memory_space<vmem>>, vector<1x16xf32>,
        %get3A_375 = vector.shape_cast %get3A_374 : vector<1x16xf32> to vector<16xf32>
        %add3A_376 = arith.addf %get3A_371, %get3A_375 : vector<16xf32>
        %swap3A_377 = arith.constant 0 : i32
        %swap3A_378 = arith.index_cast %swap3A_377 : i32 to index
        %swap3A_379 = arith.index_cast %scan3A_312 : i32 to index
        %swap3A_380 = arith.constant 48 : index
        %swap3A_381 = tpu.vector_load %arg9[%swap3A_378, %swap3A_379, %swap3A_380] {strides = array<i32>} : memref<2x16x1024xf32, #tpu.memory_space<vmem>>, vector<1x1x16xf32>,
        %swap3A_382 = vector.shape_cast %swap3A_381 : vector<1x1x16xf32> to vector<16xf32>
        %swap3A_383 = vector.shape_cast %add3A_376 : vector<16xf32> to vector<1x1x16xf32>
        tpu.vector_store %arg9[%swap3A_378, %swap3A_379, %swap3A_380], %swap3A_383 {strides = array<i32>} : memref<2x16x1024xf32, #tpu.memory_space<vmem>>, vector<1x1x16xf32>,
        %get3A_384 = arith.constant 0 : i32
        %get3A_385 = arith.index_cast %get3A_384 : i32 to index
        %get3A_386 = arith.index_cast %scan3A_312 : i32 to index
        %get3A_387 = arith.constant 64 : index
        %get3A_388 = tpu.vector_load %arg8[%get3A_385, %get3A_386, %get3A_387] {strides = array<i32>} : memref<2x16x1024xf32, #tpu.memory_space<vmem>>, vector<1x1x16xf32>,
        %get3A_389 = vector.shape_cast %get3A_388 : vector<1x1x16xf32> to vector<16xf32>
        %get3A_390 = arith.index_cast %scan3A_312 : i32 to index
        %get3A_391 = arith.constant 64 : index
        %get3A_392 = tpu.vector_load %arg7[%get3A_390, %get3A_391] {strides = array<i32>} : memref<16x1024xf32, #tpu.memory_space<vmem>>, vector<1x16xf32>,
        %get3A_393 = vector.shape_cast %get3A_392 : vector<1x16xf32> to vector<16xf32>
        %add3A_394 = arith.addf %get3A_389, %get3A_393 : vector<16xf32>
        %swap3A_395 = arith.constant 0 : i32
        %swap3A_396 = arith.index_cast %swap3A_395 : i32 to index
        %swap3A_397 = arith.index_cast %scan3A_312 : i32 to index
        %swap3A_398 = arith.constant 64 : index
        %swap3A_399 = tpu.vector_load %arg9[%swap3A_396, %swap3A_397, %swap3A_398] {strides = array<i32>} : memref<2x16x1024xf32, #tpu.memory_space<vmem>>, vector<1x1x16xf32>,
        %swap3A_400 = vector.shape_cast %swap3A_399 : vector<1x1x16xf32> to vector<16xf32>
        %swap3A_401 = vector.shape_cast %add3A_394 : vector<16xf32> to vector<1x1x16xf32>
        tpu.vector_store %arg9[%swap3A_396, %swap3A_397, %swap3A_398], %swap3A_401 {strides = array<i32>} : memref<2x16x1024xf32, #tpu.memory_space<vmem>>, vector<1x1x16xf32>,
        %get3A_402 = arith.constant 0 : i32
        %get3A_403 = arith.index_cast %get3A_402 : i32 to index
        %get3A_404 = arith.index_cast %scan3A_312 : i32 to index
        %get3A_405 = arith.constant 80 : index
        %get3A_406 = tpu.vector_load %arg8[%get3A_403, %get3A_404, %get3A_405] {strides = array<i32>} : memref<2x16x1024xf32, #tpu.memory_space<vmem>>, vector<1x1x16xf32>,
        %get3A_407 = vector.shape_cast %get3A_406 : vector<1x1x16xf32> to vector<16xf32>
        %get3A_408 = arith.index_cast %scan3A_312 : i32 to index
        %get3A_409 = arith.constant 80 : index
        %get3A_410 = tpu.vector_load %arg7[%get3A_408, %get3A_409] {strides = array<i32>} : memref<16x1024xf32, #tpu.memory_space<vmem>>, vector<1x16xf32>,
        %get3A_411 = vector.shape_cast %get3A_410 : vector<1x16xf32> to vector<16xf32>
        %add3A_412 = arith.addf %get3A_407, %get3A_411 : vector<16xf32>
        %swap3A_413 = arith.constant 0 : i32
        %swap3A_414 = arith.index_cast %swap3A_413 : i32 to index
        %swap3A_415 = arith.index_cast %scan3A_312 : i32 to index
        %swap3A_416 = arith.constant 80 : index
        %swap3A_417 = tpu.vector_load %arg9[%swap3A_414, %swap3A_415, %swap3A_416] {strides = array<i32>} : memref<2x16x1024xf32, #tpu.memory_space<vmem>>, vector<1x1x16xf32>,
        %swap3A_418 = vector.shape_cast %swap3A_417 : vector<1x1x16xf32> to vector<16xf32>
        %swap3A_419 = vector.shape_cast %add3A_412 : vector<16xf32> to vector<1x1x16xf32>
        tpu.vector_store %arg9[%swap3A_414, %swap3A_415, %swap3A_416], %swap3A_419 {strides = array<i32>} : memref<2x16x1024xf32, #tpu.memory_space<vmem>>, vector<1x1x16xf32>,
        %get3A_420 = arith.constant 0 : i32
        %get3A_421 = arith.index_cast %get3A_420 : i32 to index
        %get3A_422 = arith.index_cast %scan3A_312 : i32 to index
        %get3A_423 = arith.constant 96 : index
        %get3A_424 = tpu.vector_load %arg8[%get3A_421, %get3A_422, %get3A_423] {strides = array<i32>} : memref<2x16x1024xf32, #tpu.memory_space<vmem>>, vector<1x1x16xf32>,
        %get3A_425 = vector.shape_cast %get3A_424 : vector<1x1x16xf32> to vector<16xf32>
        %get3A_426 = arith.index_cast %scan3A_312 : i32 to index
        %get3A_427 = arith.constant 96 : index
        %get3A_428 = tpu.vector_load %arg7[%get3A_426, %get3A_427] {strides = array<i32>} : memref<16x1024xf32, #tpu.memory_space<vmem>>, vector<1x16xf32>,
        %get3A_429 = vector.shape_cast %get3A_428 : vector<1x16xf32> to vector<16xf32>
        %add3A_430 = arith.addf %get3A_425, %get3A_429 : vector<16xf32>
        %swap3A_431 = arith.constant 0 : i32
        %swap3A_432 = arith.index_cast %swap3A_431 : i32 to index
        %swap3A_433 = arith.index_cast %scan3A_312 : i32 to index
        %swap3A_434 = arith.constant 96 : index
        %swap3A_435 = tpu.vector_load %arg9[%swap3A_432, %swap3A_433, %swap3A_434] {strides = array<i32>} : memref<2x16x1024xf32, #tpu.memory_space<vmem>>, vector<1x1x16xf32>,
        %swap3A_436 = vector.shape_cast %swap3A_435 : vector<1x1x16xf32> to vector<16xf32>
        %swap3A_437 = vector.shape_cast %add3A_430 : vector<16xf32> to vector<1x1x16xf32>
        tpu.vector_store %arg9[%swap3A_432, %swap3A_433, %swap3A_434], %swap3A_437 {strides = array<i32>} : memref<2x16x1024xf32, #tpu.memory_space<vmem>>, vector<1x1x16xf32>,
        %get3A_438 = arith.constant 0 : i32
        %get3A_439 = arith.index_cast %get3A_438 : i32 to index
        %get3A_440 = arith.index_cast %scan3A_312 : i32 to index
        %get3A_441 = arith.constant 112 : index
        %get3A_442 = tpu.vector_load %arg8[%get3A_439, %get3A_440, %get3A_441] {strides = array<i32>} : memref<2x16x1024xf32, #tpu.memory_space<vmem>>, vector<1x1x16xf32>,
        %get3A_443 = vector.shape_cast %get3A_442 : vector<1x1x16xf32> to vector<16xf32>
        %get3A_444 = arith.index_cast %scan3A_312 : i32 to index
        %get3A_445 = arith.constant 112 : index
        %get3A_446 = tpu.vector_load %arg7[%get3A_444, %get3A_445] {strides = array<i32>} : memref<16x1024xf32, #tpu.memory_space<vmem>>, vector<1x16xf32>,
        %get3A_447 = vector.shape_cast %get3A_446 : vector<1x16xf32> to vector<16xf32>
        %add3A_448 = arith.addf %get3A_443, %get3A_447 : vector<16xf32>
        %swap3A_449 = arith.constant 0 : i32
        %swap3A_450 = arith.index_cast %swap3A_449 : i32 to index
        %swap3A_451 = arith.index_cast %scan3A_312 : i32 to index
        %swap3A_452 = arith.constant 112 : index
        %swap3A_453 = tpu.vector_load %arg9[%swap3A_450, %swap3A_451, %swap3A_452] {strides = array<i32>} : memref<2x16x1024xf32, #tpu.memory_space<vmem>>, vector<1x1x16xf32>,
        %swap3A_454 = vector.shape_cast %swap3A_453 : vector<1x1x16xf32> to vector<16xf32>
        %swap3A_455 = vector.shape_cast %add3A_448 : vector<16xf32> to vector<1x1x16xf32>
        tpu.vector_store %arg9[%swap3A_450, %swap3A_451, %swap3A_452], %swap3A_455 {strides = array<i32>} : memref<2x16x1024xf32, #tpu.memory_space<vmem>>, vector<1x1x16xf32>,
        %get3A_456 = arith.constant 0 : i32
        %get3A_457 = arith.index_cast %get3A_456 : i32 to index
        %get3A_458 = arith.index_cast %scan3A_312 : i32 to index
        %get3A_459 = arith.constant 128 : index
        %get3A_460 = tpu.vector_load %arg8[%get3A_457, %get3A_458, %get3A_459] {strides = array<i32>} : memref<2x16x1024xf32, #tpu.memory_space<vmem>>, vector<1x1x16xf32>,
        %get3A_461 = vector.shape_cast %get3A_460 : vector<1x1x16xf32> to vector<16xf32>
        %get3A_462 = arith.index_cast %scan3A_312 : i32 to index
        %get3A_463 = arith.constant 128 : index
        %get3A_464 = tpu.vector_load %arg7[%get3A_462, %get3A_463] {strides = array<i32>} : memref<16x1024xf32, #tpu.memory_space<vmem>>, vector<1x16xf32>,
        %get3A_465 = vector.shape_cast %get3A_464 : vector<1x16xf32> to vector<16xf32>
        %add3A_466 = arith.addf %get3A_461, %get3A_465 : vector<16xf32>
        %swap3A_467 = arith.constant 0 : i32
        %swap3A_468 = arith.index_cast %swap3A_467 : i32 to index
        %swap3A_469 = arith.index_cast %scan3A_312 : i32 to index
        %swap3A_470 = arith.constant 128 : index
        %swap3A_471 = tpu.vector_load %arg9[%swap3A_468, %swap3A_469, %swap3A_470] {strides = array<i32>} : memref<2x16x1024xf32, #tpu.memory_space<vmem>>, vector<1x1x16xf32>,
        %swap3A_472 = vector.shape_cast %swap3A_471 : vector<1x1x16xf32> to vector<16xf32>
        %swap3A_473 = vector.shape_cast %add3A_466 : vector<16xf32> to vector<1x1x16xf32>
        tpu.vector_store %arg9[%swap3A_468, %swap3A_469, %swap3A_470], %swap3A_473 {strides = array<i32>} : memref<2x16x1024xf32, #tpu.memory_space<vmem>>, vector<1x1x16xf32>,
        %get3A_474 = arith.constant 0 : i32
        %get3A_475 = arith.index_cast %get3A_474 : i32 to index
        %get3A_476 = arith.index_cast %scan3A_312 : i32 to index
        %get3A_477 = arith.constant 144 : index
        %get3A_478 = tpu.vector_load %arg8[%get3A_475, %get3A_476, %get3A_477] {strides = array<i32>} : memref<2x16x1024xf32, #tpu.memory_space<vmem>>, vector<1x1x16xf32>,
        %get3A_479 = vector.shape_cast %get3A_478 : vector<1x1x16xf32> to vector<16xf32>
        %get3A_480 = arith.index_cast %scan3A_312 : i32 to index
        %get3A_481 = arith.constant 144 : index
        %get3A_482 = tpu.vector_load %arg7[%get3A_480, %get3A_481] {strides = array<i32>} : memref<16x1024xf32, #tpu.memory_space<vmem>>, vector<1x16xf32>,
        %get3A_483 = vector.shape_cast %get3A_482 : vector<1x16xf32> to vector<16xf32>
        %add3A_484 = arith.addf %get3A_479, %get3A_483 : vector<16xf32>
        %swap3A_485 = arith.constant 0 : i32
        %swap3A_486 = arith.index_cast %swap3A_485 : i32 to index
        %swap3A_487 = arith.index_cast %scan3A_312 : i32 to index
        %swap3A_488 = arith.constant 144 : index
        %swap3A_489 = tpu.vector_load %arg9[%swap3A_486, %swap3A_487, %swap3A_488] {strides = array<i32>} : memref<2x16x1024xf32, #tpu.memory_space<vmem>>, vector<1x1x16xf32>,
        %swap3A_490 = vector.shape_cast %swap3A_489 : vector<1x1x16xf32> to vector<16xf32>
        %swap3A_491 = vector.shape_cast %add3A_484 : vector<16xf32> to vector<1x1x16xf32>
        tpu.vector_store %arg9[%swap3A_486, %swap3A_487, %swap3A_488], %swap3A_491 {strides = array<i32>} : memref<2x16x1024xf32, #tpu.memory_space<vmem>>, vector<1x1x16xf32>,
        %get3A_492 = arith.constant 0 : i32
        %get3A_493 = arith.index_cast %get3A_492 : i32 to index
        %get3A_494 = arith.index_cast %scan3A_312 : i32 to index
        %get3A_495 = arith.constant 160 : index
        %get3A_496 = tpu.vector_load %arg8[%get3A_493, %get3A_494, %get3A_495] {strides = array<i32>} : memref<2x16x1024xf32, #tpu.memory_space<vmem>>, vector<1x1x16xf32>,
        %get3A_497 = vector.shape_cast %get3A_496 : vector<1x1x16xf32> to vector<16xf32>
        %get3A_498 = arith.index_cast %scan3A_312 : i32 to index
        %get3A_499 = arith.constant 160 : index
        %get3A_500 = tpu.vector_load %arg7[%get3A_498, %get3A_499] {strides = array<i32>} : memref<16x1024xf32, #tpu.memory_space<vmem>>, vector<1x16xf32>,
        %get3A_501 = vector.shape_cast %get3A_500 : vector<1x16xf32> to vector<16xf32>
        %add3A_502 = arith.addf %get3A_497, %get3A_501 : vector<16xf32>
        %swap3A_503 = arith.constant 0 : i32
        %swap3A_504 = arith.index_cast %swap3A_503 : i32 to index
        %swap3A_505 = arith.index_cast %scan3A_312 : i32 to index
        %swap3A_506 = arith.constant 160 : index
        %swap3A_507 = tpu.vector_load %arg9[%swap3A_504, %swap3A_505, %swap3A_506] {strides = array<i32>} : memref<2x16x1024xf32, #tpu.memory_space<vmem>>, vector<1x1x16xf32>,
        %swap3A_508 = vector.shape_cast %swap3A_507 : vector<1x1x16xf32> to vector<16xf32>
        %swap3A_509 = vector.shape_cast %add3A_502 : vector<16xf32> to vector<1x1x16xf32>
        tpu.vector_store %arg9[%swap3A_504, %swap3A_505, %swap3A_506], %swap3A_509 {strides = array<i32>} : memref<2x16x1024xf32, #tpu.memory_space<vmem>>, vector<1x1x16xf32>,
        %get3A_510 = arith.constant 0 : i32
        %get3A_511 = arith.index_cast %get3A_510 : i32 to index
        %get3A_512 = arith.index_cast %scan3A_312 : i32 to index
        %get3A_513 = arith.constant 176 : index
        %get3A_514 = tpu.vector_load %arg8[%get3A_511, %get3A_512, %get3A_513] {strides = array<i32>} : memref<2x16x1024xf32, #tpu.memory_space<vmem>>, vector<1x1x16xf32>,
        %get3A_515 = vector.shape_cast %get3A_514 : vector<1x1x16xf32> to vector<16xf32>
        %get3A_516 = arith.index_cast %scan3A_312 : i32 to index
        %get3A_517 = arith.constant 176 : index
        %get3A_518 = tpu.vector_load %arg7[%get3A_516, %get3A_517] {strides = array<i32>} : memref<16x1024xf32, #tpu.memory_space<vmem>>, vector<1x16xf32>,
        %get3A_519 = vector.shape_cast %get3A_518 : vector<1x16xf32> to vector<16xf32>
        %add3A_520 = arith.addf %get3A_515, %get3A_519 : vector<16xf32>
        %swap3A_521 = arith.constant 0 : i32
        %swap3A_522 = arith.index_cast %swap3A_521 : i32 to index
        %swap3A_523 = arith.index_cast %scan3A_312 : i32 to index
        %swap3A_524 = arith.constant 176 : index
        %swap3A_525 = tpu.vector_load %arg9[%swap3A_522, %swap3A_523, %swap3A_524] {strides = array<i32>} : memref<2x16x1024xf32, #tpu.memory_space<vmem>>, vector<1x1x16xf32>,
        %swap3A_526 = vector.shape_cast %swap3A_525 : vector<1x1x16xf32> to vector<16xf32>
        %swap3A_527 = vector.shape_cast %add3A_520 : vector<16xf32> to vector<1x1x16xf32>
        tpu.vector_store %arg9[%swap3A_522, %swap3A_523, %swap3A_524], %swap3A_527 {strides = array<i32>} : memref<2x16x1024xf32, #tpu.memory_space<vmem>>, vector<1x1x16xf32>,
        %get3A_528 = arith.constant 0 : i32
        %get3A_529 = arith.index_cast %get3A_528 : i32 to index
        %get3A_530 = arith.index_cast %scan3A_312 : i32 to index
        %get3A_531 = arith.constant 192 : index
        %get3A_532 = tpu.vector_load %arg8[%get3A_529, %get3A_530, %get3A_531] {strides = array<i32>} : memref<2x16x1024xf32, #tpu.memory_space<vmem>>, vector<1x1x16xf32>,
        %get3A_533 = vector.shape_cast %get3A_532 : vector<1x1x16xf32> to vector<16xf32>
        %get3A_534 = arith.index_cast %scan3A_312 : i32 to index
        %get3A_535 = arith.constant 192 : index
        %get3A_536 = tpu.vector_load %arg7[%get3A_534, %get3A_535] {strides = array<i32>} : memref<16x1024xf32, #tpu.memory_space<vmem>>, vector<1x16xf32>,
        %get3A_537 = vector.shape_cast %get3A_536 : vector<1x16xf32> to vector<16xf32>
        %add3A_538 = arith.addf %get3A_533, %get3A_537 : vector<16xf32>
        %swap3A_539 = arith.constant 0 : i32
        %swap3A_540 = arith.index_cast %swap3A_539 : i32 to index
        %swap3A_541 = arith.index_cast %scan3A_312 : i32 to index
        %swap3A_542 = arith.constant 192 : index
        %swap3A_543 = tpu.vector_load %arg9[%swap3A_540, %swap3A_541, %swap3A_542] {strides = array<i32>} : memref<2x16x1024xf32, #tpu.memory_space<vmem>>, vector<1x1x16xf32>,
        %swap3A_544 = vector.shape_cast %swap3A_543 : vector<1x1x16xf32> to vector<16xf32>
        %swap3A_545 = vector.shape_cast %add3A_538 : vector<16xf32> to vector<1x1x16xf32>
        tpu.vector_store %arg9[%swap3A_540, %swap3A_541, %swap3A_542], %swap3A_545 {strides = array<i32>} : memref<2x16x1024xf32, #tpu.memory_space<vmem>>, vector<1x1x16xf32>,
        %get3A_546 = arith.constant 0 : i32
        %get3A_547 = arith.index_cast %get3A_546 : i32 to index
        %get3A_548 = arith.index_cast %scan3A_312 : i32 to index
        %get3A_549 = arith.constant 208 : index
        %get3A_550 = tpu.vector_load %arg8[%get3A_547, %get3A_548, %get3A_549] {strides = array<i32>} : memref<2x16x1024xf32, #tpu.memory_space<vmem>>, vector<1x1x16xf32>,
        %get3A_551 = vector.shape_cast %get3A_550 : vector<1x1x16xf32> to vector<16xf32>
        %get3A_552 = arith.index_cast %scan3A_312 : i32 to index
        %get3A_553 = arith.constant 208 : index
        %get3A_554 = tpu.vector_load %arg7[%get3A_552, %get3A_553] {strides = array<i32>} : memref<16x1024xf32, #tpu.memory_space<vmem>>, vector<1x16xf32>,
        %get3A_555 = vector.shape_cast %get3A_554 : vector<1x16xf32> to vector<16xf32>
        %add3A_556 = arith.addf %get3A_551, %get3A_555 : vector<16xf32>
        %swap3A_557 = arith.constant 0 : i32
        %swap3A_558 = arith.index_cast %swap3A_557 : i32 to index
        %swap3A_559 = arith.index_cast %scan3A_312 : i32 to index
        %swap3A_560 = arith.constant 208 : index
        %swap3A_561 = tpu.vector_load %arg9[%swap3A_558, %swap3A_559, %swap3A_560] {strides = array<i32>} : memref<2x16x1024xf32, #tpu.memory_space<vmem>>, vector<1x1x16xf32>,
        %swap3A_562 = vector.shape_cast %swap3A_561 : vector<1x1x16xf32> to vector<16xf32>
        %swap3A_563 = vector.shape_cast %add3A_556 : vector<16xf32> to vector<1x1x16xf32>
        tpu.vector_store %arg9[%swap3A_558, %swap3A_559, %swap3A_560], %swap3A_563 {strides = array<i32>} : memref<2x16x1024xf32, #tpu.memory_space<vmem>>, vector<1x1x16xf32>,
        %get3A_564 = arith.constant 0 : i32
        %get3A_565 = arith.index_cast %get3A_564 : i32 to index
        %get3A_566 = arith.index_cast %scan3A_312 : i32 to index
        %get3A_567 = arith.constant 224 : index
        %get3A_568 = tpu.vector_load %arg8[%get3A_565, %get3A_566, %get3A_567] {strides = array<i32>} : memref<2x16x1024xf32, #tpu.memory_space<vmem>>, vector<1x1x16xf32>,
        %get3A_569 = vector.shape_cast %get3A_568 : vector<1x1x16xf32> to vector<16xf32>
        %get3A_570 = arith.index_cast %scan3A_312 : i32 to index
        %get3A_571 = arith.constant 224 : index
        %get3A_572 = tpu.vector_load %arg7[%get3A_570, %get3A_571] {strides = array<i32>} : memref<16x1024xf32, #tpu.memory_space<vmem>>, vector<1x16xf32>,
        %get3A_573 = vector.shape_cast %get3A_572 : vector<1x16xf32> to vector<16xf32>
        %add3A_574 = arith.addf %get3A_569, %get3A_573 : vector<16xf32>
        %swap3A_575 = arith.constant 0 : i32
        %swap3A_576 = arith.index_cast %swap3A_575 : i32 to index
        %swap3A_577 = arith.index_cast %scan3A_312 : i32 to index
        %swap3A_578 = arith.constant 224 : index
        %swap3A_579 = tpu.vector_load %arg9[%swap3A_576, %swap3A_577, %swap3A_578] {strides = array<i32>} : memref<2x16x1024xf32, #tpu.memory_space<vmem>>, vector<1x1x16xf32>,
        %swap3A_580 = vector.shape_cast %swap3A_579 : vector<1x1x16xf32> to vector<16xf32>
        %swap3A_581 = vector.shape_cast %add3A_574 : vector<16xf32> to vector<1x1x16xf32>
        tpu.vector_store %arg9[%swap3A_576, %swap3A_577, %swap3A_578], %swap3A_581 {strides = array<i32>} : memref<2x16x1024xf32, #tpu.memory_space<vmem>>, vector<1x1x16xf32>,
        %get3A_582 = arith.constant 0 : i32
        %get3A_583 = arith.index_cast %get3A_582 : i32 to index
        %get3A_584 = arith.index_cast %scan3A_312 : i32 to index
        %get3A_585 = arith.constant 240 : index
        %get3A_586 = tpu.vector_load %arg8[%get3A_583, %get3A_584, %get3A_585] {strides = array<i32>} : memref<2x16x1024xf32, #tpu.memory_space<vmem>>, vector<1x1x16xf32>,
        %get3A_587 = vector.shape_cast %get3A_586 : vector<1x1x16xf32> to vector<16xf32>
        %get3A_588 = arith.index_cast %scan3A_312 : i32 to index
        %get3A_589 = arith.constant 240 : index
        %get3A_590 = tpu.vector_load %arg7[%get3A_588, %get3A_589] {strides = array<i32>} : memref<16x1024xf32, #tpu.memory_space<vmem>>, vector<1x16xf32>,
        %get3A_591 = vector.shape_cast %get3A_590 : vector<1x16xf32> to vector<16xf32>
        %add3A_592 = arith.addf %get3A_587, %get3A_591 : vector<16xf32>
        %swap3A_593 = arith.constant 0 : i32
        %swap3A_594 = arith.index_cast %swap3A_593 : i32 to index
        %swap3A_595 = arith.index_cast %scan3A_312 : i32 to index
        %swap3A_596 = arith.constant 240 : index
        %swap3A_597 = tpu.vector_load %arg9[%swap3A_594, %swap3A_595, %swap3A_596] {strides = array<i32>} : memref<2x16x1024xf32, #tpu.memory_space<vmem>>, vector<1x1x16xf32>,
        %swap3A_598 = vector.shape_cast %swap3A_597 : vector<1x1x16xf32> to vector<16xf32>
        %swap3A_599 = vector.shape_cast %add3A_592 : vector<16xf32> to vector<1x1x16xf32>
        tpu.vector_store %arg9[%swap3A_594, %swap3A_595, %swap3A_596], %swap3A_599 {strides = array<i32>} : memref<2x16x1024xf32, #tpu.memory_space<vmem>>, vector<1x1x16xf32>,
        %get3A_600 = arith.constant 0 : i32
        %get3A_601 = arith.index_cast %get3A_600 : i32 to index
        %get3A_602 = arith.index_cast %scan3A_312 : i32 to index
        %get3A_603 = arith.constant 256 : index
        %get3A_604 = tpu.vector_load %arg8[%get3A_601, %get3A_602, %get3A_603] {strides = array<i32>} : memref<2x16x1024xf32, #tpu.memory_space<vmem>>, vector<1x1x16xf32>,
        %get3A_605 = vector.shape_cast %get3A_604 : vector<1x1x16xf32> to vector<16xf32>
        %get3A_606 = arith.index_cast %scan3A_312 : i32 to index
        %get3A_607 = arith.constant 256 : index
        %get3A_608 = tpu.vector_load %arg7[%get3A_606, %get3A_607] {strides = array<i32>} : memref<16x1024xf32, #tpu.memory_space<vmem>>, vector<1x16xf32>,
        %get3A_609 = vector.shape_cast %get3A_608 : vector<1x16xf32> to vector<16xf32>
        %add3A_610 = arith.addf %get3A_605, %get3A_609 : vector<16xf32>
        %swap3A_611 = arith.constant 0 : i32
        %swap3A_612 = arith.index_cast %swap3A_611 : i32 to index
        %swap3A_613 = arith.index_cast %scan3A_312 : i32 to index
        %swap3A_614 = arith.constant 256 : index
        %swap3A_615 = tpu.vector_load %arg9[%swap3A_612, %swap3A_613, %swap3A_614] {strides = array<i32>} : memref<2x16x1024xf32, #tpu.memory_space<vmem>>, vector<1x1x16xf32>,
        %swap3A_616 = vector.shape_cast %swap3A_615 : vector<1x1x16xf32> to vector<16xf32>
        %swap3A_617 = vector.shape_cast %add3A_610 : vector<16xf32> to vector<1x1x16xf32>
        tpu.vector_store %arg9[%swap3A_612, %swap3A_613, %swap3A_614], %swap3A_617 {strides = array<i32>} : memref<2x16x1024xf32, #tpu.memory_space<vmem>>, vector<1x1x16xf32>,
        %get3A_618 = arith.constant 0 : i32
        %get3A_619 = arith.index_cast %get3A_618 : i32 to index
        %get3A_620 = arith.index_cast %scan3A_312 : i32 to index
        %get3A_621 = arith.constant 272 : index
        %get3A_622 = tpu.vector_load %arg8[%get3A_619, %get3A_620, %get3A_621] {strides = array<i32>} : memref<2x16x1024xf32, #tpu.memory_space<vmem>>, vector<1x1x16xf32>,
        %get3A_623 = vector.shape_cast %get3A_622 : vector<1x1x16xf32> to vector<16xf32>
        %get3A_624 = arith.index_cast %scan3A_312 : i32 to index
        %get3A_625 = arith.constant 272 : index
        %get3A_626 = tpu.vector_load %arg7[%get3A_624, %get3A_625] {strides = array<i32>} : memref<16x1024xf32, #tpu.memory_space<vmem>>, vector<1x16xf32>,
        %get3A_627 = vector.shape_cast %get3A_626 : vector<1x16xf32> to vector<16xf32>
        %add3A_628 = arith.addf %get3A_623, %get3A_627 : vector<16xf32>
        %swap3A_629 = arith.constant 0 : i32
        %swap3A_630 = arith.index_cast %swap3A_629 : i32 to index
        %swap3A_631 = arith.index_cast %scan3A_312 : i32 to index
        %swap3A_632 = arith.constant 272 : index
        %swap3A_633 = tpu.vector_load %arg9[%swap3A_630, %swap3A_631, %swap3A_632] {strides = array<i32>} : memref<2x16x1024xf32, #tpu.memory_space<vmem>>, vector<1x1x16xf32>,
        %swap3A_634 = vector.shape_cast %swap3A_633 : vector<1x1x16xf32> to vector<16xf32>
        %swap3A_635 = vector.shape_cast %add3A_628 : vector<16xf32> to vector<1x1x16xf32>
        tpu.vector_store %arg9[%swap3A_630, %swap3A_631, %swap3A_632], %swap3A_635 {strides = array<i32>} : memref<2x16x1024xf32, #tpu.memory_space<vmem>>, vector<1x1x16xf32>,
        %get3A_636 = arith.constant 0 : i32
        %get3A_637 = arith.index_cast %get3A_636 : i32 to index
        %get3A_638 = arith.index_cast %scan3A_312 : i32 to index
        %get3A_639 = arith.constant 288 : index
        %get3A_640 = tpu.vector_load %arg8[%get3A_637, %get3A_638, %get3A_639] {strides = array<i32>} : memref<2x16x1024xf32, #tpu.memory_space<vmem>>, vector<1x1x16xf32>,
        %get3A_641 = vector.shape_cast %get3A_640 : vector<1x1x16xf32> to vector<16xf32>
        %get3A_642 = arith.index_cast %scan3A_312 : i32 to index
        %get3A_643 = arith.constant 288 : index
        %get3A_644 = tpu.vector_load %arg7[%get3A_642, %get3A_643] {strides = array<i32>} : memref<16x1024xf32, #tpu.memory_space<vmem>>, vector<1x16xf32>,
        %get3A_645 = vector.shape_cast %get3A_644 : vector<1x16xf32> to vector<16xf32>
        %add3A_646 = arith.addf %get3A_641, %get3A_645 : vector<16xf32>
        %swap3A_647 = arith.constant 0 : i32
        %swap3A_648 = arith.index_cast %swap3A_647 : i32 to index
        %swap3A_649 = arith.index_cast %scan3A_312 : i32 to index
        %swap3A_650 = arith.constant 288 : index
        %swap3A_651 = tpu.vector_load %arg9[%swap3A_648, %swap3A_649, %swap3A_650] {strides = array<i32>} : memref<2x16x1024xf32, #tpu.memory_space<vmem>>, vector<1x1x16xf32>,
        %swap3A_652 = vector.shape_cast %swap3A_651 : vector<1x1x16xf32> to vector<16xf32>
        %swap3A_653 = vector.shape_cast %add3A_646 : vector<16xf32> to vector<1x1x16xf32>
        tpu.vector_store %arg9[%swap3A_648, %swap3A_649, %swap3A_650], %swap3A_653 {strides = array<i32>} : memref<2x16x1024xf32, #tpu.memory_space<vmem>>, vector<1x1x16xf32>,
        %get3A_654 = arith.constant 0 : i32
        %get3A_655 = arith.index_cast %get3A_654 : i32 to index
        %get3A_656 = arith.index_cast %scan3A_312 : i32 to index
        %get3A_657 = arith.constant 304 : index
        %get3A_658 = tpu.vector_load %arg8[%get3A_655, %get3A_656, %get3A_657] {strides = array<i32>} : memref<2x16x1024xf32, #tpu.memory_space<vmem>>, vector<1x1x16xf32>,
        %get3A_659 = vector.shape_cast %get3A_658 : vector<1x1x16xf32> to vector<16xf32>
        %get3A_660 = arith.index_cast %scan3A_312 : i32 to index
        %get3A_661 = arith.constant 304 : index
        %get3A_662 = tpu.vector_load %arg7[%get3A_660, %get3A_661] {strides = array<i32>} : memref<16x1024xf32, #tpu.memory_space<vmem>>, vector<1x16xf32>,
        %get3A_663 = vector.shape_cast %get3A_662 : vector<1x16xf32> to vector<16xf32>
        %add3A_664 = arith.addf %get3A_659, %get3A_663 : vector<16xf32>
        %swap3A_665 = arith.constant 0 : i32
        %swap3A_666 = arith.index_cast %swap3A_665 : i32 to index
        %swap3A_667 = arith.index_cast %scan3A_312 : i32 to index
        %swap3A_668 = arith.constant 304 : index
        %swap3A_669 = tpu.vector_load %arg9[%swap3A_666, %swap3A_667, %swap3A_668] {strides = array<i32>} : memref<2x16x1024xf32, #tpu.memory_space<vmem>>, vector<1x1x16xf32>,
        %swap3A_670 = vector.shape_cast %swap3A_669 : vector<1x1x16xf32> to vector<16xf32>
        %swap3A_671 = vector.shape_cast %add3A_664 : vector<16xf32> to vector<1x1x16xf32>
        tpu.vector_store %arg9[%swap3A_666, %swap3A_667, %swap3A_668], %swap3A_671 {strides = array<i32>} : memref<2x16x1024xf32, #tpu.memory_space<vmem>>, vector<1x1x16xf32>,
        %get3A_672 = arith.constant 0 : i32
        %get3A_673 = arith.index_cast %get3A_672 : i32 to index
        %get3A_674 = arith.index_cast %scan3A_312 : i32 to index
        %get3A_675 = arith.constant 320 : index
        %get3A_676 = tpu.vector_load %arg8[%get3A_673, %get3A_674, %get3A_675] {strides = array<i32>} : memref<2x16x1024xf32, #tpu.memory_space<vmem>>, vector<1x1x16xf32>,
        %get3A_677 = vector.shape_cast %get3A_676 : vector<1x1x16xf32> to vector<16xf32>
        %get3A_678 = arith.index_cast %scan3A_312 : i32 to index
        %get3A_679 = arith.constant 320 : index
        %get3A_680 = tpu.vector_load %arg7[%get3A_678, %get3A_679] {strides = array<i32>} : memref<16x1024xf32, #tpu.memory_space<vmem>>, vector<1x16xf32>,
        %get3A_681 = vector.shape_cast %get3A_680 : vector<1x16xf32> to vector<16xf32>
        %add3A_682 = arith.addf %get3A_677, %get3A_681 : vector<16xf32>
        %swap3A_683 = arith.constant 0 : i32
        %swap3A_684 = arith.index_cast %swap3A_683 : i32 to index
        %swap3A_685 = arith.index_cast %scan3A_312 : i32 to index
        %swap3A_686 = arith.constant 320 : index
        %swap3A_687 = tpu.vector_load %arg9[%swap3A_684, %swap3A_685, %swap3A_686] {strides = array<i32>} : memref<2x16x1024xf32, #tpu.memory_space<vmem>>, vector<1x1x16xf32>,
        %swap3A_688 = vector.shape_cast %swap3A_687 : vector<1x1x16xf32> to vector<16xf32>
        %swap3A_689 = vector.shape_cast %add3A_682 : vector<16xf32> to vector<1x1x16xf32>
        tpu.vector_store %arg9[%swap3A_684, %swap3A_685, %swap3A_686], %swap3A_689 {strides = array<i32>} : memref<2x16x1024xf32, #tpu.memory_space<vmem>>, vector<1x1x16xf32>,
        %get3A_690 = arith.constant 0 : i32
        %get3A_691 = arith.index_cast %get3A_690 : i32 to index
        %get3A_692 = arith.index_cast %scan3A_312 : i32 to index
        %get3A_693 = arith.constant 336 : index
        %get3A_694 = tpu.vector_load %arg8[%get3A_691, %get3A_692, %get3A_693] {strides = array<i32>} : memref<2x16x1024xf32, #tpu.memory_space<vmem>>, vector<1x1x16xf32>,
        %get3A_695 = vector.shape_cast %get3A_694 : vector<1x1x16xf32> to vector<16xf32>
        %get3A_696 = arith.index_cast %scan3A_312 : i32 to index
        %get3A_697 = arith.constant 336 : index
        %get3A_698 = tpu.vector_load %arg7[%get3A_696, %get3A_697] {strides = array<i32>} : memref<16x1024xf32, #tpu.memory_space<vmem>>, vector<1x16xf32>,
        %get3A_699 = vector.shape_cast %get3A_698 : vector<1x16xf32> to vector<16xf32>
        %add3A_700 = arith.addf %get3A_695, %get3A_699 : vector<16xf32>
        %swap3A_701 = arith.constant 0 : i32
        %swap3A_702 = arith.index_cast %swap3A_701 : i32 to index
        %swap3A_703 = arith.index_cast %scan3A_312 : i32 to index
        %swap3A_704 = arith.constant 336 : index
        %swap3A_705 = tpu.vector_load %arg9[%swap3A_702, %swap3A_703, %swap3A_704] {strides = array<i32>} : memref<2x16x1024xf32, #tpu.memory_space<vmem>>, vector<1x1x16xf32>,
        %swap3A_706 = vector.shape_cast %swap3A_705 : vector<1x1x16xf32> to vector<16xf32>
        %swap3A_707 = vector.shape_cast %add3A_700 : vector<16xf32> to vector<1x1x16xf32>
        tpu.vector_store %arg9[%swap3A_702, %swap3A_703, %swap3A_704], %swap3A_707 {strides = array<i32>} : memref<2x16x1024xf32, #tpu.memory_space<vmem>>, vector<1x1x16xf32>,
        %get3A_708 = arith.constant 0 : i32
        %get3A_709 = arith.index_cast %get3A_708 : i32 to index
        %get3A_710 = arith.index_cast %scan3A_312 : i32 to index
        %get3A_711 = arith.constant 352 : index
        %get3A_712 = tpu.vector_load %arg8[%get3A_709, %get3A_710, %get3A_711] {strides = array<i32>} : memref<2x16x1024xf32, #tpu.memory_space<vmem>>, vector<1x1x16xf32>,
        %get3A_713 = vector.shape_cast %get3A_712 : vector<1x1x16xf32> to vector<16xf32>
        %get3A_714 = arith.index_cast %scan3A_312 : i32 to index
        %get3A_715 = arith.constant 352 : index
        %get3A_716 = tpu.vector_load %arg7[%get3A_714, %get3A_715] {strides = array<i32>} : memref<16x1024xf32, #tpu.memory_space<vmem>>, vector<1x16xf32>,
        %get3A_717 = vector.shape_cast %get3A_716 : vector<1x16xf32> to vector<16xf32>
        %add3A_718 = arith.addf %get3A_713, %get3A_717 : vector<16xf32>
        %swap3A_719 = arith.constant 0 : i32
        %swap3A_720 = arith.index_cast %swap3A_719 : i32 to index
        %swap3A_721 = arith.index_cast %scan3A_312 : i32 to index
        %swap3A_722 = arith.constant 352 : index
        %swap3A_723 = tpu.vector_load %arg9[%swap3A_720, %swap3A_721, %swap3A_722] {strides = array<i32>} : memref<2x16x1024xf32, #tpu.memory_space<vmem>>, vector<1x1x16xf32>,
        %swap3A_724 = vector.shape_cast %swap3A_723 : vector<1x1x16xf32> to vector<16xf32>
        %swap3A_725 = vector.shape_cast %add3A_718 : vector<16xf32> to vector<1x1x16xf32>
        tpu.vector_store %arg9[%swap3A_720, %swap3A_721, %swap3A_722], %swap3A_725 {strides = array<i32>} : memref<2x16x1024xf32, #tpu.memory_space<vmem>>, vector<1x1x16xf32>,
        %get3A_726 = arith.constant 0 : i32
        %get3A_727 = arith.index_cast %get3A_726 : i32 to index
        %get3A_728 = arith.index_cast %scan3A_312 : i32 to index
        %get3A_729 = arith.constant 368 : index
        %get3A_730 = tpu.vector_load %arg8[%get3A_727, %get3A_728, %get3A_729] {strides = array<i32>} : memref<2x16x1024xf32, #tpu.memory_space<vmem>>, vector<1x1x16xf32>,
        %get3A_731 = vector.shape_cast %get3A_730 : vector<1x1x16xf32> to vector<16xf32>
        %get3A_732 = arith.index_cast %scan3A_312 : i32 to index
        %get3A_733 = arith.constant 368 : index
        %get3A_734 = tpu.vector_load %arg7[%get3A_732, %get3A_733] {strides = array<i32>} : memref<16x1024xf32, #tpu.memory_space<vmem>>, vector<1x16xf32>,
        %get3A_735 = vector.shape_cast %get3A_734 : vector<1x16xf32> to vector<16xf32>
        %add3A_736 = arith.addf %get3A_731, %get3A_735 : vector<16xf32>
        %swap3A_737 = arith.constant 0 : i32
        %swap3A_738 = arith.index_cast %swap3A_737 : i32 to index
        %swap3A_739 = arith.index_cast %scan3A_312 : i32 to index
        %swap3A_740 = arith.constant 368 : index
        %swap3A_741 = tpu.vector_load %arg9[%swap3A_738, %swap3A_739, %swap3A_740] {strides = array<i32>} : memref<2x16x1024xf32, #tpu.memory_space<vmem>>, vector<1x1x16xf32>,
        %swap3A_742 = vector.shape_cast %swap3A_741 : vector<1x1x16xf32> to vector<16xf32>
        %swap3A_743 = vector.shape_cast %add3A_736 : vector<16xf32> to vector<1x1x16xf32>
        tpu.vector_store %arg9[%swap3A_738, %swap3A_739, %swap3A_740], %swap3A_743 {strides = array<i32>} : memref<2x16x1024xf32, #tpu.memory_space<vmem>>, vector<1x1x16xf32>,
        %get3A_744 = arith.constant 0 : i32
        %get3A_745 = arith.index_cast %get3A_744 : i32 to index
        %get3A_746 = arith.index_cast %scan3A_312 : i32 to index
        %get3A_747 = arith.constant 384 : index
        %get3A_748 = tpu.vector_load %arg8[%get3A_745, %get3A_746, %get3A_747] {strides = array<i32>} : memref<2x16x1024xf32, #tpu.memory_space<vmem>>, vector<1x1x16xf32>,
        %get3A_749 = vector.shape_cast %get3A_748 : vector<1x1x16xf32> to vector<16xf32>
        %get3A_750 = arith.index_cast %scan3A_312 : i32 to index
        %get3A_751 = arith.constant 384 : index
        %get3A_752 = tpu.vector_load %arg7[%get3A_750, %get3A_751] {strides = array<i32>} : memref<16x1024xf32, #tpu.memory_space<vmem>>, vector<1x16xf32>,
        %get3A_753 = vector.shape_cast %get3A_752 : vector<1x16xf32> to vector<16xf32>
        %add3A_754 = arith.addf %get3A_749, %get3A_753 : vector<16xf32>
        %swap3A_755 = arith.constant 0 : i32
        %swap3A_756 = arith.index_cast %swap3A_755 : i32 to index
        %swap3A_757 = arith.index_cast %scan3A_312 : i32 to index
        %swap3A_758 = arith.constant 384 : index
        %swap3A_759 = tpu.vector_load %arg9[%swap3A_756, %swap3A_757, %swap3A_758] {strides = array<i32>} : memref<2x16x1024xf32, #tpu.memory_space<vmem>>, vector<1x1x16xf32>,
        %swap3A_760 = vector.shape_cast %swap3A_759 : vector<1x1x16xf32> to vector<16xf32>
        %swap3A_761 = vector.shape_cast %add3A_754 : vector<16xf32> to vector<1x1x16xf32>
        tpu.vector_store %arg9[%swap3A_756, %swap3A_757, %swap3A_758], %swap3A_761 {strides = array<i32>} : memref<2x16x1024xf32, #tpu.memory_space<vmem>>, vector<1x1x16xf32>,
        %get3A_762 = arith.constant 0 : i32
        %get3A_763 = arith.index_cast %get3A_762 : i32 to index
        %get3A_764 = arith.index_cast %scan3A_312 : i32 to index
        %get3A_765 = arith.constant 400 : index
        %get3A_766 = tpu.vector_load %arg8[%get3A_763, %get3A_764, %get3A_765] {strides = array<i32>} : memref<2x16x1024xf32, #tpu.memory_space<vmem>>, vector<1x1x16xf32>,
        %get3A_767 = vector.shape_cast %get3A_766 : vector<1x1x16xf32> to vector<16xf32>
        %get3A_768 = arith.index_cast %scan3A_312 : i32 to index
        %get3A_769 = arith.constant 400 : index
        %get3A_770 = tpu.vector_load %arg7[%get3A_768, %get3A_769] {strides = array<i32>} : memref<16x1024xf32, #tpu.memory_space<vmem>>, vector<1x16xf32>,
        %get3A_771 = vector.shape_cast %get3A_770 : vector<1x16xf32> to vector<16xf32>
        %add3A_772 = arith.addf %get3A_767, %get3A_771 : vector<16xf32>
        %swap3A_773 = arith.constant 0 : i32
        %swap3A_774 = arith.index_cast %swap3A_773 : i32 to index
        %swap3A_775 = arith.index_cast %scan3A_312 : i32 to index
        %swap3A_776 = arith.constant 400 : index
        %swap3A_777 = tpu.vector_load %arg9[%swap3A_774, %swap3A_775, %swap3A_776] {strides = array<i32>} : memref<2x16x1024xf32, #tpu.memory_space<vmem>>, vector<1x1x16xf32>,
        %swap3A_778 = vector.shape_cast %swap3A_777 : vector<1x1x16xf32> to vector<16xf32>
        %swap3A_779 = vector.shape_cast %add3A_772 : vector<16xf32> to vector<1x1x16xf32>
        tpu.vector_store %arg9[%swap3A_774, %swap3A_775, %swap3A_776], %swap3A_779 {strides = array<i32>} : memref<2x16x1024xf32, #tpu.memory_space<vmem>>, vector<1x1x16xf32>,
        %get3A_780 = arith.constant 0 : i32
        %get3A_781 = arith.index_cast %get3A_780 : i32 to index
        %get3A_782 = arith.index_cast %scan3A_312 : i32 to index
        %get3A_783 = arith.constant 416 : index
        %get3A_784 = tpu.vector_load %arg8[%get3A_781, %get3A_782, %get3A_783] {strides = array<i32>} : memref<2x16x1024xf32, #tpu.memory_space<vmem>>, vector<1x1x16xf32>,
        %get3A_785 = vector.shape_cast %get3A_784 : vector<1x1x16xf32> to vector<16xf32>
        %get3A_786 = arith.index_cast %scan3A_312 : i32 to index
        %get3A_787 = arith.constant 416 : index
        %get3A_788 = tpu.vector_load %arg7[%get3A_786, %get3A_787] {strides = array<i32>} : memref<16x1024xf32, #tpu.memory_space<vmem>>, vector<1x16xf32>,
        %get3A_789 = vector.shape_cast %get3A_788 : vector<1x16xf32> to vector<16xf32>
        %add3A_790 = arith.addf %get3A_785, %get3A_789 : vector<16xf32>
        %swap3A_791 = arith.constant 0 : i32
        %swap3A_792 = arith.index_cast %swap3A_791 : i32 to index
        %swap3A_793 = arith.index_cast %scan3A_312 : i32 to index
        %swap3A_794 = arith.constant 416 : index
        %swap3A_795 = tpu.vector_load %arg9[%swap3A_792, %swap3A_793, %swap3A_794] {strides = array<i32>} : memref<2x16x1024xf32, #tpu.memory_space<vmem>>, vector<1x1x16xf32>,
        %swap3A_796 = vector.shape_cast %swap3A_795 : vector<1x1x16xf32> to vector<16xf32>
        %swap3A_797 = vector.shape_cast %add3A_790 : vector<16xf32> to vector<1x1x16xf32>
        tpu.vector_store %arg9[%swap3A_792, %swap3A_793, %swap3A_794], %swap3A_797 {strides = array<i32>} : memref<2x16x1024xf32, #tpu.memory_space<vmem>>, vector<1x1x16xf32>,
        %get3A_798 = arith.constant 0 : i32
        %get3A_799 = arith.index_cast %get3A_798 : i32 to index
        %get3A_800 = arith.index_cast %scan3A_312 : i32 to index
        %get3A_801 = arith.constant 432 : index
        %get3A_802 = tpu.vector_load %arg8[%get3A_799, %get3A_800, %get3A_801] {strides = array<i32>} : memref<2x16x1024xf32, #tpu.memory_space<vmem>>, vector<1x1x16xf32>,
        %get3A_803 = vector.shape_cast %get3A_802 : vector<1x1x16xf32> to vector<16xf32>
        %get3A_804 = arith.index_cast %scan3A_312 : i32 to index
        %get3A_805 = arith.constant 432 : index
        %get3A_806 = tpu.vector_load %arg7[%get3A_804, %get3A_805] {strides = array<i32>} : memref<16x1024xf32, #tpu.memory_space<vmem>>, vector<1x16xf32>,
        %get3A_807 = vector.shape_cast %get3A_806 : vector<1x16xf32> to vector<16xf32>
        %add3A_808 = arith.addf %get3A_803, %get3A_807 : vector<16xf32>
        %swap3A_809 = arith.constant 0 : i32
        %swap3A_810 = arith.index_cast %swap3A_809 : i32 to index
        %swap3A_811 = arith.index_cast %scan3A_312 : i32 to index
        %swap3A_812 = arith.constant 432 : index
        %swap3A_813 = tpu.vector_load %arg9[%swap3A_810, %swap3A_811, %swap3A_812] {strides = array<i32>} : memref<2x16x1024xf32, #tpu.memory_space<vmem>>, vector<1x1x16xf32>,
        %swap3A_814 = vector.shape_cast %swap3A_813 : vector<1x1x16xf32> to vector<16xf32>
        %swap3A_815 = vector.shape_cast %add3A_808 : vector<16xf32> to vector<1x1x16xf32>
        tpu.vector_store %arg9[%swap3A_810, %swap3A_811, %swap3A_812], %swap3A_815 {strides = array<i32>} : memref<2x16x1024xf32, #tpu.memory_space<vmem>>, vector<1x1x16xf32>,
        %get3A_816 = arith.constant 0 : i32
        %get3A_817 = arith.index_cast %get3A_816 : i32 to index
        %get3A_818 = arith.index_cast %scan3A_312 : i32 to index
        %get3A_819 = arith.constant 448 : index
        %get3A_820 = tpu.vector_load %arg8[%get3A_817, %get3A_818, %get3A_819] {strides = array<i32>} : memref<2x16x1024xf32, #tpu.memory_space<vmem>>, vector<1x1x16xf32>,
        %get3A_821 = vector.shape_cast %get3A_820 : vector<1x1x16xf32> to vector<16xf32>
        %get3A_822 = arith.index_cast %scan3A_312 : i32 to index
        %get3A_823 = arith.constant 448 : index
        %get3A_824 = tpu.vector_load %arg7[%get3A_822, %get3A_823] {strides = array<i32>} : memref<16x1024xf32, #tpu.memory_space<vmem>>, vector<1x16xf32>,
        %get3A_825 = vector.shape_cast %get3A_824 : vector<1x16xf32> to vector<16xf32>
        %add3A_826 = arith.addf %get3A_821, %get3A_825 : vector<16xf32>
        %swap3A_827 = arith.constant 0 : i32
        %swap3A_828 = arith.index_cast %swap3A_827 : i32 to index
        %swap3A_829 = arith.index_cast %scan3A_312 : i32 to index
        %swap3A_830 = arith.constant 448 : index
        %swap3A_831 = tpu.vector_load %arg9[%swap3A_828, %swap3A_829, %swap3A_830] {strides = array<i32>} : memref<2x16x1024xf32, #tpu.memory_space<vmem>>, vector<1x1x16xf32>,
        %swap3A_832 = vector.shape_cast %swap3A_831 : vector<1x1x16xf32> to vector<16xf32>
        %swap3A_833 = vector.shape_cast %add3A_826 : vector<16xf32> to vector<1x1x16xf32>
        tpu.vector_store %arg9[%swap3A_828, %swap3A_829, %swap3A_830], %swap3A_833 {strides = array<i32>} : memref<2x16x1024xf32, #tpu.memory_space<vmem>>, vector<1x1x16xf32>,
        %get3A_834 = arith.constant 0 : i32
        %get3A_835 = arith.index_cast %get3A_834 : i32 to index
        %get3A_836 = arith.index_cast %scan3A_312 : i32 to index
        %get3A_837 = arith.constant 464 : index
        %get3A_838 = tpu.vector_load %arg8[%get3A_835, %get3A_836, %get3A_837] {strides = array<i32>} : memref<2x16x1024xf32, #tpu.memory_space<vmem>>, vector<1x1x16xf32>,
        %get3A_839 = vector.shape_cast %get3A_838 : vector<1x1x16xf32> to vector<16xf32>
        %get3A_840 = arith.index_cast %scan3A_312 : i32 to index
        %get3A_841 = arith.constant 464 : index
        %get3A_842 = tpu.vector_load %arg7[%get3A_840, %get3A_841] {strides = array<i32>} : memref<16x1024xf32, #tpu.memory_space<vmem>>, vector<1x16xf32>,
        %get3A_843 = vector.shape_cast %get3A_842 : vector<1x16xf32> to vector<16xf32>
        %add3A_844 = arith.addf %get3A_839, %get3A_843 : vector<16xf32>
        %swap3A_845 = arith.constant 0 : i32
        %swap3A_846 = arith.index_cast %swap3A_845 : i32 to index
        %swap3A_847 = arith.index_cast %scan3A_312 : i32 to index
        %swap3A_848 = arith.constant 464 : index
        %swap3A_849 = tpu.vector_load %arg9[%swap3A_846, %swap3A_847, %swap3A_848] {strides = array<i32>} : memref<2x16x1024xf32, #tpu.memory_space<vmem>>, vector<1x1x16xf32>,
        %swap3A_850 = vector.shape_cast %swap3A_849 : vector<1x1x16xf32> to vector<16xf32>
        %swap3A_851 = vector.shape_cast %add3A_844 : vector<16xf32> to vector<1x1x16xf32>
        tpu.vector_store %arg9[%swap3A_846, %swap3A_847, %swap3A_848], %swap3A_851 {strides = array<i32>} : memref<2x16x1024xf32, #tpu.memory_space<vmem>>, vector<1x1x16xf32>,
        %get3A_852 = arith.constant 0 : i32
        %get3A_853 = arith.index_cast %get3A_852 : i32 to index
        %get3A_854 = arith.index_cast %scan3A_312 : i32 to index
        %get3A_855 = arith.constant 480 : index
        %get3A_856 = tpu.vector_load %arg8[%get3A_853, %get3A_854, %get3A_855] {strides = array<i32>} : memref<2x16x1024xf32, #tpu.memory_space<vmem>>, vector<1x1x16xf32>,
        %get3A_857 = vector.shape_cast %get3A_856 : vector<1x1x16xf32> to vector<16xf32>
        %get3A_858 = arith.index_cast %scan3A_312 : i32 to index
        %get3A_859 = arith.constant 480 : index
        %get3A_860 = tpu.vector_load %arg7[%get3A_858, %get3A_859] {strides = array<i32>} : memref<16x1024xf32, #tpu.memory_space<vmem>>, vector<1x16xf32>,
        %get3A_861 = vector.shape_cast %get3A_860 : vector<1x16xf32> to vector<16xf32>
        %add3A_862 = arith.addf %get3A_857, %get3A_861 : vector<16xf32>
        %swap3A_863 = arith.constant 0 : i32
        %swap3A_864 = arith.index_cast %swap3A_863 : i32 to index
        %swap3A_865 = arith.index_cast %scan3A_312 : i32 to index
        %swap3A_866 = arith.constant 480 : index
        %swap3A_867 = tpu.vector_load %arg9[%swap3A_864, %swap3A_865, %swap3A_866] {strides = array<i32>} : memref<2x16x1024xf32, #tpu.memory_space<vmem>>, vector<1x1x16xf32>,
        %swap3A_868 = vector.shape_cast %swap3A_867 : vector<1x1x16xf32> to vector<16xf32>
        %swap3A_869 = vector.shape_cast %add3A_862 : vector<16xf32> to vector<1x1x16xf32>
        tpu.vector_store %arg9[%swap3A_864, %swap3A_865, %swap3A_866], %swap3A_869 {strides = array<i32>} : memref<2x16x1024xf32, #tpu.memory_space<vmem>>, vector<1x1x16xf32>,
        %get3A_870 = arith.constant 0 : i32
        %get3A_871 = arith.index_cast %get3A_870 : i32 to index
        %get3A_872 = arith.index_cast %scan3A_312 : i32 to index
        %get3A_873 = arith.constant 496 : index
        %get3A_874 = tpu.vector_load %arg8[%get3A_871, %get3A_872, %get3A_873] {strides = array<i32>} : memref<2x16x1024xf32, #tpu.memory_space<vmem>>, vector<1x1x16xf32>,
        %get3A_875 = vector.shape_cast %get3A_874 : vector<1x1x16xf32> to vector<16xf32>
        %get3A_876 = arith.index_cast %scan3A_312 : i32 to index
        %get3A_877 = arith.constant 496 : index
        %get3A_878 = tpu.vector_load %arg7[%get3A_876, %get3A_877] {strides = array<i32>} : memref<16x1024xf32, #tpu.memory_space<vmem>>, vector<1x16xf32>,
        %get3A_879 = vector.shape_cast %get3A_878 : vector<1x16xf32> to vector<16xf32>
        %add3A_880 = arith.addf %get3A_875, %get3A_879 : vector<16xf32>
        %swap3A_881 = arith.constant 0 : i32
        %swap3A_882 = arith.index_cast %swap3A_881 : i32 to index
        %swap3A_883 = arith.index_cast %scan3A_312 : i32 to index
        %swap3A_884 = arith.constant 496 : index
        %swap3A_885 = tpu.vector_load %arg9[%swap3A_882, %swap3A_883, %swap3A_884] {strides = array<i32>} : memref<2x16x1024xf32, #tpu.memory_space<vmem>>, vector<1x1x16xf32>,
        %swap3A_886 = vector.shape_cast %swap3A_885 : vector<1x1x16xf32> to vector<16xf32>
        %swap3A_887 = vector.shape_cast %add3A_880 : vector<16xf32> to vector<1x1x16xf32>
        tpu.vector_store %arg9[%swap3A_882, %swap3A_883, %swap3A_884], %swap3A_887 {strides = array<i32>} : memref<2x16x1024xf32, #tpu.memory_space<vmem>>, vector<1x1x16xf32>,
        %get3A_888 = arith.constant 0 : i32
        %get3A_889 = arith.index_cast %get3A_888 : i32 to index
        %get3A_890 = arith.index_cast %scan3A_312 : i32 to index
        %get3A_891 = arith.constant 512 : index
        %get3A_892 = tpu.vector_load %arg8[%get3A_889, %get3A_890, %get3A_891] {strides = array<i32>} : memref<2x16x1024xf32, #tpu.memory_space<vmem>>, vector<1x1x16xf32>,
        %get3A_893 = vector.shape_cast %get3A_892 : vector<1x1x16xf32> to vector<16xf32>
        %get3A_894 = arith.index_cast %scan3A_312 : i32 to index
        %get3A_895 = arith.constant 512 : index
        %get3A_896 = tpu.vector_load %arg7[%get3A_894, %get3A_895] {strides = array<i32>} : memref<16x1024xf32, #tpu.memory_space<vmem>>, vector<1x16xf32>,
        %get3A_897 = vector.shape_cast %get3A_896 : vector<1x16xf32> to vector<16xf32>
        %add3A_898 = arith.addf %get3A_893, %get3A_897 : vector<16xf32>
        %swap3A_899 = arith.constant 0 : i32
        %swap3A_900 = arith.index_cast %swap3A_899 : i32 to index
        %swap3A_901 = arith.index_cast %scan3A_312 : i32 to index
        %swap3A_902 = arith.constant 512 : index
        %swap3A_903 = tpu.vector_load %arg9[%swap3A_900, %swap3A_901, %swap3A_902] {strides = array<i32>} : memref<2x16x1024xf32, #tpu.memory_space<vmem>>, vector<1x1x16xf32>,
        %swap3A_904 = vector.shape_cast %swap3A_903 : vector<1x1x16xf32> to vector<16xf32>
        %swap3A_905 = vector.shape_cast %add3A_898 : vector<16xf32> to vector<1x1x16xf32>
        tpu.vector_store %arg9[%swap3A_900, %swap3A_901, %swap3A_902], %swap3A_905 {strides = array<i32>} : memref<2x16x1024xf32, #tpu.memory_space<vmem>>, vector<1x1x16xf32>,
        %get3A_906 = arith.constant 0 : i32
        %get3A_907 = arith.index_cast %get3A_906 : i32 to index
        %get3A_908 = arith.index_cast %scan3A_312 : i32 to index
        %get3A_909 = arith.constant 528 : index
        %get3A_910 = tpu.vector_load %arg8[%get3A_907, %get3A_908, %get3A_909] {strides = array<i32>} : memref<2x16x1024xf32, #tpu.memory_space<vmem>>, vector<1x1x16xf32>,
        %get3A_911 = vector.shape_cast %get3A_910 : vector<1x1x16xf32> to vector<16xf32>
        %get3A_912 = arith.index_cast %scan3A_312 : i32 to index
        %get3A_913 = arith.constant 528 : index
        %get3A_914 = tpu.vector_load %arg7[%get3A_912, %get3A_913] {strides = array<i32>} : memref<16x1024xf32, #tpu.memory_space<vmem>>, vector<1x16xf32>,
        %get3A_915 = vector.shape_cast %get3A_914 : vector<1x16xf32> to vector<16xf32>
        %add3A_916 = arith.addf %get3A_911, %get3A_915 : vector<16xf32>
        %swap3A_917 = arith.constant 0 : i32
        %swap3A_918 = arith.index_cast %swap3A_917 : i32 to index
        %swap3A_919 = arith.index_cast %scan3A_312 : i32 to index
        %swap3A_920 = arith.constant 528 : index
        %swap3A_921 = tpu.vector_load %arg9[%swap3A_918, %swap3A_919, %swap3A_920] {strides = array<i32>} : memref<2x16x1024xf32, #tpu.memory_space<vmem>>, vector<1x1x16xf32>,
        %swap3A_922 = vector.shape_cast %swap3A_921 : vector<1x1x16xf32> to vector<16xf32>
        %swap3A_923 = vector.shape_cast %add3A_916 : vector<16xf32> to vector<1x1x16xf32>
        tpu.vector_store %arg9[%swap3A_918, %swap3A_919, %swap3A_920], %swap3A_923 {strides = array<i32>} : memref<2x16x1024xf32, #tpu.memory_space<vmem>>, vector<1x1x16xf32>,
        %get3A_924 = arith.constant 0 : i32
        %get3A_925 = arith.index_cast %get3A_924 : i32 to index
        %get3A_926 = arith.index_cast %scan3A_312 : i32 to index
        %get3A_927 = arith.constant 544 : index
        %get3A_928 = tpu.vector_load %arg8[%get3A_925, %get3A_926, %get3A_927] {strides = array<i32>} : memref<2x16x1024xf32, #tpu.memory_space<vmem>>, vector<1x1x16xf32>,
        %get3A_929 = vector.shape_cast %get3A_928 : vector<1x1x16xf32> to vector<16xf32>
        %get3A_930 = arith.index_cast %scan3A_312 : i32 to index
        %get3A_931 = arith.constant 544 : index
        %get3A_932 = tpu.vector_load %arg7[%get3A_930, %get3A_931] {strides = array<i32>} : memref<16x1024xf32, #tpu.memory_space<vmem>>, vector<1x16xf32>,
        %get3A_933 = vector.shape_cast %get3A_932 : vector<1x16xf32> to vector<16xf32>
        %add3A_934 = arith.addf %get3A_929, %get3A_933 : vector<16xf32>
        %swap3A_935 = arith.constant 0 : i32
        %swap3A_936 = arith.index_cast %swap3A_935 : i32 to index
        %swap3A_937 = arith.index_cast %scan3A_312 : i32 to index
        %swap3A_938 = arith.constant 544 : index
        %swap3A_939 = tpu.vector_load %arg9[%swap3A_936, %swap3A_937, %swap3A_938] {strides = array<i32>} : memref<2x16x1024xf32, #tpu.memory_space<vmem>>, vector<1x1x16xf32>,
        %swap3A_940 = vector.shape_cast %swap3A_939 : vector<1x1x16xf32> to vector<16xf32>
        %swap3A_941 = vector.shape_cast %add3A_934 : vector<16xf32> to vector<1x1x16xf32>
        tpu.vector_store %arg9[%swap3A_936, %swap3A_937, %swap3A_938], %swap3A_941 {strides = array<i32>} : memref<2x16x1024xf32, #tpu.memory_space<vmem>>, vector<1x1x16xf32>,
        %get3A_942 = arith.constant 0 : i32
        %get3A_943 = arith.index_cast %get3A_942 : i32 to index
        %get3A_944 = arith.index_cast %scan3A_312 : i32 to index
        %get3A_945 = arith.constant 560 : index
        %get3A_946 = tpu.vector_load %arg8[%get3A_943, %get3A_944, %get3A_945] {strides = array<i32>} : memref<2x16x1024xf32, #tpu.memory_space<vmem>>, vector<1x1x16xf32>,
        %get3A_947 = vector.shape_cast %get3A_946 : vector<1x1x16xf32> to vector<16xf32>
        %get3A_948 = arith.index_cast %scan3A_312 : i32 to index
        %get3A_949 = arith.constant 560 : index
        %get3A_950 = tpu.vector_load %arg7[%get3A_948, %get3A_949] {strides = array<i32>} : memref<16x1024xf32, #tpu.memory_space<vmem>>, vector<1x16xf32>,
        %get3A_951 = vector.shape_cast %get3A_950 : vector<1x16xf32> to vector<16xf32>
        %add3A_952 = arith.addf %get3A_947, %get3A_951 : vector<16xf32>
        %swap3A_953 = arith.constant 0 : i32
        %swap3A_954 = arith.index_cast %swap3A_953 : i32 to index
        %swap3A_955 = arith.index_cast %scan3A_312 : i32 to index
        %swap3A_956 = arith.constant 560 : index
        %swap3A_957 = tpu.vector_load %arg9[%swap3A_954, %swap3A_955, %swap3A_956] {strides = array<i32>} : memref<2x16x1024xf32, #tpu.memory_space<vmem>>, vector<1x1x16xf32>,
        %swap3A_958 = vector.shape_cast %swap3A_957 : vector<1x1x16xf32> to vector<16xf32>
        %swap3A_959 = vector.shape_cast %add3A_952 : vector<16xf32> to vector<1x1x16xf32>
        tpu.vector_store %arg9[%swap3A_954, %swap3A_955, %swap3A_956], %swap3A_959 {strides = array<i32>} : memref<2x16x1024xf32, #tpu.memory_space<vmem>>, vector<1x1x16xf32>,
        %get3A_960 = arith.constant 0 : i32
        %get3A_961 = arith.index_cast %get3A_960 : i32 to index
        %get3A_962 = arith.index_cast %scan3A_312 : i32 to index
        %get3A_963 = arith.constant 576 : index
        %get3A_964 = tpu.vector_load %arg8[%get3A_961, %get3A_962, %get3A_963] {strides = array<i32>} : memref<2x16x1024xf32, #tpu.memory_space<vmem>>, vector<1x1x16xf32>,
        %get3A_965 = vector.shape_cast %get3A_964 : vector<1x1x16xf32> to vector<16xf32>
        %get3A_966 = arith.index_cast %scan3A_312 : i32 to index
        %get3A_967 = arith.constant 576 : index
        %get3A_968 = tpu.vector_load %arg7[%get3A_966, %get3A_967] {strides = array<i32>} : memref<16x1024xf32, #tpu.memory_space<vmem>>, vector<1x16xf32>,
        %get3A_969 = vector.shape_cast %get3A_968 : vector<1x16xf32> to vector<16xf32>
        %add3A_970 = arith.addf %get3A_965, %get3A_969 : vector<16xf32>
        %swap3A_971 = arith.constant 0 : i32
        %swap3A_972 = arith.index_cast %swap3A_971 : i32 to index
        %swap3A_973 = arith.index_cast %scan3A_312 : i32 to index
        %swap3A_974 = arith.constant 576 : index
        %swap3A_975 = tpu.vector_load %arg9[%swap3A_972, %swap3A_973, %swap3A_974] {strides = array<i32>} : memref<2x16x1024xf32, #tpu.memory_space<vmem>>, vector<1x1x16xf32>,
        %swap3A_976 = vector.shape_cast %swap3A_975 : vector<1x1x16xf32> to vector<16xf32>
        %swap3A_977 = vector.shape_cast %add3A_970 : vector<16xf32> to vector<1x1x16xf32>
        tpu.vector_store %arg9[%swap3A_972, %swap3A_973, %swap3A_974], %swap3A_977 {strides = array<i32>} : memref<2x16x1024xf32, #tpu.memory_space<vmem>>, vector<1x1x16xf32>,
        %get3A_978 = arith.constant 0 : i32
        %get3A_979 = arith.index_cast %get3A_978 : i32 to index
        %get3A_980 = arith.index_cast %scan3A_312 : i32 to index
        %get3A_981 = arith.constant 592 : index
        %get3A_982 = tpu.vector_load %arg8[%get3A_979, %get3A_980, %get3A_981] {strides = array<i32>} : memref<2x16x1024xf32, #tpu.memory_space<vmem>>, vector<1x1x16xf32>,
        %get3A_983 = vector.shape_cast %get3A_982 : vector<1x1x16xf32> to vector<16xf32>
        %get3A_984 = arith.index_cast %scan3A_312 : i32 to index
        %get3A_985 = arith.constant 592 : index
        %get3A_986 = tpu.vector_load %arg7[%get3A_984, %get3A_985] {strides = array<i32>} : memref<16x1024xf32, #tpu.memory_space<vmem>>, vector<1x16xf32>,
        %get3A_987 = vector.shape_cast %get3A_986 : vector<1x16xf32> to vector<16xf32>
        %add3A_988 = arith.addf %get3A_983, %get3A_987 : vector<16xf32>
        %swap3A_989 = arith.constant 0 : i32
        %swap3A_990 = arith.index_cast %swap3A_989 : i32 to index
        %swap3A_991 = arith.index_cast %scan3A_312 : i32 to index
        %swap3A_992 = arith.constant 592 : index
        %swap3A_993 = tpu.vector_load %arg9[%swap3A_990, %swap3A_991, %swap3A_992] {strides = array<i32>} : memref<2x16x1024xf32, #tpu.memory_space<vmem>>, vector<1x1x16xf32>,
        %swap3A_994 = vector.shape_cast %swap3A_993 : vector<1x1x16xf32> to vector<16xf32>
        %swap3A_995 = vector.shape_cast %add3A_988 : vector<16xf32> to vector<1x1x16xf32>
        tpu.vector_store %arg9[%swap3A_990, %swap3A_991, %swap3A_992], %swap3A_995 {strides = array<i32>} : memref<2x16x1024xf32, #tpu.memory_space<vmem>>, vector<1x1x16xf32>,
        %get3A_996 = arith.constant 0 : i32
        %get3A_997 = arith.index_cast %get3A_996 : i32 to index
        %get3A_998 = arith.index_cast %scan3A_312 : i32 to index
        %get3A_999 = arith.constant 608 : index
        %get3A_1000 = tpu.vector_load %arg8[%get3A_997, %get3A_998, %get3A_999] {strides = array<i32>} : memref<2x16x1024xf32, #tpu.memory_space<vmem>>, vector<1x1x16xf32>,
        %get3A_1001 = vector.shape_cast %get3A_1000 : vector<1x1x16xf32> to vector<16xf32>
        %get3A_1002 = arith.index_cast %scan3A_312 : i32 to index
        %get3A_1003 = arith.constant 608 : index
        %get3A_1004 = tpu.vector_load %arg7[%get3A_1002, %get3A_1003] {strides = array<i32>} : memref<16x1024xf32, #tpu.memory_space<vmem>>, vector<1x16xf32>,
        %get3A_1005 = vector.shape_cast %get3A_1004 : vector<1x16xf32> to vector<16xf32>
        %add3A_1006 = arith.addf %get3A_1001, %get3A_1005 : vector<16xf32>
        %swap3A_1007 = arith.constant 0 : i32
        %swap3A_1008 = arith.index_cast %swap3A_1007 : i32 to index
        %swap3A_1009 = arith.index_cast %scan3A_312 : i32 to index
        %swap3A_1010 = arith.constant 608 : index
        %swap3A_1011 = tpu.vector_load %arg9[%swap3A_1008, %swap3A_1009, %swap3A_1010] {strides = array<i32>} : memref<2x16x1024xf32, #tpu.memory_space<vmem>>, vector<1x1x16xf32>,
        %swap3A_1012 = vector.shape_cast %swap3A_1011 : vector<1x1x16xf32> to vector<16xf32>
        %swap3A_1013 = vector.shape_cast %add3A_1006 : vector<16xf32> to vector<1x1x16xf32>
        tpu.vector_store %arg9[%swap3A_1008, %swap3A_1009, %swap3A_1010], %swap3A_1013 {strides = array<i32>} : memref<2x16x1024xf32, #tpu.memory_space<vmem>>, vector<1x1x16xf32>,
        %get3A_1014 = arith.constant 0 : i32
        %get3A_1015 = arith.index_cast %get3A_1014 : i32 to index
        %get3A_1016 = arith.index_cast %scan3A_312 : i32 to index
        %get3A_1017 = arith.constant 624 : index
        %get3A_1018 = tpu.vector_load %arg8[%get3A_1015, %get3A_1016, %get3A_1017] {strides = array<i32>} : memref<2x16x1024xf32, #tpu.memory_space<vmem>>, vector<1x1x16xf32>,
        %get3A_1019 = vector.shape_cast %get3A_1018 : vector<1x1x16xf32> to vector<16xf32>
        %get3A_1020 = arith.index_cast %scan3A_312 : i32 to index
        %get3A_1021 = arith.constant 624 : index
        %get3A_1022 = tpu.vector_load %arg7[%get3A_1020, %get3A_1021] {strides = array<i32>} : memref<16x1024xf32, #tpu.memory_space<vmem>>, vector<1x16xf32>,
        %get3A_1023 = vector.shape_cast %get3A_1022 : vector<1x16xf32> to vector<16xf32>
        %add3A_1024 = arith.addf %get3A_1019, %get3A_1023 : vector<16xf32>
        %swap3A_1025 = arith.constant 0 : i32
        %swap3A_1026 = arith.index_cast %swap3A_1025 : i32 to index
        %swap3A_1027 = arith.index_cast %scan3A_312 : i32 to index
        %swap3A_1028 = arith.constant 624 : index
        %swap3A_1029 = tpu.vector_load %arg9[%swap3A_1026, %swap3A_1027, %swap3A_1028] {strides = array<i32>} : memref<2x16x1024xf32, #tpu.memory_space<vmem>>, vector<1x1x16xf32>,
        %swap3A_1030 = vector.shape_cast %swap3A_1029 : vector<1x1x16xf32> to vector<16xf32>
        %swap3A_1031 = vector.shape_cast %add3A_1024 : vector<16xf32> to vector<1x1x16xf32>
        tpu.vector_store %arg9[%swap3A_1026, %swap3A_1027, %swap3A_1028], %swap3A_1031 {strides = array<i32>} : memref<2x16x1024xf32, #tpu.memory_space<vmem>>, vector<1x1x16xf32>,
        %get3A_1032 = arith.constant 0 : i32
        %get3A_1033 = arith.index_cast %get3A_1032 : i32 to index
        %get3A_1034 = arith.index_cast %scan3A_312 : i32 to index
        %get3A_1035 = arith.constant 640 : index
        %get3A_1036 = tpu.vector_load %arg8[%get3A_1033, %get3A_1034, %get3A_1035] {strides = array<i32>} : memref<2x16x1024xf32, #tpu.memory_space<vmem>>, vector<1x1x16xf32>,
        %get3A_1037 = vector.shape_cast %get3A_1036 : vector<1x1x16xf32> to vector<16xf32>
        %get3A_1038 = arith.index_cast %scan3A_312 : i32 to index
        %get3A_1039 = arith.constant 640 : index
        %get3A_1040 = tpu.vector_load %arg7[%get3A_1038, %get3A_1039] {strides = array<i32>} : memref<16x1024xf32, #tpu.memory_space<vmem>>, vector<1x16xf32>,
        %get3A_1041 = vector.shape_cast %get3A_1040 : vector<1x16xf32> to vector<16xf32>
        %add3A_1042 = arith.addf %get3A_1037, %get3A_1041 : vector<16xf32>
        %swap3A_1043 = arith.constant 0 : i32
        %swap3A_1044 = arith.index_cast %swap3A_1043 : i32 to index
        %swap3A_1045 = arith.index_cast %scan3A_312 : i32 to index
        %swap3A_1046 = arith.constant 640 : index
        %swap3A_1047 = tpu.vector_load %arg9[%swap3A_1044, %swap3A_1045, %swap3A_1046] {strides = array<i32>} : memref<2x16x1024xf32, #tpu.memory_space<vmem>>, vector<1x1x16xf32>,
        %swap3A_1048 = vector.shape_cast %swap3A_1047 : vector<1x1x16xf32> to vector<16xf32>
        %swap3A_1049 = vector.shape_cast %add3A_1042 : vector<16xf32> to vector<1x1x16xf32>
        tpu.vector_store %arg9[%swap3A_1044, %swap3A_1045, %swap3A_1046], %swap3A_1049 {strides = array<i32>} : memref<2x16x1024xf32, #tpu.memory_space<vmem>>, vector<1x1x16xf32>,
        %get3A_1050 = arith.constant 0 : i32
        %get3A_1051 = arith.index_cast %get3A_1050 : i32 to index
        %get3A_1052 = arith.index_cast %scan3A_312 : i32 to index
        %get3A_1053 = arith.constant 656 : index
        %get3A_1054 = tpu.vector_load %arg8[%get3A_1051, %get3A_1052, %get3A_1053] {strides = array<i32>} : memref<2x16x1024xf32, #tpu.memory_space<vmem>>, vector<1x1x16xf32>,
        %get3A_1055 = vector.shape_cast %get3A_1054 : vector<1x1x16xf32> to vector<16xf32>
        %get3A_1056 = arith.index_cast %scan3A_312 : i32 to index
        %get3A_1057 = arith.constant 656 : index
        %get3A_1058 = tpu.vector_load %arg7[%get3A_1056, %get3A_1057] {strides = array<i32>} : memref<16x1024xf32, #tpu.memory_space<vmem>>, vector<1x16xf32>,
        %get3A_1059 = vector.shape_cast %get3A_1058 : vector<1x16xf32> to vector<16xf32>
        %add3A_1060 = arith.addf %get3A_1055, %get3A_1059 : vector<16xf32>
        %swap3A_1061 = arith.constant 0 : i32
        %swap3A_1062 = arith.index_cast %swap3A_1061 : i32 to index
        %swap3A_1063 = arith.index_cast %scan3A_312 : i32 to index
        %swap3A_1064 = arith.constant 656 : index
        %swap3A_1065 = tpu.vector_load %arg9[%swap3A_1062, %swap3A_1063, %swap3A_1064] {strides = array<i32>} : memref<2x16x1024xf32, #tpu.memory_space<vmem>>, vector<1x1x16xf32>,
        %swap3A_1066 = vector.shape_cast %swap3A_1065 : vector<1x1x16xf32> to vector<16xf32>
        %swap3A_1067 = vector.shape_cast %add3A_1060 : vector<16xf32> to vector<1x1x16xf32>
        tpu.vector_store %arg9[%swap3A_1062, %swap3A_1063, %swap3A_1064], %swap3A_1067 {strides = array<i32>} : memref<2x16x1024xf32, #tpu.memory_space<vmem>>, vector<1x1x16xf32>,
        %get3A_1068 = arith.constant 0 : i32
        %get3A_1069 = arith.index_cast %get3A_1068 : i32 to index
        %get3A_1070 = arith.index_cast %scan3A_312 : i32 to index
        %get3A_1071 = arith.constant 672 : index
        %get3A_1072 = tpu.vector_load %arg8[%get3A_1069, %get3A_1070, %get3A_1071] {strides = array<i32>} : memref<2x16x1024xf32, #tpu.memory_space<vmem>>, vector<1x1x16xf32>,
        %get3A_1073 = vector.shape_cast %get3A_1072 : vector<1x1x16xf32> to vector<16xf32>
        %get3A_1074 = arith.index_cast %scan3A_312 : i32 to index
        %get3A_1075 = arith.constant 672 : index
        %get3A_1076 = tpu.vector_load %arg7[%get3A_1074, %get3A_1075] {strides = array<i32>} : memref<16x1024xf32, #tpu.memory_space<vmem>>, vector<1x16xf32>,
        %get3A_1077 = vector.shape_cast %get3A_1076 : vector<1x16xf32> to vector<16xf32>
        %add3A_1078 = arith.addf %get3A_1073, %get3A_1077 : vector<16xf32>
        %swap3A_1079 = arith.constant 0 : i32
        %swap3A_1080 = arith.index_cast %swap3A_1079 : i32 to index
        %swap3A_1081 = arith.index_cast %scan3A_312 : i32 to index
        %swap3A_1082 = arith.constant 672 : index
        %swap3A_1083 = tpu.vector_load %arg9[%swap3A_1080, %swap3A_1081, %swap3A_1082] {strides = array<i32>} : memref<2x16x1024xf32, #tpu.memory_space<vmem>>, vector<1x1x16xf32>,
        %swap3A_1084 = vector.shape_cast %swap3A_1083 : vector<1x1x16xf32> to vector<16xf32>
        %swap3A_1085 = vector.shape_cast %add3A_1078 : vector<16xf32> to vector<1x1x16xf32>
        tpu.vector_store %arg9[%swap3A_1080, %swap3A_1081, %swap3A_1082], %swap3A_1085 {strides = array<i32>} : memref<2x16x1024xf32, #tpu.memory_space<vmem>>, vector<1x1x16xf32>,
        %get3A_1086 = arith.constant 0 : i32
        %get3A_1087 = arith.index_cast %get3A_1086 : i32 to index
        %get3A_1088 = arith.index_cast %scan3A_312 : i32 to index
        %get3A_1089 = arith.constant 688 : index
        %get3A_1090 = tpu.vector_load %arg8[%get3A_1087, %get3A_1088, %get3A_1089] {strides = array<i32>} : memref<2x16x1024xf32, #tpu.memory_space<vmem>>, vector<1x1x16xf32>,
        %get3A_1091 = vector.shape_cast %get3A_1090 : vector<1x1x16xf32> to vector<16xf32>
        %get3A_1092 = arith.index_cast %scan3A_312 : i32 to index
        %get3A_1093 = arith.constant 688 : index
        %get3A_1094 = tpu.vector_load %arg7[%get3A_1092, %get3A_1093] {strides = array<i32>} : memref<16x1024xf32, #tpu.memory_space<vmem>>, vector<1x16xf32>,
        %get3A_1095 = vector.shape_cast %get3A_1094 : vector<1x16xf32> to vector<16xf32>
        %add3A_1096 = arith.addf %get3A_1091, %get3A_1095 : vector<16xf32>
        %swap3A_1097 = arith.constant 0 : i32
        %swap3A_1098 = arith.index_cast %swap3A_1097 : i32 to index
        %swap3A_1099 = arith.index_cast %scan3A_312 : i32 to index
        %swap3A_1100 = arith.constant 688 : index
        %swap3A_1101 = tpu.vector_load %arg9[%swap3A_1098, %swap3A_1099, %swap3A_1100] {strides = array<i32>} : memref<2x16x1024xf32, #tpu.memory_space<vmem>>, vector<1x1x16xf32>,
        %swap3A_1102 = vector.shape_cast %swap3A_1101 : vector<1x1x16xf32> to vector<16xf32>
        %swap3A_1103 = vector.shape_cast %add3A_1096 : vector<16xf32> to vector<1x1x16xf32>
        tpu.vector_store %arg9[%swap3A_1098, %swap3A_1099, %swap3A_1100], %swap3A_1103 {strides = array<i32>} : memref<2x16x1024xf32, #tpu.memory_space<vmem>>, vector<1x1x16xf32>,
        %get3A_1104 = arith.constant 0 : i32
        %get3A_1105 = arith.index_cast %get3A_1104 : i32 to index
        %get3A_1106 = arith.index_cast %scan3A_312 : i32 to index
        %get3A_1107 = arith.constant 704 : index
        %get3A_1108 = tpu.vector_load %arg8[%get3A_1105, %get3A_1106, %get3A_1107] {strides = array<i32>} : memref<2x16x1024xf32, #tpu.memory_space<vmem>>, vector<1x1x16xf32>,
        %get3A_1109 = vector.shape_cast %get3A_1108 : vector<1x1x16xf32> to vector<16xf32>
        %get3A_1110 = arith.index_cast %scan3A_312 : i32 to index
        %get3A_1111 = arith.constant 704 : index
        %get3A_1112 = tpu.vector_load %arg7[%get3A_1110, %get3A_1111] {strides = array<i32>} : memref<16x1024xf32, #tpu.memory_space<vmem>>, vector<1x16xf32>,
        %get3A_1113 = vector.shape_cast %get3A_1112 : vector<1x16xf32> to vector<16xf32>
        %add3A_1114 = arith.addf %get3A_1109, %get3A_1113 : vector<16xf32>
        %swap3A_1115 = arith.constant 0 : i32
        %swap3A_1116 = arith.index_cast %swap3A_1115 : i32 to index
        %swap3A_1117 = arith.index_cast %scan3A_312 : i32 to index
        %swap3A_1118 = arith.constant 704 : index
        %swap3A_1119 = tpu.vector_load %arg9[%swap3A_1116, %swap3A_1117, %swap3A_1118] {strides = array<i32>} : memref<2x16x1024xf32, #tpu.memory_space<vmem>>, vector<1x1x16xf32>,
        %swap3A_1120 = vector.shape_cast %swap3A_1119 : vector<1x1x16xf32> to vector<16xf32>
        %swap3A_1121 = vector.shape_cast %add3A_1114 : vector<16xf32> to vector<1x1x16xf32>
        tpu.vector_store %arg9[%swap3A_1116, %swap3A_1117, %swap3A_1118], %swap3A_1121 {strides = array<i32>} : memref<2x16x1024xf32, #tpu.memory_space<vmem>>, vector<1x1x16xf32>,
        %get3A_1122 = arith.constant 0 : i32
        %get3A_1123 = arith.index_cast %get3A_1122 : i32 to index
        %get3A_1124 = arith.index_cast %scan3A_312 : i32 to index
        %get3A_1125 = arith.constant 720 : index
        %get3A_1126 = tpu.vector_load %arg8[%get3A_1123, %get3A_1124, %get3A_1125] {strides = array<i32>} : memref<2x16x1024xf32, #tpu.memory_space<vmem>>, vector<1x1x16xf32>,
        %get3A_1127 = vector.shape_cast %get3A_1126 : vector<1x1x16xf32> to vector<16xf32>
        %get3A_1128 = arith.index_cast %scan3A_312 : i32 to index
        %get3A_1129 = arith.constant 720 : index
        %get3A_1130 = tpu.vector_load %arg7[%get3A_1128, %get3A_1129] {strides = array<i32>} : memref<16x1024xf32, #tpu.memory_space<vmem>>, vector<1x16xf32>,
        %get3A_1131 = vector.shape_cast %get3A_1130 : vector<1x16xf32> to vector<16xf32>
        %add3A_1132 = arith.addf %get3A_1127, %get3A_1131 : vector<16xf32>
        %swap3A_1133 = arith.constant 0 : i32
        %swap3A_1134 = arith.index_cast %swap3A_1133 : i32 to index
        %swap3A_1135 = arith.index_cast %scan3A_312 : i32 to index
        %swap3A_1136 = arith.constant 720 : index
        %swap3A_1137 = tpu.vector_load %arg9[%swap3A_1134, %swap3A_1135, %swap3A_1136] {strides = array<i32>} : memref<2x16x1024xf32, #tpu.memory_space<vmem>>, vector<1x1x16xf32>,
        %swap3A_1138 = vector.shape_cast %swap3A_1137 : vector<1x1x16xf32> to vector<16xf32>
        %swap3A_1139 = vector.shape_cast %add3A_1132 : vector<16xf32> to vector<1x1x16xf32>
        tpu.vector_store %arg9[%swap3A_1134, %swap3A_1135, %swap3A_1136], %swap3A_1139 {strides = array<i32>} : memref<2x16x1024xf32, #tpu.memory_space<vmem>>, vector<1x1x16xf32>,
        %get3A_1140 = arith.constant 0 : i32
        %get3A_1141 = arith.index_cast %get3A_1140 : i32 to index
        %get3A_1142 = arith.index_cast %scan3A_312 : i32 to index
        %get3A_1143 = arith.constant 736 : index
        %get3A_1144 = tpu.vector_load %arg8[%get3A_1141, %get3A_1142, %get3A_1143] {strides = array<i32>} : memref<2x16x1024xf32, #tpu.memory_space<vmem>>, vector<1x1x16xf32>,
        %get3A_1145 = vector.shape_cast %get3A_1144 : vector<1x1x16xf32> to vector<16xf32>
        %get3A_1146 = arith.index_cast %scan3A_312 : i32 to index
        %get3A_1147 = arith.constant 736 : index
        %get3A_1148 = tpu.vector_load %arg7[%get3A_1146, %get3A_1147] {strides = array<i32>} : memref<16x1024xf32, #tpu.memory_space<vmem>>, vector<1x16xf32>,
        %get3A_1149 = vector.shape_cast %get3A_1148 : vector<1x16xf32> to vector<16xf32>
        %add3A_1150 = arith.addf %get3A_1145, %get3A_1149 : vector<16xf32>
        %swap3A_1151 = arith.constant 0 : i32
        %swap3A_1152 = arith.index_cast %swap3A_1151 : i32 to index
        %swap3A_1153 = arith.index_cast %scan3A_312 : i32 to index
        %swap3A_1154 = arith.constant 736 : index
        %swap3A_1155 = tpu.vector_load %arg9[%swap3A_1152, %swap3A_1153, %swap3A_1154] {strides = array<i32>} : memref<2x16x1024xf32, #tpu.memory_space<vmem>>, vector<1x1x16xf32>,
        %swap3A_1156 = vector.shape_cast %swap3A_1155 : vector<1x1x16xf32> to vector<16xf32>
        %swap3A_1157 = vector.shape_cast %add3A_1150 : vector<16xf32> to vector<1x1x16xf32>
        tpu.vector_store %arg9[%swap3A_1152, %swap3A_1153, %swap3A_1154], %swap3A_1157 {strides = array<i32>} : memref<2x16x1024xf32, #tpu.memory_space<vmem>>, vector<1x1x16xf32>,
        %get3A_1158 = arith.constant 0 : i32
        %get3A_1159 = arith.index_cast %get3A_1158 : i32 to index
        %get3A_1160 = arith.index_cast %scan3A_312 : i32 to index
        %get3A_1161 = arith.constant 752 : index
        %get3A_1162 = tpu.vector_load %arg8[%get3A_1159, %get3A_1160, %get3A_1161] {strides = array<i32>} : memref<2x16x1024xf32, #tpu.memory_space<vmem>>, vector<1x1x16xf32>,
        %get3A_1163 = vector.shape_cast %get3A_1162 : vector<1x1x16xf32> to vector<16xf32>
        %get3A_1164 = arith.index_cast %scan3A_312 : i32 to index
        %get3A_1165 = arith.constant 752 : index
        %get3A_1166 = tpu.vector_load %arg7[%get3A_1164, %get3A_1165] {strides = array<i32>} : memref<16x1024xf32, #tpu.memory_space<vmem>>, vector<1x16xf32>,
        %get3A_1167 = vector.shape_cast %get3A_1166 : vector<1x16xf32> to vector<16xf32>
        %add3A_1168 = arith.addf %get3A_1163, %get3A_1167 : vector<16xf32>
        %swap3A_1169 = arith.constant 0 : i32
        %swap3A_1170 = arith.index_cast %swap3A_1169 : i32 to index
        %swap3A_1171 = arith.index_cast %scan3A_312 : i32 to index
        %swap3A_1172 = arith.constant 752 : index
        %swap3A_1173 = tpu.vector_load %arg9[%swap3A_1170, %swap3A_1171, %swap3A_1172] {strides = array<i32>} : memref<2x16x1024xf32, #tpu.memory_space<vmem>>, vector<1x1x16xf32>,
        %swap3A_1174 = vector.shape_cast %swap3A_1173 : vector<1x1x16xf32> to vector<16xf32>
        %swap3A_1175 = vector.shape_cast %add3A_1168 : vector<16xf32> to vector<1x1x16xf32>
        tpu.vector_store %arg9[%swap3A_1170, %swap3A_1171, %swap3A_1172], %swap3A_1175 {strides = array<i32>} : memref<2x16x1024xf32, #tpu.memory_space<vmem>>, vector<1x1x16xf32>,
        %get3A_1176 = arith.constant 0 : i32
        %get3A_1177 = arith.index_cast %get3A_1176 : i32 to index
        %get3A_1178 = arith.index_cast %scan3A_312 : i32 to index
        %get3A_1179 = arith.constant 768 : index
        %get3A_1180 = tpu.vector_load %arg8[%get3A_1177, %get3A_1178, %get3A_1179] {strides = array<i32>} : memref<2x16x1024xf32, #tpu.memory_space<vmem>>, vector<1x1x16xf32>,
        %get3A_1181 = vector.shape_cast %get3A_1180 : vector<1x1x16xf32> to vector<16xf32>
        %get3A_1182 = arith.index_cast %scan3A_312 : i32 to index
        %get3A_1183 = arith.constant 768 : index
        %get3A_1184 = tpu.vector_load %arg7[%get3A_1182, %get3A_1183] {strides = array<i32>} : memref<16x1024xf32, #tpu.memory_space<vmem>>, vector<1x16xf32>,
        %get3A_1185 = vector.shape_cast %get3A_1184 : vector<1x16xf32> to vector<16xf32>
        %add3A_1186 = arith.addf %get3A_1181, %get3A_1185 : vector<16xf32>
        %swap3A_1187 = arith.constant 0 : i32
        %swap3A_1188 = arith.index_cast %swap3A_1187 : i32 to index
        %swap3A_1189 = arith.index_cast %scan3A_312 : i32 to index
        %swap3A_1190 = arith.constant 768 : index
        %swap3A_1191 = tpu.vector_load %arg9[%swap3A_1188, %swap3A_1189, %swap3A_1190] {strides = array<i32>} : memref<2x16x1024xf32, #tpu.memory_space<vmem>>, vector<1x1x16xf32>,
        %swap3A_1192 = vector.shape_cast %swap3A_1191 : vector<1x1x16xf32> to vector<16xf32>
        %swap3A_1193 = vector.shape_cast %add3A_1186 : vector<16xf32> to vector<1x1x16xf32>
        tpu.vector_store %arg9[%swap3A_1188, %swap3A_1189, %swap3A_1190], %swap3A_1193 {strides = array<i32>} : memref<2x16x1024xf32, #tpu.memory_space<vmem>>, vector<1x1x16xf32>,
        %get3A_1194 = arith.constant 0 : i32
        %get3A_1195 = arith.index_cast %get3A_1194 : i32 to index
        %get3A_1196 = arith.index_cast %scan3A_312 : i32 to index
        %get3A_1197 = arith.constant 784 : index
        %get3A_1198 = tpu.vector_load %arg8[%get3A_1195, %get3A_1196, %get3A_1197] {strides = array<i32>} : memref<2x16x1024xf32, #tpu.memory_space<vmem>>, vector<1x1x16xf32>,
        %get3A_1199 = vector.shape_cast %get3A_1198 : vector<1x1x16xf32> to vector<16xf32>
        %get3A_1200 = arith.index_cast %scan3A_312 : i32 to index
        %get3A_1201 = arith.constant 784 : index
        %get3A_1202 = tpu.vector_load %arg7[%get3A_1200, %get3A_1201] {strides = array<i32>} : memref<16x1024xf32, #tpu.memory_space<vmem>>, vector<1x16xf32>,
        %get3A_1203 = vector.shape_cast %get3A_1202 : vector<1x16xf32> to vector<16xf32>
        %add3A_1204 = arith.addf %get3A_1199, %get3A_1203 : vector<16xf32>
        %swap3A_1205 = arith.constant 0 : i32
        %swap3A_1206 = arith.index_cast %swap3A_1205 : i32 to index
        %swap3A_1207 = arith.index_cast %scan3A_312 : i32 to index
        %swap3A_1208 = arith.constant 784 : index
        %swap3A_1209 = tpu.vector_load %arg9[%swap3A_1206, %swap3A_1207, %swap3A_1208] {strides = array<i32>} : memref<2x16x1024xf32, #tpu.memory_space<vmem>>, vector<1x1x16xf32>,
        %swap3A_1210 = vector.shape_cast %swap3A_1209 : vector<1x1x16xf32> to vector<16xf32>
        %swap3A_1211 = vector.shape_cast %add3A_1204 : vector<16xf32> to vector<1x1x16xf32>
        tpu.vector_store %arg9[%swap3A_1206, %swap3A_1207, %swap3A_1208], %swap3A_1211 {strides = array<i32>} : memref<2x16x1024xf32, #tpu.memory_space<vmem>>, vector<1x1x16xf32>,
        %get3A_1212 = arith.constant 0 : i32
        %get3A_1213 = arith.index_cast %get3A_1212 : i32 to index
        %get3A_1214 = arith.index_cast %scan3A_312 : i32 to index
        %get3A_1215 = arith.constant 800 : index
        %get3A_1216 = tpu.vector_load %arg8[%get3A_1213, %get3A_1214, %get3A_1215] {strides = array<i32>} : memref<2x16x1024xf32, #tpu.memory_space<vmem>>, vector<1x1x16xf32>,
        %get3A_1217 = vector.shape_cast %get3A_1216 : vector<1x1x16xf32> to vector<16xf32>
        %get3A_1218 = arith.index_cast %scan3A_312 : i32 to index
        %get3A_1219 = arith.constant 800 : index
        %get3A_1220 = tpu.vector_load %arg7[%get3A_1218, %get3A_1219] {strides = array<i32>} : memref<16x1024xf32, #tpu.memory_space<vmem>>, vector<1x16xf32>,
        %get3A_1221 = vector.shape_cast %get3A_1220 : vector<1x16xf32> to vector<16xf32>
        %add3A_1222 = arith.addf %get3A_1217, %get3A_1221 : vector<16xf32>
        %swap3A_1223 = arith.constant 0 : i32
        %swap3A_1224 = arith.index_cast %swap3A_1223 : i32 to index
        %swap3A_1225 = arith.index_cast %scan3A_312 : i32 to index
        %swap3A_1226 = arith.constant 800 : index
        %swap3A_1227 = tpu.vector_load %arg9[%swap3A_1224, %swap3A_1225, %swap3A_1226] {strides = array<i32>} : memref<2x16x1024xf32, #tpu.memory_space<vmem>>, vector<1x1x16xf32>,
        %swap3A_1228 = vector.shape_cast %swap3A_1227 : vector<1x1x16xf32> to vector<16xf32>
        %swap3A_1229 = vector.shape_cast %add3A_1222 : vector<16xf32> to vector<1x1x16xf32>
        tpu.vector_store %arg9[%swap3A_1224, %swap3A_1225, %swap3A_1226], %swap3A_1229 {strides = array<i32>} : memref<2x16x1024xf32, #tpu.memory_space<vmem>>, vector<1x1x16xf32>,
        %get3A_1230 = arith.constant 0 : i32
        %get3A_1231 = arith.index_cast %get3A_1230 : i32 to index
        %get3A_1232 = arith.index_cast %scan3A_312 : i32 to index
        %get3A_1233 = arith.constant 816 : index
        %get3A_1234 = tpu.vector_load %arg8[%get3A_1231, %get3A_1232, %get3A_1233] {strides = array<i32>} : memref<2x16x1024xf32, #tpu.memory_space<vmem>>, vector<1x1x16xf32>,
        %get3A_1235 = vector.shape_cast %get3A_1234 : vector<1x1x16xf32> to vector<16xf32>
        %get3A_1236 = arith.index_cast %scan3A_312 : i32 to index
        %get3A_1237 = arith.constant 816 : index
        %get3A_1238 = tpu.vector_load %arg7[%get3A_1236, %get3A_1237] {strides = array<i32>} : memref<16x1024xf32, #tpu.memory_space<vmem>>, vector<1x16xf32>,
        %get3A_1239 = vector.shape_cast %get3A_1238 : vector<1x16xf32> to vector<16xf32>
        %add3A_1240 = arith.addf %get3A_1235, %get3A_1239 : vector<16xf32>
        %swap3A_1241 = arith.constant 0 : i32
        %swap3A_1242 = arith.index_cast %swap3A_1241 : i32 to index
        %swap3A_1243 = arith.index_cast %scan3A_312 : i32 to index
        %swap3A_1244 = arith.constant 816 : index
        %swap3A_1245 = tpu.vector_load %arg9[%swap3A_1242, %swap3A_1243, %swap3A_1244] {strides = array<i32>} : memref<2x16x1024xf32, #tpu.memory_space<vmem>>, vector<1x1x16xf32>,
        %swap3A_1246 = vector.shape_cast %swap3A_1245 : vector<1x1x16xf32> to vector<16xf32>
        %swap3A_1247 = vector.shape_cast %add3A_1240 : vector<16xf32> to vector<1x1x16xf32>
        tpu.vector_store %arg9[%swap3A_1242, %swap3A_1243, %swap3A_1244], %swap3A_1247 {strides = array<i32>} : memref<2x16x1024xf32, #tpu.memory_space<vmem>>, vector<1x1x16xf32>,
        %get3A_1248 = arith.constant 0 : i32
        %get3A_1249 = arith.index_cast %get3A_1248 : i32 to index
        %get3A_1250 = arith.index_cast %scan3A_312 : i32 to index
        %get3A_1251 = arith.constant 832 : index
        %get3A_1252 = tpu.vector_load %arg8[%get3A_1249, %get3A_1250, %get3A_1251] {strides = array<i32>} : memref<2x16x1024xf32, #tpu.memory_space<vmem>>, vector<1x1x16xf32>,
        %get3A_1253 = vector.shape_cast %get3A_1252 : vector<1x1x16xf32> to vector<16xf32>
        %get3A_1254 = arith.index_cast %scan3A_312 : i32 to index
        %get3A_1255 = arith.constant 832 : index
        %get3A_1256 = tpu.vector_load %arg7[%get3A_1254, %get3A_1255] {strides = array<i32>} : memref<16x1024xf32, #tpu.memory_space<vmem>>, vector<1x16xf32>,
        %get3A_1257 = vector.shape_cast %get3A_1256 : vector<1x16xf32> to vector<16xf32>
        %add3A_1258 = arith.addf %get3A_1253, %get3A_1257 : vector<16xf32>
        %swap3A_1259 = arith.constant 0 : i32
        %swap3A_1260 = arith.index_cast %swap3A_1259 : i32 to index
        %swap3A_1261 = arith.index_cast %scan3A_312 : i32 to index
        %swap3A_1262 = arith.constant 832 : index
        %swap3A_1263 = tpu.vector_load %arg9[%swap3A_1260, %swap3A_1261, %swap3A_1262] {strides = array<i32>} : memref<2x16x1024xf32, #tpu.memory_space<vmem>>, vector<1x1x16xf32>,
        %swap3A_1264 = vector.shape_cast %swap3A_1263 : vector<1x1x16xf32> to vector<16xf32>
        %swap3A_1265 = vector.shape_cast %add3A_1258 : vector<16xf32> to vector<1x1x16xf32>
        tpu.vector_store %arg9[%swap3A_1260, %swap3A_1261, %swap3A_1262], %swap3A_1265 {strides = array<i32>} : memref<2x16x1024xf32, #tpu.memory_space<vmem>>, vector<1x1x16xf32>,
        %get3A_1266 = arith.constant 0 : i32
        %get3A_1267 = arith.index_cast %get3A_1266 : i32 to index
        %get3A_1268 = arith.index_cast %scan3A_312 : i32 to index
        %get3A_1269 = arith.constant 848 : index
        %get3A_1270 = tpu.vector_load %arg8[%get3A_1267, %get3A_1268, %get3A_1269] {strides = array<i32>} : memref<2x16x1024xf32, #tpu.memory_space<vmem>>, vector<1x1x16xf32>,
        %get3A_1271 = vector.shape_cast %get3A_1270 : vector<1x1x16xf32> to vector<16xf32>
        %get3A_1272 = arith.index_cast %scan3A_312 : i32 to index
        %get3A_1273 = arith.constant 848 : index
        %get3A_1274 = tpu.vector_load %arg7[%get3A_1272, %get3A_1273] {strides = array<i32>} : memref<16x1024xf32, #tpu.memory_space<vmem>>, vector<1x16xf32>,
        %get3A_1275 = vector.shape_cast %get3A_1274 : vector<1x16xf32> to vector<16xf32>
        %add3A_1276 = arith.addf %get3A_1271, %get3A_1275 : vector<16xf32>
        %swap3A_1277 = arith.constant 0 : i32
        %swap3A_1278 = arith.index_cast %swap3A_1277 : i32 to index
        %swap3A_1279 = arith.index_cast %scan3A_312 : i32 to index
        %swap3A_1280 = arith.constant 848 : index
        %swap3A_1281 = tpu.vector_load %arg9[%swap3A_1278, %swap3A_1279, %swap3A_1280] {strides = array<i32>} : memref<2x16x1024xf32, #tpu.memory_space<vmem>>, vector<1x1x16xf32>,
        %swap3A_1282 = vector.shape_cast %swap3A_1281 : vector<1x1x16xf32> to vector<16xf32>
        %swap3A_1283 = vector.shape_cast %add3A_1276 : vector<16xf32> to vector<1x1x16xf32>
        tpu.vector_store %arg9[%swap3A_1278, %swap3A_1279, %swap3A_1280], %swap3A_1283 {strides = array<i32>} : memref<2x16x1024xf32, #tpu.memory_space<vmem>>, vector<1x1x16xf32>,
        %get3A_1284 = arith.constant 0 : i32
        %get3A_1285 = arith.index_cast %get3A_1284 : i32 to index
        %get3A_1286 = arith.index_cast %scan3A_312 : i32 to index
        %get3A_1287 = arith.constant 864 : index
        %get3A_1288 = tpu.vector_load %arg8[%get3A_1285, %get3A_1286, %get3A_1287] {strides = array<i32>} : memref<2x16x1024xf32, #tpu.memory_space<vmem>>, vector<1x1x16xf32>,
        %get3A_1289 = vector.shape_cast %get3A_1288 : vector<1x1x16xf32> to vector<16xf32>
        %get3A_1290 = arith.index_cast %scan3A_312 : i32 to index
        %get3A_1291 = arith.constant 864 : index
        %get3A_1292 = tpu.vector_load %arg7[%get3A_1290, %get3A_1291] {strides = array<i32>} : memref<16x1024xf32, #tpu.memory_space<vmem>>, vector<1x16xf32>,
        %get3A_1293 = vector.shape_cast %get3A_1292 : vector<1x16xf32> to vector<16xf32>
        %add3A_1294 = arith.addf %get3A_1289, %get3A_1293 : vector<16xf32>
        %swap3A_1295 = arith.constant 0 : i32
        %swap3A_1296 = arith.index_cast %swap3A_1295 : i32 to index
        %swap3A_1297 = arith.index_cast %scan3A_312 : i32 to index
        %swap3A_1298 = arith.constant 864 : index
        %swap3A_1299 = tpu.vector_load %arg9[%swap3A_1296, %swap3A_1297, %swap3A_1298] {strides = array<i32>} : memref<2x16x1024xf32, #tpu.memory_space<vmem>>, vector<1x1x16xf32>,
        %swap3A_1300 = vector.shape_cast %swap3A_1299 : vector<1x1x16xf32> to vector<16xf32>
        %swap3A_1301 = vector.shape_cast %add3A_1294 : vector<16xf32> to vector<1x1x16xf32>
        tpu.vector_store %arg9[%swap3A_1296, %swap3A_1297, %swap3A_1298], %swap3A_1301 {strides = array<i32>} : memref<2x16x1024xf32, #tpu.memory_space<vmem>>, vector<1x1x16xf32>,
        %get3A_1302 = arith.constant 0 : i32
        %get3A_1303 = arith.index_cast %get3A_1302 : i32 to index
        %get3A_1304 = arith.index_cast %scan3A_312 : i32 to index
        %get3A_1305 = arith.constant 880 : index
        %get3A_1306 = tpu.vector_load %arg8[%get3A_1303, %get3A_1304, %get3A_1305] {strides = array<i32>} : memref<2x16x1024xf32, #tpu.memory_space<vmem>>, vector<1x1x16xf32>,
        %get3A_1307 = vector.shape_cast %get3A_1306 : vector<1x1x16xf32> to vector<16xf32>
        %get3A_1308 = arith.index_cast %scan3A_312 : i32 to index
        %get3A_1309 = arith.constant 880 : index
        %get3A_1310 = tpu.vector_load %arg7[%get3A_1308, %get3A_1309] {strides = array<i32>} : memref<16x1024xf32, #tpu.memory_space<vmem>>, vector<1x16xf32>,
        %get3A_1311 = vector.shape_cast %get3A_1310 : vector<1x16xf32> to vector<16xf32>
        %add3A_1312 = arith.addf %get3A_1307, %get3A_1311 : vector<16xf32>
        %swap3A_1313 = arith.constant 0 : i32
        %swap3A_1314 = arith.index_cast %swap3A_1313 : i32 to index
        %swap3A_1315 = arith.index_cast %scan3A_312 : i32 to index
        %swap3A_1316 = arith.constant 880 : index
        %swap3A_1317 = tpu.vector_load %arg9[%swap3A_1314, %swap3A_1315, %swap3A_1316] {strides = array<i32>} : memref<2x16x1024xf32, #tpu.memory_space<vmem>>, vector<1x1x16xf32>,
        %swap3A_1318 = vector.shape_cast %swap3A_1317 : vector<1x1x16xf32> to vector<16xf32>
        %swap3A_1319 = vector.shape_cast %add3A_1312 : vector<16xf32> to vector<1x1x16xf32>
        tpu.vector_store %arg9[%swap3A_1314, %swap3A_1315, %swap3A_1316], %swap3A_1319 {strides = array<i32>} : memref<2x16x1024xf32, #tpu.memory_space<vmem>>, vector<1x1x16xf32>,
        %get3A_1320 = arith.constant 0 : i32
        %get3A_1321 = arith.index_cast %get3A_1320 : i32 to index
        %get3A_1322 = arith.index_cast %scan3A_312 : i32 to index
        %get3A_1323 = arith.constant 896 : index
        %get3A_1324 = tpu.vector_load %arg8[%get3A_1321, %get3A_1322, %get3A_1323] {strides = array<i32>} : memref<2x16x1024xf32, #tpu.memory_space<vmem>>, vector<1x1x16xf32>,
        %get3A_1325 = vector.shape_cast %get3A_1324 : vector<1x1x16xf32> to vector<16xf32>
        %get3A_1326 = arith.index_cast %scan3A_312 : i32 to index
        %get3A_1327 = arith.constant 896 : index
        %get3A_1328 = tpu.vector_load %arg7[%get3A_1326, %get3A_1327] {strides = array<i32>} : memref<16x1024xf32, #tpu.memory_space<vmem>>, vector<1x16xf32>,
        %get3A_1329 = vector.shape_cast %get3A_1328 : vector<1x16xf32> to vector<16xf32>
        %add3A_1330 = arith.addf %get3A_1325, %get3A_1329 : vector<16xf32>
        %swap3A_1331 = arith.constant 0 : i32
        %swap3A_1332 = arith.index_cast %swap3A_1331 : i32 to index
        %swap3A_1333 = arith.index_cast %scan3A_312 : i32 to index
        %swap3A_1334 = arith.constant 896 : index
        %swap3A_1335 = tpu.vector_load %arg9[%swap3A_1332, %swap3A_1333, %swap3A_1334] {strides = array<i32>} : memref<2x16x1024xf32, #tpu.memory_space<vmem>>, vector<1x1x16xf32>,
        %swap3A_1336 = vector.shape_cast %swap3A_1335 : vector<1x1x16xf32> to vector<16xf32>
        %swap3A_1337 = vector.shape_cast %add3A_1330 : vector<16xf32> to vector<1x1x16xf32>
        tpu.vector_store %arg9[%swap3A_1332, %swap3A_1333, %swap3A_1334], %swap3A_1337 {strides = array<i32>} : memref<2x16x1024xf32, #tpu.memory_space<vmem>>, vector<1x1x16xf32>,
        %get3A_1338 = arith.constant 0 : i32
        %get3A_1339 = arith.index_cast %get3A_1338 : i32 to index
        %get3A_1340 = arith.index_cast %scan3A_312 : i32 to index
        %get3A_1341 = arith.constant 912 : index
        %get3A_1342 = tpu.vector_load %arg8[%get3A_1339, %get3A_1340, %get3A_1341] {strides = array<i32>} : memref<2x16x1024xf32, #tpu.memory_space<vmem>>, vector<1x1x16xf32>,
        %get3A_1343 = vector.shape_cast %get3A_1342 : vector<1x1x16xf32> to vector<16xf32>
        %get3A_1344 = arith.index_cast %scan3A_312 : i32 to index
        %get3A_1345 = arith.constant 912 : index
        %get3A_1346 = tpu.vector_load %arg7[%get3A_1344, %get3A_1345] {strides = array<i32>} : memref<16x1024xf32, #tpu.memory_space<vmem>>, vector<1x16xf32>,
        %get3A_1347 = vector.shape_cast %get3A_1346 : vector<1x16xf32> to vector<16xf32>
        %add3A_1348 = arith.addf %get3A_1343, %get3A_1347 : vector<16xf32>
        %swap3A_1349 = arith.constant 0 : i32
        %swap3A_1350 = arith.index_cast %swap3A_1349 : i32 to index
        %swap3A_1351 = arith.index_cast %scan3A_312 : i32 to index
        %swap3A_1352 = arith.constant 912 : index
        %swap3A_1353 = tpu.vector_load %arg9[%swap3A_1350, %swap3A_1351, %swap3A_1352] {strides = array<i32>} : memref<2x16x1024xf32, #tpu.memory_space<vmem>>, vector<1x1x16xf32>,
        %swap3A_1354 = vector.shape_cast %swap3A_1353 : vector<1x1x16xf32> to vector<16xf32>
        %swap3A_1355 = vector.shape_cast %add3A_1348 : vector<16xf32> to vector<1x1x16xf32>
        tpu.vector_store %arg9[%swap3A_1350, %swap3A_1351, %swap3A_1352], %swap3A_1355 {strides = array<i32>} : memref<2x16x1024xf32, #tpu.memory_space<vmem>>, vector<1x1x16xf32>,
        %get3A_1356 = arith.constant 0 : i32
        %get3A_1357 = arith.index_cast %get3A_1356 : i32 to index
        %get3A_1358 = arith.index_cast %scan3A_312 : i32 to index
        %get3A_1359 = arith.constant 928 : index
        %get3A_1360 = tpu.vector_load %arg8[%get3A_1357, %get3A_1358, %get3A_1359] {strides = array<i32>} : memref<2x16x1024xf32, #tpu.memory_space<vmem>>, vector<1x1x16xf32>,
        %get3A_1361 = vector.shape_cast %get3A_1360 : vector<1x1x16xf32> to vector<16xf32>
        %get3A_1362 = arith.index_cast %scan3A_312 : i32 to index
        %get3A_1363 = arith.constant 928 : index
        %get3A_1364 = tpu.vector_load %arg7[%get3A_1362, %get3A_1363] {strides = array<i32>} : memref<16x1024xf32, #tpu.memory_space<vmem>>, vector<1x16xf32>,
        %get3A_1365 = vector.shape_cast %get3A_1364 : vector<1x16xf32> to vector<16xf32>
        %add3A_1366 = arith.addf %get3A_1361, %get3A_1365 : vector<16xf32>
        %swap3A_1367 = arith.constant 0 : i32
        %swap3A_1368 = arith.index_cast %swap3A_1367 : i32 to index
        %swap3A_1369 = arith.index_cast %scan3A_312 : i32 to index
        %swap3A_1370 = arith.constant 928 : index
        %swap3A_1371 = tpu.vector_load %arg9[%swap3A_1368, %swap3A_1369, %swap3A_1370] {strides = array<i32>} : memref<2x16x1024xf32, #tpu.memory_space<vmem>>, vector<1x1x16xf32>,
        %swap3A_1372 = vector.shape_cast %swap3A_1371 : vector<1x1x16xf32> to vector<16xf32>
        %swap3A_1373 = vector.shape_cast %add3A_1366 : vector<16xf32> to vector<1x1x16xf32>
        tpu.vector_store %arg9[%swap3A_1368, %swap3A_1369, %swap3A_1370], %swap3A_1373 {strides = array<i32>} : memref<2x16x1024xf32, #tpu.memory_space<vmem>>, vector<1x1x16xf32>,
        %get3A_1374 = arith.constant 0 : i32
        %get3A_1375 = arith.index_cast %get3A_1374 : i32 to index
        %get3A_1376 = arith.index_cast %scan3A_312 : i32 to index
        %get3A_1377 = arith.constant 944 : index
        %get3A_1378 = tpu.vector_load %arg8[%get3A_1375, %get3A_1376, %get3A_1377] {strides = array<i32>} : memref<2x16x1024xf32, #tpu.memory_space<vmem>>, vector<1x1x16xf32>,
        %get3A_1379 = vector.shape_cast %get3A_1378 : vector<1x1x16xf32> to vector<16xf32>
        %get3A_1380 = arith.index_cast %scan3A_312 : i32 to index
        %get3A_1381 = arith.constant 944 : index
        %get3A_1382 = tpu.vector_load %arg7[%get3A_1380, %get3A_1381] {strides = array<i32>} : memref<16x1024xf32, #tpu.memory_space<vmem>>, vector<1x16xf32>,
        %get3A_1383 = vector.shape_cast %get3A_1382 : vector<1x16xf32> to vector<16xf32>
        %add3A_1384 = arith.addf %get3A_1379, %get3A_1383 : vector<16xf32>
        %swap3A_1385 = arith.constant 0 : i32
        %swap3A_1386 = arith.index_cast %swap3A_1385 : i32 to index
        %swap3A_1387 = arith.index_cast %scan3A_312 : i32 to index
        %swap3A_1388 = arith.constant 944 : index
        %swap3A_1389 = tpu.vector_load %arg9[%swap3A_1386, %swap3A_1387, %swap3A_1388] {strides = array<i32>} : memref<2x16x1024xf32, #tpu.memory_space<vmem>>, vector<1x1x16xf32>,
        %swap3A_1390 = vector.shape_cast %swap3A_1389 : vector<1x1x16xf32> to vector<16xf32>
        %swap3A_1391 = vector.shape_cast %add3A_1384 : vector<16xf32> to vector<1x1x16xf32>
        tpu.vector_store %arg9[%swap3A_1386, %swap3A_1387, %swap3A_1388], %swap3A_1391 {strides = array<i32>} : memref<2x16x1024xf32, #tpu.memory_space<vmem>>, vector<1x1x16xf32>,
        %get3A_1392 = arith.constant 0 : i32
        %get3A_1393 = arith.index_cast %get3A_1392 : i32 to index
        %get3A_1394 = arith.index_cast %scan3A_312 : i32 to index
        %get3A_1395 = arith.constant 960 : index
        %get3A_1396 = tpu.vector_load %arg8[%get3A_1393, %get3A_1394, %get3A_1395] {strides = array<i32>} : memref<2x16x1024xf32, #tpu.memory_space<vmem>>, vector<1x1x16xf32>,
        %get3A_1397 = vector.shape_cast %get3A_1396 : vector<1x1x16xf32> to vector<16xf32>
        %get3A_1398 = arith.index_cast %scan3A_312 : i32 to index
        %get3A_1399 = arith.constant 960 : index
        %get3A_1400 = tpu.vector_load %arg7[%get3A_1398, %get3A_1399] {strides = array<i32>} : memref<16x1024xf32, #tpu.memory_space<vmem>>, vector<1x16xf32>,
        %get3A_1401 = vector.shape_cast %get3A_1400 : vector<1x16xf32> to vector<16xf32>
        %add3A_1402 = arith.addf %get3A_1397, %get3A_1401 : vector<16xf32>
        %swap3A_1403 = arith.constant 0 : i32
        %swap3A_1404 = arith.index_cast %swap3A_1403 : i32 to index
        %swap3A_1405 = arith.index_cast %scan3A_312 : i32 to index
        %swap3A_1406 = arith.constant 960 : index
        %swap3A_1407 = tpu.vector_load %arg9[%swap3A_1404, %swap3A_1405, %swap3A_1406] {strides = array<i32>} : memref<2x16x1024xf32, #tpu.memory_space<vmem>>, vector<1x1x16xf32>,
        %swap3A_1408 = vector.shape_cast %swap3A_1407 : vector<1x1x16xf32> to vector<16xf32>
        %swap3A_1409 = vector.shape_cast %add3A_1402 : vector<16xf32> to vector<1x1x16xf32>
        tpu.vector_store %arg9[%swap3A_1404, %swap3A_1405, %swap3A_1406], %swap3A_1409 {strides = array<i32>} : memref<2x16x1024xf32, #tpu.memory_space<vmem>>, vector<1x1x16xf32>,
        %get3A_1410 = arith.constant 0 : i32
        %get3A_1411 = arith.index_cast %get3A_1410 : i32 to index
        %get3A_1412 = arith.index_cast %scan3A_312 : i32 to index
        %get3A_1413 = arith.constant 976 : index
        %get3A_1414 = tpu.vector_load %arg8[%get3A_1411, %get3A_1412, %get3A_1413] {strides = array<i32>} : memref<2x16x1024xf32, #tpu.memory_space<vmem>>, vector<1x1x16xf32>,
        %get3A_1415 = vector.shape_cast %get3A_1414 : vector<1x1x16xf32> to vector<16xf32>
        %get3A_1416 = arith.index_cast %scan3A_312 : i32 to index
        %get3A_1417 = arith.constant 976 : index
        %get3A_1418 = tpu.vector_load %arg7[%get3A_1416, %get3A_1417] {strides = array<i32>} : memref<16x1024xf32, #tpu.memory_space<vmem>>, vector<1x16xf32>,
        %get3A_1419 = vector.shape_cast %get3A_1418 : vector<1x16xf32> to vector<16xf32>
        %add3A_1420 = arith.addf %get3A_1415, %get3A_1419 : vector<16xf32>
        %swap3A_1421 = arith.constant 0 : i32
        %swap3A_1422 = arith.index_cast %swap3A_1421 : i32 to index
        %swap3A_1423 = arith.index_cast %scan3A_312 : i32 to index
        %swap3A_1424 = arith.constant 976 : index
        %swap3A_1425 = tpu.vector_load %arg9[%swap3A_1422, %swap3A_1423, %swap3A_1424] {strides = array<i32>} : memref<2x16x1024xf32, #tpu.memory_space<vmem>>, vector<1x1x16xf32>,
        %swap3A_1426 = vector.shape_cast %swap3A_1425 : vector<1x1x16xf32> to vector<16xf32>
        %swap3A_1427 = vector.shape_cast %add3A_1420 : vector<16xf32> to vector<1x1x16xf32>
        tpu.vector_store %arg9[%swap3A_1422, %swap3A_1423, %swap3A_1424], %swap3A_1427 {strides = array<i32>} : memref<2x16x1024xf32, #tpu.memory_space<vmem>>, vector<1x1x16xf32>,
        %get3A_1428 = arith.constant 0 : i32
        %get3A_1429 = arith.index_cast %get3A_1428 : i32 to index
        %get3A_1430 = arith.index_cast %scan3A_312 : i32 to index
        %get3A_1431 = arith.constant 992 : index
        %get3A_1432 = tpu.vector_load %arg8[%get3A_1429, %get3A_1430, %get3A_1431] {strides = array<i32>} : memref<2x16x1024xf32, #tpu.memory_space<vmem>>, vector<1x1x16xf32>,
        %get3A_1433 = vector.shape_cast %get3A_1432 : vector<1x1x16xf32> to vector<16xf32>
        %get3A_1434 = arith.index_cast %scan3A_312 : i32 to index
        %get3A_1435 = arith.constant 992 : index
        %get3A_1436 = tpu.vector_load %arg7[%get3A_1434, %get3A_1435] {strides = array<i32>} : memref<16x1024xf32, #tpu.memory_space<vmem>>, vector<1x16xf32>,
        %get3A_1437 = vector.shape_cast %get3A_1436 : vector<1x16xf32> to vector<16xf32>
        %add3A_1438 = arith.addf %get3A_1433, %get3A_1437 : vector<16xf32>
        %swap3A_1439 = arith.constant 0 : i32
        %swap3A_1440 = arith.index_cast %swap3A_1439 : i32 to index
        %swap3A_1441 = arith.index_cast %scan3A_312 : i32 to index
        %swap3A_1442 = arith.constant 992 : index
        %swap3A_1443 = tpu.vector_load %arg9[%swap3A_1440, %swap3A_1441, %swap3A_1442] {strides = array<i32>} : memref<2x16x1024xf32, #tpu.memory_space<vmem>>, vector<1x1x16xf32>,
        %swap3A_1444 = vector.shape_cast %swap3A_1443 : vector<1x1x16xf32> to vector<16xf32>
        %swap3A_1445 = vector.shape_cast %add3A_1438 : vector<16xf32> to vector<1x1x16xf32>
        tpu.vector_store %arg9[%swap3A_1440, %swap3A_1441, %swap3A_1442], %swap3A_1445 {strides = array<i32>} : memref<2x16x1024xf32, #tpu.memory_space<vmem>>, vector<1x1x16xf32>,
        %get3A_1446 = arith.constant 0 : i32
        %get3A_1447 = arith.index_cast %get3A_1446 : i32 to index
        %get3A_1448 = arith.index_cast %scan3A_312 : i32 to index
        %get3A_1449 = arith.constant 1008 : index
        %get3A_1450 = tpu.vector_load %arg8[%get3A_1447, %get3A_1448, %get3A_1449] {strides = array<i32>} : memref<2x16x1024xf32, #tpu.memory_space<vmem>>, vector<1x1x16xf32>,
        %get3A_1451 = vector.shape_cast %get3A_1450 : vector<1x1x16xf32> to vector<16xf32>
        %get3A_1452 = arith.index_cast %scan3A_312 : i32 to index
        %get3A_1453 = arith.constant 1008 : index
        %get3A_1454 = tpu.vector_load %arg7[%get3A_1452, %get3A_1453] {strides = array<i32>} : memref<16x1024xf32, #tpu.memory_space<vmem>>, vector<1x16xf32>,
        %get3A_1455 = vector.shape_cast %get3A_1454 : vector<1x16xf32> to vector<16xf32>
        %add3A_1456 = arith.addf %get3A_1451, %get3A_1455 : vector<16xf32>
        %swap3A_1457 = arith.constant 0 : i32
        %swap3A_1458 = arith.index_cast %swap3A_1457 : i32 to index
        %swap3A_1459 = arith.index_cast %scan3A_312 : i32 to index
        %swap3A_1460 = arith.constant 1008 : index
        %swap3A_1461 = tpu.vector_load %arg9[%swap3A_1458, %swap3A_1459, %swap3A_1460] {strides = array<i32>} : memref<2x16x1024xf32, #tpu.memory_space<vmem>>, vector<1x1x16xf32>,
        %swap3A_1462 = vector.shape_cast %swap3A_1461 : vector<1x1x16xf32> to vector<16xf32>
        %swap3A_1463 = vector.shape_cast %add3A_1456 : vector<16xf32> to vector<1x1x16xf32>
        tpu.vector_store %arg9[%swap3A_1458, %swap3A_1459, %swap3A_1460], %swap3A_1463 {strides = array<i32>} : memref<2x16x1024xf32, #tpu.memory_space<vmem>>, vector<1x1x16xf32>,
        %scan3A_1464 = arith.constant 0 : i32
        scf.yield %scan3A_1464 : i32
      }
      %scan3A_143 = arith.constant 16 : i32
      %add3A_144 = arith.constant 2 : i32
      %add3A_145 = arith.addi %add3A_95, %add3A_144 : i32
      %lt3A = arith.constant 64 : i32
      %lt3A_146 = arith.cmpi slt, %add3A_145, %lt3A : i32
      %convert_element_type3A_147 = arith.extui %lt3A_146 : i1 to i32
      %cond3A_148 = arith.constant 0 : i32
      %cond3A_149 = arith.cmpi ne, %convert_element_type3A_147, %cond3A_148 : i32
      scf.if %cond3A_149 {
        %add3A_312 = arith.constant 2 : i32
        %add3A_313 = arith.addi %add3A_95, %add3A_312 : i32
        %jit3A_314 = arith.constant 4 : i32
        %div3A_315 = arith.divsi %add3A_313, %jit3A_314 : i32
        %sign3A_316 = arith.constant 0 : i32
        %sign3A_317 = arith.cmpi sgt, %add3A_313, %sign3A_316 : i32
        %sign3A_318 = arith.extui %sign3A_317 : i1 to i32
        %sign3A_319 = arith.constant 0 : i32
        %sign3A_320 = arith.cmpi slt, %add3A_313, %sign3A_319 : i32
        %sign3A_321 = arith.extui %sign3A_320 : i1 to i32
        %sign3A_322 = arith.subi %sign3A_318, %sign3A_321 : i32
        %sign3A_323 = arith.constant 0 : i32
        %sign3A_324 = arith.cmpi sgt, %jit3A_314, %sign3A_323 : i32
        %sign3A_325 = arith.extui %sign3A_324 : i1 to i32
        %sign3A_326 = arith.constant 0 : i32
        %sign3A_327 = arith.cmpi slt, %jit3A_314, %sign3A_326 : i32
        %sign3A_328 = arith.extui %sign3A_327 : i1 to i32
        %sign3A_329 = arith.subi %sign3A_325, %sign3A_328 : i32
        %ne3A_330 = arith.cmpi ne, %sign3A_322, %sign3A_329 : i32
        %rem3A_331 = arith.remsi %add3A_313, %jit3A_314 : i32
        %ne3A_332 = arith.constant 0 : i32
        %ne3A_333 = arith.cmpi ne, %rem3A_331, %ne3A_332 : i32
        %and3A_334 = arith.andi %ne3A_330, %ne3A_333 : i1
        %sub3A_335 = arith.constant 1 : i32
        %sub3A_336 = arith.subi %div3A_315, %sub3A_335 : i32
        %select_n3A_337 = arith.select %and3A_334, %sub3A_336, %div3A_315 : i32
        %rem3A_338 = arith.constant 4 : i32
        %rem3A_339 = arith.remsi %add3A_313, %rem3A_338 : i32
        %dma_start3A_340 = arith.constant 0 : i32
        %dma_start3A_341 = arith.constant 0 : i32
        %dma_start3A_342 = arith.constant 0 : i32
        %dma_start3A_343 = arith.constant 0 : i32
        %dma_start3A_344 = tpu.memref_slice %arg8[%dma_start3A_340, %dma_start3A_342, %dma_start3A_343] : memref<2x16x1024xf32, #tpu.memory_space<vmem>> -> memref<1x16x1024xf32, #tpu.memory_space<vmem>>
        %dma_start3A_345 = tpu.memref_squeeze %dma_start3A_344 : memref<1x16x1024xf32, #tpu.memory_space<vmem>> -> memref<16x1024xf32, #tpu.memory_space<vmem>>
        %dma_start3A_346 = arith.constant 0 : i32
        %dma_start3A_347 = tpu.memref_slice %arg6[%rem3A_339, %select_n3A_337, %dma_start3A_346] : memref<4x16x16xi32, #tpu.memory_space<vmem>> -> memref<1x1x16xi32, #tpu.memory_space<vmem>>
        %dma_start3A_348 = tpu.memref_squeeze %dma_start3A_347 : memref<1x1x16xi32, #tpu.memory_space<vmem>> -> memref<16xi32, #tpu.memory_space<vmem>>
        %dma_start3A_349 = arith.constant 0 : i32
        %dma_start3A_350 = arith.constant 0 : i32
        %dma_start3A_351 = tpu.memref_slice %arg3[%dma_start3A_349, %dma_start3A_350] : memref<100000x1024xf32, #tpu.memory_space<hbm>> -> memref<100000x1024xf32, #tpu.memory_space<hbm>>
        %dma_start3A_352 = tpu.memref_slice %arg10[%dma_start3A_341] : memref<2x!tpu.dma_semaphore, #tpu.memory_space<semaphore_mem>> -> memref<1x!tpu.dma_semaphore, #tpu.memory_space<semaphore_mem>>
        %dma_start3A_353 = tpu.memref_squeeze %dma_start3A_352 : memref<1x!tpu.dma_semaphore, #tpu.memory_space<semaphore_mem>> -> memref<!tpu.dma_semaphore, #tpu.memory_space<semaphore_mem>>
        tpu.enqueue_indirect_dma source(%dma_start3A_351 : memref<100000x1024xf32, #tpu.memory_space<hbm>>) target(%dma_start3A_345 : memref<16x1024xf32, #tpu.memory_space<vmem>>) offsets(%dma_start3A_348 : memref<16xi32, #tpu.memory_space<vmem>>) semaphore(%dma_start3A_353 : memref<!tpu.dma_semaphore, #tpu.memory_space<semaphore_mem>>)
      } else {
      }
      %jit3A_150 = arith.constant 4 : i32
      %div3A_151 = arith.divsi %add3A_95, %jit3A_150 : i32
      %sign3A_152 = arith.constant 0 : i32
      %sign3A_153 = arith.cmpi sgt, %add3A_95, %sign3A_152 : i32
      %sign3A_154 = arith.extui %sign3A_153 : i1 to i32
      %sign3A_155 = arith.constant 0 : i32
      %sign3A_156 = arith.cmpi slt, %add3A_95, %sign3A_155 : i32
      %sign3A_157 = arith.extui %sign3A_156 : i1 to i32
      %sign3A_158 = arith.subi %sign3A_154, %sign3A_157 : i32
      %sign3A_159 = arith.constant 0 : i32
      %sign3A_160 = arith.cmpi sgt, %jit3A_150, %sign3A_159 : i32
      %sign3A_161 = arith.extui %sign3A_160 : i1 to i32
      %sign3A_162 = arith.constant 0 : i32
      %sign3A_163 = arith.cmpi slt, %jit3A_150, %sign3A_162 : i32
      %sign3A_164 = arith.extui %sign3A_163 : i1 to i32
      %sign3A_165 = arith.subi %sign3A_161, %sign3A_164 : i32
      %ne3A_166 = arith.cmpi ne, %sign3A_158, %sign3A_165 : i32
      %rem3A_167 = arith.remsi %add3A_95, %jit3A_150 : i32
      %ne3A_168 = arith.constant 0 : i32
      %ne3A_169 = arith.cmpi ne, %rem3A_167, %ne3A_168 : i32
      %and3A_170 = arith.andi %ne3A_166, %ne3A_169 : i1
      %sub3A_171 = arith.constant 1 : i32
      %sub3A_172 = arith.subi %div3A_151, %sub3A_171 : i32
      %select_n3A_173 = arith.select %and3A_170, %sub3A_172, %div3A_151 : i32
      %rem3A_174 = arith.constant 4 : i32
      %rem3A_175 = arith.remsi %add3A_95, %rem3A_174 : i32
      %add3A_176 = arith.addi %mul3A_2, %select_n3A_173 : i32
      %mul3A_177 = arith.constant 16 : i32
      %mul3A_178 = arith.muli %add3A_176, %mul3A_177 : i32
      %dma_start3A_179 = arith.constant 0 : i32
      %dma_start3A_180 = arith.constant 0 : i32
      %dma_start3A_181 = arith.constant 0 : i32
      %dma_start3A_182 = arith.constant 0 : i32
      %dma_start3A_183 = tpu.memref_slice %arg9[%dma_start3A_179, %dma_start3A_181, %dma_start3A_182] : memref<2x16x1024xf32, #tpu.memory_space<vmem>> -> memref<1x16x1024xf32, #tpu.memory_space<vmem>>
      %dma_start3A_184 = tpu.memref_squeeze %dma_start3A_183 : memref<1x16x1024xf32, #tpu.memory_space<vmem>> -> memref<16x1024xf32, #tpu.memory_space<vmem>>
      %dma_start3A_185 = arith.constant 0 : i32
      %dma_start3A_186 = tpu.memref_slice %arg5[%rem3A_175, %mul3A_178, %dma_start3A_185] : memref<4x8192x1024xf32, #tpu.memory_space<hbm>> -> memref<1x16x1024xf32, #tpu.memory_space<hbm>>
      %dma_start3A_187 = tpu.memref_squeeze %dma_start3A_186 : memref<1x16x1024xf32, #tpu.memory_space<hbm>> -> memref<16x1024xf32, #tpu.memory_space<hbm>>
      %dma_start3A_188 = tpu.memref_slice %arg11[%dma_start3A_180] : memref<2x!tpu.dma_semaphore, #tpu.memory_space<semaphore_mem>> -> memref<1x!tpu.dma_semaphore, #tpu.memory_space<semaphore_mem>>
      %dma_start3A_189 = tpu.memref_squeeze %dma_start3A_188 : memref<1x!tpu.dma_semaphore, #tpu.memory_space<semaphore_mem>> -> memref<!tpu.dma_semaphore, #tpu.memory_space<semaphore_mem>>
      %dma_start3A_190 = arith.constant 0 : i32
      %dma_start3A_191 = tpu.memref_slice %arg5[%rem3A_175, %mul3A_178, %dma_start3A_190] : memref<4x8192x1024xf32, #tpu.memory_space<hbm>> -> memref<1x16x1024xf32, #tpu.memory_space<hbm>>
      %dma_start3A_192 = tpu.memref_squeeze %dma_start3A_191 : memref<1x16x1024xf32, #tpu.memory_space<hbm>> -> memref<16x1024xf32, #tpu.memory_space<hbm>>
      %dma_start3A_193 = arith.constant 0 : i32
      %dma_start3A_194 = arith.constant 0 : i32
      %dma_start3A_195 = tpu.memref_slice %arg9[%dma_start3A_179, %dma_start3A_193, %dma_start3A_194] : memref<2x16x1024xf32, #tpu.memory_space<vmem>> -> memref<1x16x1024xf32, #tpu.memory_space<vmem>>
      %dma_start3A_196 = tpu.memref_squeeze %dma_start3A_195 : memref<1x16x1024xf32, #tpu.memory_space<vmem>> -> memref<16x1024xf32, #tpu.memory_space<vmem>>
      tpu.enqueue_dma source(%dma_start3A_196 : memref<16x1024xf32, #tpu.memory_space<vmem>>) target(%dma_start3A_192 : memref<16x1024xf32, #tpu.memory_space<hbm>>) target_semaphore(%dma_start3A_189 : memref<!tpu.dma_semaphore, #tpu.memory_space<semaphore_mem>>)
      %add3A_197 = arith.constant 1 : i32
      %add3A_198 = arith.addi %add3A_93, %add3A_197 : i32
      %jit3A_199 = arith.constant 4 : i32
      %div3A_200 = arith.divsi %add3A_198, %jit3A_199 : i32
      %sign3A_201 = arith.constant 0 : i32
      %sign3A_202 = arith.cmpi sgt, %add3A_198, %sign3A_201 : i32
      %sign3A_203 = arith.extui %sign3A_202 : i1 to i32
      %sign3A_204 = arith.constant 0 : i32
      %sign3A_205 = arith.cmpi slt, %add3A_198, %sign3A_204 : i32
      %sign3A_206 = arith.extui %sign3A_205 : i1 to i32
      %sign3A_207 = arith.subi %sign3A_203, %sign3A_206 : i32
      %sign3A_208 = arith.constant 0 : i32
      %sign3A_209 = arith.cmpi sgt, %jit3A_199, %sign3A_208 : i32
      %sign3A_210 = arith.extui %sign3A_209 : i1 to i32
      %sign3A_211 = arith.constant 0 : i32
      %sign3A_212 = arith.cmpi slt, %jit3A_199, %sign3A_211 : i32
      %sign3A_213 = arith.extui %sign3A_212 : i1 to i32
      %sign3A_214 = arith.subi %sign3A_210, %sign3A_213 : i32
      %ne3A_215 = arith.cmpi ne, %sign3A_207, %sign3A_214 : i32
      %rem3A_216 = arith.remsi %add3A_198, %jit3A_199 : i32
      %ne3A_217 = arith.constant 0 : i32
      %ne3A_218 = arith.cmpi ne, %rem3A_216, %ne3A_217 : i32
      %and3A_219 = arith.andi %ne3A_215, %ne3A_218 : i1
      %sub3A_220 = arith.constant 1 : i32
      %sub3A_221 = arith.subi %div3A_200, %sub3A_220 : i32
      %select_n3A_222 = arith.select %and3A_219, %sub3A_221, %div3A_200 : i32
      %rem3A_223 = arith.constant 4 : i32
      %rem3A_224 = arith.remsi %add3A_198, %rem3A_223 : i32
      %eq3A_225 = arith.constant 0 : i32
      %eq3A_226 = arith.cmpi eq, %rem3A_224, %eq3A_225 : i32
      %convert_element_type3A_227 = arith.extui %eq3A_226 : i1 to i32
      %cond3A_228 = arith.constant 0 : i32
      %cond3A_229 = arith.cmpi ne, %convert_element_type3A_227, %cond3A_228 : i32
      scf.if %cond3A_229 {
        %add3A_312 = arith.addi %mul3A_2, %select_n3A_222 : i32
        %mul3A_313 = arith.constant 16 : i32
        %mul3A_314 = arith.muli %add3A_312, %mul3A_313 : i32
        "tpu.region"() ({
          %run_scoped3A_315 = tpu.sem_alloc : memref<!tpu.dma_semaphore, #tpu.memory_space<semaphore_mem>>
          %dma_start3A_316 = arith.constant 0 : i32
          %dma_start3A_317 = tpu.memref_slice %arg4[%mul3A_314, %dma_start3A_316] : memref<8192x1024xf32, #tpu.memory_space<hbm>> -> memref<16x1024xf32, #tpu.memory_space<hbm>>
          %dma_start3A_318 = arith.constant 0 : i32
          %dma_start3A_319 = tpu.memref_slice %arg4[%mul3A_314, %dma_start3A_318] : memref<8192x1024xf32, #tpu.memory_space<hbm>> -> memref<16x1024xf32, #tpu.memory_space<hbm>>
          tpu.enqueue_dma source(%dma_start3A_319 : memref<16x1024xf32, #tpu.memory_space<hbm>>) target(%arg7 : memref<16x1024xf32, #tpu.memory_space<vmem>>) target_semaphore(%run_scoped3A_315 : memref<!tpu.dma_semaphore, #tpu.memory_space<semaphore_mem>>)
          %dma_wait3A_320 = arith.constant 0 : i32
          %dma_wait3A_321 = tpu.memref_slice %arg4[%mul3A_314, %dma_wait3A_320] : memref<8192x1024xf32, #tpu.memory_space<hbm>> -> memref<16x1024xf32, #tpu.memory_space<hbm>>
          %dma_wait3A_322 = arith.constant 0 : i32
          %dma_wait3A_323 = tpu.memref_slice %arg4[%mul3A_314, %dma_wait3A_322] : memref<8192x1024xf32, #tpu.memory_space<hbm>> -> memref<16x1024xf32, #tpu.memory_space<hbm>>
          tpu.wait_dma2 semaphore(%run_scoped3A_315 : memref<!tpu.dma_semaphore, #tpu.memory_space<semaphore_mem>>) src(%dma_wait3A_323 : memref<16x1024xf32, #tpu.memory_space<hbm>>) dst(%arg7 : memref<16x1024xf32, #tpu.memory_space<vmem>>)
          tpu.yield
        }) : () -> ()
      } else {
      }
      %dma_wait3A_230 = arith.constant 0 : i32
      %dma_wait3A_231 = arith.constant 0 : i32
      %dma_wait3A_232 = arith.constant 1 : i32
      %dma_wait3A_233 = arith.constant 1 : i32
      %dma_wait3A_234 = arith.constant 0 : i32
      %dma_wait3A_235 = arith.constant 0 : i32
      %dma_wait3A_236 = tpu.memref_slice %arg8[%dma_wait3A_232, %dma_wait3A_234, %dma_wait3A_235] : memref<2x16x1024xf32, #tpu.memory_space<vmem>> -> memref<1x16x1024xf32, #tpu.memory_space<vmem>>
      %dma_wait3A_237 = tpu.memref_squeeze %dma_wait3A_236 : memref<1x16x1024xf32, #tpu.memory_space<vmem>> -> memref<16x1024xf32, #tpu.memory_space<vmem>>
      %dma_wait3A_238 = arith.constant 0 : i32
      %dma_wait3A_239 = tpu.memref_slice %arg6[%dma_wait3A_230, %dma_wait3A_231, %dma_wait3A_238] : memref<4x16x16xi32, #tpu.memory_space<vmem>> -> memref<1x1x16xi32, #tpu.memory_space<vmem>>
      %dma_wait3A_240 = tpu.memref_squeeze %dma_wait3A_239 : memref<1x1x16xi32, #tpu.memory_space<vmem>> -> memref<16xi32, #tpu.memory_space<vmem>>
      %dma_wait3A_241 = arith.constant 0 : i32
      %dma_wait3A_242 = arith.constant 0 : i32
      %dma_wait3A_243 = tpu.memref_slice %arg3[%dma_wait3A_241, %dma_wait3A_242] : memref<100000x1024xf32, #tpu.memory_space<hbm>> -> memref<100000x1024xf32, #tpu.memory_space<hbm>>
      %dma_wait3A_244 = tpu.memref_slice %arg10[%dma_wait3A_233] : memref<2x!tpu.dma_semaphore, #tpu.memory_space<semaphore_mem>> -> memref<1x!tpu.dma_semaphore, #tpu.memory_space<semaphore_mem>>
      %dma_wait3A_245 = tpu.memref_squeeze %dma_wait3A_244 : memref<1x!tpu.dma_semaphore, #tpu.memory_space<semaphore_mem>> -> memref<!tpu.dma_semaphore, #tpu.memory_space<semaphore_mem>>
      tpu.wait_indirect_dma semaphore(%dma_wait3A_245 : memref<!tpu.dma_semaphore, #tpu.memory_space<semaphore_mem>>) src(%dma_wait3A_243 : memref<100000x1024xf32, #tpu.memory_space<hbm>>) dst(%dma_wait3A_237 : memref<16x1024xf32, #tpu.memory_space<vmem>>)
      %ge3A_246 = arith.constant 2 : i32
      %ge3A_247 = arith.cmpi sge, %add3A_198, %ge3A_246 : i32
      %convert_element_type3A_248 = arith.extui %ge3A_247 : i1 to i32
      %cond3A_249 = arith.constant 0 : i32
      %cond3A_250 = arith.cmpi ne, %convert_element_type3A_248, %cond3A_249 : i32
      scf.if %cond3A_250 {
        %dma_wait3A_312 = arith.constant 1 : i32
        %dma_wait3A_313 = arith.constant 0 : i32
        %dma_wait3A_314 = arith.constant 1 : i32
        %dma_wait3A_315 = arith.constant 0 : i32
        %dma_wait3A_316 = arith.constant 0 : i32
        %dma_wait3A_317 = tpu.memref_slice %arg9[%dma_wait3A_312, %dma_wait3A_315, %dma_wait3A_316] : memref<2x16x1024xf32, #tpu.memory_space<vmem>> -> memref<1x16x1024xf32, #tpu.memory_space<vmem>>
        %dma_wait3A_318 = tpu.memref_squeeze %dma_wait3A_317 : memref<1x16x1024xf32, #tpu.memory_space<vmem>> -> memref<16x1024xf32, #tpu.memory_space<vmem>>
        %dma_wait3A_319 = arith.constant 0 : i32
        %dma_wait3A_320 = arith.constant 0 : i32
        %dma_wait3A_321 = tpu.memref_slice %arg5[%dma_wait3A_313, %dma_wait3A_319, %dma_wait3A_320] : memref<4x8192x1024xf32, #tpu.memory_space<hbm>> -> memref<1x16x1024xf32, #tpu.memory_space<hbm>>
        %dma_wait3A_322 = tpu.memref_squeeze %dma_wait3A_321 : memref<1x16x1024xf32, #tpu.memory_space<hbm>> -> memref<16x1024xf32, #tpu.memory_space<hbm>>
        %dma_wait3A_323 = tpu.memref_slice %arg11[%dma_wait3A_314] : memref<2x!tpu.dma_semaphore, #tpu.memory_space<semaphore_mem>> -> memref<1x!tpu.dma_semaphore, #tpu.memory_space<semaphore_mem>>
        %dma_wait3A_324 = tpu.memref_squeeze %dma_wait3A_323 : memref<1x!tpu.dma_semaphore, #tpu.memory_space<semaphore_mem>> -> memref<!tpu.dma_semaphore, #tpu.memory_space<semaphore_mem>>
        %dma_wait3A_325 = arith.constant 0 : i32
        %dma_wait3A_326 = arith.constant 0 : i32
        %dma_wait3A_327 = tpu.memref_slice %arg5[%dma_wait3A_313, %dma_wait3A_325, %dma_wait3A_326] : memref<4x8192x1024xf32, #tpu.memory_space<hbm>> -> memref<1x16x1024xf32, #tpu.memory_space<hbm>>
        %dma_wait3A_328 = tpu.memref_squeeze %dma_wait3A_327 : memref<1x16x1024xf32, #tpu.memory_space<hbm>> -> memref<16x1024xf32, #tpu.memory_space<hbm>>
        %dma_wait3A_329 = arith.constant 0 : i32
        %dma_wait3A_330 = arith.constant 0 : i32
        %dma_wait3A_331 = tpu.memref_slice %arg9[%dma_wait3A_312, %dma_wait3A_329, %dma_wait3A_330] : memref<2x16x1024xf32, #tpu.memory_space<vmem>> -> memref<1x16x1024xf32, #tpu.memory_space<vmem>>
        %dma_wait3A_332 = tpu.memref_squeeze %dma_wait3A_331 : memref<1x16x1024xf32, #tpu.memory_space<vmem>> -> memref<16x1024xf32, #tpu.memory_space<vmem>>
        tpu.wait_dma2 semaphore(%dma_wait3A_324 : memref<!tpu.dma_semaphore, #tpu.memory_space<semaphore_mem>>) src(%dma_wait3A_332 : memref<16x1024xf32, #tpu.memory_space<vmem>>) dst(%dma_wait3A_328 : memref<16x1024xf32, #tpu.memory_space<hbm>>)
      } else {
      }
      %scan3A_251 = arith.constant 0 : i32
      %scan3A_252 = arith.constant 0 : i32
      %scan3A_253 = arith.constant 16 : i32
      %scan3A_254 = arith.addi %scan3A_252, %scan3A_253 : i32
      %scan3A_255 = arith.constant 1 : i32
      %scan3A_256 = scf.for %scan3A_312 = %scan3A_252 to %scan3A_254 step %scan3A_255 iter_args(%scan3A_313 = %scan3A_251) -> (i32)  : i32 {
        %get3A = arith.constant 1 : i32
        %get3A_314 = arith.index_cast %get3A : i32 to index
        %get3A_315 = arith.index_cast %scan3A_312 : i32 to index
        %get3A_316 = arith.constant 0 : index
        %get3A_317 = tpu.vector_load %arg8[%get3A_314, %get3A_315, %get3A_316] {strides = array<i32>} : memref<2x16x1024xf32, #tpu.memory_space<vmem>>, vector<1x1x16xf32>,
        %get3A_318 = vector.shape_cast %get3A_317 : vector<1x1x16xf32> to vector<16xf32>
        %get3A_319 = arith.index_cast %scan3A_312 : i32 to index
        %get3A_320 = arith.constant 0 : index
        %get3A_321 = tpu.vector_load %arg7[%get3A_319, %get3A_320] {strides = array<i32>} : memref<16x1024xf32, #tpu.memory_space<vmem>>, vector<1x16xf32>,
        %get3A_322 = vector.shape_cast %get3A_321 : vector<1x16xf32> to vector<16xf32>
        %add3A_323 = arith.addf %get3A_318, %get3A_322 : vector<16xf32>
        %swap3A = arith.constant 1 : i32
        %swap3A_324 = arith.index_cast %swap3A : i32 to index
        %swap3A_325 = arith.index_cast %scan3A_312 : i32 to index
        %swap3A_326 = arith.constant 0 : index
        %swap3A_327 = tpu.vector_load %arg9[%swap3A_324, %swap3A_325, %swap3A_326] {strides = array<i32>} : memref<2x16x1024xf32, #tpu.memory_space<vmem>>, vector<1x1x16xf32>,
        %swap3A_328 = vector.shape_cast %swap3A_327 : vector<1x1x16xf32> to vector<16xf32>
        %swap3A_329 = vector.shape_cast %add3A_323 : vector<16xf32> to vector<1x1x16xf32>
        tpu.vector_store %arg9[%swap3A_324, %swap3A_325, %swap3A_326], %swap3A_329 {strides = array<i32>} : memref<2x16x1024xf32, #tpu.memory_space<vmem>>, vector<1x1x16xf32>,
        %get3A_330 = arith.constant 1 : i32
        %get3A_331 = arith.index_cast %get3A_330 : i32 to index
        %get3A_332 = arith.index_cast %scan3A_312 : i32 to index
        %get3A_333 = arith.constant 16 : index
        %get3A_334 = tpu.vector_load %arg8[%get3A_331, %get3A_332, %get3A_333] {strides = array<i32>} : memref<2x16x1024xf32, #tpu.memory_space<vmem>>, vector<1x1x16xf32>,
        %get3A_335 = vector.shape_cast %get3A_334 : vector<1x1x16xf32> to vector<16xf32>
        %get3A_336 = arith.index_cast %scan3A_312 : i32 to index
        %get3A_337 = arith.constant 16 : index
        %get3A_338 = tpu.vector_load %arg7[%get3A_336, %get3A_337] {strides = array<i32>} : memref<16x1024xf32, #tpu.memory_space<vmem>>, vector<1x16xf32>,
        %get3A_339 = vector.shape_cast %get3A_338 : vector<1x16xf32> to vector<16xf32>
        %add3A_340 = arith.addf %get3A_335, %get3A_339 : vector<16xf32>
        %swap3A_341 = arith.constant 1 : i32
        %swap3A_342 = arith.index_cast %swap3A_341 : i32 to index
        %swap3A_343 = arith.index_cast %scan3A_312 : i32 to index
        %swap3A_344 = arith.constant 16 : index
        %swap3A_345 = tpu.vector_load %arg9[%swap3A_342, %swap3A_343, %swap3A_344] {strides = array<i32>} : memref<2x16x1024xf32, #tpu.memory_space<vmem>>, vector<1x1x16xf32>,
        %swap3A_346 = vector.shape_cast %swap3A_345 : vector<1x1x16xf32> to vector<16xf32>
        %swap3A_347 = vector.shape_cast %add3A_340 : vector<16xf32> to vector<1x1x16xf32>
        tpu.vector_store %arg9[%swap3A_342, %swap3A_343, %swap3A_344], %swap3A_347 {strides = array<i32>} : memref<2x16x1024xf32, #tpu.memory_space<vmem>>, vector<1x1x16xf32>,
        %get3A_348 = arith.constant 1 : i32
        %get3A_349 = arith.index_cast %get3A_348 : i32 to index
        %get3A_350 = arith.index_cast %scan3A_312 : i32 to index
        %get3A_351 = arith.constant 32 : index
        %get3A_352 = tpu.vector_load %arg8[%get3A_349, %get3A_350, %get3A_351] {strides = array<i32>} : memref<2x16x1024xf32, #tpu.memory_space<vmem>>, vector<1x1x16xf32>,
        %get3A_353 = vector.shape_cast %get3A_352 : vector<1x1x16xf32> to vector<16xf32>
        %get3A_354 = arith.index_cast %scan3A_312 : i32 to index
        %get3A_355 = arith.constant 32 : index
        %get3A_356 = tpu.vector_load %arg7[%get3A_354, %get3A_355] {strides = array<i32>} : memref<16x1024xf32, #tpu.memory_space<vmem>>, vector<1x16xf32>,
        %get3A_357 = vector.shape_cast %get3A_356 : vector<1x16xf32> to vector<16xf32>
        %add3A_358 = arith.addf %get3A_353, %get3A_357 : vector<16xf32>
        %swap3A_359 = arith.constant 1 : i32
        %swap3A_360 = arith.index_cast %swap3A_359 : i32 to index
        %swap3A_361 = arith.index_cast %scan3A_312 : i32 to index
        %swap3A_362 = arith.constant 32 : index
        %swap3A_363 = tpu.vector_load %arg9[%swap3A_360, %swap3A_361, %swap3A_362] {strides = array<i32>} : memref<2x16x1024xf32, #tpu.memory_space<vmem>>, vector<1x1x16xf32>,
        %swap3A_364 = vector.shape_cast %swap3A_363 : vector<1x1x16xf32> to vector<16xf32>
        %swap3A_365 = vector.shape_cast %add3A_358 : vector<16xf32> to vector<1x1x16xf32>
        tpu.vector_store %arg9[%swap3A_360, %swap3A_361, %swap3A_362], %swap3A_365 {strides = array<i32>} : memref<2x16x1024xf32, #tpu.memory_space<vmem>>, vector<1x1x16xf32>,
        %get3A_366 = arith.constant 1 : i32
        %get3A_367 = arith.index_cast %get3A_366 : i32 to index
        %get3A_368 = arith.index_cast %scan3A_312 : i32 to index
        %get3A_369 = arith.constant 48 : index
        %get3A_370 = tpu.vector_load %arg8[%get3A_367, %get3A_368, %get3A_369] {strides = array<i32>} : memref<2x16x1024xf32, #tpu.memory_space<vmem>>, vector<1x1x16xf32>,
        %get3A_371 = vector.shape_cast %get3A_370 : vector<1x1x16xf32> to vector<16xf32>
        %get3A_372 = arith.index_cast %scan3A_312 : i32 to index
        %get3A_373 = arith.constant 48 : index
        %get3A_374 = tpu.vector_load %arg7[%get3A_372, %get3A_373] {strides = array<i32>} : memref<16x1024xf32, #tpu.memory_space<vmem>>, vector<1x16xf32>,
        %get3A_375 = vector.shape_cast %get3A_374 : vector<1x16xf32> to vector<16xf32>
        %add3A_376 = arith.addf %get3A_371, %get3A_375 : vector<16xf32>
        %swap3A_377 = arith.constant 1 : i32
        %swap3A_378 = arith.index_cast %swap3A_377 : i32 to index
        %swap3A_379 = arith.index_cast %scan3A_312 : i32 to index
        %swap3A_380 = arith.constant 48 : index
        %swap3A_381 = tpu.vector_load %arg9[%swap3A_378, %swap3A_379, %swap3A_380] {strides = array<i32>} : memref<2x16x1024xf32, #tpu.memory_space<vmem>>, vector<1x1x16xf32>,
        %swap3A_382 = vector.shape_cast %swap3A_381 : vector<1x1x16xf32> to vector<16xf32>
        %swap3A_383 = vector.shape_cast %add3A_376 : vector<16xf32> to vector<1x1x16xf32>
        tpu.vector_store %arg9[%swap3A_378, %swap3A_379, %swap3A_380], %swap3A_383 {strides = array<i32>} : memref<2x16x1024xf32, #tpu.memory_space<vmem>>, vector<1x1x16xf32>,
        %get3A_384 = arith.constant 1 : i32
        %get3A_385 = arith.index_cast %get3A_384 : i32 to index
        %get3A_386 = arith.index_cast %scan3A_312 : i32 to index
        %get3A_387 = arith.constant 64 : index
        %get3A_388 = tpu.vector_load %arg8[%get3A_385, %get3A_386, %get3A_387] {strides = array<i32>} : memref<2x16x1024xf32, #tpu.memory_space<vmem>>, vector<1x1x16xf32>,
        %get3A_389 = vector.shape_cast %get3A_388 : vector<1x1x16xf32> to vector<16xf32>
        %get3A_390 = arith.index_cast %scan3A_312 : i32 to index
        %get3A_391 = arith.constant 64 : index
        %get3A_392 = tpu.vector_load %arg7[%get3A_390, %get3A_391] {strides = array<i32>} : memref<16x1024xf32, #tpu.memory_space<vmem>>, vector<1x16xf32>,
        %get3A_393 = vector.shape_cast %get3A_392 : vector<1x16xf32> to vector<16xf32>
        %add3A_394 = arith.addf %get3A_389, %get3A_393 : vector<16xf32>
        %swap3A_395 = arith.constant 1 : i32
        %swap3A_396 = arith.index_cast %swap3A_395 : i32 to index
        %swap3A_397 = arith.index_cast %scan3A_312 : i32 to index
        %swap3A_398 = arith.constant 64 : index
        %swap3A_399 = tpu.vector_load %arg9[%swap3A_396, %swap3A_397, %swap3A_398] {strides = array<i32>} : memref<2x16x1024xf32, #tpu.memory_space<vmem>>, vector<1x1x16xf32>,
        %swap3A_400 = vector.shape_cast %swap3A_399 : vector<1x1x16xf32> to vector<16xf32>
        %swap3A_401 = vector.shape_cast %add3A_394 : vector<16xf32> to vector<1x1x16xf32>
        tpu.vector_store %arg9[%swap3A_396, %swap3A_397, %swap3A_398], %swap3A_401 {strides = array<i32>} : memref<2x16x1024xf32, #tpu.memory_space<vmem>>, vector<1x1x16xf32>,
        %get3A_402 = arith.constant 1 : i32
        %get3A_403 = arith.index_cast %get3A_402 : i32 to index
        %get3A_404 = arith.index_cast %scan3A_312 : i32 to index
        %get3A_405 = arith.constant 80 : index
        %get3A_406 = tpu.vector_load %arg8[%get3A_403, %get3A_404, %get3A_405] {strides = array<i32>} : memref<2x16x1024xf32, #tpu.memory_space<vmem>>, vector<1x1x16xf32>,
        %get3A_407 = vector.shape_cast %get3A_406 : vector<1x1x16xf32> to vector<16xf32>
        %get3A_408 = arith.index_cast %scan3A_312 : i32 to index
        %get3A_409 = arith.constant 80 : index
        %get3A_410 = tpu.vector_load %arg7[%get3A_408, %get3A_409] {strides = array<i32>} : memref<16x1024xf32, #tpu.memory_space<vmem>>, vector<1x16xf32>,
        %get3A_411 = vector.shape_cast %get3A_410 : vector<1x16xf32> to vector<16xf32>
        %add3A_412 = arith.addf %get3A_407, %get3A_411 : vector<16xf32>
        %swap3A_413 = arith.constant 1 : i32
        %swap3A_414 = arith.index_cast %swap3A_413 : i32 to index
        %swap3A_415 = arith.index_cast %scan3A_312 : i32 to index
        %swap3A_416 = arith.constant 80 : index
        %swap3A_417 = tpu.vector_load %arg9[%swap3A_414, %swap3A_415, %swap3A_416] {strides = array<i32>} : memref<2x16x1024xf32, #tpu.memory_space<vmem>>, vector<1x1x16xf32>,
        %swap3A_418 = vector.shape_cast %swap3A_417 : vector<1x1x16xf32> to vector<16xf32>
        %swap3A_419 = vector.shape_cast %add3A_412 : vector<16xf32> to vector<1x1x16xf32>
        tpu.vector_store %arg9[%swap3A_414, %swap3A_415, %swap3A_416], %swap3A_419 {strides = array<i32>} : memref<2x16x1024xf32, #tpu.memory_space<vmem>>, vector<1x1x16xf32>,
        %get3A_420 = arith.constant 1 : i32
        %get3A_421 = arith.index_cast %get3A_420 : i32 to index
        %get3A_422 = arith.index_cast %scan3A_312 : i32 to index
        %get3A_423 = arith.constant 96 : index
        %get3A_424 = tpu.vector_load %arg8[%get3A_421, %get3A_422, %get3A_423] {strides = array<i32>} : memref<2x16x1024xf32, #tpu.memory_space<vmem>>, vector<1x1x16xf32>,
        %get3A_425 = vector.shape_cast %get3A_424 : vector<1x1x16xf32> to vector<16xf32>
        %get3A_426 = arith.index_cast %scan3A_312 : i32 to index
        %get3A_427 = arith.constant 96 : index
        %get3A_428 = tpu.vector_load %arg7[%get3A_426, %get3A_427] {strides = array<i32>} : memref<16x1024xf32, #tpu.memory_space<vmem>>, vector<1x16xf32>,
        %get3A_429 = vector.shape_cast %get3A_428 : vector<1x16xf32> to vector<16xf32>
        %add3A_430 = arith.addf %get3A_425, %get3A_429 : vector<16xf32>
        %swap3A_431 = arith.constant 1 : i32
        %swap3A_432 = arith.index_cast %swap3A_431 : i32 to index
        %swap3A_433 = arith.index_cast %scan3A_312 : i32 to index
        %swap3A_434 = arith.constant 96 : index
        %swap3A_435 = tpu.vector_load %arg9[%swap3A_432, %swap3A_433, %swap3A_434] {strides = array<i32>} : memref<2x16x1024xf32, #tpu.memory_space<vmem>>, vector<1x1x16xf32>,
        %swap3A_436 = vector.shape_cast %swap3A_435 : vector<1x1x16xf32> to vector<16xf32>
        %swap3A_437 = vector.shape_cast %add3A_430 : vector<16xf32> to vector<1x1x16xf32>
        tpu.vector_store %arg9[%swap3A_432, %swap3A_433, %swap3A_434], %swap3A_437 {strides = array<i32>} : memref<2x16x1024xf32, #tpu.memory_space<vmem>>, vector<1x1x16xf32>,
        %get3A_438 = arith.constant 1 : i32
        %get3A_439 = arith.index_cast %get3A_438 : i32 to index
        %get3A_440 = arith.index_cast %scan3A_312 : i32 to index
        %get3A_441 = arith.constant 112 : index
        %get3A_442 = tpu.vector_load %arg8[%get3A_439, %get3A_440, %get3A_441] {strides = array<i32>} : memref<2x16x1024xf32, #tpu.memory_space<vmem>>, vector<1x1x16xf32>,
        %get3A_443 = vector.shape_cast %get3A_442 : vector<1x1x16xf32> to vector<16xf32>
        %get3A_444 = arith.index_cast %scan3A_312 : i32 to index
        %get3A_445 = arith.constant 112 : index
        %get3A_446 = tpu.vector_load %arg7[%get3A_444, %get3A_445] {strides = array<i32>} : memref<16x1024xf32, #tpu.memory_space<vmem>>, vector<1x16xf32>,
        %get3A_447 = vector.shape_cast %get3A_446 : vector<1x16xf32> to vector<16xf32>
        %add3A_448 = arith.addf %get3A_443, %get3A_447 : vector<16xf32>
        %swap3A_449 = arith.constant 1 : i32
        %swap3A_450 = arith.index_cast %swap3A_449 : i32 to index
        %swap3A_451 = arith.index_cast %scan3A_312 : i32 to index
        %swap3A_452 = arith.constant 112 : index
        %swap3A_453 = tpu.vector_load %arg9[%swap3A_450, %swap3A_451, %swap3A_452] {strides = array<i32>} : memref<2x16x1024xf32, #tpu.memory_space<vmem>>, vector<1x1x16xf32>,
        %swap3A_454 = vector.shape_cast %swap3A_453 : vector<1x1x16xf32> to vector<16xf32>
        %swap3A_455 = vector.shape_cast %add3A_448 : vector<16xf32> to vector<1x1x16xf32>
        tpu.vector_store %arg9[%swap3A_450, %swap3A_451, %swap3A_452], %swap3A_455 {strides = array<i32>} : memref<2x16x1024xf32, #tpu.memory_space<vmem>>, vector<1x1x16xf32>,
        %get3A_456 = arith.constant 1 : i32
        %get3A_457 = arith.index_cast %get3A_456 : i32 to index
        %get3A_458 = arith.index_cast %scan3A_312 : i32 to index
        %get3A_459 = arith.constant 128 : index
        %get3A_460 = tpu.vector_load %arg8[%get3A_457, %get3A_458, %get3A_459] {strides = array<i32>} : memref<2x16x1024xf32, #tpu.memory_space<vmem>>, vector<1x1x16xf32>,
        %get3A_461 = vector.shape_cast %get3A_460 : vector<1x1x16xf32> to vector<16xf32>
        %get3A_462 = arith.index_cast %scan3A_312 : i32 to index
        %get3A_463 = arith.constant 128 : index
        %get3A_464 = tpu.vector_load %arg7[%get3A_462, %get3A_463] {strides = array<i32>} : memref<16x1024xf32, #tpu.memory_space<vmem>>, vector<1x16xf32>,
        %get3A_465 = vector.shape_cast %get3A_464 : vector<1x16xf32> to vector<16xf32>
        %add3A_466 = arith.addf %get3A_461, %get3A_465 : vector<16xf32>
        %swap3A_467 = arith.constant 1 : i32
        %swap3A_468 = arith.index_cast %swap3A_467 : i32 to index
        %swap3A_469 = arith.index_cast %scan3A_312 : i32 to index
        %swap3A_470 = arith.constant 128 : index
        %swap3A_471 = tpu.vector_load %arg9[%swap3A_468, %swap3A_469, %swap3A_470] {strides = array<i32>} : memref<2x16x1024xf32, #tpu.memory_space<vmem>>, vector<1x1x16xf32>,
        %swap3A_472 = vector.shape_cast %swap3A_471 : vector<1x1x16xf32> to vector<16xf32>
        %swap3A_473 = vector.shape_cast %add3A_466 : vector<16xf32> to vector<1x1x16xf32>
        tpu.vector_store %arg9[%swap3A_468, %swap3A_469, %swap3A_470], %swap3A_473 {strides = array<i32>} : memref<2x16x1024xf32, #tpu.memory_space<vmem>>, vector<1x1x16xf32>,
        %get3A_474 = arith.constant 1 : i32
        %get3A_475 = arith.index_cast %get3A_474 : i32 to index
        %get3A_476 = arith.index_cast %scan3A_312 : i32 to index
        %get3A_477 = arith.constant 144 : index
        %get3A_478 = tpu.vector_load %arg8[%get3A_475, %get3A_476, %get3A_477] {strides = array<i32>} : memref<2x16x1024xf32, #tpu.memory_space<vmem>>, vector<1x1x16xf32>,
        %get3A_479 = vector.shape_cast %get3A_478 : vector<1x1x16xf32> to vector<16xf32>
        %get3A_480 = arith.index_cast %scan3A_312 : i32 to index
        %get3A_481 = arith.constant 144 : index
        %get3A_482 = tpu.vector_load %arg7[%get3A_480, %get3A_481] {strides = array<i32>} : memref<16x1024xf32, #tpu.memory_space<vmem>>, vector<1x16xf32>,
        %get3A_483 = vector.shape_cast %get3A_482 : vector<1x16xf32> to vector<16xf32>
        %add3A_484 = arith.addf %get3A_479, %get3A_483 : vector<16xf32>
        %swap3A_485 = arith.constant 1 : i32
        %swap3A_486 = arith.index_cast %swap3A_485 : i32 to index
        %swap3A_487 = arith.index_cast %scan3A_312 : i32 to index
        %swap3A_488 = arith.constant 144 : index
        %swap3A_489 = tpu.vector_load %arg9[%swap3A_486, %swap3A_487, %swap3A_488] {strides = array<i32>} : memref<2x16x1024xf32, #tpu.memory_space<vmem>>, vector<1x1x16xf32>,
        %swap3A_490 = vector.shape_cast %swap3A_489 : vector<1x1x16xf32> to vector<16xf32>
        %swap3A_491 = vector.shape_cast %add3A_484 : vector<16xf32> to vector<1x1x16xf32>
        tpu.vector_store %arg9[%swap3A_486, %swap3A_487, %swap3A_488], %swap3A_491 {strides = array<i32>} : memref<2x16x1024xf32, #tpu.memory_space<vmem>>, vector<1x1x16xf32>,
        %get3A_492 = arith.constant 1 : i32
        %get3A_493 = arith.index_cast %get3A_492 : i32 to index
        %get3A_494 = arith.index_cast %scan3A_312 : i32 to index
        %get3A_495 = arith.constant 160 : index
        %get3A_496 = tpu.vector_load %arg8[%get3A_493, %get3A_494, %get3A_495] {strides = array<i32>} : memref<2x16x1024xf32, #tpu.memory_space<vmem>>, vector<1x1x16xf32>,
        %get3A_497 = vector.shape_cast %get3A_496 : vector<1x1x16xf32> to vector<16xf32>
        %get3A_498 = arith.index_cast %scan3A_312 : i32 to index
        %get3A_499 = arith.constant 160 : index
        %get3A_500 = tpu.vector_load %arg7[%get3A_498, %get3A_499] {strides = array<i32>} : memref<16x1024xf32, #tpu.memory_space<vmem>>, vector<1x16xf32>,
        %get3A_501 = vector.shape_cast %get3A_500 : vector<1x16xf32> to vector<16xf32>
        %add3A_502 = arith.addf %get3A_497, %get3A_501 : vector<16xf32>
        %swap3A_503 = arith.constant 1 : i32
        %swap3A_504 = arith.index_cast %swap3A_503 : i32 to index
        %swap3A_505 = arith.index_cast %scan3A_312 : i32 to index
        %swap3A_506 = arith.constant 160 : index
        %swap3A_507 = tpu.vector_load %arg9[%swap3A_504, %swap3A_505, %swap3A_506] {strides = array<i32>} : memref<2x16x1024xf32, #tpu.memory_space<vmem>>, vector<1x1x16xf32>,
        %swap3A_508 = vector.shape_cast %swap3A_507 : vector<1x1x16xf32> to vector<16xf32>
        %swap3A_509 = vector.shape_cast %add3A_502 : vector<16xf32> to vector<1x1x16xf32>
        tpu.vector_store %arg9[%swap3A_504, %swap3A_505, %swap3A_506], %swap3A_509 {strides = array<i32>} : memref<2x16x1024xf32, #tpu.memory_space<vmem>>, vector<1x1x16xf32>,
        %get3A_510 = arith.constant 1 : i32
        %get3A_511 = arith.index_cast %get3A_510 : i32 to index
        %get3A_512 = arith.index_cast %scan3A_312 : i32 to index
        %get3A_513 = arith.constant 176 : index
        %get3A_514 = tpu.vector_load %arg8[%get3A_511, %get3A_512, %get3A_513] {strides = array<i32>} : memref<2x16x1024xf32, #tpu.memory_space<vmem>>, vector<1x1x16xf32>,
        %get3A_515 = vector.shape_cast %get3A_514 : vector<1x1x16xf32> to vector<16xf32>
        %get3A_516 = arith.index_cast %scan3A_312 : i32 to index
        %get3A_517 = arith.constant 176 : index
        %get3A_518 = tpu.vector_load %arg7[%get3A_516, %get3A_517] {strides = array<i32>} : memref<16x1024xf32, #tpu.memory_space<vmem>>, vector<1x16xf32>,
        %get3A_519 = vector.shape_cast %get3A_518 : vector<1x16xf32> to vector<16xf32>
        %add3A_520 = arith.addf %get3A_515, %get3A_519 : vector<16xf32>
        %swap3A_521 = arith.constant 1 : i32
        %swap3A_522 = arith.index_cast %swap3A_521 : i32 to index
        %swap3A_523 = arith.index_cast %scan3A_312 : i32 to index
        %swap3A_524 = arith.constant 176 : index
        %swap3A_525 = tpu.vector_load %arg9[%swap3A_522, %swap3A_523, %swap3A_524] {strides = array<i32>} : memref<2x16x1024xf32, #tpu.memory_space<vmem>>, vector<1x1x16xf32>,
        %swap3A_526 = vector.shape_cast %swap3A_525 : vector<1x1x16xf32> to vector<16xf32>
        %swap3A_527 = vector.shape_cast %add3A_520 : vector<16xf32> to vector<1x1x16xf32>
        tpu.vector_store %arg9[%swap3A_522, %swap3A_523, %swap3A_524], %swap3A_527 {strides = array<i32>} : memref<2x16x1024xf32, #tpu.memory_space<vmem>>, vector<1x1x16xf32>,
        %get3A_528 = arith.constant 1 : i32
        %get3A_529 = arith.index_cast %get3A_528 : i32 to index
        %get3A_530 = arith.index_cast %scan3A_312 : i32 to index
        %get3A_531 = arith.constant 192 : index
        %get3A_532 = tpu.vector_load %arg8[%get3A_529, %get3A_530, %get3A_531] {strides = array<i32>} : memref<2x16x1024xf32, #tpu.memory_space<vmem>>, vector<1x1x16xf32>,
        %get3A_533 = vector.shape_cast %get3A_532 : vector<1x1x16xf32> to vector<16xf32>
        %get3A_534 = arith.index_cast %scan3A_312 : i32 to index
        %get3A_535 = arith.constant 192 : index
        %get3A_536 = tpu.vector_load %arg7[%get3A_534, %get3A_535] {strides = array<i32>} : memref<16x1024xf32, #tpu.memory_space<vmem>>, vector<1x16xf32>,
        %get3A_537 = vector.shape_cast %get3A_536 : vector<1x16xf32> to vector<16xf32>
        %add3A_538 = arith.addf %get3A_533, %get3A_537 : vector<16xf32>
        %swap3A_539 = arith.constant 1 : i32
        %swap3A_540 = arith.index_cast %swap3A_539 : i32 to index
        %swap3A_541 = arith.index_cast %scan3A_312 : i32 to index
        %swap3A_542 = arith.constant 192 : index
        %swap3A_543 = tpu.vector_load %arg9[%swap3A_540, %swap3A_541, %swap3A_542] {strides = array<i32>} : memref<2x16x1024xf32, #tpu.memory_space<vmem>>, vector<1x1x16xf32>,
        %swap3A_544 = vector.shape_cast %swap3A_543 : vector<1x1x16xf32> to vector<16xf32>
        %swap3A_545 = vector.shape_cast %add3A_538 : vector<16xf32> to vector<1x1x16xf32>
        tpu.vector_store %arg9[%swap3A_540, %swap3A_541, %swap3A_542], %swap3A_545 {strides = array<i32>} : memref<2x16x1024xf32, #tpu.memory_space<vmem>>, vector<1x1x16xf32>,
        %get3A_546 = arith.constant 1 : i32
        %get3A_547 = arith.index_cast %get3A_546 : i32 to index
        %get3A_548 = arith.index_cast %scan3A_312 : i32 to index
        %get3A_549 = arith.constant 208 : index
        %get3A_550 = tpu.vector_load %arg8[%get3A_547, %get3A_548, %get3A_549] {strides = array<i32>} : memref<2x16x1024xf32, #tpu.memory_space<vmem>>, vector<1x1x16xf32>,
        %get3A_551 = vector.shape_cast %get3A_550 : vector<1x1x16xf32> to vector<16xf32>
        %get3A_552 = arith.index_cast %scan3A_312 : i32 to index
        %get3A_553 = arith.constant 208 : index
        %get3A_554 = tpu.vector_load %arg7[%get3A_552, %get3A_553] {strides = array<i32>} : memref<16x1024xf32, #tpu.memory_space<vmem>>, vector<1x16xf32>,
        %get3A_555 = vector.shape_cast %get3A_554 : vector<1x16xf32> to vector<16xf32>
        %add3A_556 = arith.addf %get3A_551, %get3A_555 : vector<16xf32>
        %swap3A_557 = arith.constant 1 : i32
        %swap3A_558 = arith.index_cast %swap3A_557 : i32 to index
        %swap3A_559 = arith.index_cast %scan3A_312 : i32 to index
        %swap3A_560 = arith.constant 208 : index
        %swap3A_561 = tpu.vector_load %arg9[%swap3A_558, %swap3A_559, %swap3A_560] {strides = array<i32>} : memref<2x16x1024xf32, #tpu.memory_space<vmem>>, vector<1x1x16xf32>,
        %swap3A_562 = vector.shape_cast %swap3A_561 : vector<1x1x16xf32> to vector<16xf32>
        %swap3A_563 = vector.shape_cast %add3A_556 : vector<16xf32> to vector<1x1x16xf32>
        tpu.vector_store %arg9[%swap3A_558, %swap3A_559, %swap3A_560], %swap3A_563 {strides = array<i32>} : memref<2x16x1024xf32, #tpu.memory_space<vmem>>, vector<1x1x16xf32>,
        %get3A_564 = arith.constant 1 : i32
        %get3A_565 = arith.index_cast %get3A_564 : i32 to index
        %get3A_566 = arith.index_cast %scan3A_312 : i32 to index
        %get3A_567 = arith.constant 224 : index
        %get3A_568 = tpu.vector_load %arg8[%get3A_565, %get3A_566, %get3A_567] {strides = array<i32>} : memref<2x16x1024xf32, #tpu.memory_space<vmem>>, vector<1x1x16xf32>,
        %get3A_569 = vector.shape_cast %get3A_568 : vector<1x1x16xf32> to vector<16xf32>
        %get3A_570 = arith.index_cast %scan3A_312 : i32 to index
        %get3A_571 = arith.constant 224 : index
        %get3A_572 = tpu.vector_load %arg7[%get3A_570, %get3A_571] {strides = array<i32>} : memref<16x1024xf32, #tpu.memory_space<vmem>>, vector<1x16xf32>,
        %get3A_573 = vector.shape_cast %get3A_572 : vector<1x16xf32> to vector<16xf32>
        %add3A_574 = arith.addf %get3A_569, %get3A_573 : vector<16xf32>
        %swap3A_575 = arith.constant 1 : i32
        %swap3A_576 = arith.index_cast %swap3A_575 : i32 to index
        %swap3A_577 = arith.index_cast %scan3A_312 : i32 to index
        %swap3A_578 = arith.constant 224 : index
        %swap3A_579 = tpu.vector_load %arg9[%swap3A_576, %swap3A_577, %swap3A_578] {strides = array<i32>} : memref<2x16x1024xf32, #tpu.memory_space<vmem>>, vector<1x1x16xf32>,
        %swap3A_580 = vector.shape_cast %swap3A_579 : vector<1x1x16xf32> to vector<16xf32>
        %swap3A_581 = vector.shape_cast %add3A_574 : vector<16xf32> to vector<1x1x16xf32>
        tpu.vector_store %arg9[%swap3A_576, %swap3A_577, %swap3A_578], %swap3A_581 {strides = array<i32>} : memref<2x16x1024xf32, #tpu.memory_space<vmem>>, vector<1x1x16xf32>,
        %get3A_582 = arith.constant 1 : i32
        %get3A_583 = arith.index_cast %get3A_582 : i32 to index
        %get3A_584 = arith.index_cast %scan3A_312 : i32 to index
        %get3A_585 = arith.constant 240 : index
        %get3A_586 = tpu.vector_load %arg8[%get3A_583, %get3A_584, %get3A_585] {strides = array<i32>} : memref<2x16x1024xf32, #tpu.memory_space<vmem>>, vector<1x1x16xf32>,
        %get3A_587 = vector.shape_cast %get3A_586 : vector<1x1x16xf32> to vector<16xf32>
        %get3A_588 = arith.index_cast %scan3A_312 : i32 to index
        %get3A_589 = arith.constant 240 : index
        %get3A_590 = tpu.vector_load %arg7[%get3A_588, %get3A_589] {strides = array<i32>} : memref<16x1024xf32, #tpu.memory_space<vmem>>, vector<1x16xf32>,
        %get3A_591 = vector.shape_cast %get3A_590 : vector<1x16xf32> to vector<16xf32>
        %add3A_592 = arith.addf %get3A_587, %get3A_591 : vector<16xf32>
        %swap3A_593 = arith.constant 1 : i32
        %swap3A_594 = arith.index_cast %swap3A_593 : i32 to index
        %swap3A_595 = arith.index_cast %scan3A_312 : i32 to index
        %swap3A_596 = arith.constant 240 : index
        %swap3A_597 = tpu.vector_load %arg9[%swap3A_594, %swap3A_595, %swap3A_596] {strides = array<i32>} : memref<2x16x1024xf32, #tpu.memory_space<vmem>>, vector<1x1x16xf32>,
        %swap3A_598 = vector.shape_cast %swap3A_597 : vector<1x1x16xf32> to vector<16xf32>
        %swap3A_599 = vector.shape_cast %add3A_592 : vector<16xf32> to vector<1x1x16xf32>
        tpu.vector_store %arg9[%swap3A_594, %swap3A_595, %swap3A_596], %swap3A_599 {strides = array<i32>} : memref<2x16x1024xf32, #tpu.memory_space<vmem>>, vector<1x1x16xf32>,
        %get3A_600 = arith.constant 1 : i32
        %get3A_601 = arith.index_cast %get3A_600 : i32 to index
        %get3A_602 = arith.index_cast %scan3A_312 : i32 to index
        %get3A_603 = arith.constant 256 : index
        %get3A_604 = tpu.vector_load %arg8[%get3A_601, %get3A_602, %get3A_603] {strides = array<i32>} : memref<2x16x1024xf32, #tpu.memory_space<vmem>>, vector<1x1x16xf32>,
        %get3A_605 = vector.shape_cast %get3A_604 : vector<1x1x16xf32> to vector<16xf32>
        %get3A_606 = arith.index_cast %scan3A_312 : i32 to index
        %get3A_607 = arith.constant 256 : index
        %get3A_608 = tpu.vector_load %arg7[%get3A_606, %get3A_607] {strides = array<i32>} : memref<16x1024xf32, #tpu.memory_space<vmem>>, vector<1x16xf32>,
        %get3A_609 = vector.shape_cast %get3A_608 : vector<1x16xf32> to vector<16xf32>
        %add3A_610 = arith.addf %get3A_605, %get3A_609 : vector<16xf32>
        %swap3A_611 = arith.constant 1 : i32
        %swap3A_612 = arith.index_cast %swap3A_611 : i32 to index
        %swap3A_613 = arith.index_cast %scan3A_312 : i32 to index
        %swap3A_614 = arith.constant 256 : index
        %swap3A_615 = tpu.vector_load %arg9[%swap3A_612, %swap3A_613, %swap3A_614] {strides = array<i32>} : memref<2x16x1024xf32, #tpu.memory_space<vmem>>, vector<1x1x16xf32>,
        %swap3A_616 = vector.shape_cast %swap3A_615 : vector<1x1x16xf32> to vector<16xf32>
        %swap3A_617 = vector.shape_cast %add3A_610 : vector<16xf32> to vector<1x1x16xf32>
        tpu.vector_store %arg9[%swap3A_612, %swap3A_613, %swap3A_614], %swap3A_617 {strides = array<i32>} : memref<2x16x1024xf32, #tpu.memory_space<vmem>>, vector<1x1x16xf32>,
        %get3A_618 = arith.constant 1 : i32
        %get3A_619 = arith.index_cast %get3A_618 : i32 to index
        %get3A_620 = arith.index_cast %scan3A_312 : i32 to index
        %get3A_621 = arith.constant 272 : index
        %get3A_622 = tpu.vector_load %arg8[%get3A_619, %get3A_620, %get3A_621] {strides = array<i32>} : memref<2x16x1024xf32, #tpu.memory_space<vmem>>, vector<1x1x16xf32>,
        %get3A_623 = vector.shape_cast %get3A_622 : vector<1x1x16xf32> to vector<16xf32>
        %get3A_624 = arith.index_cast %scan3A_312 : i32 to index
        %get3A_625 = arith.constant 272 : index
        %get3A_626 = tpu.vector_load %arg7[%get3A_624, %get3A_625] {strides = array<i32>} : memref<16x1024xf32, #tpu.memory_space<vmem>>, vector<1x16xf32>,
        %get3A_627 = vector.shape_cast %get3A_626 : vector<1x16xf32> to vector<16xf32>
        %add3A_628 = arith.addf %get3A_623, %get3A_627 : vector<16xf32>
        %swap3A_629 = arith.constant 1 : i32
        %swap3A_630 = arith.index_cast %swap3A_629 : i32 to index
        %swap3A_631 = arith.index_cast %scan3A_312 : i32 to index
        %swap3A_632 = arith.constant 272 : index
        %swap3A_633 = tpu.vector_load %arg9[%swap3A_630, %swap3A_631, %swap3A_632] {strides = array<i32>} : memref<2x16x1024xf32, #tpu.memory_space<vmem>>, vector<1x1x16xf32>,
        %swap3A_634 = vector.shape_cast %swap3A_633 : vector<1x1x16xf32> to vector<16xf32>
        %swap3A_635 = vector.shape_cast %add3A_628 : vector<16xf32> to vector<1x1x16xf32>
        tpu.vector_store %arg9[%swap3A_630, %swap3A_631, %swap3A_632], %swap3A_635 {strides = array<i32>} : memref<2x16x1024xf32, #tpu.memory_space<vmem>>, vector<1x1x16xf32>,
        %get3A_636 = arith.constant 1 : i32
        %get3A_637 = arith.index_cast %get3A_636 : i32 to index
        %get3A_638 = arith.index_cast %scan3A_312 : i32 to index
        %get3A_639 = arith.constant 288 : index
        %get3A_640 = tpu.vector_load %arg8[%get3A_637, %get3A_638, %get3A_639] {strides = array<i32>} : memref<2x16x1024xf32, #tpu.memory_space<vmem>>, vector<1x1x16xf32>,
        %get3A_641 = vector.shape_cast %get3A_640 : vector<1x1x16xf32> to vector<16xf32>
        %get3A_642 = arith.index_cast %scan3A_312 : i32 to index
        %get3A_643 = arith.constant 288 : index
        %get3A_644 = tpu.vector_load %arg7[%get3A_642, %get3A_643] {strides = array<i32>} : memref<16x1024xf32, #tpu.memory_space<vmem>>, vector<1x16xf32>,
        %get3A_645 = vector.shape_cast %get3A_644 : vector<1x16xf32> to vector<16xf32>
        %add3A_646 = arith.addf %get3A_641, %get3A_645 : vector<16xf32>
        %swap3A_647 = arith.constant 1 : i32
        %swap3A_648 = arith.index_cast %swap3A_647 : i32 to index
        %swap3A_649 = arith.index_cast %scan3A_312 : i32 to index
        %swap3A_650 = arith.constant 288 : index
        %swap3A_651 = tpu.vector_load %arg9[%swap3A_648, %swap3A_649, %swap3A_650] {strides = array<i32>} : memref<2x16x1024xf32, #tpu.memory_space<vmem>>, vector<1x1x16xf32>,
        %swap3A_652 = vector.shape_cast %swap3A_651 : vector<1x1x16xf32> to vector<16xf32>
        %swap3A_653 = vector.shape_cast %add3A_646 : vector<16xf32> to vector<1x1x16xf32>
        tpu.vector_store %arg9[%swap3A_648, %swap3A_649, %swap3A_650], %swap3A_653 {strides = array<i32>} : memref<2x16x1024xf32, #tpu.memory_space<vmem>>, vector<1x1x16xf32>,
        %get3A_654 = arith.constant 1 : i32
        %get3A_655 = arith.index_cast %get3A_654 : i32 to index
        %get3A_656 = arith.index_cast %scan3A_312 : i32 to index
        %get3A_657 = arith.constant 304 : index
        %get3A_658 = tpu.vector_load %arg8[%get3A_655, %get3A_656, %get3A_657] {strides = array<i32>} : memref<2x16x1024xf32, #tpu.memory_space<vmem>>, vector<1x1x16xf32>,
        %get3A_659 = vector.shape_cast %get3A_658 : vector<1x1x16xf32> to vector<16xf32>
        %get3A_660 = arith.index_cast %scan3A_312 : i32 to index
        %get3A_661 = arith.constant 304 : index
        %get3A_662 = tpu.vector_load %arg7[%get3A_660, %get3A_661] {strides = array<i32>} : memref<16x1024xf32, #tpu.memory_space<vmem>>, vector<1x16xf32>,
        %get3A_663 = vector.shape_cast %get3A_662 : vector<1x16xf32> to vector<16xf32>
        %add3A_664 = arith.addf %get3A_659, %get3A_663 : vector<16xf32>
        %swap3A_665 = arith.constant 1 : i32
        %swap3A_666 = arith.index_cast %swap3A_665 : i32 to index
        %swap3A_667 = arith.index_cast %scan3A_312 : i32 to index
        %swap3A_668 = arith.constant 304 : index
        %swap3A_669 = tpu.vector_load %arg9[%swap3A_666, %swap3A_667, %swap3A_668] {strides = array<i32>} : memref<2x16x1024xf32, #tpu.memory_space<vmem>>, vector<1x1x16xf32>,
        %swap3A_670 = vector.shape_cast %swap3A_669 : vector<1x1x16xf32> to vector<16xf32>
        %swap3A_671 = vector.shape_cast %add3A_664 : vector<16xf32> to vector<1x1x16xf32>
        tpu.vector_store %arg9[%swap3A_666, %swap3A_667, %swap3A_668], %swap3A_671 {strides = array<i32>} : memref<2x16x1024xf32, #tpu.memory_space<vmem>>, vector<1x1x16xf32>,
        %get3A_672 = arith.constant 1 : i32
        %get3A_673 = arith.index_cast %get3A_672 : i32 to index
        %get3A_674 = arith.index_cast %scan3A_312 : i32 to index
        %get3A_675 = arith.constant 320 : index
        %get3A_676 = tpu.vector_load %arg8[%get3A_673, %get3A_674, %get3A_675] {strides = array<i32>} : memref<2x16x1024xf32, #tpu.memory_space<vmem>>, vector<1x1x16xf32>,
        %get3A_677 = vector.shape_cast %get3A_676 : vector<1x1x16xf32> to vector<16xf32>
        %get3A_678 = arith.index_cast %scan3A_312 : i32 to index
        %get3A_679 = arith.constant 320 : index
        %get3A_680 = tpu.vector_load %arg7[%get3A_678, %get3A_679] {strides = array<i32>} : memref<16x1024xf32, #tpu.memory_space<vmem>>, vector<1x16xf32>,
        %get3A_681 = vector.shape_cast %get3A_680 : vector<1x16xf32> to vector<16xf32>
        %add3A_682 = arith.addf %get3A_677, %get3A_681 : vector<16xf32>
        %swap3A_683 = arith.constant 1 : i32
        %swap3A_684 = arith.index_cast %swap3A_683 : i32 to index
        %swap3A_685 = arith.index_cast %scan3A_312 : i32 to index
        %swap3A_686 = arith.constant 320 : index
        %swap3A_687 = tpu.vector_load %arg9[%swap3A_684, %swap3A_685, %swap3A_686] {strides = array<i32>} : memref<2x16x1024xf32, #tpu.memory_space<vmem>>, vector<1x1x16xf32>,
        %swap3A_688 = vector.shape_cast %swap3A_687 : vector<1x1x16xf32> to vector<16xf32>
        %swap3A_689 = vector.shape_cast %add3A_682 : vector<16xf32> to vector<1x1x16xf32>
        tpu.vector_store %arg9[%swap3A_684, %swap3A_685, %swap3A_686], %swap3A_689 {strides = array<i32>} : memref<2x16x1024xf32, #tpu.memory_space<vmem>>, vector<1x1x16xf32>,
        %get3A_690 = arith.constant 1 : i32
        %get3A_691 = arith.index_cast %get3A_690 : i32 to index
        %get3A_692 = arith.index_cast %scan3A_312 : i32 to index
        %get3A_693 = arith.constant 336 : index
        %get3A_694 = tpu.vector_load %arg8[%get3A_691, %get3A_692, %get3A_693] {strides = array<i32>} : memref<2x16x1024xf32, #tpu.memory_space<vmem>>, vector<1x1x16xf32>,
        %get3A_695 = vector.shape_cast %get3A_694 : vector<1x1x16xf32> to vector<16xf32>
        %get3A_696 = arith.index_cast %scan3A_312 : i32 to index
        %get3A_697 = arith.constant 336 : index
        %get3A_698 = tpu.vector_load %arg7[%get3A_696, %get3A_697] {strides = array<i32>} : memref<16x1024xf32, #tpu.memory_space<vmem>>, vector<1x16xf32>,
        %get3A_699 = vector.shape_cast %get3A_698 : vector<1x16xf32> to vector<16xf32>
        %add3A_700 = arith.addf %get3A_695, %get3A_699 : vector<16xf32>
        %swap3A_701 = arith.constant 1 : i32
        %swap3A_702 = arith.index_cast %swap3A_701 : i32 to index
        %swap3A_703 = arith.index_cast %scan3A_312 : i32 to index
        %swap3A_704 = arith.constant 336 : index
        %swap3A_705 = tpu.vector_load %arg9[%swap3A_702, %swap3A_703, %swap3A_704] {strides = array<i32>} : memref<2x16x1024xf32, #tpu.memory_space<vmem>>, vector<1x1x16xf32>,
        %swap3A_706 = vector.shape_cast %swap3A_705 : vector<1x1x16xf32> to vector<16xf32>
        %swap3A_707 = vector.shape_cast %add3A_700 : vector<16xf32> to vector<1x1x16xf32>
        tpu.vector_store %arg9[%swap3A_702, %swap3A_703, %swap3A_704], %swap3A_707 {strides = array<i32>} : memref<2x16x1024xf32, #tpu.memory_space<vmem>>, vector<1x1x16xf32>,
        %get3A_708 = arith.constant 1 : i32
        %get3A_709 = arith.index_cast %get3A_708 : i32 to index
        %get3A_710 = arith.index_cast %scan3A_312 : i32 to index
        %get3A_711 = arith.constant 352 : index
        %get3A_712 = tpu.vector_load %arg8[%get3A_709, %get3A_710, %get3A_711] {strides = array<i32>} : memref<2x16x1024xf32, #tpu.memory_space<vmem>>, vector<1x1x16xf32>,
        %get3A_713 = vector.shape_cast %get3A_712 : vector<1x1x16xf32> to vector<16xf32>
        %get3A_714 = arith.index_cast %scan3A_312 : i32 to index
        %get3A_715 = arith.constant 352 : index
        %get3A_716 = tpu.vector_load %arg7[%get3A_714, %get3A_715] {strides = array<i32>} : memref<16x1024xf32, #tpu.memory_space<vmem>>, vector<1x16xf32>,
        %get3A_717 = vector.shape_cast %get3A_716 : vector<1x16xf32> to vector<16xf32>
        %add3A_718 = arith.addf %get3A_713, %get3A_717 : vector<16xf32>
        %swap3A_719 = arith.constant 1 : i32
        %swap3A_720 = arith.index_cast %swap3A_719 : i32 to index
        %swap3A_721 = arith.index_cast %scan3A_312 : i32 to index
        %swap3A_722 = arith.constant 352 : index
        %swap3A_723 = tpu.vector_load %arg9[%swap3A_720, %swap3A_721, %swap3A_722] {strides = array<i32>} : memref<2x16x1024xf32, #tpu.memory_space<vmem>>, vector<1x1x16xf32>,
        %swap3A_724 = vector.shape_cast %swap3A_723 : vector<1x1x16xf32> to vector<16xf32>
        %swap3A_725 = vector.shape_cast %add3A_718 : vector<16xf32> to vector<1x1x16xf32>
        tpu.vector_store %arg9[%swap3A_720, %swap3A_721, %swap3A_722], %swap3A_725 {strides = array<i32>} : memref<2x16x1024xf32, #tpu.memory_space<vmem>>, vector<1x1x16xf32>,
        %get3A_726 = arith.constant 1 : i32
        %get3A_727 = arith.index_cast %get3A_726 : i32 to index
        %get3A_728 = arith.index_cast %scan3A_312 : i32 to index
        %get3A_729 = arith.constant 368 : index
        %get3A_730 = tpu.vector_load %arg8[%get3A_727, %get3A_728, %get3A_729] {strides = array<i32>} : memref<2x16x1024xf32, #tpu.memory_space<vmem>>, vector<1x1x16xf32>,
        %get3A_731 = vector.shape_cast %get3A_730 : vector<1x1x16xf32> to vector<16xf32>
        %get3A_732 = arith.index_cast %scan3A_312 : i32 to index
        %get3A_733 = arith.constant 368 : index
        %get3A_734 = tpu.vector_load %arg7[%get3A_732, %get3A_733] {strides = array<i32>} : memref<16x1024xf32, #tpu.memory_space<vmem>>, vector<1x16xf32>,
        %get3A_735 = vector.shape_cast %get3A_734 : vector<1x16xf32> to vector<16xf32>
        %add3A_736 = arith.addf %get3A_731, %get3A_735 : vector<16xf32>
        %swap3A_737 = arith.constant 1 : i32
        %swap3A_738 = arith.index_cast %swap3A_737 : i32 to index
        %swap3A_739 = arith.index_cast %scan3A_312 : i32 to index
        %swap3A_740 = arith.constant 368 : index
        %swap3A_741 = tpu.vector_load %arg9[%swap3A_738, %swap3A_739, %swap3A_740] {strides = array<i32>} : memref<2x16x1024xf32, #tpu.memory_space<vmem>>, vector<1x1x16xf32>,
        %swap3A_742 = vector.shape_cast %swap3A_741 : vector<1x1x16xf32> to vector<16xf32>
        %swap3A_743 = vector.shape_cast %add3A_736 : vector<16xf32> to vector<1x1x16xf32>
        tpu.vector_store %arg9[%swap3A_738, %swap3A_739, %swap3A_740], %swap3A_743 {strides = array<i32>} : memref<2x16x1024xf32, #tpu.memory_space<vmem>>, vector<1x1x16xf32>,
        %get3A_744 = arith.constant 1 : i32
        %get3A_745 = arith.index_cast %get3A_744 : i32 to index
        %get3A_746 = arith.index_cast %scan3A_312 : i32 to index
        %get3A_747 = arith.constant 384 : index
        %get3A_748 = tpu.vector_load %arg8[%get3A_745, %get3A_746, %get3A_747] {strides = array<i32>} : memref<2x16x1024xf32, #tpu.memory_space<vmem>>, vector<1x1x16xf32>,
        %get3A_749 = vector.shape_cast %get3A_748 : vector<1x1x16xf32> to vector<16xf32>
        %get3A_750 = arith.index_cast %scan3A_312 : i32 to index
        %get3A_751 = arith.constant 384 : index
        %get3A_752 = tpu.vector_load %arg7[%get3A_750, %get3A_751] {strides = array<i32>} : memref<16x1024xf32, #tpu.memory_space<vmem>>, vector<1x16xf32>,
        %get3A_753 = vector.shape_cast %get3A_752 : vector<1x16xf32> to vector<16xf32>
        %add3A_754 = arith.addf %get3A_749, %get3A_753 : vector<16xf32>
        %swap3A_755 = arith.constant 1 : i32
        %swap3A_756 = arith.index_cast %swap3A_755 : i32 to index
        %swap3A_757 = arith.index_cast %scan3A_312 : i32 to index
        %swap3A_758 = arith.constant 384 : index
        %swap3A_759 = tpu.vector_load %arg9[%swap3A_756, %swap3A_757, %swap3A_758] {strides = array<i32>} : memref<2x16x1024xf32, #tpu.memory_space<vmem>>, vector<1x1x16xf32>,
        %swap3A_760 = vector.shape_cast %swap3A_759 : vector<1x1x16xf32> to vector<16xf32>
        %swap3A_761 = vector.shape_cast %add3A_754 : vector<16xf32> to vector<1x1x16xf32>
        tpu.vector_store %arg9[%swap3A_756, %swap3A_757, %swap3A_758], %swap3A_761 {strides = array<i32>} : memref<2x16x1024xf32, #tpu.memory_space<vmem>>, vector<1x1x16xf32>,
        %get3A_762 = arith.constant 1 : i32
        %get3A_763 = arith.index_cast %get3A_762 : i32 to index
        %get3A_764 = arith.index_cast %scan3A_312 : i32 to index
        %get3A_765 = arith.constant 400 : index
        %get3A_766 = tpu.vector_load %arg8[%get3A_763, %get3A_764, %get3A_765] {strides = array<i32>} : memref<2x16x1024xf32, #tpu.memory_space<vmem>>, vector<1x1x16xf32>,
        %get3A_767 = vector.shape_cast %get3A_766 : vector<1x1x16xf32> to vector<16xf32>
        %get3A_768 = arith.index_cast %scan3A_312 : i32 to index
        %get3A_769 = arith.constant 400 : index
        %get3A_770 = tpu.vector_load %arg7[%get3A_768, %get3A_769] {strides = array<i32>} : memref<16x1024xf32, #tpu.memory_space<vmem>>, vector<1x16xf32>,
        %get3A_771 = vector.shape_cast %get3A_770 : vector<1x16xf32> to vector<16xf32>
        %add3A_772 = arith.addf %get3A_767, %get3A_771 : vector<16xf32>
        %swap3A_773 = arith.constant 1 : i32
        %swap3A_774 = arith.index_cast %swap3A_773 : i32 to index
        %swap3A_775 = arith.index_cast %scan3A_312 : i32 to index
        %swap3A_776 = arith.constant 400 : index
        %swap3A_777 = tpu.vector_load %arg9[%swap3A_774, %swap3A_775, %swap3A_776] {strides = array<i32>} : memref<2x16x1024xf32, #tpu.memory_space<vmem>>, vector<1x1x16xf32>,
        %swap3A_778 = vector.shape_cast %swap3A_777 : vector<1x1x16xf32> to vector<16xf32>
        %swap3A_779 = vector.shape_cast %add3A_772 : vector<16xf32> to vector<1x1x16xf32>
        tpu.vector_store %arg9[%swap3A_774, %swap3A_775, %swap3A_776], %swap3A_779 {strides = array<i32>} : memref<2x16x1024xf32, #tpu.memory_space<vmem>>, vector<1x1x16xf32>,
        %get3A_780 = arith.constant 1 : i32
        %get3A_781 = arith.index_cast %get3A_780 : i32 to index
        %get3A_782 = arith.index_cast %scan3A_312 : i32 to index
        %get3A_783 = arith.constant 416 : index
        %get3A_784 = tpu.vector_load %arg8[%get3A_781, %get3A_782, %get3A_783] {strides = array<i32>} : memref<2x16x1024xf32, #tpu.memory_space<vmem>>, vector<1x1x16xf32>,
        %get3A_785 = vector.shape_cast %get3A_784 : vector<1x1x16xf32> to vector<16xf32>
        %get3A_786 = arith.index_cast %scan3A_312 : i32 to index
        %get3A_787 = arith.constant 416 : index
        %get3A_788 = tpu.vector_load %arg7[%get3A_786, %get3A_787] {strides = array<i32>} : memref<16x1024xf32, #tpu.memory_space<vmem>>, vector<1x16xf32>,
        %get3A_789 = vector.shape_cast %get3A_788 : vector<1x16xf32> to vector<16xf32>
        %add3A_790 = arith.addf %get3A_785, %get3A_789 : vector<16xf32>
        %swap3A_791 = arith.constant 1 : i32
        %swap3A_792 = arith.index_cast %swap3A_791 : i32 to index
        %swap3A_793 = arith.index_cast %scan3A_312 : i32 to index
        %swap3A_794 = arith.constant 416 : index
        %swap3A_795 = tpu.vector_load %arg9[%swap3A_792, %swap3A_793, %swap3A_794] {strides = array<i32>} : memref<2x16x1024xf32, #tpu.memory_space<vmem>>, vector<1x1x16xf32>,
        %swap3A_796 = vector.shape_cast %swap3A_795 : vector<1x1x16xf32> to vector<16xf32>
        %swap3A_797 = vector.shape_cast %add3A_790 : vector<16xf32> to vector<1x1x16xf32>
        tpu.vector_store %arg9[%swap3A_792, %swap3A_793, %swap3A_794], %swap3A_797 {strides = array<i32>} : memref<2x16x1024xf32, #tpu.memory_space<vmem>>, vector<1x1x16xf32>,
        %get3A_798 = arith.constant 1 : i32
        %get3A_799 = arith.index_cast %get3A_798 : i32 to index
        %get3A_800 = arith.index_cast %scan3A_312 : i32 to index
        %get3A_801 = arith.constant 432 : index
        %get3A_802 = tpu.vector_load %arg8[%get3A_799, %get3A_800, %get3A_801] {strides = array<i32>} : memref<2x16x1024xf32, #tpu.memory_space<vmem>>, vector<1x1x16xf32>,
        %get3A_803 = vector.shape_cast %get3A_802 : vector<1x1x16xf32> to vector<16xf32>
        %get3A_804 = arith.index_cast %scan3A_312 : i32 to index
        %get3A_805 = arith.constant 432 : index
        %get3A_806 = tpu.vector_load %arg7[%get3A_804, %get3A_805] {strides = array<i32>} : memref<16x1024xf32, #tpu.memory_space<vmem>>, vector<1x16xf32>,
        %get3A_807 = vector.shape_cast %get3A_806 : vector<1x16xf32> to vector<16xf32>
        %add3A_808 = arith.addf %get3A_803, %get3A_807 : vector<16xf32>
        %swap3A_809 = arith.constant 1 : i32
        %swap3A_810 = arith.index_cast %swap3A_809 : i32 to index
        %swap3A_811 = arith.index_cast %scan3A_312 : i32 to index
        %swap3A_812 = arith.constant 432 : index
        %swap3A_813 = tpu.vector_load %arg9[%swap3A_810, %swap3A_811, %swap3A_812] {strides = array<i32>} : memref<2x16x1024xf32, #tpu.memory_space<vmem>>, vector<1x1x16xf32>,
        %swap3A_814 = vector.shape_cast %swap3A_813 : vector<1x1x16xf32> to vector<16xf32>
        %swap3A_815 = vector.shape_cast %add3A_808 : vector<16xf32> to vector<1x1x16xf32>
        tpu.vector_store %arg9[%swap3A_810, %swap3A_811, %swap3A_812], %swap3A_815 {strides = array<i32>} : memref<2x16x1024xf32, #tpu.memory_space<vmem>>, vector<1x1x16xf32>,
        %get3A_816 = arith.constant 1 : i32
        %get3A_817 = arith.index_cast %get3A_816 : i32 to index
        %get3A_818 = arith.index_cast %scan3A_312 : i32 to index
        %get3A_819 = arith.constant 448 : index
        %get3A_820 = tpu.vector_load %arg8[%get3A_817, %get3A_818, %get3A_819] {strides = array<i32>} : memref<2x16x1024xf32, #tpu.memory_space<vmem>>, vector<1x1x16xf32>,
        %get3A_821 = vector.shape_cast %get3A_820 : vector<1x1x16xf32> to vector<16xf32>
        %get3A_822 = arith.index_cast %scan3A_312 : i32 to index
        %get3A_823 = arith.constant 448 : index
        %get3A_824 = tpu.vector_load %arg7[%get3A_822, %get3A_823] {strides = array<i32>} : memref<16x1024xf32, #tpu.memory_space<vmem>>, vector<1x16xf32>,
        %get3A_825 = vector.shape_cast %get3A_824 : vector<1x16xf32> to vector<16xf32>
        %add3A_826 = arith.addf %get3A_821, %get3A_825 : vector<16xf32>
        %swap3A_827 = arith.constant 1 : i32
        %swap3A_828 = arith.index_cast %swap3A_827 : i32 to index
        %swap3A_829 = arith.index_cast %scan3A_312 : i32 to index
        %swap3A_830 = arith.constant 448 : index
        %swap3A_831 = tpu.vector_load %arg9[%swap3A_828, %swap3A_829, %swap3A_830] {strides = array<i32>} : memref<2x16x1024xf32, #tpu.memory_space<vmem>>, vector<1x1x16xf32>,
        %swap3A_832 = vector.shape_cast %swap3A_831 : vector<1x1x16xf32> to vector<16xf32>
        %swap3A_833 = vector.shape_cast %add3A_826 : vector<16xf32> to vector<1x1x16xf32>
        tpu.vector_store %arg9[%swap3A_828, %swap3A_829, %swap3A_830], %swap3A_833 {strides = array<i32>} : memref<2x16x1024xf32, #tpu.memory_space<vmem>>, vector<1x1x16xf32>,
        %get3A_834 = arith.constant 1 : i32
        %get3A_835 = arith.index_cast %get3A_834 : i32 to index
        %get3A_836 = arith.index_cast %scan3A_312 : i32 to index
        %get3A_837 = arith.constant 464 : index
        %get3A_838 = tpu.vector_load %arg8[%get3A_835, %get3A_836, %get3A_837] {strides = array<i32>} : memref<2x16x1024xf32, #tpu.memory_space<vmem>>, vector<1x1x16xf32>,
        %get3A_839 = vector.shape_cast %get3A_838 : vector<1x1x16xf32> to vector<16xf32>
        %get3A_840 = arith.index_cast %scan3A_312 : i32 to index
        %get3A_841 = arith.constant 464 : index
        %get3A_842 = tpu.vector_load %arg7[%get3A_840, %get3A_841] {strides = array<i32>} : memref<16x1024xf32, #tpu.memory_space<vmem>>, vector<1x16xf32>,
        %get3A_843 = vector.shape_cast %get3A_842 : vector<1x16xf32> to vector<16xf32>
        %add3A_844 = arith.addf %get3A_839, %get3A_843 : vector<16xf32>
        %swap3A_845 = arith.constant 1 : i32
        %swap3A_846 = arith.index_cast %swap3A_845 : i32 to index
        %swap3A_847 = arith.index_cast %scan3A_312 : i32 to index
        %swap3A_848 = arith.constant 464 : index
        %swap3A_849 = tpu.vector_load %arg9[%swap3A_846, %swap3A_847, %swap3A_848] {strides = array<i32>} : memref<2x16x1024xf32, #tpu.memory_space<vmem>>, vector<1x1x16xf32>,
        %swap3A_850 = vector.shape_cast %swap3A_849 : vector<1x1x16xf32> to vector<16xf32>
        %swap3A_851 = vector.shape_cast %add3A_844 : vector<16xf32> to vector<1x1x16xf32>
        tpu.vector_store %arg9[%swap3A_846, %swap3A_847, %swap3A_848], %swap3A_851 {strides = array<i32>} : memref<2x16x1024xf32, #tpu.memory_space<vmem>>, vector<1x1x16xf32>,
        %get3A_852 = arith.constant 1 : i32
        %get3A_853 = arith.index_cast %get3A_852 : i32 to index
        %get3A_854 = arith.index_cast %scan3A_312 : i32 to index
        %get3A_855 = arith.constant 480 : index
        %get3A_856 = tpu.vector_load %arg8[%get3A_853, %get3A_854, %get3A_855] {strides = array<i32>} : memref<2x16x1024xf32, #tpu.memory_space<vmem>>, vector<1x1x16xf32>,
        %get3A_857 = vector.shape_cast %get3A_856 : vector<1x1x16xf32> to vector<16xf32>
        %get3A_858 = arith.index_cast %scan3A_312 : i32 to index
        %get3A_859 = arith.constant 480 : index
        %get3A_860 = tpu.vector_load %arg7[%get3A_858, %get3A_859] {strides = array<i32>} : memref<16x1024xf32, #tpu.memory_space<vmem>>, vector<1x16xf32>,
        %get3A_861 = vector.shape_cast %get3A_860 : vector<1x16xf32> to vector<16xf32>
        %add3A_862 = arith.addf %get3A_857, %get3A_861 : vector<16xf32>
        %swap3A_863 = arith.constant 1 : i32
        %swap3A_864 = arith.index_cast %swap3A_863 : i32 to index
        %swap3A_865 = arith.index_cast %scan3A_312 : i32 to index
        %swap3A_866 = arith.constant 480 : index
        %swap3A_867 = tpu.vector_load %arg9[%swap3A_864, %swap3A_865, %swap3A_866] {strides = array<i32>} : memref<2x16x1024xf32, #tpu.memory_space<vmem>>, vector<1x1x16xf32>,
        %swap3A_868 = vector.shape_cast %swap3A_867 : vector<1x1x16xf32> to vector<16xf32>
        %swap3A_869 = vector.shape_cast %add3A_862 : vector<16xf32> to vector<1x1x16xf32>
        tpu.vector_store %arg9[%swap3A_864, %swap3A_865, %swap3A_866], %swap3A_869 {strides = array<i32>} : memref<2x16x1024xf32, #tpu.memory_space<vmem>>, vector<1x1x16xf32>,
        %get3A_870 = arith.constant 1 : i32
        %get3A_871 = arith.index_cast %get3A_870 : i32 to index
        %get3A_872 = arith.index_cast %scan3A_312 : i32 to index
        %get3A_873 = arith.constant 496 : index
        %get3A_874 = tpu.vector_load %arg8[%get3A_871, %get3A_872, %get3A_873] {strides = array<i32>} : memref<2x16x1024xf32, #tpu.memory_space<vmem>>, vector<1x1x16xf32>,
        %get3A_875 = vector.shape_cast %get3A_874 : vector<1x1x16xf32> to vector<16xf32>
        %get3A_876 = arith.index_cast %scan3A_312 : i32 to index
        %get3A_877 = arith.constant 496 : index
        %get3A_878 = tpu.vector_load %arg7[%get3A_876, %get3A_877] {strides = array<i32>} : memref<16x1024xf32, #tpu.memory_space<vmem>>, vector<1x16xf32>,
        %get3A_879 = vector.shape_cast %get3A_878 : vector<1x16xf32> to vector<16xf32>
        %add3A_880 = arith.addf %get3A_875, %get3A_879 : vector<16xf32>
        %swap3A_881 = arith.constant 1 : i32
        %swap3A_882 = arith.index_cast %swap3A_881 : i32 to index
        %swap3A_883 = arith.index_cast %scan3A_312 : i32 to index
        %swap3A_884 = arith.constant 496 : index
        %swap3A_885 = tpu.vector_load %arg9[%swap3A_882, %swap3A_883, %swap3A_884] {strides = array<i32>} : memref<2x16x1024xf32, #tpu.memory_space<vmem>>, vector<1x1x16xf32>,
        %swap3A_886 = vector.shape_cast %swap3A_885 : vector<1x1x16xf32> to vector<16xf32>
        %swap3A_887 = vector.shape_cast %add3A_880 : vector<16xf32> to vector<1x1x16xf32>
        tpu.vector_store %arg9[%swap3A_882, %swap3A_883, %swap3A_884], %swap3A_887 {strides = array<i32>} : memref<2x16x1024xf32, #tpu.memory_space<vmem>>, vector<1x1x16xf32>,
        %get3A_888 = arith.constant 1 : i32
        %get3A_889 = arith.index_cast %get3A_888 : i32 to index
        %get3A_890 = arith.index_cast %scan3A_312 : i32 to index
        %get3A_891 = arith.constant 512 : index
        %get3A_892 = tpu.vector_load %arg8[%get3A_889, %get3A_890, %get3A_891] {strides = array<i32>} : memref<2x16x1024xf32, #tpu.memory_space<vmem>>, vector<1x1x16xf32>,
        %get3A_893 = vector.shape_cast %get3A_892 : vector<1x1x16xf32> to vector<16xf32>
        %get3A_894 = arith.index_cast %scan3A_312 : i32 to index
        %get3A_895 = arith.constant 512 : index
        %get3A_896 = tpu.vector_load %arg7[%get3A_894, %get3A_895] {strides = array<i32>} : memref<16x1024xf32, #tpu.memory_space<vmem>>, vector<1x16xf32>,
        %get3A_897 = vector.shape_cast %get3A_896 : vector<1x16xf32> to vector<16xf32>
        %add3A_898 = arith.addf %get3A_893, %get3A_897 : vector<16xf32>
        %swap3A_899 = arith.constant 1 : i32
        %swap3A_900 = arith.index_cast %swap3A_899 : i32 to index
        %swap3A_901 = arith.index_cast %scan3A_312 : i32 to index
        %swap3A_902 = arith.constant 512 : index
        %swap3A_903 = tpu.vector_load %arg9[%swap3A_900, %swap3A_901, %swap3A_902] {strides = array<i32>} : memref<2x16x1024xf32, #tpu.memory_space<vmem>>, vector<1x1x16xf32>,
        %swap3A_904 = vector.shape_cast %swap3A_903 : vector<1x1x16xf32> to vector<16xf32>
        %swap3A_905 = vector.shape_cast %add3A_898 : vector<16xf32> to vector<1x1x16xf32>
        tpu.vector_store %arg9[%swap3A_900, %swap3A_901, %swap3A_902], %swap3A_905 {strides = array<i32>} : memref<2x16x1024xf32, #tpu.memory_space<vmem>>, vector<1x1x16xf32>,
        %get3A_906 = arith.constant 1 : i32
        %get3A_907 = arith.index_cast %get3A_906 : i32 to index
        %get3A_908 = arith.index_cast %scan3A_312 : i32 to index
        %get3A_909 = arith.constant 528 : index
        %get3A_910 = tpu.vector_load %arg8[%get3A_907, %get3A_908, %get3A_909] {strides = array<i32>} : memref<2x16x1024xf32, #tpu.memory_space<vmem>>, vector<1x1x16xf32>,
        %get3A_911 = vector.shape_cast %get3A_910 : vector<1x1x16xf32> to vector<16xf32>
        %get3A_912 = arith.index_cast %scan3A_312 : i32 to index
        %get3A_913 = arith.constant 528 : index
        %get3A_914 = tpu.vector_load %arg7[%get3A_912, %get3A_913] {strides = array<i32>} : memref<16x1024xf32, #tpu.memory_space<vmem>>, vector<1x16xf32>,
        %get3A_915 = vector.shape_cast %get3A_914 : vector<1x16xf32> to vector<16xf32>
        %add3A_916 = arith.addf %get3A_911, %get3A_915 : vector<16xf32>
        %swap3A_917 = arith.constant 1 : i32
        %swap3A_918 = arith.index_cast %swap3A_917 : i32 to index
        %swap3A_919 = arith.index_cast %scan3A_312 : i32 to index
        %swap3A_920 = arith.constant 528 : index
        %swap3A_921 = tpu.vector_load %arg9[%swap3A_918, %swap3A_919, %swap3A_920] {strides = array<i32>} : memref<2x16x1024xf32, #tpu.memory_space<vmem>>, vector<1x1x16xf32>,
        %swap3A_922 = vector.shape_cast %swap3A_921 : vector<1x1x16xf32> to vector<16xf32>
        %swap3A_923 = vector.shape_cast %add3A_916 : vector<16xf32> to vector<1x1x16xf32>
        tpu.vector_store %arg9[%swap3A_918, %swap3A_919, %swap3A_920], %swap3A_923 {strides = array<i32>} : memref<2x16x1024xf32, #tpu.memory_space<vmem>>, vector<1x1x16xf32>,
        %get3A_924 = arith.constant 1 : i32
        %get3A_925 = arith.index_cast %get3A_924 : i32 to index
        %get3A_926 = arith.index_cast %scan3A_312 : i32 to index
        %get3A_927 = arith.constant 544 : index
        %get3A_928 = tpu.vector_load %arg8[%get3A_925, %get3A_926, %get3A_927] {strides = array<i32>} : memref<2x16x1024xf32, #tpu.memory_space<vmem>>, vector<1x1x16xf32>,
        %get3A_929 = vector.shape_cast %get3A_928 : vector<1x1x16xf32> to vector<16xf32>
        %get3A_930 = arith.index_cast %scan3A_312 : i32 to index
        %get3A_931 = arith.constant 544 : index
        %get3A_932 = tpu.vector_load %arg7[%get3A_930, %get3A_931] {strides = array<i32>} : memref<16x1024xf32, #tpu.memory_space<vmem>>, vector<1x16xf32>,
        %get3A_933 = vector.shape_cast %get3A_932 : vector<1x16xf32> to vector<16xf32>
        %add3A_934 = arith.addf %get3A_929, %get3A_933 : vector<16xf32>
        %swap3A_935 = arith.constant 1 : i32
        %swap3A_936 = arith.index_cast %swap3A_935 : i32 to index
        %swap3A_937 = arith.index_cast %scan3A_312 : i32 to index
        %swap3A_938 = arith.constant 544 : index
        %swap3A_939 = tpu.vector_load %arg9[%swap3A_936, %swap3A_937, %swap3A_938] {strides = array<i32>} : memref<2x16x1024xf32, #tpu.memory_space<vmem>>, vector<1x1x16xf32>,
        %swap3A_940 = vector.shape_cast %swap3A_939 : vector<1x1x16xf32> to vector<16xf32>
        %swap3A_941 = vector.shape_cast %add3A_934 : vector<16xf32> to vector<1x1x16xf32>
        tpu.vector_store %arg9[%swap3A_936, %swap3A_937, %swap3A_938], %swap3A_941 {strides = array<i32>} : memref<2x16x1024xf32, #tpu.memory_space<vmem>>, vector<1x1x16xf32>,
        %get3A_942 = arith.constant 1 : i32
        %get3A_943 = arith.index_cast %get3A_942 : i32 to index
        %get3A_944 = arith.index_cast %scan3A_312 : i32 to index
        %get3A_945 = arith.constant 560 : index
        %get3A_946 = tpu.vector_load %arg8[%get3A_943, %get3A_944, %get3A_945] {strides = array<i32>} : memref<2x16x1024xf32, #tpu.memory_space<vmem>>, vector<1x1x16xf32>,
        %get3A_947 = vector.shape_cast %get3A_946 : vector<1x1x16xf32> to vector<16xf32>
        %get3A_948 = arith.index_cast %scan3A_312 : i32 to index
        %get3A_949 = arith.constant 560 : index
        %get3A_950 = tpu.vector_load %arg7[%get3A_948, %get3A_949] {strides = array<i32>} : memref<16x1024xf32, #tpu.memory_space<vmem>>, vector<1x16xf32>,
        %get3A_951 = vector.shape_cast %get3A_950 : vector<1x16xf32> to vector<16xf32>
        %add3A_952 = arith.addf %get3A_947, %get3A_951 : vector<16xf32>
        %swap3A_953 = arith.constant 1 : i32
        %swap3A_954 = arith.index_cast %swap3A_953 : i32 to index
        %swap3A_955 = arith.index_cast %scan3A_312 : i32 to index
        %swap3A_956 = arith.constant 560 : index
        %swap3A_957 = tpu.vector_load %arg9[%swap3A_954, %swap3A_955, %swap3A_956] {strides = array<i32>} : memref<2x16x1024xf32, #tpu.memory_space<vmem>>, vector<1x1x16xf32>,
        %swap3A_958 = vector.shape_cast %swap3A_957 : vector<1x1x16xf32> to vector<16xf32>
        %swap3A_959 = vector.shape_cast %add3A_952 : vector<16xf32> to vector<1x1x16xf32>
        tpu.vector_store %arg9[%swap3A_954, %swap3A_955, %swap3A_956], %swap3A_959 {strides = array<i32>} : memref<2x16x1024xf32, #tpu.memory_space<vmem>>, vector<1x1x16xf32>,
        %get3A_960 = arith.constant 1 : i32
        %get3A_961 = arith.index_cast %get3A_960 : i32 to index
        %get3A_962 = arith.index_cast %scan3A_312 : i32 to index
        %get3A_963 = arith.constant 576 : index
        %get3A_964 = tpu.vector_load %arg8[%get3A_961, %get3A_962, %get3A_963] {strides = array<i32>} : memref<2x16x1024xf32, #tpu.memory_space<vmem>>, vector<1x1x16xf32>,
        %get3A_965 = vector.shape_cast %get3A_964 : vector<1x1x16xf32> to vector<16xf32>
        %get3A_966 = arith.index_cast %scan3A_312 : i32 to index
        %get3A_967 = arith.constant 576 : index
        %get3A_968 = tpu.vector_load %arg7[%get3A_966, %get3A_967] {strides = array<i32>} : memref<16x1024xf32, #tpu.memory_space<vmem>>, vector<1x16xf32>,
        %get3A_969 = vector.shape_cast %get3A_968 : vector<1x16xf32> to vector<16xf32>
        %add3A_970 = arith.addf %get3A_965, %get3A_969 : vector<16xf32>
        %swap3A_971 = arith.constant 1 : i32
        %swap3A_972 = arith.index_cast %swap3A_971 : i32 to index
        %swap3A_973 = arith.index_cast %scan3A_312 : i32 to index
        %swap3A_974 = arith.constant 576 : index
        %swap3A_975 = tpu.vector_load %arg9[%swap3A_972, %swap3A_973, %swap3A_974] {strides = array<i32>} : memref<2x16x1024xf32, #tpu.memory_space<vmem>>, vector<1x1x16xf32>,
        %swap3A_976 = vector.shape_cast %swap3A_975 : vector<1x1x16xf32> to vector<16xf32>
        %swap3A_977 = vector.shape_cast %add3A_970 : vector<16xf32> to vector<1x1x16xf32>
        tpu.vector_store %arg9[%swap3A_972, %swap3A_973, %swap3A_974], %swap3A_977 {strides = array<i32>} : memref<2x16x1024xf32, #tpu.memory_space<vmem>>, vector<1x1x16xf32>,
        %get3A_978 = arith.constant 1 : i32
        %get3A_979 = arith.index_cast %get3A_978 : i32 to index
        %get3A_980 = arith.index_cast %scan3A_312 : i32 to index
        %get3A_981 = arith.constant 592 : index
        %get3A_982 = tpu.vector_load %arg8[%get3A_979, %get3A_980, %get3A_981] {strides = array<i32>} : memref<2x16x1024xf32, #tpu.memory_space<vmem>>, vector<1x1x16xf32>,
        %get3A_983 = vector.shape_cast %get3A_982 : vector<1x1x16xf32> to vector<16xf32>
        %get3A_984 = arith.index_cast %scan3A_312 : i32 to index
        %get3A_985 = arith.constant 592 : index
        %get3A_986 = tpu.vector_load %arg7[%get3A_984, %get3A_985] {strides = array<i32>} : memref<16x1024xf32, #tpu.memory_space<vmem>>, vector<1x16xf32>,
        %get3A_987 = vector.shape_cast %get3A_986 : vector<1x16xf32> to vector<16xf32>
        %add3A_988 = arith.addf %get3A_983, %get3A_987 : vector<16xf32>
        %swap3A_989 = arith.constant 1 : i32
        %swap3A_990 = arith.index_cast %swap3A_989 : i32 to index
        %swap3A_991 = arith.index_cast %scan3A_312 : i32 to index
        %swap3A_992 = arith.constant 592 : index
        %swap3A_993 = tpu.vector_load %arg9[%swap3A_990, %swap3A_991, %swap3A_992] {strides = array<i32>} : memref<2x16x1024xf32, #tpu.memory_space<vmem>>, vector<1x1x16xf32>,
        %swap3A_994 = vector.shape_cast %swap3A_993 : vector<1x1x16xf32> to vector<16xf32>
        %swap3A_995 = vector.shape_cast %add3A_988 : vector<16xf32> to vector<1x1x16xf32>
        tpu.vector_store %arg9[%swap3A_990, %swap3A_991, %swap3A_992], %swap3A_995 {strides = array<i32>} : memref<2x16x1024xf32, #tpu.memory_space<vmem>>, vector<1x1x16xf32>,
        %get3A_996 = arith.constant 1 : i32
        %get3A_997 = arith.index_cast %get3A_996 : i32 to index
        %get3A_998 = arith.index_cast %scan3A_312 : i32 to index
        %get3A_999 = arith.constant 608 : index
        %get3A_1000 = tpu.vector_load %arg8[%get3A_997, %get3A_998, %get3A_999] {strides = array<i32>} : memref<2x16x1024xf32, #tpu.memory_space<vmem>>, vector<1x1x16xf32>,
        %get3A_1001 = vector.shape_cast %get3A_1000 : vector<1x1x16xf32> to vector<16xf32>
        %get3A_1002 = arith.index_cast %scan3A_312 : i32 to index
        %get3A_1003 = arith.constant 608 : index
        %get3A_1004 = tpu.vector_load %arg7[%get3A_1002, %get3A_1003] {strides = array<i32>} : memref<16x1024xf32, #tpu.memory_space<vmem>>, vector<1x16xf32>,
        %get3A_1005 = vector.shape_cast %get3A_1004 : vector<1x16xf32> to vector<16xf32>
        %add3A_1006 = arith.addf %get3A_1001, %get3A_1005 : vector<16xf32>
        %swap3A_1007 = arith.constant 1 : i32
        %swap3A_1008 = arith.index_cast %swap3A_1007 : i32 to index
        %swap3A_1009 = arith.index_cast %scan3A_312 : i32 to index
        %swap3A_1010 = arith.constant 608 : index
        %swap3A_1011 = tpu.vector_load %arg9[%swap3A_1008, %swap3A_1009, %swap3A_1010] {strides = array<i32>} : memref<2x16x1024xf32, #tpu.memory_space<vmem>>, vector<1x1x16xf32>,
        %swap3A_1012 = vector.shape_cast %swap3A_1011 : vector<1x1x16xf32> to vector<16xf32>
        %swap3A_1013 = vector.shape_cast %add3A_1006 : vector<16xf32> to vector<1x1x16xf32>
        tpu.vector_store %arg9[%swap3A_1008, %swap3A_1009, %swap3A_1010], %swap3A_1013 {strides = array<i32>} : memref<2x16x1024xf32, #tpu.memory_space<vmem>>, vector<1x1x16xf32>,
        %get3A_1014 = arith.constant 1 : i32
        %get3A_1015 = arith.index_cast %get3A_1014 : i32 to index
        %get3A_1016 = arith.index_cast %scan3A_312 : i32 to index
        %get3A_1017 = arith.constant 624 : index
        %get3A_1018 = tpu.vector_load %arg8[%get3A_1015, %get3A_1016, %get3A_1017] {strides = array<i32>} : memref<2x16x1024xf32, #tpu.memory_space<vmem>>, vector<1x1x16xf32>,
        %get3A_1019 = vector.shape_cast %get3A_1018 : vector<1x1x16xf32> to vector<16xf32>
        %get3A_1020 = arith.index_cast %scan3A_312 : i32 to index
        %get3A_1021 = arith.constant 624 : index
        %get3A_1022 = tpu.vector_load %arg7[%get3A_1020, %get3A_1021] {strides = array<i32>} : memref<16x1024xf32, #tpu.memory_space<vmem>>, vector<1x16xf32>,
        %get3A_1023 = vector.shape_cast %get3A_1022 : vector<1x16xf32> to vector<16xf32>
        %add3A_1024 = arith.addf %get3A_1019, %get3A_1023 : vector<16xf32>
        %swap3A_1025 = arith.constant 1 : i32
        %swap3A_1026 = arith.index_cast %swap3A_1025 : i32 to index
        %swap3A_1027 = arith.index_cast %scan3A_312 : i32 to index
        %swap3A_1028 = arith.constant 624 : index
        %swap3A_1029 = tpu.vector_load %arg9[%swap3A_1026, %swap3A_1027, %swap3A_1028] {strides = array<i32>} : memref<2x16x1024xf32, #tpu.memory_space<vmem>>, vector<1x1x16xf32>,
        %swap3A_1030 = vector.shape_cast %swap3A_1029 : vector<1x1x16xf32> to vector<16xf32>
        %swap3A_1031 = vector.shape_cast %add3A_1024 : vector<16xf32> to vector<1x1x16xf32>
        tpu.vector_store %arg9[%swap3A_1026, %swap3A_1027, %swap3A_1028], %swap3A_1031 {strides = array<i32>} : memref<2x16x1024xf32, #tpu.memory_space<vmem>>, vector<1x1x16xf32>,
        %get3A_1032 = arith.constant 1 : i32
        %get3A_1033 = arith.index_cast %get3A_1032 : i32 to index
        %get3A_1034 = arith.index_cast %scan3A_312 : i32 to index
        %get3A_1035 = arith.constant 640 : index
        %get3A_1036 = tpu.vector_load %arg8[%get3A_1033, %get3A_1034, %get3A_1035] {strides = array<i32>} : memref<2x16x1024xf32, #tpu.memory_space<vmem>>, vector<1x1x16xf32>,
        %get3A_1037 = vector.shape_cast %get3A_1036 : vector<1x1x16xf32> to vector<16xf32>
        %get3A_1038 = arith.index_cast %scan3A_312 : i32 to index
        %get3A_1039 = arith.constant 640 : index
        %get3A_1040 = tpu.vector_load %arg7[%get3A_1038, %get3A_1039] {strides = array<i32>} : memref<16x1024xf32, #tpu.memory_space<vmem>>, vector<1x16xf32>,
        %get3A_1041 = vector.shape_cast %get3A_1040 : vector<1x16xf32> to vector<16xf32>
        %add3A_1042 = arith.addf %get3A_1037, %get3A_1041 : vector<16xf32>
        %swap3A_1043 = arith.constant 1 : i32
        %swap3A_1044 = arith.index_cast %swap3A_1043 : i32 to index
        %swap3A_1045 = arith.index_cast %scan3A_312 : i32 to index
        %swap3A_1046 = arith.constant 640 : index
        %swap3A_1047 = tpu.vector_load %arg9[%swap3A_1044, %swap3A_1045, %swap3A_1046] {strides = array<i32>} : memref<2x16x1024xf32, #tpu.memory_space<vmem>>, vector<1x1x16xf32>,
        %swap3A_1048 = vector.shape_cast %swap3A_1047 : vector<1x1x16xf32> to vector<16xf32>
        %swap3A_1049 = vector.shape_cast %add3A_1042 : vector<16xf32> to vector<1x1x16xf32>
        tpu.vector_store %arg9[%swap3A_1044, %swap3A_1045, %swap3A_1046], %swap3A_1049 {strides = array<i32>} : memref<2x16x1024xf32, #tpu.memory_space<vmem>>, vector<1x1x16xf32>,
        %get3A_1050 = arith.constant 1 : i32
        %get3A_1051 = arith.index_cast %get3A_1050 : i32 to index
        %get3A_1052 = arith.index_cast %scan3A_312 : i32 to index
        %get3A_1053 = arith.constant 656 : index
        %get3A_1054 = tpu.vector_load %arg8[%get3A_1051, %get3A_1052, %get3A_1053] {strides = array<i32>} : memref<2x16x1024xf32, #tpu.memory_space<vmem>>, vector<1x1x16xf32>,
        %get3A_1055 = vector.shape_cast %get3A_1054 : vector<1x1x16xf32> to vector<16xf32>
        %get3A_1056 = arith.index_cast %scan3A_312 : i32 to index
        %get3A_1057 = arith.constant 656 : index
        %get3A_1058 = tpu.vector_load %arg7[%get3A_1056, %get3A_1057] {strides = array<i32>} : memref<16x1024xf32, #tpu.memory_space<vmem>>, vector<1x16xf32>,
        %get3A_1059 = vector.shape_cast %get3A_1058 : vector<1x16xf32> to vector<16xf32>
        %add3A_1060 = arith.addf %get3A_1055, %get3A_1059 : vector<16xf32>
        %swap3A_1061 = arith.constant 1 : i32
        %swap3A_1062 = arith.index_cast %swap3A_1061 : i32 to index
        %swap3A_1063 = arith.index_cast %scan3A_312 : i32 to index
        %swap3A_1064 = arith.constant 656 : index
        %swap3A_1065 = tpu.vector_load %arg9[%swap3A_1062, %swap3A_1063, %swap3A_1064] {strides = array<i32>} : memref<2x16x1024xf32, #tpu.memory_space<vmem>>, vector<1x1x16xf32>,
        %swap3A_1066 = vector.shape_cast %swap3A_1065 : vector<1x1x16xf32> to vector<16xf32>
        %swap3A_1067 = vector.shape_cast %add3A_1060 : vector<16xf32> to vector<1x1x16xf32>
        tpu.vector_store %arg9[%swap3A_1062, %swap3A_1063, %swap3A_1064], %swap3A_1067 {strides = array<i32>} : memref<2x16x1024xf32, #tpu.memory_space<vmem>>, vector<1x1x16xf32>,
        %get3A_1068 = arith.constant 1 : i32
        %get3A_1069 = arith.index_cast %get3A_1068 : i32 to index
        %get3A_1070 = arith.index_cast %scan3A_312 : i32 to index
        %get3A_1071 = arith.constant 672 : index
        %get3A_1072 = tpu.vector_load %arg8[%get3A_1069, %get3A_1070, %get3A_1071] {strides = array<i32>} : memref<2x16x1024xf32, #tpu.memory_space<vmem>>, vector<1x1x16xf32>,
        %get3A_1073 = vector.shape_cast %get3A_1072 : vector<1x1x16xf32> to vector<16xf32>
        %get3A_1074 = arith.index_cast %scan3A_312 : i32 to index
        %get3A_1075 = arith.constant 672 : index
        %get3A_1076 = tpu.vector_load %arg7[%get3A_1074, %get3A_1075] {strides = array<i32>} : memref<16x1024xf32, #tpu.memory_space<vmem>>, vector<1x16xf32>,
        %get3A_1077 = vector.shape_cast %get3A_1076 : vector<1x16xf32> to vector<16xf32>
        %add3A_1078 = arith.addf %get3A_1073, %get3A_1077 : vector<16xf32>
        %swap3A_1079 = arith.constant 1 : i32
        %swap3A_1080 = arith.index_cast %swap3A_1079 : i32 to index
        %swap3A_1081 = arith.index_cast %scan3A_312 : i32 to index
        %swap3A_1082 = arith.constant 672 : index
        %swap3A_1083 = tpu.vector_load %arg9[%swap3A_1080, %swap3A_1081, %swap3A_1082] {strides = array<i32>} : memref<2x16x1024xf32, #tpu.memory_space<vmem>>, vector<1x1x16xf32>,
        %swap3A_1084 = vector.shape_cast %swap3A_1083 : vector<1x1x16xf32> to vector<16xf32>
        %swap3A_1085 = vector.shape_cast %add3A_1078 : vector<16xf32> to vector<1x1x16xf32>
        tpu.vector_store %arg9[%swap3A_1080, %swap3A_1081, %swap3A_1082], %swap3A_1085 {strides = array<i32>} : memref<2x16x1024xf32, #tpu.memory_space<vmem>>, vector<1x1x16xf32>,
        %get3A_1086 = arith.constant 1 : i32
        %get3A_1087 = arith.index_cast %get3A_1086 : i32 to index
        %get3A_1088 = arith.index_cast %scan3A_312 : i32 to index
        %get3A_1089 = arith.constant 688 : index
        %get3A_1090 = tpu.vector_load %arg8[%get3A_1087, %get3A_1088, %get3A_1089] {strides = array<i32>} : memref<2x16x1024xf32, #tpu.memory_space<vmem>>, vector<1x1x16xf32>,
        %get3A_1091 = vector.shape_cast %get3A_1090 : vector<1x1x16xf32> to vector<16xf32>
        %get3A_1092 = arith.index_cast %scan3A_312 : i32 to index
        %get3A_1093 = arith.constant 688 : index
        %get3A_1094 = tpu.vector_load %arg7[%get3A_1092, %get3A_1093] {strides = array<i32>} : memref<16x1024xf32, #tpu.memory_space<vmem>>, vector<1x16xf32>,
        %get3A_1095 = vector.shape_cast %get3A_1094 : vector<1x16xf32> to vector<16xf32>
        %add3A_1096 = arith.addf %get3A_1091, %get3A_1095 : vector<16xf32>
        %swap3A_1097 = arith.constant 1 : i32
        %swap3A_1098 = arith.index_cast %swap3A_1097 : i32 to index
        %swap3A_1099 = arith.index_cast %scan3A_312 : i32 to index
        %swap3A_1100 = arith.constant 688 : index
        %swap3A_1101 = tpu.vector_load %arg9[%swap3A_1098, %swap3A_1099, %swap3A_1100] {strides = array<i32>} : memref<2x16x1024xf32, #tpu.memory_space<vmem>>, vector<1x1x16xf32>,
        %swap3A_1102 = vector.shape_cast %swap3A_1101 : vector<1x1x16xf32> to vector<16xf32>
        %swap3A_1103 = vector.shape_cast %add3A_1096 : vector<16xf32> to vector<1x1x16xf32>
        tpu.vector_store %arg9[%swap3A_1098, %swap3A_1099, %swap3A_1100], %swap3A_1103 {strides = array<i32>} : memref<2x16x1024xf32, #tpu.memory_space<vmem>>, vector<1x1x16xf32>,
        %get3A_1104 = arith.constant 1 : i32
        %get3A_1105 = arith.index_cast %get3A_1104 : i32 to index
        %get3A_1106 = arith.index_cast %scan3A_312 : i32 to index
        %get3A_1107 = arith.constant 704 : index
        %get3A_1108 = tpu.vector_load %arg8[%get3A_1105, %get3A_1106, %get3A_1107] {strides = array<i32>} : memref<2x16x1024xf32, #tpu.memory_space<vmem>>, vector<1x1x16xf32>,
        %get3A_1109 = vector.shape_cast %get3A_1108 : vector<1x1x16xf32> to vector<16xf32>
        %get3A_1110 = arith.index_cast %scan3A_312 : i32 to index
        %get3A_1111 = arith.constant 704 : index
        %get3A_1112 = tpu.vector_load %arg7[%get3A_1110, %get3A_1111] {strides = array<i32>} : memref<16x1024xf32, #tpu.memory_space<vmem>>, vector<1x16xf32>,
        %get3A_1113 = vector.shape_cast %get3A_1112 : vector<1x16xf32> to vector<16xf32>
        %add3A_1114 = arith.addf %get3A_1109, %get3A_1113 : vector<16xf32>
        %swap3A_1115 = arith.constant 1 : i32
        %swap3A_1116 = arith.index_cast %swap3A_1115 : i32 to index
        %swap3A_1117 = arith.index_cast %scan3A_312 : i32 to index
        %swap3A_1118 = arith.constant 704 : index
        %swap3A_1119 = tpu.vector_load %arg9[%swap3A_1116, %swap3A_1117, %swap3A_1118] {strides = array<i32>} : memref<2x16x1024xf32, #tpu.memory_space<vmem>>, vector<1x1x16xf32>,
        %swap3A_1120 = vector.shape_cast %swap3A_1119 : vector<1x1x16xf32> to vector<16xf32>
        %swap3A_1121 = vector.shape_cast %add3A_1114 : vector<16xf32> to vector<1x1x16xf32>
        tpu.vector_store %arg9[%swap3A_1116, %swap3A_1117, %swap3A_1118], %swap3A_1121 {strides = array<i32>} : memref<2x16x1024xf32, #tpu.memory_space<vmem>>, vector<1x1x16xf32>,
        %get3A_1122 = arith.constant 1 : i32
        %get3A_1123 = arith.index_cast %get3A_1122 : i32 to index
        %get3A_1124 = arith.index_cast %scan3A_312 : i32 to index
        %get3A_1125 = arith.constant 720 : index
        %get3A_1126 = tpu.vector_load %arg8[%get3A_1123, %get3A_1124, %get3A_1125] {strides = array<i32>} : memref<2x16x1024xf32, #tpu.memory_space<vmem>>, vector<1x1x16xf32>,
        %get3A_1127 = vector.shape_cast %get3A_1126 : vector<1x1x16xf32> to vector<16xf32>
        %get3A_1128 = arith.index_cast %scan3A_312 : i32 to index
        %get3A_1129 = arith.constant 720 : index
        %get3A_1130 = tpu.vector_load %arg7[%get3A_1128, %get3A_1129] {strides = array<i32>} : memref<16x1024xf32, #tpu.memory_space<vmem>>, vector<1x16xf32>,
        %get3A_1131 = vector.shape_cast %get3A_1130 : vector<1x16xf32> to vector<16xf32>
        %add3A_1132 = arith.addf %get3A_1127, %get3A_1131 : vector<16xf32>
        %swap3A_1133 = arith.constant 1 : i32
        %swap3A_1134 = arith.index_cast %swap3A_1133 : i32 to index
        %swap3A_1135 = arith.index_cast %scan3A_312 : i32 to index
        %swap3A_1136 = arith.constant 720 : index
        %swap3A_1137 = tpu.vector_load %arg9[%swap3A_1134, %swap3A_1135, %swap3A_1136] {strides = array<i32>} : memref<2x16x1024xf32, #tpu.memory_space<vmem>>, vector<1x1x16xf32>,
        %swap3A_1138 = vector.shape_cast %swap3A_1137 : vector<1x1x16xf32> to vector<16xf32>
        %swap3A_1139 = vector.shape_cast %add3A_1132 : vector<16xf32> to vector<1x1x16xf32>
        tpu.vector_store %arg9[%swap3A_1134, %swap3A_1135, %swap3A_1136], %swap3A_1139 {strides = array<i32>} : memref<2x16x1024xf32, #tpu.memory_space<vmem>>, vector<1x1x16xf32>,
        %get3A_1140 = arith.constant 1 : i32
        %get3A_1141 = arith.index_cast %get3A_1140 : i32 to index
        %get3A_1142 = arith.index_cast %scan3A_312 : i32 to index
        %get3A_1143 = arith.constant 736 : index
        %get3A_1144 = tpu.vector_load %arg8[%get3A_1141, %get3A_1142, %get3A_1143] {strides = array<i32>} : memref<2x16x1024xf32, #tpu.memory_space<vmem>>, vector<1x1x16xf32>,
        %get3A_1145 = vector.shape_cast %get3A_1144 : vector<1x1x16xf32> to vector<16xf32>
        %get3A_1146 = arith.index_cast %scan3A_312 : i32 to index
        %get3A_1147 = arith.constant 736 : index
        %get3A_1148 = tpu.vector_load %arg7[%get3A_1146, %get3A_1147] {strides = array<i32>} : memref<16x1024xf32, #tpu.memory_space<vmem>>, vector<1x16xf32>,
        %get3A_1149 = vector.shape_cast %get3A_1148 : vector<1x16xf32> to vector<16xf32>
        %add3A_1150 = arith.addf %get3A_1145, %get3A_1149 : vector<16xf32>
        %swap3A_1151 = arith.constant 1 : i32
        %swap3A_1152 = arith.index_cast %swap3A_1151 : i32 to index
        %swap3A_1153 = arith.index_cast %scan3A_312 : i32 to index
        %swap3A_1154 = arith.constant 736 : index
        %swap3A_1155 = tpu.vector_load %arg9[%swap3A_1152, %swap3A_1153, %swap3A_1154] {strides = array<i32>} : memref<2x16x1024xf32, #tpu.memory_space<vmem>>, vector<1x1x16xf32>,
        %swap3A_1156 = vector.shape_cast %swap3A_1155 : vector<1x1x16xf32> to vector<16xf32>
        %swap3A_1157 = vector.shape_cast %add3A_1150 : vector<16xf32> to vector<1x1x16xf32>
        tpu.vector_store %arg9[%swap3A_1152, %swap3A_1153, %swap3A_1154], %swap3A_1157 {strides = array<i32>} : memref<2x16x1024xf32, #tpu.memory_space<vmem>>, vector<1x1x16xf32>,
        %get3A_1158 = arith.constant 1 : i32
        %get3A_1159 = arith.index_cast %get3A_1158 : i32 to index
        %get3A_1160 = arith.index_cast %scan3A_312 : i32 to index
        %get3A_1161 = arith.constant 752 : index
        %get3A_1162 = tpu.vector_load %arg8[%get3A_1159, %get3A_1160, %get3A_1161] {strides = array<i32>} : memref<2x16x1024xf32, #tpu.memory_space<vmem>>, vector<1x1x16xf32>,
        %get3A_1163 = vector.shape_cast %get3A_1162 : vector<1x1x16xf32> to vector<16xf32>
        %get3A_1164 = arith.index_cast %scan3A_312 : i32 to index
        %get3A_1165 = arith.constant 752 : index
        %get3A_1166 = tpu.vector_load %arg7[%get3A_1164, %get3A_1165] {strides = array<i32>} : memref<16x1024xf32, #tpu.memory_space<vmem>>, vector<1x16xf32>,
        %get3A_1167 = vector.shape_cast %get3A_1166 : vector<1x16xf32> to vector<16xf32>
        %add3A_1168 = arith.addf %get3A_1163, %get3A_1167 : vector<16xf32>
        %swap3A_1169 = arith.constant 1 : i32
        %swap3A_1170 = arith.index_cast %swap3A_1169 : i32 to index
        %swap3A_1171 = arith.index_cast %scan3A_312 : i32 to index
        %swap3A_1172 = arith.constant 752 : index
        %swap3A_1173 = tpu.vector_load %arg9[%swap3A_1170, %swap3A_1171, %swap3A_1172] {strides = array<i32>} : memref<2x16x1024xf32, #tpu.memory_space<vmem>>, vector<1x1x16xf32>,
        %swap3A_1174 = vector.shape_cast %swap3A_1173 : vector<1x1x16xf32> to vector<16xf32>
        %swap3A_1175 = vector.shape_cast %add3A_1168 : vector<16xf32> to vector<1x1x16xf32>
        tpu.vector_store %arg9[%swap3A_1170, %swap3A_1171, %swap3A_1172], %swap3A_1175 {strides = array<i32>} : memref<2x16x1024xf32, #tpu.memory_space<vmem>>, vector<1x1x16xf32>,
        %get3A_1176 = arith.constant 1 : i32
        %get3A_1177 = arith.index_cast %get3A_1176 : i32 to index
        %get3A_1178 = arith.index_cast %scan3A_312 : i32 to index
        %get3A_1179 = arith.constant 768 : index
        %get3A_1180 = tpu.vector_load %arg8[%get3A_1177, %get3A_1178, %get3A_1179] {strides = array<i32>} : memref<2x16x1024xf32, #tpu.memory_space<vmem>>, vector<1x1x16xf32>,
        %get3A_1181 = vector.shape_cast %get3A_1180 : vector<1x1x16xf32> to vector<16xf32>
        %get3A_1182 = arith.index_cast %scan3A_312 : i32 to index
        %get3A_1183 = arith.constant 768 : index
        %get3A_1184 = tpu.vector_load %arg7[%get3A_1182, %get3A_1183] {strides = array<i32>} : memref<16x1024xf32, #tpu.memory_space<vmem>>, vector<1x16xf32>,
        %get3A_1185 = vector.shape_cast %get3A_1184 : vector<1x16xf32> to vector<16xf32>
        %add3A_1186 = arith.addf %get3A_1181, %get3A_1185 : vector<16xf32>
        %swap3A_1187 = arith.constant 1 : i32
        %swap3A_1188 = arith.index_cast %swap3A_1187 : i32 to index
        %swap3A_1189 = arith.index_cast %scan3A_312 : i32 to index
        %swap3A_1190 = arith.constant 768 : index
        %swap3A_1191 = tpu.vector_load %arg9[%swap3A_1188, %swap3A_1189, %swap3A_1190] {strides = array<i32>} : memref<2x16x1024xf32, #tpu.memory_space<vmem>>, vector<1x1x16xf32>,
        %swap3A_1192 = vector.shape_cast %swap3A_1191 : vector<1x1x16xf32> to vector<16xf32>
        %swap3A_1193 = vector.shape_cast %add3A_1186 : vector<16xf32> to vector<1x1x16xf32>
        tpu.vector_store %arg9[%swap3A_1188, %swap3A_1189, %swap3A_1190], %swap3A_1193 {strides = array<i32>} : memref<2x16x1024xf32, #tpu.memory_space<vmem>>, vector<1x1x16xf32>,
        %get3A_1194 = arith.constant 1 : i32
        %get3A_1195 = arith.index_cast %get3A_1194 : i32 to index
        %get3A_1196 = arith.index_cast %scan3A_312 : i32 to index
        %get3A_1197 = arith.constant 784 : index
        %get3A_1198 = tpu.vector_load %arg8[%get3A_1195, %get3A_1196, %get3A_1197] {strides = array<i32>} : memref<2x16x1024xf32, #tpu.memory_space<vmem>>, vector<1x1x16xf32>,
        %get3A_1199 = vector.shape_cast %get3A_1198 : vector<1x1x16xf32> to vector<16xf32>
        %get3A_1200 = arith.index_cast %scan3A_312 : i32 to index
        %get3A_1201 = arith.constant 784 : index
        %get3A_1202 = tpu.vector_load %arg7[%get3A_1200, %get3A_1201] {strides = array<i32>} : memref<16x1024xf32, #tpu.memory_space<vmem>>, vector<1x16xf32>,
        %get3A_1203 = vector.shape_cast %get3A_1202 : vector<1x16xf32> to vector<16xf32>
        %add3A_1204 = arith.addf %get3A_1199, %get3A_1203 : vector<16xf32>
        %swap3A_1205 = arith.constant 1 : i32
        %swap3A_1206 = arith.index_cast %swap3A_1205 : i32 to index
        %swap3A_1207 = arith.index_cast %scan3A_312 : i32 to index
        %swap3A_1208 = arith.constant 784 : index
        %swap3A_1209 = tpu.vector_load %arg9[%swap3A_1206, %swap3A_1207, %swap3A_1208] {strides = array<i32>} : memref<2x16x1024xf32, #tpu.memory_space<vmem>>, vector<1x1x16xf32>,
        %swap3A_1210 = vector.shape_cast %swap3A_1209 : vector<1x1x16xf32> to vector<16xf32>
        %swap3A_1211 = vector.shape_cast %add3A_1204 : vector<16xf32> to vector<1x1x16xf32>
        tpu.vector_store %arg9[%swap3A_1206, %swap3A_1207, %swap3A_1208], %swap3A_1211 {strides = array<i32>} : memref<2x16x1024xf32, #tpu.memory_space<vmem>>, vector<1x1x16xf32>,
        %get3A_1212 = arith.constant 1 : i32
        %get3A_1213 = arith.index_cast %get3A_1212 : i32 to index
        %get3A_1214 = arith.index_cast %scan3A_312 : i32 to index
        %get3A_1215 = arith.constant 800 : index
        %get3A_1216 = tpu.vector_load %arg8[%get3A_1213, %get3A_1214, %get3A_1215] {strides = array<i32>} : memref<2x16x1024xf32, #tpu.memory_space<vmem>>, vector<1x1x16xf32>,
        %get3A_1217 = vector.shape_cast %get3A_1216 : vector<1x1x16xf32> to vector<16xf32>
        %get3A_1218 = arith.index_cast %scan3A_312 : i32 to index
        %get3A_1219 = arith.constant 800 : index
        %get3A_1220 = tpu.vector_load %arg7[%get3A_1218, %get3A_1219] {strides = array<i32>} : memref<16x1024xf32, #tpu.memory_space<vmem>>, vector<1x16xf32>,
        %get3A_1221 = vector.shape_cast %get3A_1220 : vector<1x16xf32> to vector<16xf32>
        %add3A_1222 = arith.addf %get3A_1217, %get3A_1221 : vector<16xf32>
        %swap3A_1223 = arith.constant 1 : i32
        %swap3A_1224 = arith.index_cast %swap3A_1223 : i32 to index
        %swap3A_1225 = arith.index_cast %scan3A_312 : i32 to index
        %swap3A_1226 = arith.constant 800 : index
        %swap3A_1227 = tpu.vector_load %arg9[%swap3A_1224, %swap3A_1225, %swap3A_1226] {strides = array<i32>} : memref<2x16x1024xf32, #tpu.memory_space<vmem>>, vector<1x1x16xf32>,
        %swap3A_1228 = vector.shape_cast %swap3A_1227 : vector<1x1x16xf32> to vector<16xf32>
        %swap3A_1229 = vector.shape_cast %add3A_1222 : vector<16xf32> to vector<1x1x16xf32>
        tpu.vector_store %arg9[%swap3A_1224, %swap3A_1225, %swap3A_1226], %swap3A_1229 {strides = array<i32>} : memref<2x16x1024xf32, #tpu.memory_space<vmem>>, vector<1x1x16xf32>,
        %get3A_1230 = arith.constant 1 : i32
        %get3A_1231 = arith.index_cast %get3A_1230 : i32 to index
        %get3A_1232 = arith.index_cast %scan3A_312 : i32 to index
        %get3A_1233 = arith.constant 816 : index
        %get3A_1234 = tpu.vector_load %arg8[%get3A_1231, %get3A_1232, %get3A_1233] {strides = array<i32>} : memref<2x16x1024xf32, #tpu.memory_space<vmem>>, vector<1x1x16xf32>,
        %get3A_1235 = vector.shape_cast %get3A_1234 : vector<1x1x16xf32> to vector<16xf32>
        %get3A_1236 = arith.index_cast %scan3A_312 : i32 to index
        %get3A_1237 = arith.constant 816 : index
        %get3A_1238 = tpu.vector_load %arg7[%get3A_1236, %get3A_1237] {strides = array<i32>} : memref<16x1024xf32, #tpu.memory_space<vmem>>, vector<1x16xf32>,
        %get3A_1239 = vector.shape_cast %get3A_1238 : vector<1x16xf32> to vector<16xf32>
        %add3A_1240 = arith.addf %get3A_1235, %get3A_1239 : vector<16xf32>
        %swap3A_1241 = arith.constant 1 : i32
        %swap3A_1242 = arith.index_cast %swap3A_1241 : i32 to index
        %swap3A_1243 = arith.index_cast %scan3A_312 : i32 to index
        %swap3A_1244 = arith.constant 816 : index
        %swap3A_1245 = tpu.vector_load %arg9[%swap3A_1242, %swap3A_1243, %swap3A_1244] {strides = array<i32>} : memref<2x16x1024xf32, #tpu.memory_space<vmem>>, vector<1x1x16xf32>,
        %swap3A_1246 = vector.shape_cast %swap3A_1245 : vector<1x1x16xf32> to vector<16xf32>
        %swap3A_1247 = vector.shape_cast %add3A_1240 : vector<16xf32> to vector<1x1x16xf32>
        tpu.vector_store %arg9[%swap3A_1242, %swap3A_1243, %swap3A_1244], %swap3A_1247 {strides = array<i32>} : memref<2x16x1024xf32, #tpu.memory_space<vmem>>, vector<1x1x16xf32>,
        %get3A_1248 = arith.constant 1 : i32
        %get3A_1249 = arith.index_cast %get3A_1248 : i32 to index
        %get3A_1250 = arith.index_cast %scan3A_312 : i32 to index
        %get3A_1251 = arith.constant 832 : index
        %get3A_1252 = tpu.vector_load %arg8[%get3A_1249, %get3A_1250, %get3A_1251] {strides = array<i32>} : memref<2x16x1024xf32, #tpu.memory_space<vmem>>, vector<1x1x16xf32>,
        %get3A_1253 = vector.shape_cast %get3A_1252 : vector<1x1x16xf32> to vector<16xf32>
        %get3A_1254 = arith.index_cast %scan3A_312 : i32 to index
        %get3A_1255 = arith.constant 832 : index
        %get3A_1256 = tpu.vector_load %arg7[%get3A_1254, %get3A_1255] {strides = array<i32>} : memref<16x1024xf32, #tpu.memory_space<vmem>>, vector<1x16xf32>,
        %get3A_1257 = vector.shape_cast %get3A_1256 : vector<1x16xf32> to vector<16xf32>
        %add3A_1258 = arith.addf %get3A_1253, %get3A_1257 : vector<16xf32>
        %swap3A_1259 = arith.constant 1 : i32
        %swap3A_1260 = arith.index_cast %swap3A_1259 : i32 to index
        %swap3A_1261 = arith.index_cast %scan3A_312 : i32 to index
        %swap3A_1262 = arith.constant 832 : index
        %swap3A_1263 = tpu.vector_load %arg9[%swap3A_1260, %swap3A_1261, %swap3A_1262] {strides = array<i32>} : memref<2x16x1024xf32, #tpu.memory_space<vmem>>, vector<1x1x16xf32>,
        %swap3A_1264 = vector.shape_cast %swap3A_1263 : vector<1x1x16xf32> to vector<16xf32>
        %swap3A_1265 = vector.shape_cast %add3A_1258 : vector<16xf32> to vector<1x1x16xf32>
        tpu.vector_store %arg9[%swap3A_1260, %swap3A_1261, %swap3A_1262], %swap3A_1265 {strides = array<i32>} : memref<2x16x1024xf32, #tpu.memory_space<vmem>>, vector<1x1x16xf32>,
        %get3A_1266 = arith.constant 1 : i32
        %get3A_1267 = arith.index_cast %get3A_1266 : i32 to index
        %get3A_1268 = arith.index_cast %scan3A_312 : i32 to index
        %get3A_1269 = arith.constant 848 : index
        %get3A_1270 = tpu.vector_load %arg8[%get3A_1267, %get3A_1268, %get3A_1269] {strides = array<i32>} : memref<2x16x1024xf32, #tpu.memory_space<vmem>>, vector<1x1x16xf32>,
        %get3A_1271 = vector.shape_cast %get3A_1270 : vector<1x1x16xf32> to vector<16xf32>
        %get3A_1272 = arith.index_cast %scan3A_312 : i32 to index
        %get3A_1273 = arith.constant 848 : index
        %get3A_1274 = tpu.vector_load %arg7[%get3A_1272, %get3A_1273] {strides = array<i32>} : memref<16x1024xf32, #tpu.memory_space<vmem>>, vector<1x16xf32>,
        %get3A_1275 = vector.shape_cast %get3A_1274 : vector<1x16xf32> to vector<16xf32>
        %add3A_1276 = arith.addf %get3A_1271, %get3A_1275 : vector<16xf32>
        %swap3A_1277 = arith.constant 1 : i32
        %swap3A_1278 = arith.index_cast %swap3A_1277 : i32 to index
        %swap3A_1279 = arith.index_cast %scan3A_312 : i32 to index
        %swap3A_1280 = arith.constant 848 : index
        %swap3A_1281 = tpu.vector_load %arg9[%swap3A_1278, %swap3A_1279, %swap3A_1280] {strides = array<i32>} : memref<2x16x1024xf32, #tpu.memory_space<vmem>>, vector<1x1x16xf32>,
        %swap3A_1282 = vector.shape_cast %swap3A_1281 : vector<1x1x16xf32> to vector<16xf32>
        %swap3A_1283 = vector.shape_cast %add3A_1276 : vector<16xf32> to vector<1x1x16xf32>
        tpu.vector_store %arg9[%swap3A_1278, %swap3A_1279, %swap3A_1280], %swap3A_1283 {strides = array<i32>} : memref<2x16x1024xf32, #tpu.memory_space<vmem>>, vector<1x1x16xf32>,
        %get3A_1284 = arith.constant 1 : i32
        %get3A_1285 = arith.index_cast %get3A_1284 : i32 to index
        %get3A_1286 = arith.index_cast %scan3A_312 : i32 to index
        %get3A_1287 = arith.constant 864 : index
        %get3A_1288 = tpu.vector_load %arg8[%get3A_1285, %get3A_1286, %get3A_1287] {strides = array<i32>} : memref<2x16x1024xf32, #tpu.memory_space<vmem>>, vector<1x1x16xf32>,
        %get3A_1289 = vector.shape_cast %get3A_1288 : vector<1x1x16xf32> to vector<16xf32>
        %get3A_1290 = arith.index_cast %scan3A_312 : i32 to index
        %get3A_1291 = arith.constant 864 : index
        %get3A_1292 = tpu.vector_load %arg7[%get3A_1290, %get3A_1291] {strides = array<i32>} : memref<16x1024xf32, #tpu.memory_space<vmem>>, vector<1x16xf32>,
        %get3A_1293 = vector.shape_cast %get3A_1292 : vector<1x16xf32> to vector<16xf32>
        %add3A_1294 = arith.addf %get3A_1289, %get3A_1293 : vector<16xf32>
        %swap3A_1295 = arith.constant 1 : i32
        %swap3A_1296 = arith.index_cast %swap3A_1295 : i32 to index
        %swap3A_1297 = arith.index_cast %scan3A_312 : i32 to index
        %swap3A_1298 = arith.constant 864 : index
        %swap3A_1299 = tpu.vector_load %arg9[%swap3A_1296, %swap3A_1297, %swap3A_1298] {strides = array<i32>} : memref<2x16x1024xf32, #tpu.memory_space<vmem>>, vector<1x1x16xf32>,
        %swap3A_1300 = vector.shape_cast %swap3A_1299 : vector<1x1x16xf32> to vector<16xf32>
        %swap3A_1301 = vector.shape_cast %add3A_1294 : vector<16xf32> to vector<1x1x16xf32>
        tpu.vector_store %arg9[%swap3A_1296, %swap3A_1297, %swap3A_1298], %swap3A_1301 {strides = array<i32>} : memref<2x16x1024xf32, #tpu.memory_space<vmem>>, vector<1x1x16xf32>,
        %get3A_1302 = arith.constant 1 : i32
        %get3A_1303 = arith.index_cast %get3A_1302 : i32 to index
        %get3A_1304 = arith.index_cast %scan3A_312 : i32 to index
        %get3A_1305 = arith.constant 880 : index
        %get3A_1306 = tpu.vector_load %arg8[%get3A_1303, %get3A_1304, %get3A_1305] {strides = array<i32>} : memref<2x16x1024xf32, #tpu.memory_space<vmem>>, vector<1x1x16xf32>,
        %get3A_1307 = vector.shape_cast %get3A_1306 : vector<1x1x16xf32> to vector<16xf32>
        %get3A_1308 = arith.index_cast %scan3A_312 : i32 to index
        %get3A_1309 = arith.constant 880 : index
        %get3A_1310 = tpu.vector_load %arg7[%get3A_1308, %get3A_1309] {strides = array<i32>} : memref<16x1024xf32, #tpu.memory_space<vmem>>, vector<1x16xf32>,
        %get3A_1311 = vector.shape_cast %get3A_1310 : vector<1x16xf32> to vector<16xf32>
        %add3A_1312 = arith.addf %get3A_1307, %get3A_1311 : vector<16xf32>
        %swap3A_1313 = arith.constant 1 : i32
        %swap3A_1314 = arith.index_cast %swap3A_1313 : i32 to index
        %swap3A_1315 = arith.index_cast %scan3A_312 : i32 to index
        %swap3A_1316 = arith.constant 880 : index
        %swap3A_1317 = tpu.vector_load %arg9[%swap3A_1314, %swap3A_1315, %swap3A_1316] {strides = array<i32>} : memref<2x16x1024xf32, #tpu.memory_space<vmem>>, vector<1x1x16xf32>,
        %swap3A_1318 = vector.shape_cast %swap3A_1317 : vector<1x1x16xf32> to vector<16xf32>
        %swap3A_1319 = vector.shape_cast %add3A_1312 : vector<16xf32> to vector<1x1x16xf32>
        tpu.vector_store %arg9[%swap3A_1314, %swap3A_1315, %swap3A_1316], %swap3A_1319 {strides = array<i32>} : memref<2x16x1024xf32, #tpu.memory_space<vmem>>, vector<1x1x16xf32>,
        %get3A_1320 = arith.constant 1 : i32
        %get3A_1321 = arith.index_cast %get3A_1320 : i32 to index
        %get3A_1322 = arith.index_cast %scan3A_312 : i32 to index
        %get3A_1323 = arith.constant 896 : index
        %get3A_1324 = tpu.vector_load %arg8[%get3A_1321, %get3A_1322, %get3A_1323] {strides = array<i32>} : memref<2x16x1024xf32, #tpu.memory_space<vmem>>, vector<1x1x16xf32>,
        %get3A_1325 = vector.shape_cast %get3A_1324 : vector<1x1x16xf32> to vector<16xf32>
        %get3A_1326 = arith.index_cast %scan3A_312 : i32 to index
        %get3A_1327 = arith.constant 896 : index
        %get3A_1328 = tpu.vector_load %arg7[%get3A_1326, %get3A_1327] {strides = array<i32>} : memref<16x1024xf32, #tpu.memory_space<vmem>>, vector<1x16xf32>,
        %get3A_1329 = vector.shape_cast %get3A_1328 : vector<1x16xf32> to vector<16xf32>
        %add3A_1330 = arith.addf %get3A_1325, %get3A_1329 : vector<16xf32>
        %swap3A_1331 = arith.constant 1 : i32
        %swap3A_1332 = arith.index_cast %swap3A_1331 : i32 to index
        %swap3A_1333 = arith.index_cast %scan3A_312 : i32 to index
        %swap3A_1334 = arith.constant 896 : index
        %swap3A_1335 = tpu.vector_load %arg9[%swap3A_1332, %swap3A_1333, %swap3A_1334] {strides = array<i32>} : memref<2x16x1024xf32, #tpu.memory_space<vmem>>, vector<1x1x16xf32>,
        %swap3A_1336 = vector.shape_cast %swap3A_1335 : vector<1x1x16xf32> to vector<16xf32>
        %swap3A_1337 = vector.shape_cast %add3A_1330 : vector<16xf32> to vector<1x1x16xf32>
        tpu.vector_store %arg9[%swap3A_1332, %swap3A_1333, %swap3A_1334], %swap3A_1337 {strides = array<i32>} : memref<2x16x1024xf32, #tpu.memory_space<vmem>>, vector<1x1x16xf32>,
        %get3A_1338 = arith.constant 1 : i32
        %get3A_1339 = arith.index_cast %get3A_1338 : i32 to index
        %get3A_1340 = arith.index_cast %scan3A_312 : i32 to index
        %get3A_1341 = arith.constant 912 : index
        %get3A_1342 = tpu.vector_load %arg8[%get3A_1339, %get3A_1340, %get3A_1341] {strides = array<i32>} : memref<2x16x1024xf32, #tpu.memory_space<vmem>>, vector<1x1x16xf32>,
        %get3A_1343 = vector.shape_cast %get3A_1342 : vector<1x1x16xf32> to vector<16xf32>
        %get3A_1344 = arith.index_cast %scan3A_312 : i32 to index
        %get3A_1345 = arith.constant 912 : index
        %get3A_1346 = tpu.vector_load %arg7[%get3A_1344, %get3A_1345] {strides = array<i32>} : memref<16x1024xf32, #tpu.memory_space<vmem>>, vector<1x16xf32>,
        %get3A_1347 = vector.shape_cast %get3A_1346 : vector<1x16xf32> to vector<16xf32>
        %add3A_1348 = arith.addf %get3A_1343, %get3A_1347 : vector<16xf32>
        %swap3A_1349 = arith.constant 1 : i32
        %swap3A_1350 = arith.index_cast %swap3A_1349 : i32 to index
        %swap3A_1351 = arith.index_cast %scan3A_312 : i32 to index
        %swap3A_1352 = arith.constant 912 : index
        %swap3A_1353 = tpu.vector_load %arg9[%swap3A_1350, %swap3A_1351, %swap3A_1352] {strides = array<i32>} : memref<2x16x1024xf32, #tpu.memory_space<vmem>>, vector<1x1x16xf32>,
        %swap3A_1354 = vector.shape_cast %swap3A_1353 : vector<1x1x16xf32> to vector<16xf32>
        %swap3A_1355 = vector.shape_cast %add3A_1348 : vector<16xf32> to vector<1x1x16xf32>
        tpu.vector_store %arg9[%swap3A_1350, %swap3A_1351, %swap3A_1352], %swap3A_1355 {strides = array<i32>} : memref<2x16x1024xf32, #tpu.memory_space<vmem>>, vector<1x1x16xf32>,
        %get3A_1356 = arith.constant 1 : i32
        %get3A_1357 = arith.index_cast %get3A_1356 : i32 to index
        %get3A_1358 = arith.index_cast %scan3A_312 : i32 to index
        %get3A_1359 = arith.constant 928 : index
        %get3A_1360 = tpu.vector_load %arg8[%get3A_1357, %get3A_1358, %get3A_1359] {strides = array<i32>} : memref<2x16x1024xf32, #tpu.memory_space<vmem>>, vector<1x1x16xf32>,
        %get3A_1361 = vector.shape_cast %get3A_1360 : vector<1x1x16xf32> to vector<16xf32>
        %get3A_1362 = arith.index_cast %scan3A_312 : i32 to index
        %get3A_1363 = arith.constant 928 : index
        %get3A_1364 = tpu.vector_load %arg7[%get3A_1362, %get3A_1363] {strides = array<i32>} : memref<16x1024xf32, #tpu.memory_space<vmem>>, vector<1x16xf32>,
        %get3A_1365 = vector.shape_cast %get3A_1364 : vector<1x16xf32> to vector<16xf32>
        %add3A_1366 = arith.addf %get3A_1361, %get3A_1365 : vector<16xf32>
        %swap3A_1367 = arith.constant 1 : i32
        %swap3A_1368 = arith.index_cast %swap3A_1367 : i32 to index
        %swap3A_1369 = arith.index_cast %scan3A_312 : i32 to index
        %swap3A_1370 = arith.constant 928 : index
        %swap3A_1371 = tpu.vector_load %arg9[%swap3A_1368, %swap3A_1369, %swap3A_1370] {strides = array<i32>} : memref<2x16x1024xf32, #tpu.memory_space<vmem>>, vector<1x1x16xf32>,
        %swap3A_1372 = vector.shape_cast %swap3A_1371 : vector<1x1x16xf32> to vector<16xf32>
        %swap3A_1373 = vector.shape_cast %add3A_1366 : vector<16xf32> to vector<1x1x16xf32>
        tpu.vector_store %arg9[%swap3A_1368, %swap3A_1369, %swap3A_1370], %swap3A_1373 {strides = array<i32>} : memref<2x16x1024xf32, #tpu.memory_space<vmem>>, vector<1x1x16xf32>,
        %get3A_1374 = arith.constant 1 : i32
        %get3A_1375 = arith.index_cast %get3A_1374 : i32 to index
        %get3A_1376 = arith.index_cast %scan3A_312 : i32 to index
        %get3A_1377 = arith.constant 944 : index
        %get3A_1378 = tpu.vector_load %arg8[%get3A_1375, %get3A_1376, %get3A_1377] {strides = array<i32>} : memref<2x16x1024xf32, #tpu.memory_space<vmem>>, vector<1x1x16xf32>,
        %get3A_1379 = vector.shape_cast %get3A_1378 : vector<1x1x16xf32> to vector<16xf32>
        %get3A_1380 = arith.index_cast %scan3A_312 : i32 to index
        %get3A_1381 = arith.constant 944 : index
        %get3A_1382 = tpu.vector_load %arg7[%get3A_1380, %get3A_1381] {strides = array<i32>} : memref<16x1024xf32, #tpu.memory_space<vmem>>, vector<1x16xf32>,
        %get3A_1383 = vector.shape_cast %get3A_1382 : vector<1x16xf32> to vector<16xf32>
        %add3A_1384 = arith.addf %get3A_1379, %get3A_1383 : vector<16xf32>
        %swap3A_1385 = arith.constant 1 : i32
        %swap3A_1386 = arith.index_cast %swap3A_1385 : i32 to index
        %swap3A_1387 = arith.index_cast %scan3A_312 : i32 to index
        %swap3A_1388 = arith.constant 944 : index
        %swap3A_1389 = tpu.vector_load %arg9[%swap3A_1386, %swap3A_1387, %swap3A_1388] {strides = array<i32>} : memref<2x16x1024xf32, #tpu.memory_space<vmem>>, vector<1x1x16xf32>,
        %swap3A_1390 = vector.shape_cast %swap3A_1389 : vector<1x1x16xf32> to vector<16xf32>
        %swap3A_1391 = vector.shape_cast %add3A_1384 : vector<16xf32> to vector<1x1x16xf32>
        tpu.vector_store %arg9[%swap3A_1386, %swap3A_1387, %swap3A_1388], %swap3A_1391 {strides = array<i32>} : memref<2x16x1024xf32, #tpu.memory_space<vmem>>, vector<1x1x16xf32>,
        %get3A_1392 = arith.constant 1 : i32
        %get3A_1393 = arith.index_cast %get3A_1392 : i32 to index
        %get3A_1394 = arith.index_cast %scan3A_312 : i32 to index
        %get3A_1395 = arith.constant 960 : index
        %get3A_1396 = tpu.vector_load %arg8[%get3A_1393, %get3A_1394, %get3A_1395] {strides = array<i32>} : memref<2x16x1024xf32, #tpu.memory_space<vmem>>, vector<1x1x16xf32>,
        %get3A_1397 = vector.shape_cast %get3A_1396 : vector<1x1x16xf32> to vector<16xf32>
        %get3A_1398 = arith.index_cast %scan3A_312 : i32 to index
        %get3A_1399 = arith.constant 960 : index
        %get3A_1400 = tpu.vector_load %arg7[%get3A_1398, %get3A_1399] {strides = array<i32>} : memref<16x1024xf32, #tpu.memory_space<vmem>>, vector<1x16xf32>,
        %get3A_1401 = vector.shape_cast %get3A_1400 : vector<1x16xf32> to vector<16xf32>
        %add3A_1402 = arith.addf %get3A_1397, %get3A_1401 : vector<16xf32>
        %swap3A_1403 = arith.constant 1 : i32
        %swap3A_1404 = arith.index_cast %swap3A_1403 : i32 to index
        %swap3A_1405 = arith.index_cast %scan3A_312 : i32 to index
        %swap3A_1406 = arith.constant 960 : index
        %swap3A_1407 = tpu.vector_load %arg9[%swap3A_1404, %swap3A_1405, %swap3A_1406] {strides = array<i32>} : memref<2x16x1024xf32, #tpu.memory_space<vmem>>, vector<1x1x16xf32>,
        %swap3A_1408 = vector.shape_cast %swap3A_1407 : vector<1x1x16xf32> to vector<16xf32>
        %swap3A_1409 = vector.shape_cast %add3A_1402 : vector<16xf32> to vector<1x1x16xf32>
        tpu.vector_store %arg9[%swap3A_1404, %swap3A_1405, %swap3A_1406], %swap3A_1409 {strides = array<i32>} : memref<2x16x1024xf32, #tpu.memory_space<vmem>>, vector<1x1x16xf32>,
        %get3A_1410 = arith.constant 1 : i32
        %get3A_1411 = arith.index_cast %get3A_1410 : i32 to index
        %get3A_1412 = arith.index_cast %scan3A_312 : i32 to index
        %get3A_1413 = arith.constant 976 : index
        %get3A_1414 = tpu.vector_load %arg8[%get3A_1411, %get3A_1412, %get3A_1413] {strides = array<i32>} : memref<2x16x1024xf32, #tpu.memory_space<vmem>>, vector<1x1x16xf32>,
        %get3A_1415 = vector.shape_cast %get3A_1414 : vector<1x1x16xf32> to vector<16xf32>
        %get3A_1416 = arith.index_cast %scan3A_312 : i32 to index
        %get3A_1417 = arith.constant 976 : index
        %get3A_1418 = tpu.vector_load %arg7[%get3A_1416, %get3A_1417] {strides = array<i32>} : memref<16x1024xf32, #tpu.memory_space<vmem>>, vector<1x16xf32>,
        %get3A_1419 = vector.shape_cast %get3A_1418 : vector<1x16xf32> to vector<16xf32>
        %add3A_1420 = arith.addf %get3A_1415, %get3A_1419 : vector<16xf32>
        %swap3A_1421 = arith.constant 1 : i32
        %swap3A_1422 = arith.index_cast %swap3A_1421 : i32 to index
        %swap3A_1423 = arith.index_cast %scan3A_312 : i32 to index
        %swap3A_1424 = arith.constant 976 : index
        %swap3A_1425 = tpu.vector_load %arg9[%swap3A_1422, %swap3A_1423, %swap3A_1424] {strides = array<i32>} : memref<2x16x1024xf32, #tpu.memory_space<vmem>>, vector<1x1x16xf32>,
        %swap3A_1426 = vector.shape_cast %swap3A_1425 : vector<1x1x16xf32> to vector<16xf32>
        %swap3A_1427 = vector.shape_cast %add3A_1420 : vector<16xf32> to vector<1x1x16xf32>
        tpu.vector_store %arg9[%swap3A_1422, %swap3A_1423, %swap3A_1424], %swap3A_1427 {strides = array<i32>} : memref<2x16x1024xf32, #tpu.memory_space<vmem>>, vector<1x1x16xf32>,
        %get3A_1428 = arith.constant 1 : i32
        %get3A_1429 = arith.index_cast %get3A_1428 : i32 to index
        %get3A_1430 = arith.index_cast %scan3A_312 : i32 to index
        %get3A_1431 = arith.constant 992 : index
        %get3A_1432 = tpu.vector_load %arg8[%get3A_1429, %get3A_1430, %get3A_1431] {strides = array<i32>} : memref<2x16x1024xf32, #tpu.memory_space<vmem>>, vector<1x1x16xf32>,
        %get3A_1433 = vector.shape_cast %get3A_1432 : vector<1x1x16xf32> to vector<16xf32>
        %get3A_1434 = arith.index_cast %scan3A_312 : i32 to index
        %get3A_1435 = arith.constant 992 : index
        %get3A_1436 = tpu.vector_load %arg7[%get3A_1434, %get3A_1435] {strides = array<i32>} : memref<16x1024xf32, #tpu.memory_space<vmem>>, vector<1x16xf32>,
        %get3A_1437 = vector.shape_cast %get3A_1436 : vector<1x16xf32> to vector<16xf32>
        %add3A_1438 = arith.addf %get3A_1433, %get3A_1437 : vector<16xf32>
        %swap3A_1439 = arith.constant 1 : i32
        %swap3A_1440 = arith.index_cast %swap3A_1439 : i32 to index
        %swap3A_1441 = arith.index_cast %scan3A_312 : i32 to index
        %swap3A_1442 = arith.constant 992 : index
        %swap3A_1443 = tpu.vector_load %arg9[%swap3A_1440, %swap3A_1441, %swap3A_1442] {strides = array<i32>} : memref<2x16x1024xf32, #tpu.memory_space<vmem>>, vector<1x1x16xf32>,
        %swap3A_1444 = vector.shape_cast %swap3A_1443 : vector<1x1x16xf32> to vector<16xf32>
        %swap3A_1445 = vector.shape_cast %add3A_1438 : vector<16xf32> to vector<1x1x16xf32>
        tpu.vector_store %arg9[%swap3A_1440, %swap3A_1441, %swap3A_1442], %swap3A_1445 {strides = array<i32>} : memref<2x16x1024xf32, #tpu.memory_space<vmem>>, vector<1x1x16xf32>,
        %get3A_1446 = arith.constant 1 : i32
        %get3A_1447 = arith.index_cast %get3A_1446 : i32 to index
        %get3A_1448 = arith.index_cast %scan3A_312 : i32 to index
        %get3A_1449 = arith.constant 1008 : index
        %get3A_1450 = tpu.vector_load %arg8[%get3A_1447, %get3A_1448, %get3A_1449] {strides = array<i32>} : memref<2x16x1024xf32, #tpu.memory_space<vmem>>, vector<1x1x16xf32>,
        %get3A_1451 = vector.shape_cast %get3A_1450 : vector<1x1x16xf32> to vector<16xf32>
        %get3A_1452 = arith.index_cast %scan3A_312 : i32 to index
        %get3A_1453 = arith.constant 1008 : index
        %get3A_1454 = tpu.vector_load %arg7[%get3A_1452, %get3A_1453] {strides = array<i32>} : memref<16x1024xf32, #tpu.memory_space<vmem>>, vector<1x16xf32>,
        %get3A_1455 = vector.shape_cast %get3A_1454 : vector<1x16xf32> to vector<16xf32>
        %add3A_1456 = arith.addf %get3A_1451, %get3A_1455 : vector<16xf32>
        %swap3A_1457 = arith.constant 1 : i32
        %swap3A_1458 = arith.index_cast %swap3A_1457 : i32 to index
        %swap3A_1459 = arith.index_cast %scan3A_312 : i32 to index
        %swap3A_1460 = arith.constant 1008 : index
        %swap3A_1461 = tpu.vector_load %arg9[%swap3A_1458, %swap3A_1459, %swap3A_1460] {strides = array<i32>} : memref<2x16x1024xf32, #tpu.memory_space<vmem>>, vector<1x1x16xf32>,
        %swap3A_1462 = vector.shape_cast %swap3A_1461 : vector<1x1x16xf32> to vector<16xf32>
        %swap3A_1463 = vector.shape_cast %add3A_1456 : vector<16xf32> to vector<1x1x16xf32>
        tpu.vector_store %arg9[%swap3A_1458, %swap3A_1459, %swap3A_1460], %swap3A_1463 {strides = array<i32>} : memref<2x16x1024xf32, #tpu.memory_space<vmem>>, vector<1x1x16xf32>,
        %scan3A_1464 = arith.constant 0 : i32
        scf.yield %scan3A_1464 : i32
      }
      %scan3A_257 = arith.constant 16 : i32
      %add3A_258 = arith.constant 2 : i32
      %add3A_259 = arith.addi %add3A_198, %add3A_258 : i32
      %lt3A_260 = arith.constant 64 : i32
      %lt3A_261 = arith.cmpi slt, %add3A_259, %lt3A_260 : i32
      %convert_element_type3A_262 = arith.extui %lt3A_261 : i1 to i32
      %cond3A_263 = arith.constant 0 : i32
      %cond3A_264 = arith.cmpi ne, %convert_element_type3A_262, %cond3A_263 : i32
      scf.if %cond3A_264 {
        %add3A_312 = arith.constant 2 : i32
        %add3A_313 = arith.addi %add3A_198, %add3A_312 : i32
        %jit3A_314 = arith.constant 4 : i32
        %div3A_315 = arith.divsi %add3A_313, %jit3A_314 : i32
        %sign3A_316 = arith.constant 0 : i32
        %sign3A_317 = arith.cmpi sgt, %add3A_313, %sign3A_316 : i32
        %sign3A_318 = arith.extui %sign3A_317 : i1 to i32
        %sign3A_319 = arith.constant 0 : i32
        %sign3A_320 = arith.cmpi slt, %add3A_313, %sign3A_319 : i32
        %sign3A_321 = arith.extui %sign3A_320 : i1 to i32
        %sign3A_322 = arith.subi %sign3A_318, %sign3A_321 : i32
        %sign3A_323 = arith.constant 0 : i32
        %sign3A_324 = arith.cmpi sgt, %jit3A_314, %sign3A_323 : i32
        %sign3A_325 = arith.extui %sign3A_324 : i1 to i32
        %sign3A_326 = arith.constant 0 : i32
        %sign3A_327 = arith.cmpi slt, %jit3A_314, %sign3A_326 : i32
        %sign3A_328 = arith.extui %sign3A_327 : i1 to i32
        %sign3A_329 = arith.subi %sign3A_325, %sign3A_328 : i32
        %ne3A_330 = arith.cmpi ne, %sign3A_322, %sign3A_329 : i32
        %rem3A_331 = arith.remsi %add3A_313, %jit3A_314 : i32
        %ne3A_332 = arith.constant 0 : i32
        %ne3A_333 = arith.cmpi ne, %rem3A_331, %ne3A_332 : i32
        %and3A_334 = arith.andi %ne3A_330, %ne3A_333 : i1
        %sub3A_335 = arith.constant 1 : i32
        %sub3A_336 = arith.subi %div3A_315, %sub3A_335 : i32
        %select_n3A_337 = arith.select %and3A_334, %sub3A_336, %div3A_315 : i32
        %rem3A_338 = arith.constant 4 : i32
        %rem3A_339 = arith.remsi %add3A_313, %rem3A_338 : i32
        %dma_start3A_340 = arith.constant 1 : i32
        %dma_start3A_341 = arith.constant 1 : i32
        %dma_start3A_342 = arith.constant 0 : i32
        %dma_start3A_343 = arith.constant 0 : i32
        %dma_start3A_344 = tpu.memref_slice %arg8[%dma_start3A_340, %dma_start3A_342, %dma_start3A_343] : memref<2x16x1024xf32, #tpu.memory_space<vmem>> -> memref<1x16x1024xf32, #tpu.memory_space<vmem>>
        %dma_start3A_345 = tpu.memref_squeeze %dma_start3A_344 : memref<1x16x1024xf32, #tpu.memory_space<vmem>> -> memref<16x1024xf32, #tpu.memory_space<vmem>>
        %dma_start3A_346 = arith.constant 0 : i32
        %dma_start3A_347 = tpu.memref_slice %arg6[%rem3A_339, %select_n3A_337, %dma_start3A_346] : memref<4x16x16xi32, #tpu.memory_space<vmem>> -> memref<1x1x16xi32, #tpu.memory_space<vmem>>
        %dma_start3A_348 = tpu.memref_squeeze %dma_start3A_347 : memref<1x1x16xi32, #tpu.memory_space<vmem>> -> memref<16xi32, #tpu.memory_space<vmem>>
        %dma_start3A_349 = arith.constant 0 : i32
        %dma_start3A_350 = arith.constant 0 : i32
        %dma_start3A_351 = tpu.memref_slice %arg3[%dma_start3A_349, %dma_start3A_350] : memref<100000x1024xf32, #tpu.memory_space<hbm>> -> memref<100000x1024xf32, #tpu.memory_space<hbm>>
        %dma_start3A_352 = tpu.memref_slice %arg10[%dma_start3A_341] : memref<2x!tpu.dma_semaphore, #tpu.memory_space<semaphore_mem>> -> memref<1x!tpu.dma_semaphore, #tpu.memory_space<semaphore_mem>>
        %dma_start3A_353 = tpu.memref_squeeze %dma_start3A_352 : memref<1x!tpu.dma_semaphore, #tpu.memory_space<semaphore_mem>> -> memref<!tpu.dma_semaphore, #tpu.memory_space<semaphore_mem>>
        tpu.enqueue_indirect_dma source(%dma_start3A_351 : memref<100000x1024xf32, #tpu.memory_space<hbm>>) target(%dma_start3A_345 : memref<16x1024xf32, #tpu.memory_space<vmem>>) offsets(%dma_start3A_348 : memref<16xi32, #tpu.memory_space<vmem>>) semaphore(%dma_start3A_353 : memref<!tpu.dma_semaphore, #tpu.memory_space<semaphore_mem>>)
      } else {
      }
      %jit3A_265 = arith.constant 4 : i32
      %div3A_266 = arith.divsi %add3A_198, %jit3A_265 : i32
      %sign3A_267 = arith.constant 0 : i32
      %sign3A_268 = arith.cmpi sgt, %add3A_198, %sign3A_267 : i32
      %sign3A_269 = arith.extui %sign3A_268 : i1 to i32
      %sign3A_270 = arith.constant 0 : i32
      %sign3A_271 = arith.cmpi slt, %add3A_198, %sign3A_270 : i32
      %sign3A_272 = arith.extui %sign3A_271 : i1 to i32
      %sign3A_273 = arith.subi %sign3A_269, %sign3A_272 : i32
      %sign3A_274 = arith.constant 0 : i32
      %sign3A_275 = arith.cmpi sgt, %jit3A_265, %sign3A_274 : i32
      %sign3A_276 = arith.extui %sign3A_275 : i1 to i32
      %sign3A_277 = arith.constant 0 : i32
      %sign3A_278 = arith.cmpi slt, %jit3A_265, %sign3A_277 : i32
      %sign3A_279 = arith.extui %sign3A_278 : i1 to i32
      %sign3A_280 = arith.subi %sign3A_276, %sign3A_279 : i32
      %ne3A_281 = arith.cmpi ne, %sign3A_273, %sign3A_280 : i32
      %rem3A_282 = arith.remsi %add3A_198, %jit3A_265 : i32
      %ne3A_283 = arith.constant 0 : i32
      %ne3A_284 = arith.cmpi ne, %rem3A_282, %ne3A_283 : i32
      %and3A_285 = arith.andi %ne3A_281, %ne3A_284 : i1
      %sub3A_286 = arith.constant 1 : i32
      %sub3A_287 = arith.subi %div3A_266, %sub3A_286 : i32
      %select_n3A_288 = arith.select %and3A_285, %sub3A_287, %div3A_266 : i32
      %rem3A_289 = arith.constant 4 : i32
      %rem3A_290 = arith.remsi %add3A_198, %rem3A_289 : i32
      %add3A_291 = arith.addi %mul3A_2, %select_n3A_288 : i32
      %mul3A_292 = arith.constant 16 : i32
      %mul3A_293 = arith.muli %add3A_291, %mul3A_292 : i32
      %dma_start3A_294 = arith.constant 1 : i32
      %dma_start3A_295 = arith.constant 1 : i32
      %dma_start3A_296 = arith.constant 0 : i32
      %dma_start3A_297 = arith.constant 0 : i32
      %dma_start3A_298 = tpu.memref_slice %arg9[%dma_start3A_294, %dma_start3A_296, %dma_start3A_297] : memref<2x16x1024xf32, #tpu.memory_space<vmem>> -> memref<1x16x1024xf32, #tpu.memory_space<vmem>>
      %dma_start3A_299 = tpu.memref_squeeze %dma_start3A_298 : memref<1x16x1024xf32, #tpu.memory_space<vmem>> -> memref<16x1024xf32, #tpu.memory_space<vmem>>
      %dma_start3A_300 = arith.constant 0 : i32
      %dma_start3A_301 = tpu.memref_slice %arg5[%rem3A_290, %mul3A_293, %dma_start3A_300] : memref<4x8192x1024xf32, #tpu.memory_space<hbm>> -> memref<1x16x1024xf32, #tpu.memory_space<hbm>>
      %dma_start3A_302 = tpu.memref_squeeze %dma_start3A_301 : memref<1x16x1024xf32, #tpu.memory_space<hbm>> -> memref<16x1024xf32, #tpu.memory_space<hbm>>
      %dma_start3A_303 = tpu.memref_slice %arg11[%dma_start3A_295] : memref<2x!tpu.dma_semaphore, #tpu.memory_space<semaphore_mem>> -> memref<1x!tpu.dma_semaphore, #tpu.memory_space<semaphore_mem>>
      %dma_start3A_304 = tpu.memref_squeeze %dma_start3A_303 : memref<1x!tpu.dma_semaphore, #tpu.memory_space<semaphore_mem>> -> memref<!tpu.dma_semaphore, #tpu.memory_space<semaphore_mem>>
      %dma_start3A_305 = arith.constant 0 : i32
      %dma_start3A_306 = tpu.memref_slice %arg5[%rem3A_290, %mul3A_293, %dma_start3A_305] : memref<4x8192x1024xf32, #tpu.memory_space<hbm>> -> memref<1x16x1024xf32, #tpu.memory_space<hbm>>
      %dma_start3A_307 = tpu.memref_squeeze %dma_start3A_306 : memref<1x16x1024xf32, #tpu.memory_space<hbm>> -> memref<16x1024xf32, #tpu.memory_space<hbm>>
      %dma_start3A_308 = arith.constant 0 : i32
      %dma_start3A_309 = arith.constant 0 : i32
      %dma_start3A_310 = tpu.memref_slice %arg9[%dma_start3A_294, %dma_start3A_308, %dma_start3A_309] : memref<2x16x1024xf32, #tpu.memory_space<vmem>> -> memref<1x16x1024xf32, #tpu.memory_space<vmem>>
      %dma_start3A_311 = tpu.memref_squeeze %dma_start3A_310 : memref<1x16x1024xf32, #tpu.memory_space<vmem>> -> memref<16x1024xf32, #tpu.memory_space<vmem>>
      tpu.enqueue_dma source(%dma_start3A_311 : memref<16x1024xf32, #tpu.memory_space<vmem>>) target(%dma_start3A_307 : memref<16x1024xf32, #tpu.memory_space<hbm>>) target_semaphore(%dma_start3A_304 : memref<!tpu.dma_semaphore, #tpu.memory_space<semaphore_mem>>)
    }
    %scan3A_47 = arith.constant 32 : i32
    %dma_wait3A = arith.constant 0 : i32
    %dma_wait3A_48 = arith.constant 0 : i32
    %dma_wait3A_49 = arith.constant 0 : i32
    %dma_wait3A_50 = arith.constant 0 : i32
    %dma_wait3A_51 = arith.constant 0 : i32
    %dma_wait3A_52 = tpu.memref_slice %arg9[%dma_wait3A, %dma_wait3A_50, %dma_wait3A_51] : memref<2x16x1024xf32, #tpu.memory_space<vmem>> -> memref<1x16x1024xf32, #tpu.memory_space<vmem>>
    %dma_wait3A_53 = tpu.memref_squeeze %dma_wait3A_52 : memref<1x16x1024xf32, #tpu.memory_space<vmem>> -> memref<16x1024xf32, #tpu.memory_space<vmem>>
    %dma_wait3A_54 = arith.constant 0 : i32
    %dma_wait3A_55 = arith.constant 0 : i32
    %dma_wait3A_56 = tpu.memref_slice %arg5[%dma_wait3A_48, %dma_wait3A_54, %dma_wait3A_55] : memref<4x8192x1024xf32, #tpu.memory_space<hbm>> -> memref<1x16x1024xf32, #tpu.memory_space<hbm>>
    %dma_wait3A_57 = tpu.memref_squeeze %dma_wait3A_56 : memref<1x16x1024xf32, #tpu.memory_space<hbm>> -> memref<16x1024xf32, #tpu.memory_space<hbm>>
    %dma_wait3A_58 = tpu.memref_slice %arg11[%dma_wait3A_49] : memref<2x!tpu.dma_semaphore, #tpu.memory_space<semaphore_mem>> -> memref<1x!tpu.dma_semaphore, #tpu.memory_space<semaphore_mem>>
    %dma_wait3A_59 = tpu.memref_squeeze %dma_wait3A_58 : memref<1x!tpu.dma_semaphore, #tpu.memory_space<semaphore_mem>> -> memref<!tpu.dma_semaphore, #tpu.memory_space<semaphore_mem>>
    %dma_wait3A_60 = arith.constant 0 : i32
    %dma_wait3A_61 = arith.constant 0 : i32
    %dma_wait3A_62 = tpu.memref_slice %arg5[%dma_wait3A_48, %dma_wait3A_60, %dma_wait3A_61] : memref<4x8192x1024xf32, #tpu.memory_space<hbm>> -> memref<1x16x1024xf32, #tpu.memory_space<hbm>>
    %dma_wait3A_63 = tpu.memref_squeeze %dma_wait3A_62 : memref<1x16x1024xf32, #tpu.memory_space<hbm>> -> memref<16x1024xf32, #tpu.memory_space<hbm>>
    %dma_wait3A_64 = arith.constant 0 : i32
    %dma_wait3A_65 = arith.constant 0 : i32
    %dma_wait3A_66 = tpu.memref_slice %arg9[%dma_wait3A, %dma_wait3A_64, %dma_wait3A_65] : memref<2x16x1024xf32, #tpu.memory_space<vmem>> -> memref<1x16x1024xf32, #tpu.memory_space<vmem>>
    %dma_wait3A_67 = tpu.memref_squeeze %dma_wait3A_66 : memref<1x16x1024xf32, #tpu.memory_space<vmem>> -> memref<16x1024xf32, #tpu.memory_space<vmem>>
    tpu.wait_dma2 semaphore(%dma_wait3A_59 : memref<!tpu.dma_semaphore, #tpu.memory_space<semaphore_mem>>) src(%dma_wait3A_67 : memref<16x1024xf32, #tpu.memory_space<vmem>>) dst(%dma_wait3A_63 : memref<16x1024xf32, #tpu.memory_space<hbm>>)
    %dma_wait3A_68 = arith.constant 1 : i32
    %dma_wait3A_69 = arith.constant 0 : i32
    %dma_wait3A_70 = arith.constant 1 : i32
    %dma_wait3A_71 = arith.constant 0 : i32
    %dma_wait3A_72 = arith.constant 0 : i32
    %dma_wait3A_73 = tpu.memref_slice %arg9[%dma_wait3A_68, %dma_wait3A_71, %dma_wait3A_72] : memref<2x16x1024xf32, #tpu.memory_space<vmem>> -> memref<1x16x1024xf32, #tpu.memory_space<vmem>>
    %dma_wait3A_74 = tpu.memref_squeeze %dma_wait3A_73 : memref<1x16x1024xf32, #tpu.memory_space<vmem>> -> memref<16x1024xf32, #tpu.memory_space<vmem>>
    %dma_wait3A_75 = arith.constant 0 : i32
    %dma_wait3A_76 = arith.constant 0 : i32
    %dma_wait3A_77 = tpu.memref_slice %arg5[%dma_wait3A_69, %dma_wait3A_75, %dma_wait3A_76] : memref<4x8192x1024xf32, #tpu.memory_space<hbm>> -> memref<1x16x1024xf32, #tpu.memory_space<hbm>>
    %dma_wait3A_78 = tpu.memref_squeeze %dma_wait3A_77 : memref<1x16x1024xf32, #tpu.memory_space<hbm>> -> memref<16x1024xf32, #tpu.memory_space<hbm>>
    %dma_wait3A_79 = tpu.memref_slice %arg11[%dma_wait3A_70] : memref<2x!tpu.dma_semaphore, #tpu.memory_space<semaphore_mem>> -> memref<1x!tpu.dma_semaphore, #tpu.memory_space<semaphore_mem>>
    %dma_wait3A_80 = tpu.memref_squeeze %dma_wait3A_79 : memref<1x!tpu.dma_semaphore, #tpu.memory_space<semaphore_mem>> -> memref<!tpu.dma_semaphore, #tpu.memory_space<semaphore_mem>>
    %dma_wait3A_81 = arith.constant 0 : i32
    %dma_wait3A_82 = arith.constant 0 : i32
    %dma_wait3A_83 = tpu.memref_slice %arg5[%dma_wait3A_69, %dma_wait3A_81, %dma_wait3A_82] : memref<4x8192x1024xf32, #tpu.memory_space<hbm>> -> memref<1x16x1024xf32, #tpu.memory_space<hbm>>
    %dma_wait3A_84 = tpu.memref_squeeze %dma_wait3A_83 : memref<1x16x1024xf32, #tpu.memory_space<hbm>> -> memref<16x1024xf32, #tpu.memory_space<hbm>>
    %dma_wait3A_85 = arith.constant 0 : i32
    %dma_wait3A_86 = arith.constant 0 : i32
    %dma_wait3A_87 = tpu.memref_slice %arg9[%dma_wait3A_68, %dma_wait3A_85, %dma_wait3A_86] : memref<2x16x1024xf32, #tpu.memory_space<vmem>> -> memref<1x16x1024xf32, #tpu.memory_space<vmem>>
    %dma_wait3A_88 = tpu.memref_squeeze %dma_wait3A_87 : memref<1x16x1024xf32, #tpu.memory_space<vmem>> -> memref<16x1024xf32, #tpu.memory_space<vmem>>
    tpu.wait_dma2 semaphore(%dma_wait3A_80 : memref<!tpu.dma_semaphore, #tpu.memory_space<semaphore_mem>>) src(%dma_wait3A_88 : memref<16x1024xf32, #tpu.memory_space<vmem>>) dst(%dma_wait3A_84 : memref<16x1024xf32, #tpu.memory_space<hbm>>)
    return
  }
}

</mosaic_0001>

<sc_bundles>
// kernel: kernel.3.cloned.1.call-start
scs
__scs_entry_jumppad:
0x0: {  	(pc) =	sbr.rel $0x88, $3  }
0x1: {  	(tag) =	ssettag $0x0;
	lr =	simm.s32 $0x1  }
0x2: {  	[smem:$0x3F9E] =	sst lr;
	_ =	strace $0xD0000000  }
0x3: {  	_ = 	snop  }
0x4: {  	_ = 	snop  }
0x5: {  	_ = 	snop  }
0x6: {  	_ = 	snop  }
0x7: {  	_ = 	snop  }
__scs_overlays_trampoline_lowered:
0x8: {  	[smem:$0x3FAD] =	sst s0  }
0x9: {  	[smem:$0x3FAE] =	sst s1  }
0xa: {  	[smem:$0x3FAF] =	sst s2  }
0xb: {  	[smem:$0x3FB0] =	sst s3  }
0xc: {  	[smem:$0x3FB1] =	sst s4  }
0xd: {  	[smem:$0x3FB2] =	sst s5  }
0xe: {  	[smem:$0x3FB3] =	sst s6  }
0xf: {  	[smem:$0x3FB4] =	sst s7  }
0x10: {  	[smem:$0x3FB5] =	sst s8  }
0x11: {  	[smem:$0x3FB6] =	sst s9;
	s0 =	simm.s32 @!p0 $0x0  }
0x12: {  	s1 =	sld [smem:$0x3F9C];
	s0 =	simm.s32 @p0 $0x1  }
0x13: {  	[smem:$0x3FB7] =	sst s0;
	s0 =	simm.s32 @!p1 $0x0  }
0x14: {  	s2 =	sld [smem:$0x3F9B];
	s0 =	simm.s32 @p1 $0x1  }
0x15: {  	[smem:$0x3FB8] =	sst s0;
	s0 =	simm.s32 @!p2 $0x0  }
0x16: {  	s3 =	sld [smem:$0x3FDB];
	s0 =	simm.s32 @p2 $0x1  }
0x17: {  	s4 =	simm.s32 $0x1BF5;
	[smem:$0x3FBA] =	sst s0  }
0x18: {  	s0 =	sld [smem:$0x3F9D];
	_ =	swait.ge [sflag:s4], $0x0  }
0x19: {  	s7 =	sld [smem:$0x3F9E]  }
0x1a: {  	s8 =	sadd.s32 $0xFFFFE003, lr  }
0x1b: {  	s9 =	sadd.s32 $0xFFFFFEF7, lr;
	s5 =	simm.s32 $0xFFFFFFFF;
	p2 =	slt.u32 s8, $0xFFFFF086  }
0x1c: {  	p1 =	slt.u32 s9, $0xF7A;
	s5 =	simm.s32 @!p2 $0x0  }
0x1d: {  	s5 =	simm.s32 @p1 $0x1;
	p0 =	seq.s32 s7, s2  }
0x1e: {  	s7 =	smul.u32 @!p0 $0xF7A, s2;
	p2 =	seq.s32 @!p0 s5, $0x0  }
0x1f: {  	s9 =	smul.u32 $0xF7A, s1;
	s8 =	simm.s32 @!p0 $0x1BF5;
	p2 =	por !p2, p0  }
0x20: {  	[sflag:s8] =	ssyncset.s32 @!p0 $0xFFFFF086;
	s6 =	sadd.s32 @!p0 s3, s7;
	s7 =	simm.s32 @!p0 $0x108  }
0x21: {  	s3 =	sadd.s32 s3, s9;
	s6 =	sadd.s32 @!p0 $0x88, s6;
	s7 =	simm.s32 @p2 $0x1082  }
0x22: {  	[simem:s7], [sflag:s8] =	dma.local @!p0 [hbm:s6], $0xF7A  }
0x23: {  	s9 =	sor.u32 $0xD0000000, s2;
	s6 =	simm.s32 $0x108;
	_ =	swait.ge @!p0 [sflag:s8], $0x0  }
0x24: {  	s3 =	sadd.s32 $0x88, s3;
	s6 =	simm.s32 @!p1 $0x1082;
	[sflag:s4] =	ssyncset.s32 $0xFFFFF086  }
0x25: {  	[simem:s6], [sflag:s4] =	dma.local [hbm:s3], $0xF7A  }
0x26: {  	[smem:$0x3F9E] =	sst s1;
	(tag) =	ssettag s2;
	_ =	strace s9  }
0x27: {  	s1 =	sld [smem:$0x3FAE]  }
0x28: {  	s2 =	sld [smem:$0x3FAF]  }
0x29: {  	s4 =	sld [smem:$0x3FB1]  }
0x2a: {  	p0 =	seq.s32 s5, $0x0;
	s5 =	sld [smem:$0x3FB2]  }
0x2b: {  	s6 =	sld [smem:$0x3FB3]  }
0x2c: {  	s7 =	sld [smem:$0x3FB4]  }
0x2d: {  	s3 =	simm.s32 $0x108;
	s8 =	sld [smem:$0x3FB5]  }
0x2e: {  	s3 =	simm.s32 @!p0 $0x1082;
	s9 =	sld [smem:$0x3FB6]  }
0x2f: {  	lr =	sadd.s32 s0, s3;
	s0 =	sld [smem:$0x3FAD]  }
0x30: {  	s3 =	sld [smem:$0x3FB0]  }
0x31: {  	[smem:$0x3FB9] =	sst s10  }
0x32: {  	s10 =	sld [smem:$0x3FB7];
	_ =	sdelay $0x3  }
0x33: {  	p0 =	seq.s32 s10, $0x1;
	s10 =	sld [smem:$0x3FB9];
	_ =	sdelay $0x3  }
0x34: {  	[smem:$0x3FB9] =	sst s10  }
0x35: {  	s10 =	sld [smem:$0x3FB8];
	_ =	sdelay $0x3  }
0x36: {  	p1 =	seq.s32 s10, $0x1;
	s10 =	sld [smem:$0x3FB9];
	_ =	sdelay $0x3  }
0x37: {  	[smem:$0x3FB9] =	sst s10  }
0x38: {  	s10 =	sld [smem:$0x3FBA]  }
0x39: {  	_ = 	snop;
	(pc) =	sbr.ind lr, $3  }
0x3a: {  	_ = 	snop  }
0x3b: {  	_ = 	snop  }
0x3c: {  	p2 =	seq.s32 s10, $0x1;
	s10 =	sld [smem:$0x3FB9]  }
0x3d: {  	_ =	shalt  }
0x3e: {  	_ =	shalt  }
0x3f: {  	_ =	shalt  }
0x40: {  	_ =	shalt  }
0x41: {  	_ =	shalt  }
0x42: {  	_ =	shalt  }
0x43: {  	_ =	shalt  }
0x44: {  	_ =	shalt  }
0x45: {  	_ =	shalt  }
0x46: {  	_ =	shalt  }
0x47: {  	_ =	shalt  }
0x48: {  	_ =	shalt  }
0x49: {  	_ =	shalt  }
0x4a: {  	_ =	shalt  }
0x4b: {  	_ =	shalt  }
0x4c: {  	_ =	shalt  }
0x4d: {  	_ =	shalt  }
0x4e: {  	_ =	shalt  }
0x4f: {  	_ =	shalt  }
0x50: {  	_ =	shalt  }
0x51: {  	_ =	shalt  }
0x52: {  	_ =	shalt  }
0x53: {  	_ =	shalt  }
0x54: {  	_ =	shalt  }
0x55: {  	_ =	shalt  }
0x56: {  	_ =	shalt  }
0x57: {  	_ =	shalt  }
0x58: {  	_ =	shalt  }
0x59: {  	_ =	shalt  }
0x5a: {  	_ =	shalt  }
0x5b: {  	_ =	shalt  }
0x5c: {  	_ =	shalt  }
0x5d: {  	_ =	shalt  }
0x5e: {  	_ =	shalt  }
0x5f: {  	_ =	shalt  }
0x60: {  	_ =	shalt  }
0x61: {  	_ =	shalt  }
0x62: {  	_ =	shalt  }
0x63: {  	_ =	shalt  }
0x64: {  	_ =	shalt  }
0x65: {  	_ =	shalt  }
0x66: {  	_ =	shalt  }
0x67: {  	_ =	shalt  }
0x68: {  	_ =	shalt  }
0x69: {  	_ =	shalt  }
0x6a: {  	_ =	shalt  }
0x6b: {  	_ =	shalt  }
0x6c: {  	_ =	shalt  }
0x6d: {  	_ =	shalt  }
0x6e: {  	_ =	shalt  }
0x6f: {  	_ =	shalt  }
0x70: {  	_ =	shalt  }
0x71: {  	_ =	shalt  }
0x72: {  	_ =	shalt  }
0x73: {  	_ =	shalt  }
0x74: {  	_ =	shalt  }
0x75: {  	_ =	shalt  }
0x76: {  	_ =	shalt  }
0x77: {  	_ =	shalt  }
0x78: {  	_ =	shalt  }
0x79: {  	_ =	shalt  }
0x7a: {  	_ =	shalt  }
0x7b: {  	_ =	shalt  }
0x7c: {  	_ =	shalt  }
0x7d: {  	_ =	shalt  }
0x7e: {  	_ =	shalt  }
0x7f: {  	_ =	shalt  }
0x80: {  	_ =	shalt  }
0x81: {  	_ =	shalt  }
0x82: {  	_ =	shalt  }
0x83: {  	_ =	shalt  }
0x84: {  	_ =	shalt  }
0x85: {  	_ =	shalt  }
0x86: {  	_ =	shalt  }
0x87: {  	_ =	shalt  }
.Lfunc_end0:
.L_simem_size_0:
called_computation_lowered:
.L_overlay_start_0:
0x88: {  	s2 =	sld [smem:$0x3FD9]  }
0x89: {  	s3 =	sld [smem:$0x3FFE];
	_ =	sdelay $0x1  }
0x8a: {  	s1 =	srdreg.scid  }
0x8b: {  	s0 =	sand.u32 $0x1, s1  }
0x8c: {  	s17 =	sshll.u32 s0, $0xA;
	s2 =	sadd.s32 s3, s2  }
0x8d: {  	s2 =	sadd.s32 s2, s17  }
0x8e: {  	[smem:$0x3FC5] =	sst s2  }
0x8f: {  	_ = 	snop  }
0x90: {  	s2 =	sld [smem:$0x3FC8]  }
0x91: {  	s18 =	sld [smem:$0x3FC7]  }
0x92: {  	s4 =	sld [smem:$0x3FD0];
	(tm) =	ssettm $0x1  }
0x93: {  	s5 =	sld [smem:$0x3FFB];
	_ =	sdelay $0x3  }
0x94: {  	_ =	strace s5  }
0x95: {  	s5 =	sld [smem:$0x3FFC];
	_ =	sdelay $0x3  }
0x96: {  	_ =	strace s5  }
0x97: {  	s5 =	sld [smem:$0x3FFD];
	_ =	sdelay $0x3  }
0x98: {  	_ =	strace s5  }
0x99: {  	_ =	strace $0x8FFFFFFF  }
0x9a: {  	s19 =	sld [smem:$0x3FDB];
	_ =	sdelay $0x1  }
0x9b: {  	s6 =	simm.s32 $_scs_section_size  }
0x9c: {  	s7 =	simm.s32 $_size__tile_overlayer_lowered;
	s8 =	simm.s32 $_tile_overlayer_lowered  }
0x9d: {  	s22 =	simm.s32 $0x1BFF;
	s21 =	sshll.u32 s8, $0x1;
	s5 =	sadd.s32 s6, s19  }
0x9e: {  	s9 =	simm.s32 $0x0;
	s20 =	sshll.u32 s7, $0x1;
	s7 =	sadd.s32 s21, s5  }
0x9f: {  	[timem:s9], [sflag:s22] =	dma.local [hbm:s7], s20  }
0xa0: {  	_ =	swait.ge [sflag:s22], s20  }
0xa1: {  	s6 =	ssub.s32 $0x0, s20;
	[sflag:s22] =	ssyncset.done $0x0  }
0xa2: {  	[sflag:s22] =	ssyncadd.s32 s6;
	_ =	sdelay $0x1  }
0xa3: {  	s23 =	simm.s32 $0x1B8B  }
0xa4: {  	_ =	swait.ge [sflag:s23], $0x1  }
0xa5: {  	[sflag:s23] =	ssyncset.done $0x0  }
0xa6: {  	s25 =	simm.s32 $0x1B8E;
	s24 =	sld [smem:$0x3FFE];
	[sflag:s23] =	ssyncadd.s32 $0xFFFFFFFF  }
0xa7: {  	s26 =	simm.s32 $execute0_lowered;
	[smem:$0x3FD2] =	sst s25  }
0xa8: {  	s7 =	sshll.u32 s26, $0x1;
	_ =	strace $0x80000046;
	[dreg:$0x1] =	wrdreg $0xFFFFFFFF  }
0xa9: {  	s28 =	simm.s32 $_size_execute0_lowered;
	s5 =	sadd.s32 s5, s7;
	[dreg:$0x0] =	wrdreg $0x0  }
0xaa: {  	s7 =	sshll.u32 s28, $0x1;
	[dreg:$0x2] =	wrdreg s5  }
0xab: {  	[dreg:$0x3] =	wrdreg s7  }
0xac: {  	[dreg:$0x4] =	wrdreg $0xC0  }
0xad: {  	_ =	task [dreg:s9], $0x5FFFF  }
0xae: {  	[dreg:$0x1] =	wrdreg $0xFFFFFFFF  }
0xaf: {  	[dreg:$0x0] =	wrdreg $0x60  }
0xb0: {  	[dreg:$0x2] =	wrdreg s24  }
0xb1: {  	[dreg:$0x3] =	wrdreg s2  }
0xb2: {  	[dreg:$0x4] =	wrdreg s18  }
0xb3: {  	[dreg:$0x5] =	wrdreg s4  }
0xb4: {  	[dreg:$0x6] =	wrdreg $0x9  }
0xb5: {  	_ =	task.clear_ibuf [dreg:s9], $0x7FFFF;
	_ =	strace $0x90000046  }
0xb6: {  	s29 =	simm.s32 $0x9;
	_ =	strace $0x80000048  }
0xb7: {  	_ =	swait.ge [sflag:s29], $0x1  }
0xb8: {  	[sflag:s29] =	ssyncadd.s32 $0xFFFFFFFF  }
0xb9: {  	_ =	strace $0x90000048  }
0xba: {  	_ =	sfence  }
0xbb: {  	s30 =	sld [smem:$0x0];
	_ =	sdelay $0x2  }
0xbc: {  	s31 =	sshll.u32 s1, $0xD;
	s1 =	sshrl.u32 s1, $0x2  }
0xbd: {  	s3 =	sand.u32 $0x4000, s31;
	s1 =	sadd.s32 s1, s30  }
0xbe: {  	s0 =	sor.u32 s3, s0;
	s1 =	sshll.u32 s1, $0x11  }
0xbf: {  	s0 =	sor.u32 s1, s0  }
0xc0: {  	s0 =	sadd.s32 $0x8F2B, s0  }
0xc1: {  	[sflag:s0] =	ssyncadd.remote.s32 $0x1  }
0xc2: {  	_ =	sfence.sel $0xFFFF  }
0xc3: {  	[dreg:$0x0] =	wrdreg $0xFFFFFFFF;
	(pc) =	sbr.abs _section_cstart, $3  }
0xc4: {  	[dreg:$0x1] =	wrdreg $0xFFFFFFFF  }
0xc5: {  	_ =	task.clear_ibuf [dreg:s9], $0x2FFFF;
	_ =	strace $0x9FFFFFFF  }
0xc6: {  	(tm) =	ssettm $0x7FFFFFFF  }
0xc7: {  	_ =	shalt  }
tec
execute0_lowered:
.L_overlay_start_1:
0x0: {  	(tag) =	ssettag $0x1  }
0x1: {  	s0 =	rddreg [dreg:$0x0]  }
0x2: {  	s2 =	rddreg [dreg:$0x1]  }
0x3: {  	s3 =	rddreg [dreg:$0x2];
	s1 =	srdreg.scid  }
0x4: {  	s4 =	rddreg [dreg:$0x3];
	s5 =	stileid.u32  }
0x5: {  	s16 =	simm.s32 $0x5;
	s20 =	simm.s32 $0x1;
	s21 =	simm.s32 $0xE000  }
0x6: {  	s22 =	simm.s32 $0x2;
	s23 =	simm.s32 $0x12000;
	s24 =	simm.s32 $0x3  }
0x7: {  	s25 =	simm.s32 $0x4;
	s26 =	simm.s32 $0x0;
	s1 =	sand.u32 $0x1, s1  }
0x8: {  	s6 =	sshll.u32 s5, $0x5;
	s5 =	simm.s32 $0x0;
	s11 =	sadd.s32 $0x100, s2  }
0x9: {  	s12 =	sadd.s32 $0x200, s2;
	s13 =	sadd.s32 $0x300, s2;
	s7 =	sshll.u32 s1, $0x4  }
0xa: {  	s14 =	sadd.s32 $0x100000, s4;
	s1 =	ssub.s32 $0x2, s1;
	s6 =	sor.u32 s7, s6  }
0xb: {  	[smem:$0x7FF] =	sst s5;
	s8 =	sshrl.u32 s1, $0x1;
	s7 =	sshll.u32 s6, $0x4  }
0xc: {  	v2 =	vlaneseq.u32;
	_ =	strace $0x80000047;
	s1 =	ssub.s32 s1, s8;
	s0 =	sadd.s32 s7, s0  }
0xd: {  	vm0 =	vmmov $0xffff;
	v1 =	vshrl.u32 v2, $0x3;
	s15 =	smax.u32 s1, $0x1;
	s7 =	sadd.s32 $0x400, s0;
	s8 =	sadd.s32 $0x2400, s0  }
0xe: {  	v0 =	vand.u32 $0x7, v2;
	v2 =	vor.u32 $0x8, v2;
	v1 =	vmul.u32 $0x8, v1;
	s9 =	sadd.s32 $0x4400, s0;
	s10 =	sadd.s32 $0x6400, s0;
	[dreg:$0x5] =	wrdreg s7  }
.LBB2_1:
0xf: {  	s0 =	rddreg [dreg:$0x5]  }
0x10: {  	[tilespmem:s5], [sflag:$0x5] =	stream.linear.gather [hbm4b:s0+s5], $0x800, $0x38;
	[tilespmem:$0x16000] =	vst v63  }
0x11: {  	_ =	swait.ge [sflag:s16], $0x800  }
0x12: {  	[sflag:s16] =	ssyncset.done $0x0  }
0x13: {  	s29 =	simm.s32 $0x800;
	[sflag:s16] =	ssyncadd.s32 $0xFFFFF800  }
0x14: {  	[tilespmem:s29], [sflag:$0x5] =	stream.linear.gather [hbm4b:s8+s5], $0x800, $0x38;
	[tilespmem:$0x16000] =	vst v63  }
0x15: {  	_ =	swait.ge [sflag:s16], $0x800  }
0x16: {  	[sflag:s16] =	ssyncset.done $0x0  }
0x17: {  	s30 =	simm.s32 $0x1000;
	[sflag:s16] =	ssyncadd.s32 $0xFFFFF800  }
0x18: {  	[tilespmem:s30], [sflag:$0x5] =	stream.linear.gather [hbm4b:s9+s5], $0x800, $0x38;
	[tilespmem:$0x16000] =	vst v63  }
0x19: {  	_ =	swait.ge [sflag:s16], $0x800  }
0x1a: {  	[sflag:s16] =	ssyncset.done $0x0  }
0x1b: {  	s31 =	simm.s32 $0x1800;
	[sflag:s16] =	ssyncadd.s32 $0xFFFFF800  }
0x1c: {  	[tilespmem:s31], [sflag:$0x5] =	stream.linear.gather [hbm4b:s10+s5], $0x800, $0x38;
	[tilespmem:$0x16000] =	vst v63  }
0x1d: {  	_ =	swait.ge [sflag:s16], $0x800  }
0x1e: {  	[sflag:s16] =	ssyncset.done $0x0  }
0x1f: {  	[sflag:s16] =	ssyncadd.s32 $0xFFFFF800  }
0x20: {  	v3 =	vld [tilespmem:$0x0];
	_ =	sdelay $0x4  }
0x21: {  	v4 =	vshll.u32 v3, $0x3  }
0x22: {  	v3 =	vand.u32 $0x7, v3;
	v4 =	vand.u32 $0xFFFFFFC0, v4  }
0x23: {  	v3 =	vor.u32 v3, v4  }
0x24: {  	v4 =	vperm.xlane v3, v0;
	_ =	sdelay $0x1  }
0x25: {  	v4 =	vadd.s32 v1, v4;
	_ =	sdelay $0x3  }
0x26: {  	s1 =	simm.s32 $0x6000  }
0x27: {  	[tilespmem:s1], [sflag:$0x1] =	stream.indirect_vreg.gather [hbm4b:s2+s5], $0x80, v4, vm0, $0xb8;
	[tilespmem:$0x16000] =	vst v63  }
0x28: {  	s7 =	simm.s32 $0x6800;
	v3 =	vperm.xlane v3, v2  }
0x29: {  	[tilespmem:s7], [sflag:$0x1] =	stream.indirect_vreg.gather [hbm4b:s11+s5], $0x80, v4, vm0, $0xb8;
	[tilespmem:$0x16000] =	vst v63  }
0x2a: {  	s17 =	simm.s32 $0x7000;
	v3 =	vadd.s32 v1, v3  }
0x2b: {  	[tilespmem:s17], [sflag:$0x1] =	stream.indirect_vreg.gather [hbm4b:s12+s5], $0x80, v4, vm0, $0xb8;
	[tilespmem:$0x16000] =	vst v63  }
0x2c: {  	s18 =	simm.s32 $0x7800  }
0x2d: {  	[tilespmem:s18], [sflag:$0x1] =	stream.indirect_vreg.gather [hbm4b:s13+s5], $0x80, v4, vm0, $0xb8;
	[tilespmem:$0x16000] =	vst v63  }
0x2e: {  	s19 =	simm.s32 $0x8000  }
0x2f: {  	[tilespmem:s19], [sflag:$0x1] =	stream.indirect_vreg.gather [hbm4b:s2+s5], $0x80, v3, vm0, $0xb8;
	[tilespmem:$0x16000] =	vst v63  }
0x30: {  	s29 =	simm.s32 $0x8800  }
0x31: {  	[tilespmem:s29], [sflag:$0x1] =	stream.indirect_vreg.gather [hbm4b:s11+s5], $0x80, v3, vm0, $0xb8;
	[tilespmem:$0x16000] =	vst v63  }
0x32: {  	s30 =	simm.s32 $0x9000  }
0x33: {  	[tilespmem:s30], [sflag:$0x1] =	stream.indirect_vreg.gather [hbm4b:s12+s5], $0x80, v3, vm0, $0xb8;
	[tilespmem:$0x16000] =	vst v63  }
0x34: {  	s31 =	simm.s32 $0x9800  }
0x35: {  	[tilespmem:s31], [sflag:$0x1] =	stream.indirect_vreg.gather [hbm4b:s13+s5], $0x80, v3, vm0, $0xb8;
	[tilespmem:$0x16000] =	vst v63  }
0x36: {  	v3 =	vld [tilespmem:$0x800];
	_ =	sdelay $0x4  }
0x37: {  	v63 =	vshll.u32 v3, $0x3  }
0x38: {  	v3 =	vand.u32 $0x7, v3;
	v4 =	vand.u32 $0xFFFFFFC0, v63  }
0x39: {  	v3 =	vor.u32 v3, v4  }
0x3a: {  	v4 =	vperm.xlane v3, v0;
	_ =	sdelay $0x1  }
0x3b: {  	v4 =	vadd.s32 v1, v4;
	_ =	sdelay $0x3  }
0x3c: {  	s1 =	simm.s32 $0xA000  }
0x3d: {  	[tilespmem:s1], [sflag:$0x2] =	stream.indirect_vreg.gather [hbm4b:s2+s5], $0x80, v4, vm0, $0xb8;
	[tilespmem:$0x16000] =	vst v63  }
0x3e: {  	s7 =	simm.s32 $0xA800;
	v3 =	vperm.xlane v3, v2  }
0x3f: {  	[tilespmem:s7], [sflag:$0x2] =	stream.indirect_vreg.gather [hbm4b:s11+s5], $0x80, v4, vm0, $0xb8;
	[tilespmem:$0x16000] =	vst v63  }
0x40: {  	s17 =	simm.s32 $0xB000;
	v3 =	vadd.s32 v1, v3  }
0x41: {  	[tilespmem:s17], [sflag:$0x2] =	stream.indirect_vreg.gather [hbm4b:s12+s5], $0x80, v4, vm0, $0xb8;
	[tilespmem:$0x16000] =	vst v63  }
0x42: {  	s18 =	simm.s32 $0xB800  }
0x43: {  	[tilespmem:s18], [sflag:$0x2] =	stream.indirect_vreg.gather [hbm4b:s13+s5], $0x80, v4, vm0, $0xb8;
	[tilespmem:$0x16000] =	vst v63  }
0x44: {  	s19 =	simm.s32 $0xC000  }
0x45: {  	[tilespmem:s19], [sflag:$0x2] =	stream.indirect_vreg.gather [hbm4b:s2+s5], $0x80, v3, vm0, $0xb8;
	[tilespmem:$0x16000] =	vst v63  }
0x46: {  	s29 =	simm.s32 $0xC800  }
0x47: {  	[tilespmem:s29], [sflag:$0x2] =	stream.indirect_vreg.gather [hbm4b:s11+s5], $0x80, v3, vm0, $0xb8;
	[tilespmem:$0x16000] =	vst v63  }
0x48: {  	s30 =	simm.s32 $0xD000  }
0x49: {  	[tilespmem:s30], [sflag:$0x2] =	stream.indirect_vreg.gather [hbm4b:s12+s5], $0x80, v3, vm0, $0xb8;
	[tilespmem:$0x16000] =	vst v63  }
0x4a: {  	s28 =	simm.s32 $0x0;
	s31 =	simm.s32 $0xD800  }
0x4b: {  	[tilespmem:s31], [sflag:$0x2] =	stream.indirect_vreg.gather [hbm4b:s13+s5], $0x80, v3, vm0, $0xb8;
	[tilespmem:$0x16000] =	vst v63  }
.LBB2_2:
0x4c: {  	s29 =	sshll.u32 s28, $0x1  }
0x4d: {  	s31 =	sand.u32 $0x2, s29  }
0x4e: {  	s30 =	sshrl.u32 s28, $0x1;
	p0 =	sne.s32 s31, $0x0  }
0x4f: {  	s0 =	sadd.s32 @!p0 s6, s30  }
0x50: {  	s0 =	sshll.u32 @!p0 s0, $0xB  }
0x51: {  	s1 =	simm.s32 @!p0 $0x0;
	s17 =	simm.s32 @!p0 $0x2000;
	s0 =	sadd.s32 @!p0 s3, s0  }
0x52: {  	[tilespmem:s17], [sflag:$0x5] =	stream.linear.gather @!p0 [hbm4b:s0+s1], $0x4000, $0x38;
	[tilespmem:$0x16000] =	vst v63  }
0x53: {  	s0 =	simm.s32 @!p0 $0x5  }
0x54: {  	_ =	swait.ge @!p0 [sflag:s0], $0x4000  }
0x55: {  	[sflag:s0] =	ssyncset.done @!p0 $0x0  }
0x56: {  	[sflag:s0] =	ssyncadd.s32 @!p0 $0xFFFFC000  }
0x57: {  	_ =	swait.ge [sflag:s20], $0x4000  }
0x58: {  	p1 =	seq.s32 s28, $0x0;
	[sflag:s20] =	ssyncset.done $0x0  }
0x59: {  	s0 =	simm.s32 @!p1 $0x3;
	[sflag:s20] =	ssyncadd.s32 $0xFFFFC000  }
0x5a: {  	_ =	swait.ge @!p1 [sflag:s0], $0x4000  }
0x5b: {  	s18 =	simm.s32 $0x0;
	s1 =	simm.s32 $0xFFFFC000;
	[sflag:s0] =	ssyncset.done @!p1 $0x0  }
0x5c: {  	s17 =	simm.s32 $0x0;
	[sflag:s0] =	ssyncadd.s32 @!p1 $0xFFFFC000;
	s0 =	simm.s32 $0x0  }
.LBB2_3:
0x5d: {  	s19 =	sadd.s32 $0x4000, s1  }
0x5e: {  	s7 =	sand.u32 $0x380, s18;
	s19 =	sand.u32 $0x2000, s19  }
0x5f: {  	s19 =	sor.u32 s7, s19  }
0x60: {  	v3 =	vld [tilespmem:s19+$0x6000]  }
0x61: {  	v4 =	vld [tilespmem:s19+$0x2000]  }
0x62: {  	v5 =	vld [tilespmem:s19+$0x6010]  }
0x63: {  	v6 =	vld [tilespmem:s19+$0x2010]  }
0x64: {  	v7 =	vld [tilespmem:s19+$0x6020]  }
0x65: {  	v8 =	vld [tilespmem:s19+$0x2020]  }
0x66: {  	v9 =	vld [tilespmem:s19+$0x6030]  }
0x67: {  	v10 =	vld [tilespmem:s19+$0x2030]  }
0x68: {  	v11 =	vld [tilespmem:s19+$0x6040]  }
0x69: {  	v12 =	vld [tilespmem:s19+$0x2040]  }
0x6a: {  	v13 =	vld [tilespmem:s19+$0x6050]  }
0x6b: {  	v14 =	vld [tilespmem:s19+$0x2050]  }
0x6c: {  	v15 =	vld [tilespmem:s19+$0x6060]  }
0x6d: {  	v16 =	vld [tilespmem:s19+$0x2060]  }
0x6e: {  	v17 =	vld [tilespmem:s19+$0x6070]  }
0x6f: {  	v18 =	vld [tilespmem:s19+$0x2070]  }
0x70: {  	v19 =	vld [tilespmem:s19+$0x6400]  }
0x71: {  	v20 =	vld [tilespmem:s19+$0x2400]  }
0x72: {  	v21 =	vld [tilespmem:s19+$0x6410]  }
0x73: {  	v22 =	vld [tilespmem:s19+$0x2410]  }
0x74: {  	v23 =	vld [tilespmem:s19+$0x6420]  }
0x75: {  	v24 =	vld [tilespmem:s19+$0x2420]  }
0x76: {  	v25 =	vld [tilespmem:s19+$0x6430]  }
0x77: {  	v26 =	vld [tilespmem:s19+$0x2430]  }
0x78: {  	v27 =	vld [tilespmem:s19+$0x6440]  }
0x79: {  	v28 =	vld [tilespmem:s19+$0x2440]  }
0x7a: {  	v29 =	vld [tilespmem:s19+$0x6450]  }
0x7b: {  	v30 =	vld [tilespmem:s19+$0x2450]  }
0x7c: {  	v31 =	vld [tilespmem:s19+$0x6460]  }
0x7d: {  	v32 =	vld [tilespmem:s19+$0x2460]  }
0x7e: {  	v33 =	vld [tilespmem:s19+$0x6470]  }
0x7f: {  	v34 =	vld [tilespmem:s19+$0x2470]  }
0x80: {  	v35 =	vld [tilespmem:s19+$0x6800]  }
0x81: {  	v36 =	vld [tilespmem:s19+$0x2800]  }
0x82: {  	v37 =	vld [tilespmem:s19+$0x6810]  }
0x83: {  	v38 =	vld [tilespmem:s19+$0x2810]  }
0x84: {  	v39 =	vld [tilespmem:s19+$0x6820]  }
0x85: {  	v40 =	vld [tilespmem:s19+$0x2820]  }
0x86: {  	v41 =	vld [tilespmem:s19+$0x6830]  }
0x87: {  	v42 =	vld [tilespmem:s19+$0x2830]  }
0x88: {  	v43 =	vld [tilespmem:s19+$0x6840]  }
0x89: {  	v44 =	vld [tilespmem:s19+$0x2840]  }
0x8a: {  	v45 =	vld [tilespmem:s19+$0x6850]  }
0x8b: {  	v46 =	vld [tilespmem:s19+$0x2850]  }
0x8c: {  	v47 =	vld [tilespmem:s19+$0x6860]  }
0x8d: {  	v48 =	vld [tilespmem:s19+$0x2860]  }
0x8e: {  	v49 =	vld [tilespmem:s19+$0x6870]  }
0x8f: {  	v50 =	vld [tilespmem:s19+$0x2870]  }
0x90: {  	v51 =	vld [tilespmem:s19+$0x6C00]  }
0x91: {  	v52 =	vld [tilespmem:s19+$0x2C00]  }
0x92: {  	v53 =	vld [tilespmem:s19+$0x6C10]  }
0x93: {  	v54 =	vld [tilespmem:s19+$0x2C10]  }
0x94: {  	v55 =	vld [tilespmem:s19+$0x6C20]  }
0x95: {  	v56 =	vld [tilespmem:s19+$0x2C20]  }
0x96: {  	v57 =	vld [tilespmem:s19+$0x6C30]  }
0x97: {  	v58 =	vld [tilespmem:s19+$0x2C30]  }
0x98: {  	v59 =	vld [tilespmem:s19+$0x6C40]  }
0x99: {  	v60 =	vld [tilespmem:s19+$0x2C40]  }
0x9a: {  	v61 =	vld [tilespmem:s19+$0x6C50]  }
0x9b: {  	v62 =	vld [tilespmem:s19+$0x2C50]  }
0x9c: {  	v63 =	vld [tilespmem:s19+$0x6C60]  }
0x9d: {  	v3 =	vadd.f32 v4, v3;
	v4 =	vld [tilespmem:s19+$0x2C60]  }
0x9e: {  	v5 =	vadd.f32 v6, v5;
	v6 =	vld [tilespmem:s19+$0x6C70]  }
0x9f: {  	v14 =	vadd.f32 v14, v13;
	v13 =	vld [tilespmem:s19+$0x3020];
	[tilespmem:s19+$0xE000] =	vst v3  }
0xa0: {  	v18 =	vadd.f32 v18, v17;
	v17 =	vld [tilespmem:s19+$0x3040];
	v3 =	vadd.f32 v8, v7;
	[tilespmem:s19+$0xE010] =	vst v5  }
0xa1: {  	v22 =	vadd.f32 v22, v21;
	v21 =	vld [tilespmem:s19+$0x3060];
	[tilespmem:s19+$0xE050] =	vst v14  }
0xa2: {  	v7 =	vld [tilespmem:s19+$0x2C70];
	[tilespmem:s19+$0xE020] =	vst v3;
	v3 =	vadd.f32 v12, v11  }
0xa3: {  	v8 =	vld [tilespmem:s19+$0x7000];
	[tilespmem:s19+$0xE070] =	vst v18  }
0xa4: {  	v5 =	vadd.f32 v10, v9;
	v9 =	vld [tilespmem:s19+$0x3000];
	[tilespmem:s19+$0xE040] =	vst v3;
	v3 =	vadd.f32 v16, v15  }
0xa5: {  	v26 =	vadd.f32 v26, v25;
	v10 =	vld [tilespmem:s19+$0x7010];
	[tilespmem:s19+$0xE410] =	vst v22  }
0xa6: {  	v14 =	vld [tilespmem:s19+$0x7030];
	[tilespmem:s19+$0xE060] =	vst v3;
	v3 =	vadd.f32 v20, v19  }
0xa7: {  	v30 =	vadd.f32 v30, v29;
	[tilespmem:s19+$0xE430] =	vst v26;
	v18 =	vld [tilespmem:s19+$0x7050]  }
0xa8: {  	v19 =	vld [tilespmem:s19+$0x3050];
	[tilespmem:s19+$0xE400] =	vst v3;
	v3 =	vadd.f32 v24, v23  }
0xa9: {  	v34 =	vadd.f32 v34, v33;
	[tilespmem:s19+$0xE450] =	vst v30;
	v22 =	vld [tilespmem:s19+$0x7070]  }
0xaa: {  	v11 =	vld [tilespmem:s19+$0x3010];
	[tilespmem:s19+$0xE420] =	vst v3;
	v3 =	vadd.f32 v28, v27  }
0xab: {  	[tilespmem:s19+$0xE470] =	vst v34;
	v12 =	vld [tilespmem:s19+$0x7020]  }
0xac: {  	v15 =	vld [tilespmem:s19+$0x3030];
	[tilespmem:s19+$0xE440] =	vst v3;
	v3 =	vadd.f32 v32, v31  }
0xad: {  	[tilespmem:s19+$0xE030] =	vst v5;
	v16 =	vld [tilespmem:s19+$0x7040];
	v19 =	vadd.f32 v19, v18  }
0xae: {  	v20 =	vld [tilespmem:s19+$0x7060];
	[tilespmem:s19+$0xE460] =	vst v3;
	v3 =	vadd.f32 v36, v35  }
0xaf: {  	v24 =	vld [tilespmem:s19+$0x7400];
	[tilespmem:s19+$0xF050] =	vst v19;
	v36 =	vadd.f32 v38, v37  }
0xb0: {  	v37 =	vld [tilespmem:s19+$0x3070];
	[tilespmem:s19+$0xE800] =	vst v3;
	v3 =	vadd.f32 v40, v39  }
0xb1: {  	v38 =	vadd.f32 v42, v41;
	v41 =	vld [tilespmem:s19+$0x7410];
	[tilespmem:s19+$0xE810] =	vst v36  }
0xb2: {  	v42 =	vld [tilespmem:s19+$0x3410];
	[tilespmem:s19+$0xE820] =	vst v3;
	v3 =	vadd.f32 v44, v43  }
0xb3: {  	v35 =	vld [tilespmem:s19+$0x7810];
	[tilespmem:s19+$0xE830] =	vst v38;
	v40 =	vadd.f32 v46, v45  }
0xb4: {  	v39 =	vld [tilespmem:s19+$0x3400];
	[tilespmem:s19+$0xE840] =	vst v3;
	v3 =	vadd.f32 v48, v47  }
0xb5: {  	v45 =	vld [tilespmem:s19+$0x3420];
	v46 =	vadd.f32 v54, v53;
	[tilespmem:s19+$0xE850] =	vst v40  }
0xb6: {  	v53 =	vld [tilespmem:s19+$0x7450];
	[tilespmem:s19+$0xE860] =	vst v3;
	v3 =	vadd.f32 v52, v51  }
0xb7: {  	v54 =	vld [tilespmem:s19+$0x3450];
	v43 =	vadd.f32 v50, v49;
	[tilespmem:s19+$0xEC10] =	vst v46  }
0xb8: {  	v36 =	vld [tilespmem:s19+$0x3810];
	[tilespmem:s19+$0xEC00] =	vst v3;
	v3 =	vadd.f32 v56, v55  }
0xb9: {  	v38 =	vld [tilespmem:s19+$0x7820];
	v49 =	vadd.f32 v58, v57;
	[tilespmem:s19+$0xE870] =	vst v43  }
0xba: {  	v44 =	vld [tilespmem:s19+$0x7420];
	[tilespmem:s19+$0xEC20] =	vst v3;
	v3 =	vadd.f32 v60, v59  }
0xbb: {  	v50 =	vld [tilespmem:s19+$0x7440];
	v58 =	vadd.f32 v11, v10;
	[tilespmem:s19+$0xEC30] =	vst v49  }
0xbc: {  	v57 =	vld [tilespmem:s19+$0x3460];
	[tilespmem:s19+$0xEC40] =	vst v3;
	v3 =	vadd.f32 v4, v63  }
0xbd: {  	v46 =	vld [tilespmem:s19+$0x7850];
	v37 =	vadd.f32 v37, v22;
	[tilespmem:s19+$0xF010] =	vst v58  }
0xbe: {  	v40 =	vadd.f32 v42, v41;
	v41 =	vld [tilespmem:s19+$0x7830];
	[tilespmem:s19+$0xEC60] =	vst v3;
	v3 =	vadd.f32 v9, v8  }
0xbf: {  	v42 =	vld [tilespmem:s19+$0x3830];
	[tilespmem:s19+$0xF070] =	vst v37  }
0xc0: {  	v47 =	vld [tilespmem:s19+$0x7430];
	[tilespmem:s19+$0xF000] =	vst v3;
	v3 =	vadd.f32 v13, v12  }
0xc1: {  	v48 =	vld [tilespmem:s19+$0x3430];
	[tilespmem:s19+$0xF410] =	vst v40;
	v52 =	vadd.f32 v62, v61  }
0xc2: {  	v49 =	vld [tilespmem:s19+$0x7860];
	[tilespmem:s19+$0xF020] =	vst v3;
	v3 =	vadd.f32 v17, v16  }
0xc3: {  	v51 =	vld [tilespmem:s19+$0x3440];
	v61 =	vadd.f32 v15, v14;
	[tilespmem:s19+$0xEC50] =	vst v52  }
0xc4: {  	v62 =	vld [tilespmem:s19+$0x7800];
	[tilespmem:s19+$0xF040] =	vst v3;
	v3 =	vadd.f32 v21, v20  }
0xc5: {  	v55 =	vadd.f32 v7, v6;
	v56 =	vld [tilespmem:s19+$0x7460];
	[tilespmem:s19+$0xF030] =	vst v61  }
0xc6: {  	v52 =	vld [tilespmem:s19+$0x7870];
	[tilespmem:s19+$0xF060] =	vst v3;
	v3 =	vadd.f32 v39, v24  }
0xc7: {  	v43 =	vadd.f32 v48, v47;
	v47 =	vld [tilespmem:s19+$0x3850];
	[tilespmem:s19+$0xEC70] =	vst v55  }
0xc8: {  	v59 =	vld [tilespmem:s19+$0x7470];
	[tilespmem:s19+$0xF400] =	vst v3;
	v3 =	vadd.f32 v45, v44  }
0xc9: {  	[tilespmem:s19+$0xF430] =	vst v43;
	v63 =	vld [tilespmem:s19+$0x3800];
	v4 =	vadd.f32 v54, v53  }
0xca: {  	v60 =	vld [tilespmem:s19+$0x3470];
	[tilespmem:s19+$0xF420] =	vst v3;
	v3 =	vadd.f32 v51, v50  }
0xcb: {  	v54 =	vadd.f32 v42, v41;
	[tilespmem:s19+$0xF450] =	vst v4;
	v39 =	vld [tilespmem:s19+$0x3820]  }
0xcc: {  	v44 =	vld [tilespmem:s19+$0x7840];
	[tilespmem:s19+$0xF440] =	vst v3;
	v3 =	vadd.f32 v57, v56  }
0xcd: {  	[tilespmem:s19+$0xF830] =	vst v54;
	v55 =	vadd.f32 v47, v46;
	v45 =	vld [tilespmem:s19+$0x3840]  }
0xce: {  	v53 =	vld [tilespmem:s19+$0x3870];
	[tilespmem:s19+$0xF460] =	vst v3;
	v3 =	vadd.f32 v63, v62  }
0xcf: {  	v48 =	vadd.f32 v60, v59;
	[tilespmem:s19+$0xF850] =	vst v55;
	v50 =	vld [tilespmem:s19+$0x3860]  }
0xd0: {  	[tilespmem:s19+$0xF800] =	vst v3;
	v3 =	vadd.f32 v39, v38  }
0xd1: {  	[tilespmem:s19+$0xF470] =	vst v48;
	v51 =	vadd.f32 v36, v35  }
0xd2: {  	[tilespmem:s19+$0xF820] =	vst v3;
	v3 =	vadd.f32 v45, v44  }
0xd3: {  	s7 =	sand.u32 $0x7, s0;
	[tilespmem:s19+$0xF810] =	vst v51;
	v56 =	vadd.f32 v53, v52  }
0xd4: {  	s7 =	sshll.u32 s7, $0x7;
	[tilespmem:s19+$0xF840] =	vst v3;
	v3 =	vadd.f32 v50, v49  }
0xd5: {  	s7 =	sadd.s32 s7, s17;
	[tilespmem:s19+$0xF870] =	vst v56  }
0xd6: {  	[tilespmem:s19+$0xF860] =	vst v3;
	s19 =	sor.u32 $0x1C00, s7  }
0xd7: {  	v3 =	vld [tilespmem:s19+$0x6000]  }
0xd8: {  	v4 =	vld [tilespmem:s19+$0x2000];
	_ =	sdelay $0x4  }
0xd9: {  	v3 =	vadd.f32 v4, v3;
	_ =	sdelay $0x1  }
0xda: {  	[tilespmem:s19+$0xE000] =	vst v3;
	s19 =	sor.u32 $0x1C10, s7  }
0xdb: {  	v3 =	vld [tilespmem:s19+$0x6000]  }
0xdc: {  	v57 =	vld [tilespmem:s19+$0x2000];
	_ =	sdelay $0x4  }
0xdd: {  	v3 =	vadd.f32 v57, v3;
	_ =	sdelay $0x1  }
0xde: {  	[tilespmem:s19+$0xE000] =	vst v3;
	s19 =	sor.u32 $0x1C20, s7  }
0xdf: {  	v3 =	vld [tilespmem:s19+$0x6000]  }
0xe0: {  	v58 =	vld [tilespmem:s19+$0x2000];
	_ =	sdelay $0x4  }
0xe1: {  	v3 =	vadd.f32 v58, v3;
	_ =	sdelay $0x1  }
0xe2: {  	[tilespmem:s19+$0xE000] =	vst v3;
	s19 =	sor.u32 $0x1C30, s7  }
0xe3: {  	v3 =	vld [tilespmem:s19+$0x6000]  }
0xe4: {  	v59 =	vld [tilespmem:s19+$0x2000];
	_ =	sdelay $0x4  }
0xe5: {  	v3 =	vadd.f32 v59, v3;
	_ =	sdelay $0x1  }
0xe6: {  	[tilespmem:s19+$0xE000] =	vst v3;
	s19 =	sor.u32 $0x1C40, s7  }
0xe7: {  	v3 =	vld [tilespmem:s19+$0x6000]  }
0xe8: {  	v60 =	vld [tilespmem:s19+$0x2000];
	_ =	sdelay $0x4  }
0xe9: {  	v3 =	vadd.f32 v60, v3;
	_ =	sdelay $0x1  }
0xea: {  	[tilespmem:s19+$0xE000] =	vst v3;
	s19 =	sor.u32 $0x1C50, s7  }
0xeb: {  	v3 =	vld [tilespmem:s19+$0x6000]  }
0xec: {  	v61 =	vld [tilespmem:s19+$0x2000];
	_ =	sdelay $0x4  }
0xed: {  	v3 =	vadd.f32 v61, v3;
	_ =	sdelay $0x1  }
0xee: {  	[tilespmem:s19+$0xE000] =	vst v3;
	s19 =	sor.u32 $0x1C60, s7  }
0xef: {  	v3 =	vld [tilespmem:s19+$0x6000]  }
0xf0: {  	v62 =	vld [tilespmem:s19+$0x2000];
	_ =	sdelay $0x4  }
0xf1: {  	v3 =	vadd.f32 v62, v3;
	_ =	sdelay $0x1  }
0xf2: {  	s7 =	sor.u32 $0x1C70, s7;
	[tilespmem:s19+$0xE000] =	vst v3  }
0xf3: {  	v3 =	vld [tilespmem:s7+$0x6000]  }
0xf4: {  	v63 =	vld [tilespmem:s7+$0x2000];
	_ =	sdelay $0x1  }
0xf5: {  	p0 =	sne.s32 s18, $0x780  }
.Ltmp0:
0xf6: {  	_ = 	snop;
	(pc) =	sbr.rel @p0 .LBB2_3-.Ltmp0, $4  }
0xf7: {  	_ = 	snop  }
0xf8: {  	v3 =	vadd.f32 v63, v3  }
0xf9: {  	s1 =	sadd.s32 $0x400, s1  }
0xfa: {  	s18 =	sadd.s32 $0x80, s18;
	s0 =	sadd.s32 $0x1, s0;
	s17 =	sadd.s32 $0x400, s17;
	[tilespmem:s7+$0xE000] =	vst v3  }
0xfb: {  	p0 =	seq.s32 s28, $0x1F  }
0xfc: {  	s0 =	sadd.s32 @!p0 $0x2, s29  }
0xfd: {  	s1 =	sshll.u32 @!p0 s0, $0xB;
	s0 =	sshll.u32 @!p0 s0, $0x5  }
0xfe: {  	s1 =	sand.u32 @!p0 $0x1000, s1;
	s0 =	sand.u32 @!p0 $0xF80, s0  }
0xff: {  	s0 =	sor.u32 @!p0 s0, s1  }
0x100: {  	v3 =	vld @!p0 [tilespmem:s0+$0x0];
	_ =	sdelay $0x4  }
0x101: {  	v4 =	vshll.u32 @!p0 v3, $0x3  }
0x102: {  	v5 =	vlaneseq.u32 @!p0;
	v3 =	vand.u32 @!p0 $0x7, v3;
	v4 =	vand.u32 @!p0 $0xFFFFFFC0, v4  }
0x103: {  	v6 =	vshrl.u32 @!p0 v5, $0x3;
	v3 =	vor.u32 @!p0 v3, v4;
	v4 =	vand.u32 @!p0 $0x7, v5  }
0x104: {  	v6 =	vmul.u32 @!p0 $0x8, v6;
	v4 =	vperm.xlane @!p0 v3, v4;
	_ =	sdelay $0x1  }
0x105: {  	v4 =	vadd.s32 @!p0 v6, v4;
	_ =	sdelay $0x3  }
0x106: {  	vm1 =	vmmov @!p0 $0xffff;
	s1 =	simm.s32 @!p0 $0x6000;
	s0 =	simm.s32 @!p0 $0x0  }
0x107: {  	v5 =	vor.u32 @!p0 $0x8, v5;
	[tilespmem:s1], [sflag:$0x1] =	stream.indirect_vreg.gather @!p0 [hbm4b:s2+s0], $0x80, v4, vm1, $0xb8;
	[tilespmem:$0x16000] =	vst v63  }
0x108: {  	v3 =	vperm.xlane @!p0 v3, v5;
	s1 =	simm.s32 @!p0 $0x6800  }
0x109: {  	[tilespmem:s1], [sflag:$0x1] =	stream.indirect_vreg.gather @!p0 [hbm4b:s11+s0], $0x80, v4, vm1, $0xb8;
	[tilespmem:$0x16000] =	vst v63  }
0x10a: {  	v3 =	vadd.s32 @!p0 v6, v3;
	s1 =	simm.s32 @!p0 $0x7000  }
0x10b: {  	[tilespmem:s1], [sflag:$0x1] =	stream.indirect_vreg.gather @!p0 [hbm4b:s12+s0], $0x80, v4, vm1, $0xb8;
	[tilespmem:$0x16000] =	vst v63  }
0x10c: {  	s1 =	simm.s32 @!p0 $0x7800  }
0x10d: {  	[tilespmem:s1], [sflag:$0x1] =	stream.indirect_vreg.gather @!p0 [hbm4b:s13+s0], $0x80, v4, vm1, $0xb8;
	[tilespmem:$0x16000] =	vst v63  }
0x10e: {  	s1 =	simm.s32 @!p0 $0x8000  }
0x10f: {  	[tilespmem:s1], [sflag:$0x1] =	stream.indirect_vreg.gather @!p0 [hbm4b:s2+s0], $0x80, v3, vm1, $0xb8;
	[tilespmem:$0x16000] =	vst v63  }
0x110: {  	s17 =	sor.u32 s6, s30;
	s1 =	simm.s32 @!p0 $0x8800  }
0x111: {  	[tilespmem:s1], [sflag:$0x1] =	stream.indirect_vreg.gather @!p0 [hbm4b:s11+s0], $0x80, v3, vm1, $0xb8;
	[tilespmem:$0x16000] =	vst v63  }
0x112: {  	s30 =	sshll.u32 s17, $0xB;
	s1 =	simm.s32 @!p0 $0x9000  }
0x113: {  	[tilespmem:s1], [sflag:$0x1] =	stream.indirect_vreg.gather @!p0 [hbm4b:s12+s0], $0x80, v3, vm1, $0xb8;
	[tilespmem:$0x16000] =	vst v63  }
0x114: {  	s18 =	sshll.u32 s31, $0x14;
	s19 =	sadd.s32 s4, s30;
	s1 =	simm.s32 @!p0 $0x9800  }
0x115: {  	[tilespmem:s1], [sflag:$0x1] =	stream.indirect_vreg.gather @!p0 [hbm4b:s13+s0], $0x80, v3, vm1, $0xb8;
	[tilespmem:$0x16000] =	vst v63  }
0x116: {  	s0 =	sadd.s32 s18, s19  }
0x117: {  	[hbm4b:s0+s5] =	stream.linear.scatter [tilespmem:s21], [sflag:$0x3], $0x4000, $0x38;
	[tilespmem:$0x16000] =	vst v63  }
0x118: {  	_ =	swait.ge [sflag:s22], $0x4000  }
0x119: {  	[sflag:s22] =	ssyncset.done $0x0  }
0x11a: {  	s0 =	simm.s32 @!p1 $0x4;
	[sflag:s22] =	ssyncadd.s32 $0xFFFFC000  }
0x11b: {  	_ =	swait.ge @!p1 [sflag:s0], $0x4000  }
0x11c: {  	s31 =	simm.s32 $0x0;
	[sflag:s0] =	ssyncset.done @!p1 $0x0  }
0x11d: {  	s1 =	simm.s32 $0x0;
	[sflag:s0] =	ssyncadd.s32 @!p1 $0xFFFFC000;
	s0 =	simm.s32 $0x0  }
.LBB2_5:
0x11e: {  	s7 =	sand.u32 $0x2000, s1;
	s17 =	sand.u32 $0x380, s0  }
0x11f: {  	s17 =	sor.u32 s17, s7  }
0x120: {  	v3 =	vld [tilespmem:s17+$0xA000]  }
0x121: {  	v4 =	vld [tilespmem:s17+$0x2000]  }
0x122: {  	v5 =	vld [tilespmem:s17+$0xA010]  }
0x123: {  	v6 =	vld [tilespmem:s17+$0x2010]  }
0x124: {  	v7 =	vld [tilespmem:s17+$0xA020]  }
0x125: {  	v8 =	vld [tilespmem:s17+$0x2020]  }
0x126: {  	v9 =	vld [tilespmem:s17+$0xA030]  }
0x127: {  	v10 =	vld [tilespmem:s17+$0x2030]  }
0x128: {  	v11 =	vld [tilespmem:s17+$0xA040]  }
0x129: {  	v12 =	vld [tilespmem:s17+$0x2040]  }
0x12a: {  	v13 =	vld [tilespmem:s17+$0xA050]  }
0x12b: {  	v14 =	vld [tilespmem:s17+$0x2050]  }
0x12c: {  	v15 =	vld [tilespmem:s17+$0xA060]  }
0x12d: {  	v20 =	vld [tilespmem:s17+$0xA070];
	v3 =	vadd.f32 v4, v3  }
0x12e: {  	v21 =	vld [tilespmem:s17+$0x2070];
	v5 =	vadd.f32 v6, v5  }
0x12f: {  	v19 =	vld [tilespmem:s17+$0x2060];
	v22 =	vadd.f32 v10, v9;
	[tilespmem:s17+$0x12000] =	vst v3  }
0x130: {  	v3 =	vadd.f32 v8, v7;
	[tilespmem:s17+$0x12010] =	vst v5  }
0x131: {  	v23 =	vadd.f32 v14, v13;
	[tilespmem:s17+$0x12030] =	vst v22  }
0x132: {  	[tilespmem:s17+$0x12020] =	vst v3;
	v3 =	vadd.f32 v12, v11  }
0x133: {  	v24 =	vadd.f32 v21, v20;
	[tilespmem:s17+$0x12050] =	vst v23  }
0x134: {  	s18 =	sand.u32 $0xFFFFE000, s1;
	[tilespmem:s17+$0x12040] =	vst v3;
	v3 =	vadd.f32 v19, v15  }
0x135: {  	s18 =	sadd.s32 s18, s0;
	[tilespmem:s17+$0x12070] =	vst v24  }
0x136: {  	s7 =	sor.u32 $0x4400, s18;
	v25 =	vld [tilespmem:s17+$0x2400];
	[tilespmem:s17+$0x12060] =	vst v3  }
0x137: {  	v3 =	vld [tilespmem:s7+$0x6000];
	_ =	sdelay $0x4  }
0x138: {  	v3 =	vadd.f32 v25, v3;
	_ =	sdelay $0x1  }
0x139: {  	s19 =	sor.u32 $0x4410, s18;
	[tilespmem:s7+$0xE000] =	vst v3  }
0x13a: {  	v3 =	vld [tilespmem:s19+$0x6000]  }
0x13b: {  	v26 =	vld [tilespmem:s17+$0x2410];
	_ =	sdelay $0x4  }
0x13c: {  	v3 =	vadd.f32 v26, v3;
	_ =	sdelay $0x1  }
0x13d: {  	[tilespmem:s19+$0xE000] =	vst v3;
	s19 =	sor.u32 $0x4420, s18  }
0x13e: {  	v3 =	vld [tilespmem:s19+$0x6000]  }
0x13f: {  	v27 =	vld [tilespmem:s17+$0x2420];
	_ =	sdelay $0x4  }
0x140: {  	v3 =	vadd.f32 v27, v3;
	_ =	sdelay $0x1  }
0x141: {  	[tilespmem:s19+$0xE000] =	vst v3;
	s19 =	sor.u32 $0x4430, s18  }
0x142: {  	v3 =	vld [tilespmem:s19+$0x6000]  }
0x143: {  	v28 =	vld [tilespmem:s17+$0x2430];
	_ =	sdelay $0x4  }
0x144: {  	v3 =	vadd.f32 v28, v3;
	_ =	sdelay $0x1  }
0x145: {  	[tilespmem:s19+$0xE000] =	vst v3;
	s19 =	sor.u32 $0x4440, s18  }
0x146: {  	v3 =	vld [tilespmem:s19+$0x6000]  }
0x147: {  	v29 =	vld [tilespmem:s17+$0x2440];
	_ =	sdelay $0x4  }
0x148: {  	v3 =	vadd.f32 v29, v3;
	_ =	sdelay $0x1  }
0x149: {  	[tilespmem:s19+$0xE000] =	vst v3;
	s19 =	sor.u32 $0x4450, s18  }
0x14a: {  	v3 =	vld [tilespmem:s19+$0x6000]  }
0x14b: {  	v30 =	vld [tilespmem:s17+$0x2450];
	_ =	sdelay $0x4  }
0x14c: {  	v3 =	vadd.f32 v30, v3;
	_ =	sdelay $0x1  }
0x14d: {  	[tilespmem:s19+$0xE000] =	vst v3;
	s19 =	sor.u32 $0x4460, s18  }
0x14e: {  	v3 =	vld [tilespmem:s19+$0x6000]  }
0x14f: {  	v31 =	vld [tilespmem:s17+$0x2460];
	_ =	sdelay $0x4  }
0x150: {  	v3 =	vadd.f32 v31, v3;
	_ =	sdelay $0x1  }
0x151: {  	[tilespmem:s19+$0xE000] =	vst v3;
	s19 =	sor.u32 $0x4470, s18  }
0x152: {  	v3 =	vld [tilespmem:s19+$0x6000]  }
0x153: {  	v32 =	vld [tilespmem:s17+$0x2470];
	_ =	sdelay $0x4  }
0x154: {  	v3 =	vadd.f32 v32, v3;
	_ =	sdelay $0x1  }
0x155: {  	[tilespmem:s19+$0xE000] =	vst v3  }
0x156: {  	v3 =	vld [tilespmem:s17+$0xA800]  }
0x157: {  	v33 =	vld [tilespmem:s17+$0x2800]  }
0x158: {  	v34 =	vld [tilespmem:s17+$0xA810]  }
0x159: {  	v35 =	vld [tilespmem:s17+$0x2810]  }
0x15a: {  	v36 =	vld [tilespmem:s17+$0xA820]  }
0x15b: {  	v37 =	vld [tilespmem:s17+$0x2820]  }
0x15c: {  	v38 =	vld [tilespmem:s17+$0xA830]  }
0x15d: {  	v39 =	vld [tilespmem:s17+$0x2830]  }
0x15e: {  	v40 =	vld [tilespmem:s17+$0xA840]  }
0x15f: {  	v41 =	vld [tilespmem:s17+$0x2840]  }
0x160: {  	v42 =	vld [tilespmem:s17+$0xA850]  }
0x161: {  	v43 =	vld [tilespmem:s17+$0x2850]  }
0x162: {  	v44 =	vld [tilespmem:s17+$0xA860]  }
0x163: {  	v46 =	vld [tilespmem:s17+$0xA870];
	v3 =	vadd.f32 v33, v3  }
0x164: {  	v47 =	vld [tilespmem:s17+$0x2870];
	v5 =	vadd.f32 v35, v34  }
0x165: {  	v45 =	vld [tilespmem:s17+$0x2860];
	v48 =	vadd.f32 v39, v38;
	[tilespmem:s17+$0x12800] =	vst v3  }
0x166: {  	v3 =	vadd.f32 v37, v36;
	[tilespmem:s17+$0x12810] =	vst v5  }
0x167: {  	v49 =	vadd.f32 v43, v42;
	[tilespmem:s17+$0x12830] =	vst v48  }
0x168: {  	[tilespmem:s17+$0x12820] =	vst v3;
	v3 =	vadd.f32 v41, v40  }
0x169: {  	v50 =	vadd.f32 v47, v46;
	[tilespmem:s17+$0x12850] =	vst v49  }
0x16a: {  	[tilespmem:s17+$0x12840] =	vst v3;
	v3 =	vadd.f32 v45, v44  }
0x16b: {  	[tilespmem:s17+$0x12870] =	vst v50  }
0x16c: {  	s19 =	sor.u32 $0x4C00, s18;
	v51 =	vld [tilespmem:s17+$0x2C00];
	[tilespmem:s17+$0x12860] =	vst v3  }
0x16d: {  	v3 =	vld [tilespmem:s19+$0x6000];
	_ =	sdelay $0x4  }
0x16e: {  	v3 =	vadd.f32 v51, v3;
	_ =	sdelay $0x1  }
0x16f: {  	[tilespmem:s19+$0xE000] =	vst v3;
	s19 =	sor.u32 $0x4C10, s18  }
0x170: {  	v3 =	vld [tilespmem:s19+$0x6000]  }
0x171: {  	v52 =	vld [tilespmem:s17+$0x2C10];
	_ =	sdelay $0x4  }
0x172: {  	v3 =	vadd.f32 v52, v3;
	_ =	sdelay $0x1  }
0x173: {  	[tilespmem:s19+$0xE000] =	vst v3;
	s19 =	sor.u32 $0x4C20, s18  }
0x174: {  	v3 =	vld [tilespmem:s19+$0x6000]  }
0x175: {  	v53 =	vld [tilespmem:s17+$0x2C20];
	_ =	sdelay $0x4  }
0x176: {  	v3 =	vadd.f32 v53, v3;
	_ =	sdelay $0x1  }
0x177: {  	[tilespmem:s19+$0xE000] =	vst v3;
	s19 =	sor.u32 $0x4C30, s18  }
0x178: {  	v3 =	vld [tilespmem:s19+$0x6000]  }
0x179: {  	v54 =	vld [tilespmem:s17+$0x2C30];
	_ =	sdelay $0x4  }
0x17a: {  	v3 =	vadd.f32 v54, v3;
	_ =	sdelay $0x1  }
0x17b: {  	[tilespmem:s19+$0xE000] =	vst v3;
	s19 =	sor.u32 $0x4C40, s18  }
0x17c: {  	v3 =	vld [tilespmem:s19+$0x6000]  }
0x17d: {  	v55 =	vld [tilespmem:s17+$0x2C40];
	_ =	sdelay $0x4  }
0x17e: {  	v3 =	vadd.f32 v55, v3;
	_ =	sdelay $0x1  }
0x17f: {  	[tilespmem:s19+$0xE000] =	vst v3;
	s19 =	sor.u32 $0x4C50, s18  }
0x180: {  	v3 =	vld [tilespmem:s19+$0x6000]  }
0x181: {  	v56 =	vld [tilespmem:s17+$0x2C50];
	_ =	sdelay $0x4  }
0x182: {  	v3 =	vadd.f32 v56, v3;
	_ =	sdelay $0x1  }
0x183: {  	[tilespmem:s19+$0xE000] =	vst v3;
	s19 =	sor.u32 $0x4C60, s18  }
0x184: {  	v3 =	vld [tilespmem:s19+$0x6000]  }
0x185: {  	v57 =	vld [tilespmem:s17+$0x2C60];
	_ =	sdelay $0x4  }
0x186: {  	v3 =	vadd.f32 v57, v3;
	_ =	sdelay $0x1  }
0x187: {  	[tilespmem:s19+$0xE000] =	vst v3;
	s19 =	sor.u32 $0x4C70, s18  }
0x188: {  	v3 =	vld [tilespmem:s19+$0x6000]  }
0x189: {  	v58 =	vld [tilespmem:s17+$0x2C70];
	_ =	sdelay $0x4  }
0x18a: {  	v3 =	vadd.f32 v58, v3;
	_ =	sdelay $0x1  }
0x18b: {  	[tilespmem:s19+$0xE000] =	vst v3  }
0x18c: {  	v3 =	vld [tilespmem:s17+$0xB000]  }
0x18d: {  	v59 =	vld [tilespmem:s17+$0x3000]  }
0x18e: {  	v60 =	vld [tilespmem:s17+$0xB010]  }
0x18f: {  	v61 =	vld [tilespmem:s17+$0x3010]  }
0x190: {  	v62 =	vld [tilespmem:s17+$0xB020]  }
0x191: {  	v63 =	vld [tilespmem:s17+$0x3020]  }
0x192: {  	v18 =	vld [tilespmem:s17+$0xB030]  }
0x193: {  	v19 =	vld [tilespmem:s17+$0x3030]  }
0x194: {  	v20 =	vld [tilespmem:s17+$0xB040]  }
0x195: {  	v21 =	vld [tilespmem:s17+$0x3040]  }
0x196: {  	v22 =	vld [tilespmem:s17+$0xB050]  }
0x197: {  	v23 =	vld [tilespmem:s17+$0x3050]  }
0x198: {  	v24 =	vld [tilespmem:s17+$0xB060]  }
0x199: {  	v26 =	vld [tilespmem:s17+$0xB070];
	v3 =	vadd.f32 v59, v3  }
0x19a: {  	v27 =	vld [tilespmem:s17+$0x3070];
	v5 =	vadd.f32 v61, v60  }
0x19b: {  	v25 =	vld [tilespmem:s17+$0x3060];
	v28 =	vadd.f32 v19, v18;
	[tilespmem:s17+$0x13000] =	vst v3  }
0x19c: {  	v3 =	vadd.f32 v63, v62;
	[tilespmem:s17+$0x13010] =	vst v5  }
0x19d: {  	v29 =	vadd.f32 v23, v22;
	[tilespmem:s17+$0x13030] =	vst v28  }
0x19e: {  	[tilespmem:s17+$0x13020] =	vst v3;
	v3 =	vadd.f32 v21, v20  }
0x19f: {  	v30 =	vadd.f32 v27, v26;
	[tilespmem:s17+$0x13050] =	vst v29  }
0x1a0: {  	[tilespmem:s17+$0x13040] =	vst v3;
	v3 =	vadd.f32 v25, v24  }
0x1a1: {  	[tilespmem:s17+$0x13070] =	vst v30  }
0x1a2: {  	s19 =	sor.u32 $0x5400, s18;
	v31 =	vld [tilespmem:s17+$0x3400];
	[tilespmem:s17+$0x13060] =	vst v3  }
0x1a3: {  	v3 =	vld [tilespmem:s19+$0x6000];
	_ =	sdelay $0x4  }
0x1a4: {  	v3 =	vadd.f32 v31, v3;
	_ =	sdelay $0x1  }
0x1a5: {  	[tilespmem:s19+$0xE000] =	vst v3;
	s19 =	sor.u32 $0x5410, s18  }
0x1a6: {  	v3 =	vld [tilespmem:s19+$0x6000]  }
0x1a7: {  	v32 =	vld [tilespmem:s17+$0x3410];
	_ =	sdelay $0x4  }
0x1a8: {  	v3 =	vadd.f32 v32, v3;
	_ =	sdelay $0x1  }
0x1a9: {  	[tilespmem:s19+$0xE000] =	vst v3;
	s19 =	sor.u32 $0x5420, s18  }
0x1aa: {  	v3 =	vld [tilespmem:s19+$0x6000]  }
0x1ab: {  	v33 =	vld [tilespmem:s17+$0x3420];
	_ =	sdelay $0x4  }
0x1ac: {  	v3 =	vadd.f32 v33, v3;
	_ =	sdelay $0x1  }
0x1ad: {  	[tilespmem:s19+$0xE000] =	vst v3;
	s19 =	sor.u32 $0x5430, s18  }
0x1ae: {  	v3 =	vld [tilespmem:s19+$0x6000]  }
0x1af: {  	v34 =	vld [tilespmem:s17+$0x3430];
	_ =	sdelay $0x4  }
0x1b0: {  	v3 =	vadd.f32 v34, v3;
	_ =	sdelay $0x1  }
0x1b1: {  	[tilespmem:s19+$0xE000] =	vst v3;
	s19 =	sor.u32 $0x5440, s18  }
0x1b2: {  	v3 =	vld [tilespmem:s19+$0x6000]  }
0x1b3: {  	v35 =	vld [tilespmem:s17+$0x3440];
	_ =	sdelay $0x4  }
0x1b4: {  	v3 =	vadd.f32 v35, v3;
	_ =	sdelay $0x1  }
0x1b5: {  	[tilespmem:s19+$0xE000] =	vst v3;
	s19 =	sor.u32 $0x5450, s18  }
0x1b6: {  	v3 =	vld [tilespmem:s19+$0x6000]  }
0x1b7: {  	v36 =	vld [tilespmem:s17+$0x3450];
	_ =	sdelay $0x4  }
0x1b8: {  	v3 =	vadd.f32 v36, v3;
	_ =	sdelay $0x1  }
0x1b9: {  	[tilespmem:s19+$0xE000] =	vst v3;
	s19 =	sor.u32 $0x5460, s18  }
0x1ba: {  	v3 =	vld [tilespmem:s19+$0x6000]  }
0x1bb: {  	v37 =	vld [tilespmem:s17+$0x3460];
	_ =	sdelay $0x4  }
0x1bc: {  	v3 =	vadd.f32 v37, v3;
	_ =	sdelay $0x1  }
0x1bd: {  	[tilespmem:s19+$0xE000] =	vst v3;
	s19 =	sor.u32 $0x5470, s18  }
0x1be: {  	v3 =	vld [tilespmem:s19+$0x6000]  }
0x1bf: {  	v38 =	vld [tilespmem:s17+$0x3470];
	_ =	sdelay $0x4  }
0x1c0: {  	v3 =	vadd.f32 v38, v3;
	_ =	sdelay $0x1  }
0x1c1: {  	[tilespmem:s19+$0xE000] =	vst v3  }
0x1c2: {  	v3 =	vld [tilespmem:s17+$0xB800]  }
0x1c3: {  	v39 =	vld [tilespmem:s17+$0x3800]  }
0x1c4: {  	v40 =	vld [tilespmem:s17+$0xB810]  }
0x1c5: {  	v41 =	vld [tilespmem:s17+$0x3810]  }
0x1c6: {  	v42 =	vld [tilespmem:s17+$0xB820]  }
0x1c7: {  	v43 =	vld [tilespmem:s17+$0x3820]  }
0x1c8: {  	v44 =	vld [tilespmem:s17+$0xB830]  }
0x1c9: {  	v45 =	vld [tilespmem:s17+$0x3830]  }
0x1ca: {  	v46 =	vld [tilespmem:s17+$0xB840]  }
0x1cb: {  	v47 =	vld [tilespmem:s17+$0x3840]  }
0x1cc: {  	v48 =	vld [tilespmem:s17+$0xB850]  }
0x1cd: {  	v49 =	vld [tilespmem:s17+$0x3850]  }
0x1ce: {  	v50 =	vld [tilespmem:s17+$0xB860]  }
0x1cf: {  	v52 =	vld [tilespmem:s17+$0xB870];
	v3 =	vadd.f32 v39, v3  }
0x1d0: {  	v53 =	vld [tilespmem:s17+$0x3870];
	v5 =	vadd.f32 v41, v40  }
0x1d1: {  	v51 =	vld [tilespmem:s17+$0x3860];
	v54 =	vadd.f32 v45, v44;
	[tilespmem:s17+$0x13800] =	vst v3  }
0x1d2: {  	v3 =	vadd.f32 v43, v42;
	[tilespmem:s17+$0x13810] =	vst v5  }
0x1d3: {  	v55 =	vadd.f32 v49, v48;
	[tilespmem:s17+$0x13830] =	vst v54  }
0x1d4: {  	[tilespmem:s17+$0x13820] =	vst v3;
	v3 =	vadd.f32 v47, v46  }
0x1d5: {  	v56 =	vadd.f32 v53, v52;
	[tilespmem:s17+$0x13850] =	vst v55  }
0x1d6: {  	s18 =	sand.u32 $0x7, s31;
	[tilespmem:s17+$0x13840] =	vst v3;
	v3 =	vadd.f32 v51, v50  }
0x1d7: {  	s7 =	sshll.u32 s18, $0x7;
	s18 =	sor.u32 s0, s1;
	[tilespmem:s17+$0x13870] =	vst v56  }
0x1d8: {  	s7 =	sadd.s32 s7, s1;
	[tilespmem:s17+$0x13860] =	vst v3;
	s17 =	sor.u32 $0x5C00, s18  }
0x1d9: {  	s19 =	sor.u32 $0x1C00, s7;
	v3 =	vld [tilespmem:s17+$0x6000]  }
0x1da: {  	v4 =	vld [tilespmem:s19+$0x2000];
	_ =	sdelay $0x4  }
0x1db: {  	v3 =	vadd.f32 v4, v3;
	_ =	sdelay $0x1  }
0x1dc: {  	[tilespmem:s17+$0xE000] =	vst v3;
	s17 =	sor.u32 $0x5C10, s18  }
0x1dd: {  	s19 =	sor.u32 $0x1C10, s7;
	v3 =	vld [tilespmem:s17+$0x6000]  }
0x1de: {  	v57 =	vld [tilespmem:s19+$0x2000];
	_ =	sdelay $0x4  }
0x1df: {  	v3 =	vadd.f32 v57, v3;
	_ =	sdelay $0x1  }
0x1e0: {  	[tilespmem:s17+$0xE000] =	vst v3;
	s17 =	sor.u32 $0x5C20, s18  }
0x1e1: {  	s19 =	sor.u32 $0x1C20, s7;
	v3 =	vld [tilespmem:s17+$0x6000]  }
0x1e2: {  	v58 =	vld [tilespmem:s19+$0x2000];
	_ =	sdelay $0x4  }
0x1e3: {  	v3 =	vadd.f32 v58, v3;
	_ =	sdelay $0x1  }
0x1e4: {  	[tilespmem:s17+$0xE000] =	vst v3;
	s17 =	sor.u32 $0x5C30, s18  }
0x1e5: {  	s19 =	sor.u32 $0x1C30, s7;
	v3 =	vld [tilespmem:s17+$0x6000]  }
0x1e6: {  	v59 =	vld [tilespmem:s19+$0x2000];
	_ =	sdelay $0x4  }
0x1e7: {  	v3 =	vadd.f32 v59, v3;
	_ =	sdelay $0x1  }
0x1e8: {  	[tilespmem:s17+$0xE000] =	vst v3;
	s17 =	sor.u32 $0x5C40, s18  }
0x1e9: {  	s19 =	sor.u32 $0x1C40, s7;
	v3 =	vld [tilespmem:s17+$0x6000]  }
0x1ea: {  	v60 =	vld [tilespmem:s19+$0x2000];
	_ =	sdelay $0x4  }
0x1eb: {  	v3 =	vadd.f32 v60, v3;
	_ =	sdelay $0x1  }
0x1ec: {  	[tilespmem:s17+$0xE000] =	vst v3;
	s17 =	sor.u32 $0x5C50, s18  }
0x1ed: {  	s19 =	sor.u32 $0x1C50, s7;
	v3 =	vld [tilespmem:s17+$0x6000]  }
0x1ee: {  	v61 =	vld [tilespmem:s19+$0x2000];
	_ =	sdelay $0x4  }
0x1ef: {  	v3 =	vadd.f32 v61, v3;
	_ =	sdelay $0x1  }
0x1f0: {  	[tilespmem:s17+$0xE000] =	vst v3;
	s17 =	sor.u32 $0x5C60, s18  }
0x1f1: {  	s19 =	sor.u32 $0x1C60, s7;
	v3 =	vld [tilespmem:s17+$0x6000]  }
0x1f2: {  	v62 =	vld [tilespmem:s19+$0x2000];
	_ =	sdelay $0x4  }
0x1f3: {  	v3 =	vadd.f32 v62, v3;
	_ =	sdelay $0x1  }
0x1f4: {  	s19 =	sor.u32 $0x5C70, s18;
	[tilespmem:s17+$0xE000] =	vst v3  }
0x1f5: {  	s7 =	sor.u32 $0x1C70, s7;
	v3 =	vld [tilespmem:s19+$0x6000]  }
0x1f6: {  	v63 =	vld [tilespmem:s7+$0x2000];
	_ =	sdelay $0x1  }
0x1f7: {  	p1 =	sne.s32 s1, $0x3C00  }
.Ltmp1:
0x1f8: {  	_ = 	snop;
	(pc) =	sbr.rel @p1 .LBB2_5-.Ltmp1, $3  }
0x1f9: {  	_ = 	snop  }
0x1fa: {  	v3 =	vadd.f32 v63, v3;
	_ =	sdelay $0x1  }
0x1fb: {  	s31 =	sadd.s32 $0x1, s31;
	s0 =	sadd.s32 $0x80, s0;
	s1 =	sadd.s32 $0x400, s1;
	[tilespmem:s19+$0xE000] =	vst v3  }
0x1fc: {  	s0 =	sadd.s32 @!p0 $0x3, s29  }
0x1fd: {  	s1 =	sshll.u32 @!p0 s0, $0xB;
	s0 =	sshll.u32 @!p0 s0, $0x5  }
0x1fe: {  	s1 =	sand.u32 @!p0 $0x1800, s1;
	s0 =	sand.u32 @!p0 $0xF80, s0  }
0x1ff: {  	s0 =	sadd.s32 @!p0 s0, s1  }
0x200: {  	v3 =	vld @!p0 [tilespmem:s0+$0x0];
	_ =	sdelay $0x4  }
0x201: {  	v4 =	vshll.u32 @!p0 v3, $0x3  }
0x202: {  	v5 =	vlaneseq.u32 @!p0;
	v3 =	vand.u32 @!p0 $0x7, v3;
	v4 =	vand.u32 @!p0 $0xFFFFFFC0, v4  }
0x203: {  	v6 =	vshrl.u32 @!p0 v5, $0x3;
	v3 =	vor.u32 @!p0 v3, v4;
	v4 =	vand.u32 @!p0 $0x7, v5  }
0x204: {  	v6 =	vmul.u32 @!p0 $0x8, v6;
	v4 =	vperm.xlane @!p0 v3, v4;
	_ =	sdelay $0x1  }
0x205: {  	v4 =	vadd.s32 @!p0 v6, v4;
	_ =	sdelay $0x3  }
0x206: {  	s1 =	simm.s32 @!p0 $0xA000;
	s0 =	simm.s32 @!p0 $0x0  }
0x207: {  	v5 =	vor.u32 @!p0 $0x8, v5;
	[tilespmem:s1], [sflag:$0x2] =	stream.indirect_vreg.gather @!p0 [hbm4b:s2+s0], $0x80, v4, vm1, $0xb8;
	[tilespmem:$0x16000] =	vst v63  }
0x208: {  	v3 =	vperm.xlane @!p0 v3, v5;
	s1 =	simm.s32 @!p0 $0xA800  }
0x209: {  	[tilespmem:s1], [sflag:$0x2] =	stream.indirect_vreg.gather @!p0 [hbm4b:s11+s0], $0x80, v4, vm1, $0xb8;
	[tilespmem:$0x16000] =	vst v63  }
0x20a: {  	v3 =	vadd.s32 @!p0 v6, v3;
	s1 =	simm.s32 @!p0 $0xB000  }
0x20b: {  	[tilespmem:s1], [sflag:$0x2] =	stream.indirect_vreg.gather @!p0 [hbm4b:s12+s0], $0x80, v4, vm1, $0xb8;
	[tilespmem:$0x16000] =	vst v63  }
0x20c: {  	s1 =	simm.s32 @!p0 $0xB800  }
0x20d: {  	[tilespmem:s1], [sflag:$0x2] =	stream.indirect_vreg.gather @!p0 [hbm4b:s13+s0], $0x80, v4, vm1, $0xb8;
	[tilespmem:$0x16000] =	vst v63  }
0x20e: {  	s1 =	simm.s32 @!p0 $0xC000  }
0x20f: {  	[tilespmem:s1], [sflag:$0x2] =	stream.indirect_vreg.gather @!p0 [hbm4b:s2+s0], $0x80, v3, vm1, $0xb8;
	[tilespmem:$0x16000] =	vst v63  }
0x210: {  	s1 =	simm.s32 @!p0 $0xC800  }
0x211: {  	[tilespmem:s1], [sflag:$0x2] =	stream.indirect_vreg.gather @!p0 [hbm4b:s11+s0], $0x80, v3, vm1, $0xb8;
	[tilespmem:$0x16000] =	vst v63  }
0x212: {  	s1 =	simm.s32 @!p0 $0xD000  }
0x213: {  	[tilespmem:s1], [sflag:$0x2] =	stream.indirect_vreg.gather @!p0 [hbm4b:s12+s0], $0x80, v3, vm1, $0xb8;
	[tilespmem:$0x16000] =	vst v63  }
0x214: {  	s31 =	sshll.u32 s28, $0x15;
	s28 =	sadd.s32 $0x1, s28;
	s1 =	simm.s32 @!p0 $0xD800  }
0x215: {  	[tilespmem:s1], [sflag:$0x2] =	stream.indirect_vreg.gather @!p0 [hbm4b:s13+s0], $0x80, v3, vm1, $0xb8;
	[tilespmem:$0x16000] =	vst v63  }
0x216: {  	p0 =	sne.s32 s28, $0x20  }
.Ltmp2:
0x217: {  	_ = 	snop;
	(pc) =	sbr.rel @p0 .LBB2_2-.Ltmp2, $4  }
0x218: {  	s0 =	sand.u32 $0x200000, s31  }
0x219: {  	s0 =	sor.u32 s30, s0  }
0x21a: {  	s0 =	sadd.s32 s0, s14  }
0x21b: {  	[hbm4b:s0+s5] =	stream.linear.scatter [tilespmem:s23], [sflag:$0x4], $0x4000, $0x38;
	[tilespmem:$0x16000] =	vst v63  }
0x21c: {  	s26 =	sadd.s32 $0x1, s26  }
0x21d: {  	_ =	swait.ge [sflag:s24], $0x4000;
	p0 =	sne.s32 s26, s15  }
.Ltmp3:
0x21e: {  	[sflag:s24] =	ssyncset.done $0x0;
	(pc) =	sbr.rel @p0 .LBB2_1-.Ltmp3, $4  }
0x21f: {  	[sflag:s24] =	ssyncadd.s32 $0xFFFFC000  }
0x220: {  	_ =	swait.ge [sflag:s25], $0x4000  }
0x221: {  	[sflag:s25] =	ssyncset.done $0x0  }
0x222: {  	[sflag:s25] =	ssyncadd.s32 $0xFFFFC000  }
0x223: {  	_ =	sfence.sel $0x180000  }
0x224: {  	[bflag:$0x0] =	sbarrier.arrive $0xFFFF  }
0x225: {  	_ =	strace $0x90000047  }
0x226: {  	s0 =	stileid.u32;
	[bflag:$0x2] =	sbarrier.arrive $0xFFFF  }
0x227: {  	p0 =	sne.s32 s0, $0x0;
	s0 =	rddreg [dreg:$0x4]  }
0x228: {  	s0 =	sadd.s32 @!p0 $0x100000, s0  }
0x229: {  	[sflag:s0] =	ssyncadd.tile.s32 @!p0 $0x1;
	_ =	shalt  }
.Lfunc_end2:
_tile_overlayer_lowered:
.L_overlay_start_2:
0x22a: {  	(tag) =	ssettag $0x2  }
0x22b: {  	s0 =	rddreg [dreg:$0x0];
	s2 =	stileid.u32  }
0x22c: {  	s1 =	rddreg [dreg:$0x1];
	p0 =	sne.s32 s2, $0x0  }
0x22d: {  	s3 =	rddreg [dreg:$0x2];
	[bflag:$0x3] =	sbarrier.arrive $0xFFFF;
	s2 =	simm.s32 @!p0 $0x1C05  }
0x22e: {  	[timem:s3], [sflag:s2] =	dma.local @!p0 [hbm:s0], s1  }
0x22f: {  	s0 =	simm.s32 @!p0 $0x5  }
0x230: {  	_ =	swait.ge @!p0 [sflag:s0], s1  }
0x231: {  	s1 =	ssub.s32 @!p0 $0x0, s1;
	[sflag:s0] =	ssyncset.done @!p0 $0x0  }
0x232: {  	[sflag:s0] =	ssyncadd.s32 @!p0 s1  }
0x233: {  	[bflag:$0x3] =	sbarrier.arrive $0xFFFF  }
0x234: {  	_ =	shalt  }

</sc_bundles>
